<compile_context>
chip_gen: v7x
topology: tpu7x:2x2x1
jax: 0.10.2.dev20260603
libtpu: 0.0.44.dev20260713+nightly
codegen_flags: <defaults>
</compile_context>

<pallas_src>
import functools

import numpy as np
import jax
import jax.numpy as jnp
from jax import lax
from jax.experimental import pallas as pl
from jax.experimental.pallas import tpu as pltpu
from jax.experimental.pallas import tpu_sc as plsc

VOCAB_N = 100000
EMB_N = 128
SEQ_N = 200
BATCH_N = 1024

NUM_CORES = 2
NUM_SUBCORES = 16
NUM_WORKERS = NUM_CORES * NUM_SUBCORES

CHUNK = 128
SEQ_PER_W = BATCH_N // NUM_WORKERS
IDX_PER_W = SEQ_PER_W * SEQ_N
CHUNKS_PER_W = IDX_PER_W // CHUNK
LANES = 16
NBUF = 5


def _pe_table() -> np.ndarray:
    pos = np.arange(SEQ_N, dtype=np.float32)[:, None]
    i = np.arange(EMB_N, dtype=np.float32)[None, :]
    angle = pos / np.power(np.float32(1000.0), np.float32(2.0) * i / np.float32(EMB_N))
    pe = np.where((np.arange(EMB_N)[None, :] % 2) == 0, np.sin(angle), np.cos(angle))
    return pe.astype(np.float32)


_mesh = plsc.VectorSubcoreMesh(
    core_axis_name="c", subcore_axis_name="s",
    num_cores=NUM_CORES, num_subcores=NUM_SUBCORES,
)


@functools.partial(
    pl.kernel,
    out_type=jax.ShapeDtypeStruct((BATCH_N * SEQ_N, EMB_N), jnp.float32),
    mesh=_mesh,
    scratch_types=[
        pltpu.VMEM((SEQ_PER_W * SEQ_N,), jnp.int32),
        pltpu.VMEM((NBUF, CHUNK, EMB_N), jnp.float32),
        pltpu.VMEM((SEQ_N * EMB_N,), jnp.float32),
        [pltpu.SemaphoreType.DMA] * NBUF,
        [pltpu.SemaphoreType.DMA] * NBUF,
    ],
)
def _emb_kernel(x_hbm, table_hbm, pe_hbm, out_hbm, idx_v, rows_v, pe_v, gsem, osem):
    wid = lax.axis_index("s") * NUM_CORES + lax.axis_index("c")
    idx_base = wid * SEQ_PER_W * SEQ_N
    pltpu.sync_copy(
        x_hbm.at[pl.ds(pl.multiple_of(idx_base, 8), SEQ_PER_W * SEQ_N)], idx_v)

    def idx_slice(j):
        return idx_v.at[pl.ds(pl.multiple_of(j * CHUNK, 8), CHUNK)]

    def start_gather(j, b):
        return pltpu.async_copy(table_hbm.at[idx_slice(j)], rows_v.at[b], gsem[b])

    def wait_gather(b):
        pltpu.make_async_copy(
            table_hbm.at[idx_slice(0)], rows_v.at[b], gsem[b]).wait()

    out_base = wid * SEQ_PER_W * SEQ_N

    def out_slice(j):
        row0 = out_base + j * CHUNK
        return out_hbm.at[pl.ds(pl.multiple_of(row0, 8), CHUNK)]

    def wait_out(b):
        pltpu.make_async_copy(rows_v.at[b], out_slice(0), osem[b]).wait()

    def step_fn(j, b, wait_prev_out):
        wait_gather(b)

        @plsc.parallel_loop(0, CHUNK, step=1, unroll=4)
        def _(i, _b=b, _j=j):
            p = lax.rem(_j * CHUNK + i, SEQ_N)
            pe_off = pl.multiple_of(p * EMB_N, LANES)
            for c in range(EMB_N // LANES):
                plsc.addupdate(
                    rows_v.at[_b, i, pl.ds(c * LANES, LANES)],
                    pe_v[pl.ds(pe_off + c * LANES, LANES)],
                )

        pltpu.async_copy(rows_v.at[b], out_slice(j), osem[b])
        bn = (b + NBUF - 1) % NBUF
        if wait_prev_out:
            wait_out(bn)
        jn = j + (NBUF - 1)
        if isinstance(jn, int):
            if jn < CHUNKS_PER_W:
                start_gather(jn, bn)
        else:
            @pl.when(jn < CHUNKS_PER_W)
            def _():
                start_gather(jn, bn)

    for j in range(NBUF - 1):
        start_gather(j, j)
    pltpu.sync_copy(pe_hbm, pe_v)
    for j in range(NBUF):
        step_fn(j, j, wait_prev_out=(j > 0))

    @pl.loop(NBUF, CHUNKS_PER_W, step=NBUF)
    def _(j0):
        for b in range(NBUF):
            step_fn(j0 + b, b, wait_prev_out=True)

    wait_out((CHUNKS_PER_W - 1) % NBUF)


def kernel(x, table):
    pe = jnp.asarray(_pe_table())
    out_flat = _emb_kernel(x.reshape(BATCH_N * SEQ_N), table, pe.reshape(SEQ_N * EMB_N))
    return out_flat.reshape(BATCH_N, SEQ_N, EMB_N)

# --- scband reference (transcript-rebuilt; emitter-appended) ---
"""Pipeline reference for scband-embedding-with-position-67662914781677 (READ-ONLY COPY).

The authoritative reference and input builder live on the scoring server;
editing this copy changes nothing except your own understanding.
"""

import jax, jax.numpy as jnp
import numpy as np

VOCAB = 100000
EMB = 128
SEQ_MAX = 200


def _position_embedding(seq_max_len, emb_size):
    pos = jnp.arange(seq_max_len, dtype=jnp.float32)[:, None]
    i = jnp.arange(emb_size, dtype=jnp.float32)[None, :]
    angle = pos / jnp.power(1000.0, 2.0 * i / emb_size)
    pe = jnp.where((jnp.arange(emb_size)[None, :] % 2) == 0, jnp.sin(angle), jnp.cos(angle))
    return pe.astype(jnp.float32)


def setup_inputs(seed: int = 0) -> dict:
    key = jax.random.key(seed)
    k1, k2 = jax.random.split(key)
    x = jax.random.randint(k1, (1024, 200), 0, VOCAB, dtype=jnp.int64) if jax.config.jax_enable_x64 else jax.random.randint(k1, (1024, 200), 0, VOCAB, dtype=jnp.int32)
    table = jax.random.normal(k2, (VOCAB, EMB), dtype=jnp.float32)
    return {"x": x, "table": table}


def reference(x, table):
    seq_len = x.shape[1]
    emb = jnp.take(table, x, axis=0)  # [B, L, EMB] gather
    pe = _position_embedding(SEQ_MAX, EMB)
    out = emb + pe[:seq_len, :][None, :, :]
    return out

if __name__ == "__main__":
    import jax
    _d = setup_inputs()
    print(jax.jit(kernel)(*tuple(_d.values())))

</pallas_src>

<mosaic_0001>
#map = affine_map<(d0, d1) -> (0)>
#map1 = affine_map<(d0, d1) -> (0, 0)>
module attributes {stable_mosaic.version = 14 : i64} {
  func.func @_emb_kernel(%arg0: i32, %arg1: i32, %arg2: memref<204800xi32, #tpu.memory_space<hbm>>, %arg3: memref<100000x128xf32, #tpu.memory_space<hbm>>, %arg4: memref<25600xf32, #tpu.memory_space<hbm>>, %arg5: memref<204800x128xf32, #tpu.memory_space<hbm>>, %arg6: memref<6400xi32, #tpu.memory_space<vmem>>, %arg7: memref<5x128x128xf32, #tpu.memory_space<vmem>>, %arg8: memref<25600xf32, #tpu.memory_space<vmem>>, %arg9: memref<!tpu.dma_semaphore, #tpu.memory_space<semaphore_mem>>, %arg10: memref<!tpu.dma_semaphore, #tpu.memory_space<semaphore_mem>>, %arg11: memref<!tpu.dma_semaphore, #tpu.memory_space<semaphore_mem>>, %arg12: memref<!tpu.dma_semaphore, #tpu.memory_space<semaphore_mem>>, %arg13: memref<!tpu.dma_semaphore, #tpu.memory_space<semaphore_mem>>, %arg14: memref<!tpu.dma_semaphore, #tpu.memory_space<semaphore_mem>>, %arg15: memref<!tpu.dma_semaphore, #tpu.memory_space<semaphore_mem>>, %arg16: memref<!tpu.dma_semaphore, #tpu.memory_space<semaphore_mem>>, %arg17: memref<!tpu.dma_semaphore, #tpu.memory_space<semaphore_mem>>, %arg18: memref<!tpu.dma_semaphore, #tpu.memory_space<semaphore_mem>>) attributes {dimension_semantics = [#tpu.dimension_semantics<core_parallel>, #tpu.dimension_semantics<subcore_parallel>], iteration_bounds = array<i64: 2, 16>, scalar_prefetch = 0 : i64, scratch_operands = 13 : i64, tpu.core_type = #tpu.core_type<sc_vector_subcore>, window_params = [{transform_indices = #map}, {transform_indices = #map1}, {transform_indices = #map}, {transform_indices = #map1}]} {
    %mul3A = arith.constant 2 : i32
    %mul3A_0 = arith.muli %arg1, %mul3A : i32
    %add3A = arith.addi %mul3A_0, %arg0 : i32
    %mul3A_1 = arith.constant 32 : i32
    %mul3A_2 = arith.muli %add3A, %mul3A_1 : i32
    %mul3A_3 = arith.constant 200 : i32
    %mul3A_4 = arith.muli %mul3A_2, %mul3A_3 : i32
    %multiple_of3A = tpu.assume_multiple %mul3A_4, 8 : i32
    "tpu.region"() ({
      %run_scoped3A = tpu.sem_alloc : memref<!tpu.dma_semaphore, #tpu.memory_space<semaphore_mem>>
      %dma_start3A_339 = tpu.memref_slice %arg2[%multiple_of3A] : memref<204800xi32, #tpu.memory_space<hbm>> -> memref<6400xi32, #tpu.memory_space<hbm>>
      %dma_start3A_340 = tpu.memref_slice %arg2[%multiple_of3A] : memref<204800xi32, #tpu.memory_space<hbm>> -> memref<6400xi32, #tpu.memory_space<hbm>>
      tpu.enqueue_dma source(%dma_start3A_340 : memref<6400xi32, #tpu.memory_space<hbm>>) target(%arg6 : memref<6400xi32, #tpu.memory_space<vmem>>) target_semaphore(%run_scoped3A : memref<!tpu.dma_semaphore, #tpu.memory_space<semaphore_mem>>)
      %dma_wait3A_341 = tpu.memref_slice %arg2[%multiple_of3A] : memref<204800xi32, #tpu.memory_space<hbm>> -> memref<6400xi32, #tpu.memory_space<hbm>>
      %dma_wait3A_342 = tpu.memref_slice %arg2[%multiple_of3A] : memref<204800xi32, #tpu.memory_space<hbm>> -> memref<6400xi32, #tpu.memory_space<hbm>>
      tpu.wait_dma2 semaphore(%run_scoped3A : memref<!tpu.dma_semaphore, #tpu.memory_space<semaphore_mem>>) src(%dma_wait3A_342 : memref<6400xi32, #tpu.memory_space<hbm>>) dst(%arg6 : memref<6400xi32, #tpu.memory_space<vmem>>)
      tpu.yield
    }) : () -> ()
    %mul3A_5 = arith.constant 32 : i32
    %mul3A_6 = arith.muli %add3A, %mul3A_5 : i32
    %mul3A_7 = arith.constant 200 : i32
    %mul3A_8 = arith.muli %mul3A_6, %mul3A_7 : i32
    %multiple_of3A_9 = arith.constant 0 : i32
    %multiple_of3A_10 = tpu.assume_multiple %multiple_of3A_9, 8 : i32
    %dma_start3A = arith.constant 0 : i32
    %dma_start3A_11 = arith.constant 0 : i32
    %dma_start3A_12 = arith.constant 0 : i32
    %dma_start3A_13 = tpu.memref_slice %arg7[%dma_start3A, %dma_start3A_11, %dma_start3A_12] : memref<5x128x128xf32, #tpu.memory_space<vmem>> -> memref<1x128x128xf32, #tpu.memory_space<vmem>>
    %dma_start3A_14 = tpu.memref_squeeze %dma_start3A_13 : memref<1x128x128xf32, #tpu.memory_space<vmem>> -> memref<128x128xf32, #tpu.memory_space<vmem>>
    %dma_start3A_15 = tpu.memref_slice %arg6[%multiple_of3A_10] : memref<6400xi32, #tpu.memory_space<vmem>> -> memref<128xi32, #tpu.memory_space<vmem>>
    %dma_start3A_16 = arith.constant 0 : i32
    %dma_start3A_17 = arith.constant 0 : i32
    %dma_start3A_18 = tpu.memref_slice %arg3[%dma_start3A_16, %dma_start3A_17] : memref<100000x128xf32, #tpu.memory_space<hbm>> -> memref<100000x128xf32, #tpu.memory_space<hbm>>
    tpu.enqueue_indirect_dma source(%dma_start3A_18 : memref<100000x128xf32, #tpu.memory_space<hbm>>) target(%dma_start3A_14 : memref<128x128xf32, #tpu.memory_space<vmem>>) offsets(%dma_start3A_15 : memref<128xi32, #tpu.memory_space<vmem>>) semaphore(%arg9 : memref<!tpu.dma_semaphore, #tpu.memory_space<semaphore_mem>>)
    %multiple_of3A_19 = arith.constant 128 : i32
    %multiple_of3A_20 = tpu.assume_multiple %multiple_of3A_19, 8 : i32
    %dma_start3A_21 = arith.constant 1 : i32
    %dma_start3A_22 = arith.constant 0 : i32
    %dma_start3A_23 = arith.constant 0 : i32
    %dma_start3A_24 = tpu.memref_slice %arg7[%dma_start3A_21, %dma_start3A_22, %dma_start3A_23] : memref<5x128x128xf32, #tpu.memory_space<vmem>> -> memref<1x128x128xf32, #tpu.memory_space<vmem>>
    %dma_start3A_25 = tpu.memref_squeeze %dma_start3A_24 : memref<1x128x128xf32, #tpu.memory_space<vmem>> -> memref<128x128xf32, #tpu.memory_space<vmem>>
    %dma_start3A_26 = tpu.memref_slice %arg6[%multiple_of3A_20] : memref<6400xi32, #tpu.memory_space<vmem>> -> memref<128xi32, #tpu.memory_space<vmem>>
    %dma_start3A_27 = arith.constant 0 : i32
    %dma_start3A_28 = arith.constant 0 : i32
    %dma_start3A_29 = tpu.memref_slice %arg3[%dma_start3A_27, %dma_start3A_28] : memref<100000x128xf32, #tpu.memory_space<hbm>> -> memref<100000x128xf32, #tpu.memory_space<hbm>>
    tpu.enqueue_indirect_dma source(%dma_start3A_29 : memref<100000x128xf32, #tpu.memory_space<hbm>>) target(%dma_start3A_25 : memref<128x128xf32, #tpu.memory_space<vmem>>) offsets(%dma_start3A_26 : memref<128xi32, #tpu.memory_space<vmem>>) semaphore(%arg10 : memref<!tpu.dma_semaphore, #tpu.memory_space<semaphore_mem>>)
    %multiple_of3A_30 = arith.constant 256 : i32
    %multiple_of3A_31 = tpu.assume_multiple %multiple_of3A_30, 8 : i32
    %dma_start3A_32 = arith.constant 2 : i32
    %dma_start3A_33 = arith.constant 0 : i32
    %dma_start3A_34 = arith.constant 0 : i32
    %dma_start3A_35 = tpu.memref_slice %arg7[%dma_start3A_32, %dma_start3A_33, %dma_start3A_34] : memref<5x128x128xf32, #tpu.memory_space<vmem>> -> memref<1x128x128xf32, #tpu.memory_space<vmem>>
    %dma_start3A_36 = tpu.memref_squeeze %dma_start3A_35 : memref<1x128x128xf32, #tpu.memory_space<vmem>> -> memref<128x128xf32, #tpu.memory_space<vmem>>
    %dma_start3A_37 = tpu.memref_slice %arg6[%multiple_of3A_31] : memref<6400xi32, #tpu.memory_space<vmem>> -> memref<128xi32, #tpu.memory_space<vmem>>
    %dma_start3A_38 = arith.constant 0 : i32
    %dma_start3A_39 = arith.constant 0 : i32
    %dma_start3A_40 = tpu.memref_slice %arg3[%dma_start3A_38, %dma_start3A_39] : memref<100000x128xf32, #tpu.memory_space<hbm>> -> memref<100000x128xf32, #tpu.memory_space<hbm>>
    tpu.enqueue_indirect_dma source(%dma_start3A_40 : memref<100000x128xf32, #tpu.memory_space<hbm>>) target(%dma_start3A_36 : memref<128x128xf32, #tpu.memory_space<vmem>>) offsets(%dma_start3A_37 : memref<128xi32, #tpu.memory_space<vmem>>) semaphore(%arg11 : memref<!tpu.dma_semaphore, #tpu.memory_space<semaphore_mem>>)
    %multiple_of3A_41 = arith.constant 384 : i32
    %multiple_of3A_42 = tpu.assume_multiple %multiple_of3A_41, 8 : i32
    %dma_start3A_43 = arith.constant 3 : i32
    %dma_start3A_44 = arith.constant 0 : i32
    %dma_start3A_45 = arith.constant 0 : i32
    %dma_start3A_46 = tpu.memref_slice %arg7[%dma_start3A_43, %dma_start3A_44, %dma_start3A_45] : memref<5x128x128xf32, #tpu.memory_space<vmem>> -> memref<1x128x128xf32, #tpu.memory_space<vmem>>
    %dma_start3A_47 = tpu.memref_squeeze %dma_start3A_46 : memref<1x128x128xf32, #tpu.memory_space<vmem>> -> memref<128x128xf32, #tpu.memory_space<vmem>>
    %dma_start3A_48 = tpu.memref_slice %arg6[%multiple_of3A_42] : memref<6400xi32, #tpu.memory_space<vmem>> -> memref<128xi32, #tpu.memory_space<vmem>>
    %dma_start3A_49 = arith.constant 0 : i32
    %dma_start3A_50 = arith.constant 0 : i32
    %dma_start3A_51 = tpu.memref_slice %arg3[%dma_start3A_49, %dma_start3A_50] : memref<100000x128xf32, #tpu.memory_space<hbm>> -> memref<100000x128xf32, #tpu.memory_space<hbm>>
    tpu.enqueue_indirect_dma source(%dma_start3A_51 : memref<100000x128xf32, #tpu.memory_space<hbm>>) target(%dma_start3A_47 : memref<128x128xf32, #tpu.memory_space<vmem>>) offsets(%dma_start3A_48 : memref<128xi32, #tpu.memory_space<vmem>>) semaphore(%arg12 : memref<!tpu.dma_semaphore, #tpu.memory_space<semaphore_mem>>)
    "tpu.region"() ({
      %run_scoped3A = tpu.sem_alloc : memref<!tpu.dma_semaphore, #tpu.memory_space<semaphore_mem>>
      tpu.enqueue_dma source(%arg4 : memref<25600xf32, #tpu.memory_space<hbm>>) target(%arg8 : memref<25600xf32, #tpu.memory_space<vmem>>) target_semaphore(%run_scoped3A : memref<!tpu.dma_semaphore, #tpu.memory_space<semaphore_mem>>)
      tpu.wait_dma2 semaphore(%run_scoped3A : memref<!tpu.dma_semaphore, #tpu.memory_space<semaphore_mem>>) src(%arg4 : memref<25600xf32, #tpu.memory_space<hbm>>) dst(%arg8 : memref<25600xf32, #tpu.memory_space<vmem>>)
      tpu.yield
    }) : () -> ()
    %multiple_of3A_52 = arith.constant 0 : i32
    %multiple_of3A_53 = tpu.assume_multiple %multiple_of3A_52, 8 : i32
    %dma_wait3A = arith.constant 0 : i32
    %dma_wait3A_54 = arith.constant 0 : i32
    %dma_wait3A_55 = arith.constant 0 : i32
    %dma_wait3A_56 = tpu.memref_slice %arg7[%dma_wait3A, %dma_wait3A_54, %dma_wait3A_55] : memref<5x128x128xf32, #tpu.memory_space<vmem>> -> memref<1x128x128xf32, #tpu.memory_space<vmem>>
    %dma_wait3A_57 = tpu.memref_squeeze %dma_wait3A_56 : memref<1x128x128xf32, #tpu.memory_space<vmem>> -> memref<128x128xf32, #tpu.memory_space<vmem>>
    %dma_wait3A_58 = tpu.memref_slice %arg6[%multiple_of3A_53] : memref<6400xi32, #tpu.memory_space<vmem>> -> memref<128xi32, #tpu.memory_space<vmem>>
    %dma_wait3A_59 = arith.constant 0 : i32
    %dma_wait3A_60 = arith.constant 0 : i32
    %dma_wait3A_61 = tpu.memref_slice %arg3[%dma_wait3A_59, %dma_wait3A_60] : memref<100000x128xf32, #tpu.memory_space<hbm>> -> memref<100000x128xf32, #tpu.memory_space<hbm>>
    tpu.wait_indirect_dma semaphore(%arg9 : memref<!tpu.dma_semaphore, #tpu.memory_space<semaphore_mem>>) src(%dma_wait3A_61 : memref<100000x128xf32, #tpu.memory_space<hbm>>) dst(%dma_wait3A_57 : memref<128x128xf32, #tpu.memory_space<vmem>>)
    %parallel_loop3A = arith.constant 0 : i32
    %parallel_loop3A_62 = arith.constant 128 : i32
    %parallel_loop3A_63 = arith.constant 1 : i32
    scf.for %parallel_loop3A_339 = %parallel_loop3A to %parallel_loop3A_62 step %parallel_loop3A_63  : i32 {
      %parallel_loop3A_340 = arith.constant 0 : i32
      %parallel_loop3A_341 = arith.addi %parallel_loop3A_340, %parallel_loop3A_339 : i32
      %parallel_loop3A_342 = arith.constant 200 : i32
      %parallel_loop3A_343 = arith.remsi %parallel_loop3A_341, %parallel_loop3A_342 : i32
      %parallel_loop3A_344 = arith.constant 128 : i32
      %parallel_loop3A_345 = arith.muli %parallel_loop3A_343, %parallel_loop3A_344 : i32
      %parallel_loop3A_346 = tpu.assume_multiple %parallel_loop3A_345, 16 : i32
      %parallel_loop3A_347 = arith.constant 0 : i32
      %parallel_loop3A_348 = arith.addi %parallel_loop3A_346, %parallel_loop3A_347 : i32
      %parallel_loop3A_349 = arith.index_cast %parallel_loop3A_348 : i32 to index
      %parallel_loop3A_350 = tpu.vector_load %arg8[%parallel_loop3A_349] {strides = array<i32>} : memref<25600xf32, #tpu.memory_space<vmem>>, vector<16xf32>,
      %parallel_loop3A_351 = vector.shape_cast %parallel_loop3A_350 : vector<16xf32> to vector<16xf32>
      %parallel_loop3A_352 = arith.constant 0 : i32
      %parallel_loop3A_353 = arith.index_cast %parallel_loop3A_352 : i32 to index
      %parallel_loop3A_354 = arith.index_cast %parallel_loop3A_339 : i32 to index
      %parallel_loop3A_355 = arith.constant 0 : index
      %parallel_loop3A_356 = tpu.vector_load %arg7[%parallel_loop3A_353, %parallel_loop3A_354, %parallel_loop3A_355] {strides = array<i32>} : memref<5x128x128xf32, #tpu.memory_space<vmem>>, vector<1x1x16xf32>,
      %parallel_loop3A_357 = vector.shape_cast %parallel_loop3A_356 : vector<1x1x16xf32> to vector<16xf32>
      %parallel_loop3A_358 = vector.shape_cast %parallel_loop3A_351 : vector<16xf32> to vector<1x1x16xf32>
      tpu.vector_store %arg7[%parallel_loop3A_353, %parallel_loop3A_354, %parallel_loop3A_355], %parallel_loop3A_358 {add = true, strides = array<i32>} : memref<5x128x128xf32, #tpu.memory_space<vmem>>, vector<1x1x16xf32>,
      %parallel_loop3A_359 = arith.constant 16 : i32
      %parallel_loop3A_360 = arith.addi %parallel_loop3A_346, %parallel_loop3A_359 : i32
      %parallel_loop3A_361 = arith.index_cast %parallel_loop3A_360 : i32 to index
      %parallel_loop3A_362 = tpu.vector_load %arg8[%parallel_loop3A_361] {strides = array<i32>} : memref<25600xf32, #tpu.memory_space<vmem>>, vector<16xf32>,
      %parallel_loop3A_363 = vector.shape_cast %parallel_loop3A_362 : vector<16xf32> to vector<16xf32>
      %parallel_loop3A_364 = arith.constant 0 : i32
      %parallel_loop3A_365 = arith.index_cast %parallel_loop3A_364 : i32 to index
      %parallel_loop3A_366 = arith.index_cast %parallel_loop3A_339 : i32 to index
      %parallel_loop3A_367 = arith.constant 16 : index
      %parallel_loop3A_368 = tpu.vector_load %arg7[%parallel_loop3A_365, %parallel_loop3A_366, %parallel_loop3A_367] {strides = array<i32>} : memref<5x128x128xf32, #tpu.memory_space<vmem>>, vector<1x1x16xf32>,
      %parallel_loop3A_369 = vector.shape_cast %parallel_loop3A_368 : vector<1x1x16xf32> to vector<16xf32>
      %parallel_loop3A_370 = vector.shape_cast %parallel_loop3A_363 : vector<16xf32> to vector<1x1x16xf32>
      tpu.vector_store %arg7[%parallel_loop3A_365, %parallel_loop3A_366, %parallel_loop3A_367], %parallel_loop3A_370 {add = true, strides = array<i32>} : memref<5x128x128xf32, #tpu.memory_space<vmem>>, vector<1x1x16xf32>,
      %parallel_loop3A_371 = arith.constant 32 : i32
      %parallel_loop3A_372 = arith.addi %parallel_loop3A_346, %parallel_loop3A_371 : i32
      %parallel_loop3A_373 = arith.index_cast %parallel_loop3A_372 : i32 to index
      %parallel_loop3A_374 = tpu.vector_load %arg8[%parallel_loop3A_373] {strides = array<i32>} : memref<25600xf32, #tpu.memory_space<vmem>>, vector<16xf32>,
      %parallel_loop3A_375 = vector.shape_cast %parallel_loop3A_374 : vector<16xf32> to vector<16xf32>
      %parallel_loop3A_376 = arith.constant 0 : i32
      %parallel_loop3A_377 = arith.index_cast %parallel_loop3A_376 : i32 to index
      %parallel_loop3A_378 = arith.index_cast %parallel_loop3A_339 : i32 to index
      %parallel_loop3A_379 = arith.constant 32 : index
      %parallel_loop3A_380 = tpu.vector_load %arg7[%parallel_loop3A_377, %parallel_loop3A_378, %parallel_loop3A_379] {strides = array<i32>} : memref<5x128x128xf32, #tpu.memory_space<vmem>>, vector<1x1x16xf32>,
      %parallel_loop3A_381 = vector.shape_cast %parallel_loop3A_380 : vector<1x1x16xf32> to vector<16xf32>
      %parallel_loop3A_382 = vector.shape_cast %parallel_loop3A_375 : vector<16xf32> to vector<1x1x16xf32>
      tpu.vector_store %arg7[%parallel_loop3A_377, %parallel_loop3A_378, %parallel_loop3A_379], %parallel_loop3A_382 {add = true, strides = array<i32>} : memref<5x128x128xf32, #tpu.memory_space<vmem>>, vector<1x1x16xf32>,
      %parallel_loop3A_383 = arith.constant 48 : i32
      %parallel_loop3A_384 = arith.addi %parallel_loop3A_346, %parallel_loop3A_383 : i32
      %parallel_loop3A_385 = arith.index_cast %parallel_loop3A_384 : i32 to index
      %parallel_loop3A_386 = tpu.vector_load %arg8[%parallel_loop3A_385] {strides = array<i32>} : memref<25600xf32, #tpu.memory_space<vmem>>, vector<16xf32>,
      %parallel_loop3A_387 = vector.shape_cast %parallel_loop3A_386 : vector<16xf32> to vector<16xf32>
      %parallel_loop3A_388 = arith.constant 0 : i32
      %parallel_loop3A_389 = arith.index_cast %parallel_loop3A_388 : i32 to index
      %parallel_loop3A_390 = arith.index_cast %parallel_loop3A_339 : i32 to index
      %parallel_loop3A_391 = arith.constant 48 : index
      %parallel_loop3A_392 = tpu.vector_load %arg7[%parallel_loop3A_389, %parallel_loop3A_390, %parallel_loop3A_391] {strides = array<i32>} : memref<5x128x128xf32, #tpu.memory_space<vmem>>, vector<1x1x16xf32>,
      %parallel_loop3A_393 = vector.shape_cast %parallel_loop3A_392 : vector<1x1x16xf32> to vector<16xf32>
      %parallel_loop3A_394 = vector.shape_cast %parallel_loop3A_387 : vector<16xf32> to vector<1x1x16xf32>
      tpu.vector_store %arg7[%parallel_loop3A_389, %parallel_loop3A_390, %parallel_loop3A_391], %parallel_loop3A_394 {add = true, strides = array<i32>} : memref<5x128x128xf32, #tpu.memory_space<vmem>>, vector<1x1x16xf32>,
      %parallel_loop3A_395 = arith.constant 64 : i32
      %parallel_loop3A_396 = arith.addi %parallel_loop3A_346, %parallel_loop3A_395 : i32
      %parallel_loop3A_397 = arith.index_cast %parallel_loop3A_396 : i32 to index
      %parallel_loop3A_398 = tpu.vector_load %arg8[%parallel_loop3A_397] {strides = array<i32>} : memref<25600xf32, #tpu.memory_space<vmem>>, vector<16xf32>,
      %parallel_loop3A_399 = vector.shape_cast %parallel_loop3A_398 : vector<16xf32> to vector<16xf32>
      %parallel_loop3A_400 = arith.constant 0 : i32
      %parallel_loop3A_401 = arith.index_cast %parallel_loop3A_400 : i32 to index
      %parallel_loop3A_402 = arith.index_cast %parallel_loop3A_339 : i32 to index
      %parallel_loop3A_403 = arith.constant 64 : index
      %parallel_loop3A_404 = tpu.vector_load %arg7[%parallel_loop3A_401, %parallel_loop3A_402, %parallel_loop3A_403] {strides = array<i32>} : memref<5x128x128xf32, #tpu.memory_space<vmem>>, vector<1x1x16xf32>,
      %parallel_loop3A_405 = vector.shape_cast %parallel_loop3A_404 : vector<1x1x16xf32> to vector<16xf32>
      %parallel_loop3A_406 = vector.shape_cast %parallel_loop3A_399 : vector<16xf32> to vector<1x1x16xf32>
      tpu.vector_store %arg7[%parallel_loop3A_401, %parallel_loop3A_402, %parallel_loop3A_403], %parallel_loop3A_406 {add = true, strides = array<i32>} : memref<5x128x128xf32, #tpu.memory_space<vmem>>, vector<1x1x16xf32>,
      %parallel_loop3A_407 = arith.constant 80 : i32
      %parallel_loop3A_408 = arith.addi %parallel_loop3A_346, %parallel_loop3A_407 : i32
      %parallel_loop3A_409 = arith.index_cast %parallel_loop3A_408 : i32 to index
      %parallel_loop3A_410 = tpu.vector_load %arg8[%parallel_loop3A_409] {strides = array<i32>} : memref<25600xf32, #tpu.memory_space<vmem>>, vector<16xf32>,
      %parallel_loop3A_411 = vector.shape_cast %parallel_loop3A_410 : vector<16xf32> to vector<16xf32>
      %parallel_loop3A_412 = arith.constant 0 : i32
      %parallel_loop3A_413 = arith.index_cast %parallel_loop3A_412 : i32 to index
      %parallel_loop3A_414 = arith.index_cast %parallel_loop3A_339 : i32 to index
      %parallel_loop3A_415 = arith.constant 80 : index
      %parallel_loop3A_416 = tpu.vector_load %arg7[%parallel_loop3A_413, %parallel_loop3A_414, %parallel_loop3A_415] {strides = array<i32>} : memref<5x128x128xf32, #tpu.memory_space<vmem>>, vector<1x1x16xf32>,
      %parallel_loop3A_417 = vector.shape_cast %parallel_loop3A_416 : vector<1x1x16xf32> to vector<16xf32>
      %parallel_loop3A_418 = vector.shape_cast %parallel_loop3A_411 : vector<16xf32> to vector<1x1x16xf32>
      tpu.vector_store %arg7[%parallel_loop3A_413, %parallel_loop3A_414, %parallel_loop3A_415], %parallel_loop3A_418 {add = true, strides = array<i32>} : memref<5x128x128xf32, #tpu.memory_space<vmem>>, vector<1x1x16xf32>,
      %parallel_loop3A_419 = arith.constant 96 : i32
      %parallel_loop3A_420 = arith.addi %parallel_loop3A_346, %parallel_loop3A_419 : i32
      %parallel_loop3A_421 = arith.index_cast %parallel_loop3A_420 : i32 to index
      %parallel_loop3A_422 = tpu.vector_load %arg8[%parallel_loop3A_421] {strides = array<i32>} : memref<25600xf32, #tpu.memory_space<vmem>>, vector<16xf32>,
      %parallel_loop3A_423 = vector.shape_cast %parallel_loop3A_422 : vector<16xf32> to vector<16xf32>
      %parallel_loop3A_424 = arith.constant 0 : i32
      %parallel_loop3A_425 = arith.index_cast %parallel_loop3A_424 : i32 to index
      %parallel_loop3A_426 = arith.index_cast %parallel_loop3A_339 : i32 to index
      %parallel_loop3A_427 = arith.constant 96 : index
      %parallel_loop3A_428 = tpu.vector_load %arg7[%parallel_loop3A_425, %parallel_loop3A_426, %parallel_loop3A_427] {strides = array<i32>} : memref<5x128x128xf32, #tpu.memory_space<vmem>>, vector<1x1x16xf32>,
      %parallel_loop3A_429 = vector.shape_cast %parallel_loop3A_428 : vector<1x1x16xf32> to vector<16xf32>
      %parallel_loop3A_430 = vector.shape_cast %parallel_loop3A_423 : vector<16xf32> to vector<1x1x16xf32>
      tpu.vector_store %arg7[%parallel_loop3A_425, %parallel_loop3A_426, %parallel_loop3A_427], %parallel_loop3A_430 {add = true, strides = array<i32>} : memref<5x128x128xf32, #tpu.memory_space<vmem>>, vector<1x1x16xf32>,
      %parallel_loop3A_431 = arith.constant 112 : i32
      %parallel_loop3A_432 = arith.addi %parallel_loop3A_346, %parallel_loop3A_431 : i32
      %parallel_loop3A_433 = arith.index_cast %parallel_loop3A_432 : i32 to index
      %parallel_loop3A_434 = tpu.vector_load %arg8[%parallel_loop3A_433] {strides = array<i32>} : memref<25600xf32, #tpu.memory_space<vmem>>, vector<16xf32>,
      %parallel_loop3A_435 = vector.shape_cast %parallel_loop3A_434 : vector<16xf32> to vector<16xf32>
      %parallel_loop3A_436 = arith.constant 0 : i32
      %parallel_loop3A_437 = arith.index_cast %parallel_loop3A_436 : i32 to index
      %parallel_loop3A_438 = arith.index_cast %parallel_loop3A_339 : i32 to index
      %parallel_loop3A_439 = arith.constant 112 : index
      %parallel_loop3A_440 = tpu.vector_load %arg7[%parallel_loop3A_437, %parallel_loop3A_438, %parallel_loop3A_439] {strides = array<i32>} : memref<5x128x128xf32, #tpu.memory_space<vmem>>, vector<1x1x16xf32>,
      %parallel_loop3A_441 = vector.shape_cast %parallel_loop3A_440 : vector<1x1x16xf32> to vector<16xf32>
      %parallel_loop3A_442 = vector.shape_cast %parallel_loop3A_435 : vector<16xf32> to vector<1x1x16xf32>
      tpu.vector_store %arg7[%parallel_loop3A_437, %parallel_loop3A_438, %parallel_loop3A_439], %parallel_loop3A_442 {add = true, strides = array<i32>} : memref<5x128x128xf32, #tpu.memory_space<vmem>>, vector<1x1x16xf32>,
    } {sc.loop_unroll_factor = 4 : i64, sc.parallel_access}
    %add3A_64 = arith.constant 0 : i32
    %add3A_65 = arith.addi %mul3A_8, %add3A_64 : i32
    %multiple_of3A_66 = tpu.assume_multiple %add3A_65, 8 : i32
    %dma_start3A_67 = arith.constant 0 : i32
    %dma_start3A_68 = arith.constant 0 : i32
    %dma_start3A_69 = arith.constant 0 : i32
    %dma_start3A_70 = tpu.memref_slice %arg7[%dma_start3A_67, %dma_start3A_68, %dma_start3A_69] : memref<5x128x128xf32, #tpu.memory_space<vmem>> -> memref<1x128x128xf32, #tpu.memory_space<vmem>>
    %dma_start3A_71 = tpu.memref_squeeze %dma_start3A_70 : memref<1x128x128xf32, #tpu.memory_space<vmem>> -> memref<128x128xf32, #tpu.memory_space<vmem>>
    %dma_start3A_72 = arith.constant 0 : i32
    %dma_start3A_73 = tpu.memref_slice %arg5[%multiple_of3A_66, %dma_start3A_72] : memref<204800x128xf32, #tpu.memory_space<hbm>> -> memref<128x128xf32, #tpu.memory_space<hbm>>
    %dma_start3A_74 = arith.constant 0 : i32
    %dma_start3A_75 = tpu.memref_slice %arg5[%multiple_of3A_66, %dma_start3A_74] : memref<204800x128xf32, #tpu.memory_space<hbm>> -> memref<128x128xf32, #tpu.memory_space<hbm>>
    %dma_start3A_76 = arith.constant 0 : i32
    %dma_start3A_77 = arith.constant 0 : i32
    %dma_start3A_78 = tpu.memref_slice %arg7[%dma_start3A_67, %dma_start3A_76, %dma_start3A_77] : memref<5x128x128xf32, #tpu.memory_space<vmem>> -> memref<1x128x128xf32, #tpu.memory_space<vmem>>
    %dma_start3A_79 = tpu.memref_squeeze %dma_start3A_78 : memref<1x128x128xf32, #tpu.memory_space<vmem>> -> memref<128x128xf32, #tpu.memory_space<vmem>>
    tpu.enqueue_dma source(%dma_start3A_79 : memref<128x128xf32, #tpu.memory_space<vmem>>) target(%dma_start3A_75 : memref<128x128xf32, #tpu.memory_space<hbm>>) target_semaphore(%arg14 : memref<!tpu.dma_semaphore, #tpu.memory_space<semaphore_mem>>)
    %multiple_of3A_80 = arith.constant 512 : i32
    %multiple_of3A_81 = tpu.assume_multiple %multiple_of3A_80, 8 : i32
    %dma_start3A_82 = arith.constant 4 : i32
    %dma_start3A_83 = arith.constant 0 : i32
    %dma_start3A_84 = arith.constant 0 : i32
    %dma_start3A_85 = tpu.memref_slice %arg7[%dma_start3A_82, %dma_start3A_83, %dma_start3A_84] : memref<5x128x128xf32, #tpu.memory_space<vmem>> -> memref<1x128x128xf32, #tpu.memory_space<vmem>>
    %dma_start3A_86 = tpu.memref_squeeze %dma_start3A_85 : memref<1x128x128xf32, #tpu.memory_space<vmem>> -> memref<128x128xf32, #tpu.memory_space<vmem>>
    %dma_start3A_87 = tpu.memref_slice %arg6[%multiple_of3A_81] : memref<6400xi32, #tpu.memory_space<vmem>> -> memref<128xi32, #tpu.memory_space<vmem>>
    %dma_start3A_88 = arith.constant 0 : i32
    %dma_start3A_89 = arith.constant 0 : i32
    %dma_start3A_90 = tpu.memref_slice %arg3[%dma_start3A_88, %dma_start3A_89] : memref<100000x128xf32, #tpu.memory_space<hbm>> -> memref<100000x128xf32, #tpu.memory_space<hbm>>
    tpu.enqueue_indirect_dma source(%dma_start3A_90 : memref<100000x128xf32, #tpu.memory_space<hbm>>) target(%dma_start3A_86 : memref<128x128xf32, #tpu.memory_space<vmem>>) offsets(%dma_start3A_87 : memref<128xi32, #tpu.memory_space<vmem>>) semaphore(%arg13 : memref<!tpu.dma_semaphore, #tpu.memory_space<semaphore_mem>>)
    %multiple_of3A_91 = arith.constant 0 : i32
    %multiple_of3A_92 = tpu.assume_multiple %multiple_of3A_91, 8 : i32
    %dma_wait3A_93 = arith.constant 1 : i32
    %dma_wait3A_94 = arith.constant 0 : i32
    %dma_wait3A_95 = arith.constant 0 : i32
    %dma_wait3A_96 = tpu.memref_slice %arg7[%dma_wait3A_93, %dma_wait3A_94, %dma_wait3A_95] : memref<5x128x128xf32, #tpu.memory_space<vmem>> -> memref<1x128x128xf32, #tpu.memory_space<vmem>>
    %dma_wait3A_97 = tpu.memref_squeeze %dma_wait3A_96 : memref<1x128x128xf32, #tpu.memory_space<vmem>> -> memref<128x128xf32, #tpu.memory_space<vmem>>
    %dma_wait3A_98 = tpu.memref_slice %arg6[%multiple_of3A_92] : memref<6400xi32, #tpu.memory_space<vmem>> -> memref<128xi32, #tpu.memory_space<vmem>>
    %dma_wait3A_99 = arith.constant 0 : i32
    %dma_wait3A_100 = arith.constant 0 : i32
    %dma_wait3A_101 = tpu.memref_slice %arg3[%dma_wait3A_99, %dma_wait3A_100] : memref<100000x128xf32, #tpu.memory_space<hbm>> -> memref<100000x128xf32, #tpu.memory_space<hbm>>
    tpu.wait_indirect_dma semaphore(%arg10 : memref<!tpu.dma_semaphore, #tpu.memory_space<semaphore_mem>>) src(%dma_wait3A_101 : memref<100000x128xf32, #tpu.memory_space<hbm>>) dst(%dma_wait3A_97 : memref<128x128xf32, #tpu.memory_space<vmem>>)
    %parallel_loop3A_102 = arith.constant 0 : i32
    %parallel_loop3A_103 = arith.constant 128 : i32
    %parallel_loop3A_104 = arith.constant 1 : i32
    scf.for %parallel_loop3A_339 = %parallel_loop3A_102 to %parallel_loop3A_103 step %parallel_loop3A_104  : i32 {
      %parallel_loop3A_340 = arith.constant 128 : i32
      %parallel_loop3A_341 = arith.addi %parallel_loop3A_340, %parallel_loop3A_339 : i32
      %parallel_loop3A_342 = arith.constant 200 : i32
      %parallel_loop3A_343 = arith.remsi %parallel_loop3A_341, %parallel_loop3A_342 : i32
      %parallel_loop3A_344 = arith.constant 128 : i32
      %parallel_loop3A_345 = arith.muli %parallel_loop3A_343, %parallel_loop3A_344 : i32
      %parallel_loop3A_346 = tpu.assume_multiple %parallel_loop3A_345, 16 : i32
      %parallel_loop3A_347 = arith.constant 0 : i32
      %parallel_loop3A_348 = arith.addi %parallel_loop3A_346, %parallel_loop3A_347 : i32
      %parallel_loop3A_349 = arith.index_cast %parallel_loop3A_348 : i32 to index
      %parallel_loop3A_350 = tpu.vector_load %arg8[%parallel_loop3A_349] {strides = array<i32>} : memref<25600xf32, #tpu.memory_space<vmem>>, vector<16xf32>,
      %parallel_loop3A_351 = vector.shape_cast %parallel_loop3A_350 : vector<16xf32> to vector<16xf32>
      %parallel_loop3A_352 = arith.constant 1 : i32
      %parallel_loop3A_353 = arith.index_cast %parallel_loop3A_352 : i32 to index
      %parallel_loop3A_354 = arith.index_cast %parallel_loop3A_339 : i32 to index
      %parallel_loop3A_355 = arith.constant 0 : index
      %parallel_loop3A_356 = tpu.vector_load %arg7[%parallel_loop3A_353, %parallel_loop3A_354, %parallel_loop3A_355] {strides = array<i32>} : memref<5x128x128xf32, #tpu.memory_space<vmem>>, vector<1x1x16xf32>,
      %parallel_loop3A_357 = vector.shape_cast %parallel_loop3A_356 : vector<1x1x16xf32> to vector<16xf32>
      %parallel_loop3A_358 = vector.shape_cast %parallel_loop3A_351 : vector<16xf32> to vector<1x1x16xf32>
      tpu.vector_store %arg7[%parallel_loop3A_353, %parallel_loop3A_354, %parallel_loop3A_355], %parallel_loop3A_358 {add = true, strides = array<i32>} : memref<5x128x128xf32, #tpu.memory_space<vmem>>, vector<1x1x16xf32>,
      %parallel_loop3A_359 = arith.constant 16 : i32
      %parallel_loop3A_360 = arith.addi %parallel_loop3A_346, %parallel_loop3A_359 : i32
      %parallel_loop3A_361 = arith.index_cast %parallel_loop3A_360 : i32 to index
      %parallel_loop3A_362 = tpu.vector_load %arg8[%parallel_loop3A_361] {strides = array<i32>} : memref<25600xf32, #tpu.memory_space<vmem>>, vector<16xf32>,
      %parallel_loop3A_363 = vector.shape_cast %parallel_loop3A_362 : vector<16xf32> to vector<16xf32>
      %parallel_loop3A_364 = arith.constant 1 : i32
      %parallel_loop3A_365 = arith.index_cast %parallel_loop3A_364 : i32 to index
      %parallel_loop3A_366 = arith.index_cast %parallel_loop3A_339 : i32 to index
      %parallel_loop3A_367 = arith.constant 16 : index
      %parallel_loop3A_368 = tpu.vector_load %arg7[%parallel_loop3A_365, %parallel_loop3A_366, %parallel_loop3A_367] {strides = array<i32>} : memref<5x128x128xf32, #tpu.memory_space<vmem>>, vector<1x1x16xf32>,
      %parallel_loop3A_369 = vector.shape_cast %parallel_loop3A_368 : vector<1x1x16xf32> to vector<16xf32>
      %parallel_loop3A_370 = vector.shape_cast %parallel_loop3A_363 : vector<16xf32> to vector<1x1x16xf32>
      tpu.vector_store %arg7[%parallel_loop3A_365, %parallel_loop3A_366, %parallel_loop3A_367], %parallel_loop3A_370 {add = true, strides = array<i32>} : memref<5x128x128xf32, #tpu.memory_space<vmem>>, vector<1x1x16xf32>,
      %parallel_loop3A_371 = arith.constant 32 : i32
      %parallel_loop3A_372 = arith.addi %parallel_loop3A_346, %parallel_loop3A_371 : i32
      %parallel_loop3A_373 = arith.index_cast %parallel_loop3A_372 : i32 to index
      %parallel_loop3A_374 = tpu.vector_load %arg8[%parallel_loop3A_373] {strides = array<i32>} : memref<25600xf32, #tpu.memory_space<vmem>>, vector<16xf32>,
      %parallel_loop3A_375 = vector.shape_cast %parallel_loop3A_374 : vector<16xf32> to vector<16xf32>
      %parallel_loop3A_376 = arith.constant 1 : i32
      %parallel_loop3A_377 = arith.index_cast %parallel_loop3A_376 : i32 to index
      %parallel_loop3A_378 = arith.index_cast %parallel_loop3A_339 : i32 to index
      %parallel_loop3A_379 = arith.constant 32 : index
      %parallel_loop3A_380 = tpu.vector_load %arg7[%parallel_loop3A_377, %parallel_loop3A_378, %parallel_loop3A_379] {strides = array<i32>} : memref<5x128x128xf32, #tpu.memory_space<vmem>>, vector<1x1x16xf32>,
      %parallel_loop3A_381 = vector.shape_cast %parallel_loop3A_380 : vector<1x1x16xf32> to vector<16xf32>
      %parallel_loop3A_382 = vector.shape_cast %parallel_loop3A_375 : vector<16xf32> to vector<1x1x16xf32>
      tpu.vector_store %arg7[%parallel_loop3A_377, %parallel_loop3A_378, %parallel_loop3A_379], %parallel_loop3A_382 {add = true, strides = array<i32>} : memref<5x128x128xf32, #tpu.memory_space<vmem>>, vector<1x1x16xf32>,
      %parallel_loop3A_383 = arith.constant 48 : i32
      %parallel_loop3A_384 = arith.addi %parallel_loop3A_346, %parallel_loop3A_383 : i32
      %parallel_loop3A_385 = arith.index_cast %parallel_loop3A_384 : i32 to index
      %parallel_loop3A_386 = tpu.vector_load %arg8[%parallel_loop3A_385] {strides = array<i32>} : memref<25600xf32, #tpu.memory_space<vmem>>, vector<16xf32>,
      %parallel_loop3A_387 = vector.shape_cast %parallel_loop3A_386 : vector<16xf32> to vector<16xf32>
      %parallel_loop3A_388 = arith.constant 1 : i32
      %parallel_loop3A_389 = arith.index_cast %parallel_loop3A_388 : i32 to index
      %parallel_loop3A_390 = arith.index_cast %parallel_loop3A_339 : i32 to index
      %parallel_loop3A_391 = arith.constant 48 : index
      %parallel_loop3A_392 = tpu.vector_load %arg7[%parallel_loop3A_389, %parallel_loop3A_390, %parallel_loop3A_391] {strides = array<i32>} : memref<5x128x128xf32, #tpu.memory_space<vmem>>, vector<1x1x16xf32>,
      %parallel_loop3A_393 = vector.shape_cast %parallel_loop3A_392 : vector<1x1x16xf32> to vector<16xf32>
      %parallel_loop3A_394 = vector.shape_cast %parallel_loop3A_387 : vector<16xf32> to vector<1x1x16xf32>
      tpu.vector_store %arg7[%parallel_loop3A_389, %parallel_loop3A_390, %parallel_loop3A_391], %parallel_loop3A_394 {add = true, strides = array<i32>} : memref<5x128x128xf32, #tpu.memory_space<vmem>>, vector<1x1x16xf32>,
      %parallel_loop3A_395 = arith.constant 64 : i32
      %parallel_loop3A_396 = arith.addi %parallel_loop3A_346, %parallel_loop3A_395 : i32
      %parallel_loop3A_397 = arith.index_cast %parallel_loop3A_396 : i32 to index
      %parallel_loop3A_398 = tpu.vector_load %arg8[%parallel_loop3A_397] {strides = array<i32>} : memref<25600xf32, #tpu.memory_space<vmem>>, vector<16xf32>,
      %parallel_loop3A_399 = vector.shape_cast %parallel_loop3A_398 : vector<16xf32> to vector<16xf32>
      %parallel_loop3A_400 = arith.constant 1 : i32
      %parallel_loop3A_401 = arith.index_cast %parallel_loop3A_400 : i32 to index
      %parallel_loop3A_402 = arith.index_cast %parallel_loop3A_339 : i32 to index
      %parallel_loop3A_403 = arith.constant 64 : index
      %parallel_loop3A_404 = tpu.vector_load %arg7[%parallel_loop3A_401, %parallel_loop3A_402, %parallel_loop3A_403] {strides = array<i32>} : memref<5x128x128xf32, #tpu.memory_space<vmem>>, vector<1x1x16xf32>,
      %parallel_loop3A_405 = vector.shape_cast %parallel_loop3A_404 : vector<1x1x16xf32> to vector<16xf32>
      %parallel_loop3A_406 = vector.shape_cast %parallel_loop3A_399 : vector<16xf32> to vector<1x1x16xf32>
      tpu.vector_store %arg7[%parallel_loop3A_401, %parallel_loop3A_402, %parallel_loop3A_403], %parallel_loop3A_406 {add = true, strides = array<i32>} : memref<5x128x128xf32, #tpu.memory_space<vmem>>, vector<1x1x16xf32>,
      %parallel_loop3A_407 = arith.constant 80 : i32
      %parallel_loop3A_408 = arith.addi %parallel_loop3A_346, %parallel_loop3A_407 : i32
      %parallel_loop3A_409 = arith.index_cast %parallel_loop3A_408 : i32 to index
      %parallel_loop3A_410 = tpu.vector_load %arg8[%parallel_loop3A_409] {strides = array<i32>} : memref<25600xf32, #tpu.memory_space<vmem>>, vector<16xf32>,
      %parallel_loop3A_411 = vector.shape_cast %parallel_loop3A_410 : vector<16xf32> to vector<16xf32>
      %parallel_loop3A_412 = arith.constant 1 : i32
      %parallel_loop3A_413 = arith.index_cast %parallel_loop3A_412 : i32 to index
      %parallel_loop3A_414 = arith.index_cast %parallel_loop3A_339 : i32 to index
      %parallel_loop3A_415 = arith.constant 80 : index
      %parallel_loop3A_416 = tpu.vector_load %arg7[%parallel_loop3A_413, %parallel_loop3A_414, %parallel_loop3A_415] {strides = array<i32>} : memref<5x128x128xf32, #tpu.memory_space<vmem>>, vector<1x1x16xf32>,
      %parallel_loop3A_417 = vector.shape_cast %parallel_loop3A_416 : vector<1x1x16xf32> to vector<16xf32>
      %parallel_loop3A_418 = vector.shape_cast %parallel_loop3A_411 : vector<16xf32> to vector<1x1x16xf32>
      tpu.vector_store %arg7[%parallel_loop3A_413, %parallel_loop3A_414, %parallel_loop3A_415], %parallel_loop3A_418 {add = true, strides = array<i32>} : memref<5x128x128xf32, #tpu.memory_space<vmem>>, vector<1x1x16xf32>,
      %parallel_loop3A_419 = arith.constant 96 : i32
      %parallel_loop3A_420 = arith.addi %parallel_loop3A_346, %parallel_loop3A_419 : i32
      %parallel_loop3A_421 = arith.index_cast %parallel_loop3A_420 : i32 to index
      %parallel_loop3A_422 = tpu.vector_load %arg8[%parallel_loop3A_421] {strides = array<i32>} : memref<25600xf32, #tpu.memory_space<vmem>>, vector<16xf32>,
      %parallel_loop3A_423 = vector.shape_cast %parallel_loop3A_422 : vector<16xf32> to vector<16xf32>
      %parallel_loop3A_424 = arith.constant 1 : i32
      %parallel_loop3A_425 = arith.index_cast %parallel_loop3A_424 : i32 to index
      %parallel_loop3A_426 = arith.index_cast %parallel_loop3A_339 : i32 to index
      %parallel_loop3A_427 = arith.constant 96 : index
      %parallel_loop3A_428 = tpu.vector_load %arg7[%parallel_loop3A_425, %parallel_loop3A_426, %parallel_loop3A_427] {strides = array<i32>} : memref<5x128x128xf32, #tpu.memory_space<vmem>>, vector<1x1x16xf32>,
      %parallel_loop3A_429 = vector.shape_cast %parallel_loop3A_428 : vector<1x1x16xf32> to vector<16xf32>
      %parallel_loop3A_430 = vector.shape_cast %parallel_loop3A_423 : vector<16xf32> to vector<1x1x16xf32>
      tpu.vector_store %arg7[%parallel_loop3A_425, %parallel_loop3A_426, %parallel_loop3A_427], %parallel_loop3A_430 {add = true, strides = array<i32>} : memref<5x128x128xf32, #tpu.memory_space<vmem>>, vector<1x1x16xf32>,
      %parallel_loop3A_431 = arith.constant 112 : i32
      %parallel_loop3A_432 = arith.addi %parallel_loop3A_346, %parallel_loop3A_431 : i32
      %parallel_loop3A_433 = arith.index_cast %parallel_loop3A_432 : i32 to index
      %parallel_loop3A_434 = tpu.vector_load %arg8[%parallel_loop3A_433] {strides = array<i32>} : memref<25600xf32, #tpu.memory_space<vmem>>, vector<16xf32>,
      %parallel_loop3A_435 = vector.shape_cast %parallel_loop3A_434 : vector<16xf32> to vector<16xf32>
      %parallel_loop3A_436 = arith.constant 1 : i32
      %parallel_loop3A_437 = arith.index_cast %parallel_loop3A_436 : i32 to index
      %parallel_loop3A_438 = arith.index_cast %parallel_loop3A_339 : i32 to index
      %parallel_loop3A_439 = arith.constant 112 : index
      %parallel_loop3A_440 = tpu.vector_load %arg7[%parallel_loop3A_437, %parallel_loop3A_438, %parallel_loop3A_439] {strides = array<i32>} : memref<5x128x128xf32, #tpu.memory_space<vmem>>, vector<1x1x16xf32>,
      %parallel_loop3A_441 = vector.shape_cast %parallel_loop3A_440 : vector<1x1x16xf32> to vector<16xf32>
      %parallel_loop3A_442 = vector.shape_cast %parallel_loop3A_435 : vector<16xf32> to vector<1x1x16xf32>
      tpu.vector_store %arg7[%parallel_loop3A_437, %parallel_loop3A_438, %parallel_loop3A_439], %parallel_loop3A_442 {add = true, strides = array<i32>} : memref<5x128x128xf32, #tpu.memory_space<vmem>>, vector<1x1x16xf32>,
    } {sc.loop_unroll_factor = 4 : i64, sc.parallel_access}
    %add3A_105 = arith.constant 128 : i32
    %add3A_106 = arith.addi %mul3A_8, %add3A_105 : i32
    %multiple_of3A_107 = tpu.assume_multiple %add3A_106, 8 : i32
    %dma_start3A_108 = arith.constant 1 : i32
    %dma_start3A_109 = arith.constant 0 : i32
    %dma_start3A_110 = arith.constant 0 : i32
    %dma_start3A_111 = tpu.memref_slice %arg7[%dma_start3A_108, %dma_start3A_109, %dma_start3A_110] : memref<5x128x128xf32, #tpu.memory_space<vmem>> -> memref<1x128x128xf32, #tpu.memory_space<vmem>>
    %dma_start3A_112 = tpu.memref_squeeze %dma_start3A_111 : memref<1x128x128xf32, #tpu.memory_space<vmem>> -> memref<128x128xf32, #tpu.memory_space<vmem>>
    %dma_start3A_113 = arith.constant 0 : i32
    %dma_start3A_114 = tpu.memref_slice %arg5[%multiple_of3A_107, %dma_start3A_113] : memref<204800x128xf32, #tpu.memory_space<hbm>> -> memref<128x128xf32, #tpu.memory_space<hbm>>
    %dma_start3A_115 = arith.constant 0 : i32
    %dma_start3A_116 = tpu.memref_slice %arg5[%multiple_of3A_107, %dma_start3A_115] : memref<204800x128xf32, #tpu.memory_space<hbm>> -> memref<128x128xf32, #tpu.memory_space<hbm>>
    %dma_start3A_117 = arith.constant 0 : i32
    %dma_start3A_118 = arith.constant 0 : i32
    %dma_start3A_119 = tpu.memref_slice %arg7[%dma_start3A_108, %dma_start3A_117, %dma_start3A_118] : memref<5x128x128xf32, #tpu.memory_space<vmem>> -> memref<1x128x128xf32, #tpu.memory_space<vmem>>
    %dma_start3A_120 = tpu.memref_squeeze %dma_start3A_119 : memref<1x128x128xf32, #tpu.memory_space<vmem>> -> memref<128x128xf32, #tpu.memory_space<vmem>>
    tpu.enqueue_dma source(%dma_start3A_120 : memref<128x128xf32, #tpu.memory_space<vmem>>) target(%dma_start3A_116 : memref<128x128xf32, #tpu.memory_space<hbm>>) target_semaphore(%arg15 : memref<!tpu.dma_semaphore, #tpu.memory_space<semaphore_mem>>)
    %add3A_121 = arith.constant 0 : i32
    %add3A_122 = arith.addi %mul3A_8, %add3A_121 : i32
    %multiple_of3A_123 = tpu.assume_multiple %add3A_122, 8 : i32
    %dma_wait3A_124 = arith.constant 0 : i32
    %dma_wait3A_125 = arith.constant 0 : i32
    %dma_wait3A_126 = arith.constant 0 : i32
    %dma_wait3A_127 = tpu.memref_slice %arg7[%dma_wait3A_124, %dma_wait3A_125, %dma_wait3A_126] : memref<5x128x128xf32, #tpu.memory_space<vmem>> -> memref<1x128x128xf32, #tpu.memory_space<vmem>>
    %dma_wait3A_128 = tpu.memref_squeeze %dma_wait3A_127 : memref<1x128x128xf32, #tpu.memory_space<vmem>> -> memref<128x128xf32, #tpu.memory_space<vmem>>
    %dma_wait3A_129 = arith.constant 0 : i32
    %dma_wait3A_130 = tpu.memref_slice %arg5[%multiple_of3A_123, %dma_wait3A_129] : memref<204800x128xf32, #tpu.memory_space<hbm>> -> memref<128x128xf32, #tpu.memory_space<hbm>>
    %dma_wait3A_131 = arith.constant 0 : i32
    %dma_wait3A_132 = tpu.memref_slice %arg5[%multiple_of3A_123, %dma_wait3A_131] : memref<204800x128xf32, #tpu.memory_space<hbm>> -> memref<128x128xf32, #tpu.memory_space<hbm>>
    %dma_wait3A_133 = arith.constant 0 : i32
    %dma_wait3A_134 = arith.constant 0 : i32
    %dma_wait3A_135 = tpu.memref_slice %arg7[%dma_wait3A_124, %dma_wait3A_133, %dma_wait3A_134] : memref<5x128x128xf32, #tpu.memory_space<vmem>> -> memref<1x128x128xf32, #tpu.memory_space<vmem>>
    %dma_wait3A_136 = tpu.memref_squeeze %dma_wait3A_135 : memref<1x128x128xf32, #tpu.memory_space<vmem>> -> memref<128x128xf32, #tpu.memory_space<vmem>>
    tpu.wait_dma2 semaphore(%arg14 : memref<!tpu.dma_semaphore, #tpu.memory_space<semaphore_mem>>) src(%dma_wait3A_136 : memref<128x128xf32, #tpu.memory_space<vmem>>) dst(%dma_wait3A_132 : memref<128x128xf32, #tpu.memory_space<hbm>>)
    %multiple_of3A_137 = arith.constant 640 : i32
    %multiple_of3A_138 = tpu.assume_multiple %multiple_of3A_137, 8 : i32
    %dma_start3A_139 = arith.constant 0 : i32
    %dma_start3A_140 = arith.constant 0 : i32
    %dma_start3A_141 = arith.constant 0 : i32
    %dma_start3A_142 = tpu.memref_slice %arg7[%dma_start3A_139, %dma_start3A_140, %dma_start3A_141] : memref<5x128x128xf32, #tpu.memory_space<vmem>> -> memref<1x128x128xf32, #tpu.memory_space<vmem>>
    %dma_start3A_143 = tpu.memref_squeeze %dma_start3A_142 : memref<1x128x128xf32, #tpu.memory_space<vmem>> -> memref<128x128xf32, #tpu.memory_space<vmem>>
    %dma_start3A_144 = tpu.memref_slice %arg6[%multiple_of3A_138] : memref<6400xi32, #tpu.memory_space<vmem>> -> memref<128xi32, #tpu.memory_space<vmem>>
    %dma_start3A_145 = arith.constant 0 : i32
    %dma_start3A_146 = arith.constant 0 : i32
    %dma_start3A_147 = tpu.memref_slice %arg3[%dma_start3A_145, %dma_start3A_146] : memref<100000x128xf32, #tpu.memory_space<hbm>> -> memref<100000x128xf32, #tpu.memory_space<hbm>>
    tpu.enqueue_indirect_dma source(%dma_start3A_147 : memref<100000x128xf32, #tpu.memory_space<hbm>>) target(%dma_start3A_143 : memref<128x128xf32, #tpu.memory_space<vmem>>) offsets(%dma_start3A_144 : memref<128xi32, #tpu.memory_space<vmem>>) semaphore(%arg9 : memref<!tpu.dma_semaphore, #tpu.memory_space<semaphore_mem>>)
    %multiple_of3A_148 = arith.constant 0 : i32
    %multiple_of3A_149 = tpu.assume_multiple %multiple_of3A_148, 8 : i32
    %dma_wait3A_150 = arith.constant 2 : i32
    %dma_wait3A_151 = arith.constant 0 : i32
    %dma_wait3A_152 = arith.constant 0 : i32
    %dma_wait3A_153 = tpu.memref_slice %arg7[%dma_wait3A_150, %dma_wait3A_151, %dma_wait3A_152] : memref<5x128x128xf32, #tpu.memory_space<vmem>> -> memref<1x128x128xf32, #tpu.memory_space<vmem>>
    %dma_wait3A_154 = tpu.memref_squeeze %dma_wait3A_153 : memref<1x128x128xf32, #tpu.memory_space<vmem>> -> memref<128x128xf32, #tpu.memory_space<vmem>>
    %dma_wait3A_155 = tpu.memref_slice %arg6[%multiple_of3A_149] : memref<6400xi32, #tpu.memory_space<vmem>> -> memref<128xi32, #tpu.memory_space<vmem>>
    %dma_wait3A_156 = arith.constant 0 : i32
    %dma_wait3A_157 = arith.constant 0 : i32
    %dma_wait3A_158 = tpu.memref_slice %arg3[%dma_wait3A_156, %dma_wait3A_157] : memref<100000x128xf32, #tpu.memory_space<hbm>> -> memref<100000x128xf32, #tpu.memory_space<hbm>>
    tpu.wait_indirect_dma semaphore(%arg11 : memref<!tpu.dma_semaphore, #tpu.memory_space<semaphore_mem>>) src(%dma_wait3A_158 : memref<100000x128xf32, #tpu.memory_space<hbm>>) dst(%dma_wait3A_154 : memref<128x128xf32, #tpu.memory_space<vmem>>)
    %parallel_loop3A_159 = arith.constant 0 : i32
    %parallel_loop3A_160 = arith.constant 128 : i32
    %parallel_loop3A_161 = arith.constant 1 : i32
    scf.for %parallel_loop3A_339 = %parallel_loop3A_159 to %parallel_loop3A_160 step %parallel_loop3A_161  : i32 {
      %parallel_loop3A_340 = arith.constant 256 : i32
      %parallel_loop3A_341 = arith.addi %parallel_loop3A_340, %parallel_loop3A_339 : i32
      %parallel_loop3A_342 = arith.constant 200 : i32
      %parallel_loop3A_343 = arith.remsi %parallel_loop3A_341, %parallel_loop3A_342 : i32
      %parallel_loop3A_344 = arith.constant 128 : i32
      %parallel_loop3A_345 = arith.muli %parallel_loop3A_343, %parallel_loop3A_344 : i32
      %parallel_loop3A_346 = tpu.assume_multiple %parallel_loop3A_345, 16 : i32
      %parallel_loop3A_347 = arith.constant 0 : i32
      %parallel_loop3A_348 = arith.addi %parallel_loop3A_346, %parallel_loop3A_347 : i32
      %parallel_loop3A_349 = arith.index_cast %parallel_loop3A_348 : i32 to index
      %parallel_loop3A_350 = tpu.vector_load %arg8[%parallel_loop3A_349] {strides = array<i32>} : memref<25600xf32, #tpu.memory_space<vmem>>, vector<16xf32>,
      %parallel_loop3A_351 = vector.shape_cast %parallel_loop3A_350 : vector<16xf32> to vector<16xf32>
      %parallel_loop3A_352 = arith.constant 2 : i32
      %parallel_loop3A_353 = arith.index_cast %parallel_loop3A_352 : i32 to index
      %parallel_loop3A_354 = arith.index_cast %parallel_loop3A_339 : i32 to index
      %parallel_loop3A_355 = arith.constant 0 : index
      %parallel_loop3A_356 = tpu.vector_load %arg7[%parallel_loop3A_353, %parallel_loop3A_354, %parallel_loop3A_355] {strides = array<i32>} : memref<5x128x128xf32, #tpu.memory_space<vmem>>, vector<1x1x16xf32>,
      %parallel_loop3A_357 = vector.shape_cast %parallel_loop3A_356 : vector<1x1x16xf32> to vector<16xf32>
      %parallel_loop3A_358 = vector.shape_cast %parallel_loop3A_351 : vector<16xf32> to vector<1x1x16xf32>
      tpu.vector_store %arg7[%parallel_loop3A_353, %parallel_loop3A_354, %parallel_loop3A_355], %parallel_loop3A_358 {add = true, strides = array<i32>} : memref<5x128x128xf32, #tpu.memory_space<vmem>>, vector<1x1x16xf32>,
      %parallel_loop3A_359 = arith.constant 16 : i32
      %parallel_loop3A_360 = arith.addi %parallel_loop3A_346, %parallel_loop3A_359 : i32
      %parallel_loop3A_361 = arith.index_cast %parallel_loop3A_360 : i32 to index
      %parallel_loop3A_362 = tpu.vector_load %arg8[%parallel_loop3A_361] {strides = array<i32>} : memref<25600xf32, #tpu.memory_space<vmem>>, vector<16xf32>,
      %parallel_loop3A_363 = vector.shape_cast %parallel_loop3A_362 : vector<16xf32> to vector<16xf32>
      %parallel_loop3A_364 = arith.constant 2 : i32
      %parallel_loop3A_365 = arith.index_cast %parallel_loop3A_364 : i32 to index
      %parallel_loop3A_366 = arith.index_cast %parallel_loop3A_339 : i32 to index
      %parallel_loop3A_367 = arith.constant 16 : index
      %parallel_loop3A_368 = tpu.vector_load %arg7[%parallel_loop3A_365, %parallel_loop3A_366, %parallel_loop3A_367] {strides = array<i32>} : memref<5x128x128xf32, #tpu.memory_space<vmem>>, vector<1x1x16xf32>,
      %parallel_loop3A_369 = vector.shape_cast %parallel_loop3A_368 : vector<1x1x16xf32> to vector<16xf32>
      %parallel_loop3A_370 = vector.shape_cast %parallel_loop3A_363 : vector<16xf32> to vector<1x1x16xf32>
      tpu.vector_store %arg7[%parallel_loop3A_365, %parallel_loop3A_366, %parallel_loop3A_367], %parallel_loop3A_370 {add = true, strides = array<i32>} : memref<5x128x128xf32, #tpu.memory_space<vmem>>, vector<1x1x16xf32>,
      %parallel_loop3A_371 = arith.constant 32 : i32
      %parallel_loop3A_372 = arith.addi %parallel_loop3A_346, %parallel_loop3A_371 : i32
      %parallel_loop3A_373 = arith.index_cast %parallel_loop3A_372 : i32 to index
      %parallel_loop3A_374 = tpu.vector_load %arg8[%parallel_loop3A_373] {strides = array<i32>} : memref<25600xf32, #tpu.memory_space<vmem>>, vector<16xf32>,
      %parallel_loop3A_375 = vector.shape_cast %parallel_loop3A_374 : vector<16xf32> to vector<16xf32>
      %parallel_loop3A_376 = arith.constant 2 : i32
      %parallel_loop3A_377 = arith.index_cast %parallel_loop3A_376 : i32 to index
      %parallel_loop3A_378 = arith.index_cast %parallel_loop3A_339 : i32 to index
      %parallel_loop3A_379 = arith.constant 32 : index
      %parallel_loop3A_380 = tpu.vector_load %arg7[%parallel_loop3A_377, %parallel_loop3A_378, %parallel_loop3A_379] {strides = array<i32>} : memref<5x128x128xf32, #tpu.memory_space<vmem>>, vector<1x1x16xf32>,
      %parallel_loop3A_381 = vector.shape_cast %parallel_loop3A_380 : vector<1x1x16xf32> to vector<16xf32>
      %parallel_loop3A_382 = vector.shape_cast %parallel_loop3A_375 : vector<16xf32> to vector<1x1x16xf32>
      tpu.vector_store %arg7[%parallel_loop3A_377, %parallel_loop3A_378, %parallel_loop3A_379], %parallel_loop3A_382 {add = true, strides = array<i32>} : memref<5x128x128xf32, #tpu.memory_space<vmem>>, vector<1x1x16xf32>,
      %parallel_loop3A_383 = arith.constant 48 : i32
      %parallel_loop3A_384 = arith.addi %parallel_loop3A_346, %parallel_loop3A_383 : i32
      %parallel_loop3A_385 = arith.index_cast %parallel_loop3A_384 : i32 to index
      %parallel_loop3A_386 = tpu.vector_load %arg8[%parallel_loop3A_385] {strides = array<i32>} : memref<25600xf32, #tpu.memory_space<vmem>>, vector<16xf32>,
      %parallel_loop3A_387 = vector.shape_cast %parallel_loop3A_386 : vector<16xf32> to vector<16xf32>
      %parallel_loop3A_388 = arith.constant 2 : i32
      %parallel_loop3A_389 = arith.index_cast %parallel_loop3A_388 : i32 to index
      %parallel_loop3A_390 = arith.index_cast %parallel_loop3A_339 : i32 to index
      %parallel_loop3A_391 = arith.constant 48 : index
      %parallel_loop3A_392 = tpu.vector_load %arg7[%parallel_loop3A_389, %parallel_loop3A_390, %parallel_loop3A_391] {strides = array<i32>} : memref<5x128x128xf32, #tpu.memory_space<vmem>>, vector<1x1x16xf32>,
      %parallel_loop3A_393 = vector.shape_cast %parallel_loop3A_392 : vector<1x1x16xf32> to vector<16xf32>
      %parallel_loop3A_394 = vector.shape_cast %parallel_loop3A_387 : vector<16xf32> to vector<1x1x16xf32>
      tpu.vector_store %arg7[%parallel_loop3A_389, %parallel_loop3A_390, %parallel_loop3A_391], %parallel_loop3A_394 {add = true, strides = array<i32>} : memref<5x128x128xf32, #tpu.memory_space<vmem>>, vector<1x1x16xf32>,
      %parallel_loop3A_395 = arith.constant 64 : i32
      %parallel_loop3A_396 = arith.addi %parallel_loop3A_346, %parallel_loop3A_395 : i32
      %parallel_loop3A_397 = arith.index_cast %parallel_loop3A_396 : i32 to index
      %parallel_loop3A_398 = tpu.vector_load %arg8[%parallel_loop3A_397] {strides = array<i32>} : memref<25600xf32, #tpu.memory_space<vmem>>, vector<16xf32>,
      %parallel_loop3A_399 = vector.shape_cast %parallel_loop3A_398 : vector<16xf32> to vector<16xf32>
      %parallel_loop3A_400 = arith.constant 2 : i32
      %parallel_loop3A_401 = arith.index_cast %parallel_loop3A_400 : i32 to index
      %parallel_loop3A_402 = arith.index_cast %parallel_loop3A_339 : i32 to index
      %parallel_loop3A_403 = arith.constant 64 : index
      %parallel_loop3A_404 = tpu.vector_load %arg7[%parallel_loop3A_401, %parallel_loop3A_402, %parallel_loop3A_403] {strides = array<i32>} : memref<5x128x128xf32, #tpu.memory_space<vmem>>, vector<1x1x16xf32>,
      %parallel_loop3A_405 = vector.shape_cast %parallel_loop3A_404 : vector<1x1x16xf32> to vector<16xf32>
      %parallel_loop3A_406 = vector.shape_cast %parallel_loop3A_399 : vector<16xf32> to vector<1x1x16xf32>
      tpu.vector_store %arg7[%parallel_loop3A_401, %parallel_loop3A_402, %parallel_loop3A_403], %parallel_loop3A_406 {add = true, strides = array<i32>} : memref<5x128x128xf32, #tpu.memory_space<vmem>>, vector<1x1x16xf32>,
      %parallel_loop3A_407 = arith.constant 80 : i32
      %parallel_loop3A_408 = arith.addi %parallel_loop3A_346, %parallel_loop3A_407 : i32
      %parallel_loop3A_409 = arith.index_cast %parallel_loop3A_408 : i32 to index
      %parallel_loop3A_410 = tpu.vector_load %arg8[%parallel_loop3A_409] {strides = array<i32>} : memref<25600xf32, #tpu.memory_space<vmem>>, vector<16xf32>,
      %parallel_loop3A_411 = vector.shape_cast %parallel_loop3A_410 : vector<16xf32> to vector<16xf32>
      %parallel_loop3A_412 = arith.constant 2 : i32
      %parallel_loop3A_413 = arith.index_cast %parallel_loop3A_412 : i32 to index
      %parallel_loop3A_414 = arith.index_cast %parallel_loop3A_339 : i32 to index
      %parallel_loop3A_415 = arith.constant 80 : index
      %parallel_loop3A_416 = tpu.vector_load %arg7[%parallel_loop3A_413, %parallel_loop3A_414, %parallel_loop3A_415] {strides = array<i32>} : memref<5x128x128xf32, #tpu.memory_space<vmem>>, vector<1x1x16xf32>,
      %parallel_loop3A_417 = vector.shape_cast %parallel_loop3A_416 : vector<1x1x16xf32> to vector<16xf32>
      %parallel_loop3A_418 = vector.shape_cast %parallel_loop3A_411 : vector<16xf32> to vector<1x1x16xf32>
      tpu.vector_store %arg7[%parallel_loop3A_413, %parallel_loop3A_414, %parallel_loop3A_415], %parallel_loop3A_418 {add = true, strides = array<i32>} : memref<5x128x128xf32, #tpu.memory_space<vmem>>, vector<1x1x16xf32>,
      %parallel_loop3A_419 = arith.constant 96 : i32
      %parallel_loop3A_420 = arith.addi %parallel_loop3A_346, %parallel_loop3A_419 : i32
      %parallel_loop3A_421 = arith.index_cast %parallel_loop3A_420 : i32 to index
      %parallel_loop3A_422 = tpu.vector_load %arg8[%parallel_loop3A_421] {strides = array<i32>} : memref<25600xf32, #tpu.memory_space<vmem>>, vector<16xf32>,
      %parallel_loop3A_423 = vector.shape_cast %parallel_loop3A_422 : vector<16xf32> to vector<16xf32>
      %parallel_loop3A_424 = arith.constant 2 : i32
      %parallel_loop3A_425 = arith.index_cast %parallel_loop3A_424 : i32 to index
      %parallel_loop3A_426 = arith.index_cast %parallel_loop3A_339 : i32 to index
      %parallel_loop3A_427 = arith.constant 96 : index
      %parallel_loop3A_428 = tpu.vector_load %arg7[%parallel_loop3A_425, %parallel_loop3A_426, %parallel_loop3A_427] {strides = array<i32>} : memref<5x128x128xf32, #tpu.memory_space<vmem>>, vector<1x1x16xf32>,
      %parallel_loop3A_429 = vector.shape_cast %parallel_loop3A_428 : vector<1x1x16xf32> to vector<16xf32>
      %parallel_loop3A_430 = vector.shape_cast %parallel_loop3A_423 : vector<16xf32> to vector<1x1x16xf32>
      tpu.vector_store %arg7[%parallel_loop3A_425, %parallel_loop3A_426, %parallel_loop3A_427], %parallel_loop3A_430 {add = true, strides = array<i32>} : memref<5x128x128xf32, #tpu.memory_space<vmem>>, vector<1x1x16xf32>,
      %parallel_loop3A_431 = arith.constant 112 : i32
      %parallel_loop3A_432 = arith.addi %parallel_loop3A_346, %parallel_loop3A_431 : i32
      %parallel_loop3A_433 = arith.index_cast %parallel_loop3A_432 : i32 to index
      %parallel_loop3A_434 = tpu.vector_load %arg8[%parallel_loop3A_433] {strides = array<i32>} : memref<25600xf32, #tpu.memory_space<vmem>>, vector<16xf32>,
      %parallel_loop3A_435 = vector.shape_cast %parallel_loop3A_434 : vector<16xf32> to vector<16xf32>
      %parallel_loop3A_436 = arith.constant 2 : i32
      %parallel_loop3A_437 = arith.index_cast %parallel_loop3A_436 : i32 to index
      %parallel_loop3A_438 = arith.index_cast %parallel_loop3A_339 : i32 to index
      %parallel_loop3A_439 = arith.constant 112 : index
      %parallel_loop3A_440 = tpu.vector_load %arg7[%parallel_loop3A_437, %parallel_loop3A_438, %parallel_loop3A_439] {strides = array<i32>} : memref<5x128x128xf32, #tpu.memory_space<vmem>>, vector<1x1x16xf32>,
      %parallel_loop3A_441 = vector.shape_cast %parallel_loop3A_440 : vector<1x1x16xf32> to vector<16xf32>
      %parallel_loop3A_442 = vector.shape_cast %parallel_loop3A_435 : vector<16xf32> to vector<1x1x16xf32>
      tpu.vector_store %arg7[%parallel_loop3A_437, %parallel_loop3A_438, %parallel_loop3A_439], %parallel_loop3A_442 {add = true, strides = array<i32>} : memref<5x128x128xf32, #tpu.memory_space<vmem>>, vector<1x1x16xf32>,
    } {sc.loop_unroll_factor = 4 : i64, sc.parallel_access}
    %add3A_162 = arith.constant 256 : i32
    %add3A_163 = arith.addi %mul3A_8, %add3A_162 : i32
    %multiple_of3A_164 = tpu.assume_multiple %add3A_163, 8 : i32
    %dma_start3A_165 = arith.constant 2 : i32
    %dma_start3A_166 = arith.constant 0 : i32
    %dma_start3A_167 = arith.constant 0 : i32
    %dma_start3A_168 = tpu.memref_slice %arg7[%dma_start3A_165, %dma_start3A_166, %dma_start3A_167] : memref<5x128x128xf32, #tpu.memory_space<vmem>> -> memref<1x128x128xf32, #tpu.memory_space<vmem>>
    %dma_start3A_169 = tpu.memref_squeeze %dma_start3A_168 : memref<1x128x128xf32, #tpu.memory_space<vmem>> -> memref<128x128xf32, #tpu.memory_space<vmem>>
    %dma_start3A_170 = arith.constant 0 : i32
    %dma_start3A_171 = tpu.memref_slice %arg5[%multiple_of3A_164, %dma_start3A_170] : memref<204800x128xf32, #tpu.memory_space<hbm>> -> memref<128x128xf32, #tpu.memory_space<hbm>>
    %dma_start3A_172 = arith.constant 0 : i32
    %dma_start3A_173 = tpu.memref_slice %arg5[%multiple_of3A_164, %dma_start3A_172] : memref<204800x128xf32, #tpu.memory_space<hbm>> -> memref<128x128xf32, #tpu.memory_space<hbm>>
    %dma_start3A_174 = arith.constant 0 : i32
    %dma_start3A_175 = arith.constant 0 : i32
    %dma_start3A_176 = tpu.memref_slice %arg7[%dma_start3A_165, %dma_start3A_174, %dma_start3A_175] : memref<5x128x128xf32, #tpu.memory_space<vmem>> -> memref<1x128x128xf32, #tpu.memory_space<vmem>>
    %dma_start3A_177 = tpu.memref_squeeze %dma_start3A_176 : memref<1x128x128xf32, #tpu.memory_space<vmem>> -> memref<128x128xf32, #tpu.memory_space<vmem>>
    tpu.enqueue_dma source(%dma_start3A_177 : memref<128x128xf32, #tpu.memory_space<vmem>>) target(%dma_start3A_173 : memref<128x128xf32, #tpu.memory_space<hbm>>) target_semaphore(%arg16 : memref<!tpu.dma_semaphore, #tpu.memory_space<semaphore_mem>>)
    %add3A_178 = arith.constant 0 : i32
    %add3A_179 = arith.addi %mul3A_8, %add3A_178 : i32
    %multiple_of3A_180 = tpu.assume_multiple %add3A_179, 8 : i32
    %dma_wait3A_181 = arith.constant 1 : i32
    %dma_wait3A_182 = arith.constant 0 : i32
    %dma_wait3A_183 = arith.constant 0 : i32
    %dma_wait3A_184 = tpu.memref_slice %arg7[%dma_wait3A_181, %dma_wait3A_182, %dma_wait3A_183] : memref<5x128x128xf32, #tpu.memory_space<vmem>> -> memref<1x128x128xf32, #tpu.memory_space<vmem>>
    %dma_wait3A_185 = tpu.memref_squeeze %dma_wait3A_184 : memref<1x128x128xf32, #tpu.memory_space<vmem>> -> memref<128x128xf32, #tpu.memory_space<vmem>>
    %dma_wait3A_186 = arith.constant 0 : i32
    %dma_wait3A_187 = tpu.memref_slice %arg5[%multiple_of3A_180, %dma_wait3A_186] : memref<204800x128xf32, #tpu.memory_space<hbm>> -> memref<128x128xf32, #tpu.memory_space<hbm>>
    %dma_wait3A_188 = arith.constant 0 : i32
    %dma_wait3A_189 = tpu.memref_slice %arg5[%multiple_of3A_180, %dma_wait3A_188] : memref<204800x128xf32, #tpu.memory_space<hbm>> -> memref<128x128xf32, #tpu.memory_space<hbm>>
    %dma_wait3A_190 = arith.constant 0 : i32
    %dma_wait3A_191 = arith.constant 0 : i32
    %dma_wait3A_192 = tpu.memref_slice %arg7[%dma_wait3A_181, %dma_wait3A_190, %dma_wait3A_191] : memref<5x128x128xf32, #tpu.memory_space<vmem>> -> memref<1x128x128xf32, #tpu.memory_space<vmem>>
    %dma_wait3A_193 = tpu.memref_squeeze %dma_wait3A_192 : memref<1x128x128xf32, #tpu.memory_space<vmem>> -> memref<128x128xf32, #tpu.memory_space<vmem>>
    tpu.wait_dma2 semaphore(%arg15 : memref<!tpu.dma_semaphore, #tpu.memory_space<semaphore_mem>>) src(%dma_wait3A_193 : memref<128x128xf32, #tpu.memory_space<vmem>>) dst(%dma_wait3A_189 : memref<128x128xf32, #tpu.memory_space<hbm>>)
    %multiple_of3A_194 = arith.constant 768 : i32
    %multiple_of3A_195 = tpu.assume_multiple %multiple_of3A_194, 8 : i32
    %dma_start3A_196 = arith.constant 1 : i32
    %dma_start3A_197 = arith.constant 0 : i32
    %dma_start3A_198 = arith.constant 0 : i32
    %dma_start3A_199 = tpu.memref_slice %arg7[%dma_start3A_196, %dma_start3A_197, %dma_start3A_198] : memref<5x128x128xf32, #tpu.memory_space<vmem>> -> memref<1x128x128xf32, #tpu.memory_space<vmem>>
    %dma_start3A_200 = tpu.memref_squeeze %dma_start3A_199 : memref<1x128x128xf32, #tpu.memory_space<vmem>> -> memref<128x128xf32, #tpu.memory_space<vmem>>
    %dma_start3A_201 = tpu.memref_slice %arg6[%multiple_of3A_195] : memref<6400xi32, #tpu.memory_space<vmem>> -> memref<128xi32, #tpu.memory_space<vmem>>
    %dma_start3A_202 = arith.constant 0 : i32
    %dma_start3A_203 = arith.constant 0 : i32
    %dma_start3A_204 = tpu.memref_slice %arg3[%dma_start3A_202, %dma_start3A_203] : memref<100000x128xf32, #tpu.memory_space<hbm>> -> memref<100000x128xf32, #tpu.memory_space<hbm>>
    tpu.enqueue_indirect_dma source(%dma_start3A_204 : memref<100000x128xf32, #tpu.memory_space<hbm>>) target(%dma_start3A_200 : memref<128x128xf32, #tpu.memory_space<vmem>>) offsets(%dma_start3A_201 : memref<128xi32, #tpu.memory_space<vmem>>) semaphore(%arg10 : memref<!tpu.dma_semaphore, #tpu.memory_space<semaphore_mem>>)
    %multiple_of3A_205 = arith.constant 0 : i32
    %multiple_of3A_206 = tpu.assume_multiple %multiple_of3A_205, 8 : i32
    %dma_wait3A_207 = arith.constant 3 : i32
    %dma_wait3A_208 = arith.constant 0 : i32
    %dma_wait3A_209 = arith.constant 0 : i32
    %dma_wait3A_210 = tpu.memref_slice %arg7[%dma_wait3A_207, %dma_wait3A_208, %dma_wait3A_209] : memref<5x128x128xf32, #tpu.memory_space<vmem>> -> memref<1x128x128xf32, #tpu.memory_space<vmem>>
    %dma_wait3A_211 = tpu.memref_squeeze %dma_wait3A_210 : memref<1x128x128xf32, #tpu.memory_space<vmem>> -> memref<128x128xf32, #tpu.memory_space<vmem>>
    %dma_wait3A_212 = tpu.memref_slice %arg6[%multiple_of3A_206] : memref<6400xi32, #tpu.memory_space<vmem>> -> memref<128xi32, #tpu.memory_space<vmem>>
    %dma_wait3A_213 = arith.constant 0 : i32
    %dma_wait3A_214 = arith.constant 0 : i32
    %dma_wait3A_215 = tpu.memref_slice %arg3[%dma_wait3A_213, %dma_wait3A_214] : memref<100000x128xf32, #tpu.memory_space<hbm>> -> memref<100000x128xf32, #tpu.memory_space<hbm>>
    tpu.wait_indirect_dma semaphore(%arg12 : memref<!tpu.dma_semaphore, #tpu.memory_space<semaphore_mem>>) src(%dma_wait3A_215 : memref<100000x128xf32, #tpu.memory_space<hbm>>) dst(%dma_wait3A_211 : memref<128x128xf32, #tpu.memory_space<vmem>>)
    %parallel_loop3A_216 = arith.constant 0 : i32
    %parallel_loop3A_217 = arith.constant 128 : i32
    %parallel_loop3A_218 = arith.constant 1 : i32
    scf.for %parallel_loop3A_339 = %parallel_loop3A_216 to %parallel_loop3A_217 step %parallel_loop3A_218  : i32 {
      %parallel_loop3A_340 = arith.constant 384 : i32
      %parallel_loop3A_341 = arith.addi %parallel_loop3A_340, %parallel_loop3A_339 : i32
      %parallel_loop3A_342 = arith.constant 200 : i32
      %parallel_loop3A_343 = arith.remsi %parallel_loop3A_341, %parallel_loop3A_342 : i32
      %parallel_loop3A_344 = arith.constant 128 : i32
      %parallel_loop3A_345 = arith.muli %parallel_loop3A_343, %parallel_loop3A_344 : i32
      %parallel_loop3A_346 = tpu.assume_multiple %parallel_loop3A_345, 16 : i32
      %parallel_loop3A_347 = arith.constant 0 : i32
      %parallel_loop3A_348 = arith.addi %parallel_loop3A_346, %parallel_loop3A_347 : i32
      %parallel_loop3A_349 = arith.index_cast %parallel_loop3A_348 : i32 to index
      %parallel_loop3A_350 = tpu.vector_load %arg8[%parallel_loop3A_349] {strides = array<i32>} : memref<25600xf32, #tpu.memory_space<vmem>>, vector<16xf32>,
      %parallel_loop3A_351 = vector.shape_cast %parallel_loop3A_350 : vector<16xf32> to vector<16xf32>
      %parallel_loop3A_352 = arith.constant 3 : i32
      %parallel_loop3A_353 = arith.index_cast %parallel_loop3A_352 : i32 to index
      %parallel_loop3A_354 = arith.index_cast %parallel_loop3A_339 : i32 to index
      %parallel_loop3A_355 = arith.constant 0 : index
      %parallel_loop3A_356 = tpu.vector_load %arg7[%parallel_loop3A_353, %parallel_loop3A_354, %parallel_loop3A_355] {strides = array<i32>} : memref<5x128x128xf32, #tpu.memory_space<vmem>>, vector<1x1x16xf32>,
      %parallel_loop3A_357 = vector.shape_cast %parallel_loop3A_356 : vector<1x1x16xf32> to vector<16xf32>
      %parallel_loop3A_358 = vector.shape_cast %parallel_loop3A_351 : vector<16xf32> to vector<1x1x16xf32>
      tpu.vector_store %arg7[%parallel_loop3A_353, %parallel_loop3A_354, %parallel_loop3A_355], %parallel_loop3A_358 {add = true, strides = array<i32>} : memref<5x128x128xf32, #tpu.memory_space<vmem>>, vector<1x1x16xf32>,
      %parallel_loop3A_359 = arith.constant 16 : i32
      %parallel_loop3A_360 = arith.addi %parallel_loop3A_346, %parallel_loop3A_359 : i32
      %parallel_loop3A_361 = arith.index_cast %parallel_loop3A_360 : i32 to index
      %parallel_loop3A_362 = tpu.vector_load %arg8[%parallel_loop3A_361] {strides = array<i32>} : memref<25600xf32, #tpu.memory_space<vmem>>, vector<16xf32>,
      %parallel_loop3A_363 = vector.shape_cast %parallel_loop3A_362 : vector<16xf32> to vector<16xf32>
      %parallel_loop3A_364 = arith.constant 3 : i32
      %parallel_loop3A_365 = arith.index_cast %parallel_loop3A_364 : i32 to index
      %parallel_loop3A_366 = arith.index_cast %parallel_loop3A_339 : i32 to index
      %parallel_loop3A_367 = arith.constant 16 : index
      %parallel_loop3A_368 = tpu.vector_load %arg7[%parallel_loop3A_365, %parallel_loop3A_366, %parallel_loop3A_367] {strides = array<i32>} : memref<5x128x128xf32, #tpu.memory_space<vmem>>, vector<1x1x16xf32>,
      %parallel_loop3A_369 = vector.shape_cast %parallel_loop3A_368 : vector<1x1x16xf32> to vector<16xf32>
      %parallel_loop3A_370 = vector.shape_cast %parallel_loop3A_363 : vector<16xf32> to vector<1x1x16xf32>
      tpu.vector_store %arg7[%parallel_loop3A_365, %parallel_loop3A_366, %parallel_loop3A_367], %parallel_loop3A_370 {add = true, strides = array<i32>} : memref<5x128x128xf32, #tpu.memory_space<vmem>>, vector<1x1x16xf32>,
      %parallel_loop3A_371 = arith.constant 32 : i32
      %parallel_loop3A_372 = arith.addi %parallel_loop3A_346, %parallel_loop3A_371 : i32
      %parallel_loop3A_373 = arith.index_cast %parallel_loop3A_372 : i32 to index
      %parallel_loop3A_374 = tpu.vector_load %arg8[%parallel_loop3A_373] {strides = array<i32>} : memref<25600xf32, #tpu.memory_space<vmem>>, vector<16xf32>,
      %parallel_loop3A_375 = vector.shape_cast %parallel_loop3A_374 : vector<16xf32> to vector<16xf32>
      %parallel_loop3A_376 = arith.constant 3 : i32
      %parallel_loop3A_377 = arith.index_cast %parallel_loop3A_376 : i32 to index
      %parallel_loop3A_378 = arith.index_cast %parallel_loop3A_339 : i32 to index
      %parallel_loop3A_379 = arith.constant 32 : index
      %parallel_loop3A_380 = tpu.vector_load %arg7[%parallel_loop3A_377, %parallel_loop3A_378, %parallel_loop3A_379] {strides = array<i32>} : memref<5x128x128xf32, #tpu.memory_space<vmem>>, vector<1x1x16xf32>,
      %parallel_loop3A_381 = vector.shape_cast %parallel_loop3A_380 : vector<1x1x16xf32> to vector<16xf32>
      %parallel_loop3A_382 = vector.shape_cast %parallel_loop3A_375 : vector<16xf32> to vector<1x1x16xf32>
      tpu.vector_store %arg7[%parallel_loop3A_377, %parallel_loop3A_378, %parallel_loop3A_379], %parallel_loop3A_382 {add = true, strides = array<i32>} : memref<5x128x128xf32, #tpu.memory_space<vmem>>, vector<1x1x16xf32>,
      %parallel_loop3A_383 = arith.constant 48 : i32
      %parallel_loop3A_384 = arith.addi %parallel_loop3A_346, %parallel_loop3A_383 : i32
      %parallel_loop3A_385 = arith.index_cast %parallel_loop3A_384 : i32 to index
      %parallel_loop3A_386 = tpu.vector_load %arg8[%parallel_loop3A_385] {strides = array<i32>} : memref<25600xf32, #tpu.memory_space<vmem>>, vector<16xf32>,
      %parallel_loop3A_387 = vector.shape_cast %parallel_loop3A_386 : vector<16xf32> to vector<16xf32>
      %parallel_loop3A_388 = arith.constant 3 : i32
      %parallel_loop3A_389 = arith.index_cast %parallel_loop3A_388 : i32 to index
      %parallel_loop3A_390 = arith.index_cast %parallel_loop3A_339 : i32 to index
      %parallel_loop3A_391 = arith.constant 48 : index
      %parallel_loop3A_392 = tpu.vector_load %arg7[%parallel_loop3A_389, %parallel_loop3A_390, %parallel_loop3A_391] {strides = array<i32>} : memref<5x128x128xf32, #tpu.memory_space<vmem>>, vector<1x1x16xf32>,
      %parallel_loop3A_393 = vector.shape_cast %parallel_loop3A_392 : vector<1x1x16xf32> to vector<16xf32>
      %parallel_loop3A_394 = vector.shape_cast %parallel_loop3A_387 : vector<16xf32> to vector<1x1x16xf32>
      tpu.vector_store %arg7[%parallel_loop3A_389, %parallel_loop3A_390, %parallel_loop3A_391], %parallel_loop3A_394 {add = true, strides = array<i32>} : memref<5x128x128xf32, #tpu.memory_space<vmem>>, vector<1x1x16xf32>,
      %parallel_loop3A_395 = arith.constant 64 : i32
      %parallel_loop3A_396 = arith.addi %parallel_loop3A_346, %parallel_loop3A_395 : i32
      %parallel_loop3A_397 = arith.index_cast %parallel_loop3A_396 : i32 to index
      %parallel_loop3A_398 = tpu.vector_load %arg8[%parallel_loop3A_397] {strides = array<i32>} : memref<25600xf32, #tpu.memory_space<vmem>>, vector<16xf32>,
      %parallel_loop3A_399 = vector.shape_cast %parallel_loop3A_398 : vector<16xf32> to vector<16xf32>
      %parallel_loop3A_400 = arith.constant 3 : i32
      %parallel_loop3A_401 = arith.index_cast %parallel_loop3A_400 : i32 to index
      %parallel_loop3A_402 = arith.index_cast %parallel_loop3A_339 : i32 to index
      %parallel_loop3A_403 = arith.constant 64 : index
      %parallel_loop3A_404 = tpu.vector_load %arg7[%parallel_loop3A_401, %parallel_loop3A_402, %parallel_loop3A_403] {strides = array<i32>} : memref<5x128x128xf32, #tpu.memory_space<vmem>>, vector<1x1x16xf32>,
      %parallel_loop3A_405 = vector.shape_cast %parallel_loop3A_404 : vector<1x1x16xf32> to vector<16xf32>
      %parallel_loop3A_406 = vector.shape_cast %parallel_loop3A_399 : vector<16xf32> to vector<1x1x16xf32>
      tpu.vector_store %arg7[%parallel_loop3A_401, %parallel_loop3A_402, %parallel_loop3A_403], %parallel_loop3A_406 {add = true, strides = array<i32>} : memref<5x128x128xf32, #tpu.memory_space<vmem>>, vector<1x1x16xf32>,
      %parallel_loop3A_407 = arith.constant 80 : i32
      %parallel_loop3A_408 = arith.addi %parallel_loop3A_346, %parallel_loop3A_407 : i32
      %parallel_loop3A_409 = arith.index_cast %parallel_loop3A_408 : i32 to index
      %parallel_loop3A_410 = tpu.vector_load %arg8[%parallel_loop3A_409] {strides = array<i32>} : memref<25600xf32, #tpu.memory_space<vmem>>, vector<16xf32>,
      %parallel_loop3A_411 = vector.shape_cast %parallel_loop3A_410 : vector<16xf32> to vector<16xf32>
      %parallel_loop3A_412 = arith.constant 3 : i32
      %parallel_loop3A_413 = arith.index_cast %parallel_loop3A_412 : i32 to index
      %parallel_loop3A_414 = arith.index_cast %parallel_loop3A_339 : i32 to index
      %parallel_loop3A_415 = arith.constant 80 : index
      %parallel_loop3A_416 = tpu.vector_load %arg7[%parallel_loop3A_413, %parallel_loop3A_414, %parallel_loop3A_415] {strides = array<i32>} : memref<5x128x128xf32, #tpu.memory_space<vmem>>, vector<1x1x16xf32>,
      %parallel_loop3A_417 = vector.shape_cast %parallel_loop3A_416 : vector<1x1x16xf32> to vector<16xf32>
      %parallel_loop3A_418 = vector.shape_cast %parallel_loop3A_411 : vector<16xf32> to vector<1x1x16xf32>
      tpu.vector_store %arg7[%parallel_loop3A_413, %parallel_loop3A_414, %parallel_loop3A_415], %parallel_loop3A_418 {add = true, strides = array<i32>} : memref<5x128x128xf32, #tpu.memory_space<vmem>>, vector<1x1x16xf32>,
      %parallel_loop3A_419 = arith.constant 96 : i32
      %parallel_loop3A_420 = arith.addi %parallel_loop3A_346, %parallel_loop3A_419 : i32
      %parallel_loop3A_421 = arith.index_cast %parallel_loop3A_420 : i32 to index
      %parallel_loop3A_422 = tpu.vector_load %arg8[%parallel_loop3A_421] {strides = array<i32>} : memref<25600xf32, #tpu.memory_space<vmem>>, vector<16xf32>,
      %parallel_loop3A_423 = vector.shape_cast %parallel_loop3A_422 : vector<16xf32> to vector<16xf32>
      %parallel_loop3A_424 = arith.constant 3 : i32
      %parallel_loop3A_425 = arith.index_cast %parallel_loop3A_424 : i32 to index
      %parallel_loop3A_426 = arith.index_cast %parallel_loop3A_339 : i32 to index
      %parallel_loop3A_427 = arith.constant 96 : index
      %parallel_loop3A_428 = tpu.vector_load %arg7[%parallel_loop3A_425, %parallel_loop3A_426, %parallel_loop3A_427] {strides = array<i32>} : memref<5x128x128xf32, #tpu.memory_space<vmem>>, vector<1x1x16xf32>,
      %parallel_loop3A_429 = vector.shape_cast %parallel_loop3A_428 : vector<1x1x16xf32> to vector<16xf32>
      %parallel_loop3A_430 = vector.shape_cast %parallel_loop3A_423 : vector<16xf32> to vector<1x1x16xf32>
      tpu.vector_store %arg7[%parallel_loop3A_425, %parallel_loop3A_426, %parallel_loop3A_427], %parallel_loop3A_430 {add = true, strides = array<i32>} : memref<5x128x128xf32, #tpu.memory_space<vmem>>, vector<1x1x16xf32>,
      %parallel_loop3A_431 = arith.constant 112 : i32
      %parallel_loop3A_432 = arith.addi %parallel_loop3A_346, %parallel_loop3A_431 : i32
      %parallel_loop3A_433 = arith.index_cast %parallel_loop3A_432 : i32 to index
      %parallel_loop3A_434 = tpu.vector_load %arg8[%parallel_loop3A_433] {strides = array<i32>} : memref<25600xf32, #tpu.memory_space<vmem>>, vector<16xf32>,
      %parallel_loop3A_435 = vector.shape_cast %parallel_loop3A_434 : vector<16xf32> to vector<16xf32>
      %parallel_loop3A_436 = arith.constant 3 : i32
      %parallel_loop3A_437 = arith.index_cast %parallel_loop3A_436 : i32 to index
      %parallel_loop3A_438 = arith.index_cast %parallel_loop3A_339 : i32 to index
      %parallel_loop3A_439 = arith.constant 112 : index
      %parallel_loop3A_440 = tpu.vector_load %arg7[%parallel_loop3A_437, %parallel_loop3A_438, %parallel_loop3A_439] {strides = array<i32>} : memref<5x128x128xf32, #tpu.memory_space<vmem>>, vector<1x1x16xf32>,
      %parallel_loop3A_441 = vector.shape_cast %parallel_loop3A_440 : vector<1x1x16xf32> to vector<16xf32>
      %parallel_loop3A_442 = vector.shape_cast %parallel_loop3A_435 : vector<16xf32> to vector<1x1x16xf32>
      tpu.vector_store %arg7[%parallel_loop3A_437, %parallel_loop3A_438, %parallel_loop3A_439], %parallel_loop3A_442 {add = true, strides = array<i32>} : memref<5x128x128xf32, #tpu.memory_space<vmem>>, vector<1x1x16xf32>,
    } {sc.loop_unroll_factor = 4 : i64, sc.parallel_access}
    %add3A_219 = arith.constant 384 : i32
    %add3A_220 = arith.addi %mul3A_8, %add3A_219 : i32
    %multiple_of3A_221 = tpu.assume_multiple %add3A_220, 8 : i32
    %dma_start3A_222 = arith.constant 3 : i32
    %dma_start3A_223 = arith.constant 0 : i32
    %dma_start3A_224 = arith.constant 0 : i32
    %dma_start3A_225 = tpu.memref_slice %arg7[%dma_start3A_222, %dma_start3A_223, %dma_start3A_224] : memref<5x128x128xf32, #tpu.memory_space<vmem>> -> memref<1x128x128xf32, #tpu.memory_space<vmem>>
    %dma_start3A_226 = tpu.memref_squeeze %dma_start3A_225 : memref<1x128x128xf32, #tpu.memory_space<vmem>> -> memref<128x128xf32, #tpu.memory_space<vmem>>
    %dma_start3A_227 = arith.constant 0 : i32
    %dma_start3A_228 = tpu.memref_slice %arg5[%multiple_of3A_221, %dma_start3A_227] : memref<204800x128xf32, #tpu.memory_space<hbm>> -> memref<128x128xf32, #tpu.memory_space<hbm>>
    %dma_start3A_229 = arith.constant 0 : i32
    %dma_start3A_230 = tpu.memref_slice %arg5[%multiple_of3A_221, %dma_start3A_229] : memref<204800x128xf32, #tpu.memory_space<hbm>> -> memref<128x128xf32, #tpu.memory_space<hbm>>
    %dma_start3A_231 = arith.constant 0 : i32
    %dma_start3A_232 = arith.constant 0 : i32
    %dma_start3A_233 = tpu.memref_slice %arg7[%dma_start3A_222, %dma_start3A_231, %dma_start3A_232] : memref<5x128x128xf32, #tpu.memory_space<vmem>> -> memref<1x128x128xf32, #tpu.memory_space<vmem>>
    %dma_start3A_234 = tpu.memref_squeeze %dma_start3A_233 : memref<1x128x128xf32, #tpu.memory_space<vmem>> -> memref<128x128xf32, #tpu.memory_space<vmem>>
    tpu.enqueue_dma source(%dma_start3A_234 : memref<128x128xf32, #tpu.memory_space<vmem>>) target(%dma_start3A_230 : memref<128x128xf32, #tpu.memory_space<hbm>>) target_semaphore(%arg17 : memref<!tpu.dma_semaphore, #tpu.memory_space<semaphore_mem>>)
    %add3A_235 = arith.constant 0 : i32
    %add3A_236 = arith.addi %mul3A_8, %add3A_235 : i32
    %multiple_of3A_237 = tpu.assume_multiple %add3A_236, 8 : i32
    %dma_wait3A_238 = arith.constant 2 : i32
    %dma_wait3A_239 = arith.constant 0 : i32
    %dma_wait3A_240 = arith.constant 0 : i32
    %dma_wait3A_241 = tpu.memref_slice %arg7[%dma_wait3A_238, %dma_wait3A_239, %dma_wait3A_240] : memref<5x128x128xf32, #tpu.memory_space<vmem>> -> memref<1x128x128xf32, #tpu.memory_space<vmem>>
    %dma_wait3A_242 = tpu.memref_squeeze %dma_wait3A_241 : memref<1x128x128xf32, #tpu.memory_space<vmem>> -> memref<128x128xf32, #tpu.memory_space<vmem>>
    %dma_wait3A_243 = arith.constant 0 : i32
    %dma_wait3A_244 = tpu.memref_slice %arg5[%multiple_of3A_237, %dma_wait3A_243] : memref<204800x128xf32, #tpu.memory_space<hbm>> -> memref<128x128xf32, #tpu.memory_space<hbm>>
    %dma_wait3A_245 = arith.constant 0 : i32
    %dma_wait3A_246 = tpu.memref_slice %arg5[%multiple_of3A_237, %dma_wait3A_245] : memref<204800x128xf32, #tpu.memory_space<hbm>> -> memref<128x128xf32, #tpu.memory_space<hbm>>
    %dma_wait3A_247 = arith.constant 0 : i32
    %dma_wait3A_248 = arith.constant 0 : i32
    %dma_wait3A_249 = tpu.memref_slice %arg7[%dma_wait3A_238, %dma_wait3A_247, %dma_wait3A_248] : memref<5x128x128xf32, #tpu.memory_space<vmem>> -> memref<1x128x128xf32, #tpu.memory_space<vmem>>
    %dma_wait3A_250 = tpu.memref_squeeze %dma_wait3A_249 : memref<1x128x128xf32, #tpu.memory_space<vmem>> -> memref<128x128xf32, #tpu.memory_space<vmem>>
    tpu.wait_dma2 semaphore(%arg16 : memref<!tpu.dma_semaphore, #tpu.memory_space<semaphore_mem>>) src(%dma_wait3A_250 : memref<128x128xf32, #tpu.memory_space<vmem>>) dst(%dma_wait3A_246 : memref<128x128xf32, #tpu.memory_space<hbm>>)
    %multiple_of3A_251 = arith.constant 896 : i32
    %multiple_of3A_252 = tpu.assume_multiple %multiple_of3A_251, 8 : i32
    %dma_start3A_253 = arith.constant 2 : i32
    %dma_start3A_254 = arith.constant 0 : i32
    %dma_start3A_255 = arith.constant 0 : i32
    %dma_start3A_256 = tpu.memref_slice %arg7[%dma_start3A_253, %dma_start3A_254, %dma_start3A_255] : memref<5x128x128xf32, #tpu.memory_space<vmem>> -> memref<1x128x128xf32, #tpu.memory_space<vmem>>
    %dma_start3A_257 = tpu.memref_squeeze %dma_start3A_256 : memref<1x128x128xf32, #tpu.memory_space<vmem>> -> memref<128x128xf32, #tpu.memory_space<vmem>>
    %dma_start3A_258 = tpu.memref_slice %arg6[%multiple_of3A_252] : memref<6400xi32, #tpu.memory_space<vmem>> -> memref<128xi32, #tpu.memory_space<vmem>>
    %dma_start3A_259 = arith.constant 0 : i32
    %dma_start3A_260 = arith.constant 0 : i32
    %dma_start3A_261 = tpu.memref_slice %arg3[%dma_start3A_259, %dma_start3A_260] : memref<100000x128xf32, #tpu.memory_space<hbm>> -> memref<100000x128xf32, #tpu.memory_space<hbm>>
    tpu.enqueue_indirect_dma source(%dma_start3A_261 : memref<100000x128xf32, #tpu.memory_space<hbm>>) target(%dma_start3A_257 : memref<128x128xf32, #tpu.memory_space<vmem>>) offsets(%dma_start3A_258 : memref<128xi32, #tpu.memory_space<vmem>>) semaphore(%arg11 : memref<!tpu.dma_semaphore, #tpu.memory_space<semaphore_mem>>)
    %multiple_of3A_262 = arith.constant 0 : i32
    %multiple_of3A_263 = tpu.assume_multiple %multiple_of3A_262, 8 : i32
    %dma_wait3A_264 = arith.constant 4 : i32
    %dma_wait3A_265 = arith.constant 0 : i32
    %dma_wait3A_266 = arith.constant 0 : i32
    %dma_wait3A_267 = tpu.memref_slice %arg7[%dma_wait3A_264, %dma_wait3A_265, %dma_wait3A_266] : memref<5x128x128xf32, #tpu.memory_space<vmem>> -> memref<1x128x128xf32, #tpu.memory_space<vmem>>
    %dma_wait3A_268 = tpu.memref_squeeze %dma_wait3A_267 : memref<1x128x128xf32, #tpu.memory_space<vmem>> -> memref<128x128xf32, #tpu.memory_space<vmem>>
    %dma_wait3A_269 = tpu.memref_slice %arg6[%multiple_of3A_263] : memref<6400xi32, #tpu.memory_space<vmem>> -> memref<128xi32, #tpu.memory_space<vmem>>
    %dma_wait3A_270 = arith.constant 0 : i32
    %dma_wait3A_271 = arith.constant 0 : i32
    %dma_wait3A_272 = tpu.memref_slice %arg3[%dma_wait3A_270, %dma_wait3A_271] : memref<100000x128xf32, #tpu.memory_space<hbm>> -> memref<100000x128xf32, #tpu.memory_space<hbm>>
    tpu.wait_indirect_dma semaphore(%arg13 : memref<!tpu.dma_semaphore, #tpu.memory_space<semaphore_mem>>) src(%dma_wait3A_272 : memref<100000x128xf32, #tpu.memory_space<hbm>>) dst(%dma_wait3A_268 : memref<128x128xf32, #tpu.memory_space<vmem>>)
    %parallel_loop3A_273 = arith.constant 0 : i32
    %parallel_loop3A_274 = arith.constant 128 : i32
    %parallel_loop3A_275 = arith.constant 1 : i32
    scf.for %parallel_loop3A_339 = %parallel_loop3A_273 to %parallel_loop3A_274 step %parallel_loop3A_275  : i32 {
      %parallel_loop3A_340 = arith.constant 512 : i32
      %parallel_loop3A_341 = arith.addi %parallel_loop3A_340, %parallel_loop3A_339 : i32
      %parallel_loop3A_342 = arith.constant 200 : i32
      %parallel_loop3A_343 = arith.remsi %parallel_loop3A_341, %parallel_loop3A_342 : i32
      %parallel_loop3A_344 = arith.constant 128 : i32
      %parallel_loop3A_345 = arith.muli %parallel_loop3A_343, %parallel_loop3A_344 : i32
      %parallel_loop3A_346 = tpu.assume_multiple %parallel_loop3A_345, 16 : i32
      %parallel_loop3A_347 = arith.constant 0 : i32
      %parallel_loop3A_348 = arith.addi %parallel_loop3A_346, %parallel_loop3A_347 : i32
      %parallel_loop3A_349 = arith.index_cast %parallel_loop3A_348 : i32 to index
      %parallel_loop3A_350 = tpu.vector_load %arg8[%parallel_loop3A_349] {strides = array<i32>} : memref<25600xf32, #tpu.memory_space<vmem>>, vector<16xf32>,
      %parallel_loop3A_351 = vector.shape_cast %parallel_loop3A_350 : vector<16xf32> to vector<16xf32>
      %parallel_loop3A_352 = arith.constant 4 : i32
      %parallel_loop3A_353 = arith.index_cast %parallel_loop3A_352 : i32 to index
      %parallel_loop3A_354 = arith.index_cast %parallel_loop3A_339 : i32 to index
      %parallel_loop3A_355 = arith.constant 0 : index
      %parallel_loop3A_356 = tpu.vector_load %arg7[%parallel_loop3A_353, %parallel_loop3A_354, %parallel_loop3A_355] {strides = array<i32>} : memref<5x128x128xf32, #tpu.memory_space<vmem>>, vector<1x1x16xf32>,
      %parallel_loop3A_357 = vector.shape_cast %parallel_loop3A_356 : vector<1x1x16xf32> to vector<16xf32>
      %parallel_loop3A_358 = vector.shape_cast %parallel_loop3A_351 : vector<16xf32> to vector<1x1x16xf32>
      tpu.vector_store %arg7[%parallel_loop3A_353, %parallel_loop3A_354, %parallel_loop3A_355], %parallel_loop3A_358 {add = true, strides = array<i32>} : memref<5x128x128xf32, #tpu.memory_space<vmem>>, vector<1x1x16xf32>,
      %parallel_loop3A_359 = arith.constant 16 : i32
      %parallel_loop3A_360 = arith.addi %parallel_loop3A_346, %parallel_loop3A_359 : i32
      %parallel_loop3A_361 = arith.index_cast %parallel_loop3A_360 : i32 to index
      %parallel_loop3A_362 = tpu.vector_load %arg8[%parallel_loop3A_361] {strides = array<i32>} : memref<25600xf32, #tpu.memory_space<vmem>>, vector<16xf32>,
      %parallel_loop3A_363 = vector.shape_cast %parallel_loop3A_362 : vector<16xf32> to vector<16xf32>
      %parallel_loop3A_364 = arith.constant 4 : i32
      %parallel_loop3A_365 = arith.index_cast %parallel_loop3A_364 : i32 to index
      %parallel_loop3A_366 = arith.index_cast %parallel_loop3A_339 : i32 to index
      %parallel_loop3A_367 = arith.constant 16 : index
      %parallel_loop3A_368 = tpu.vector_load %arg7[%parallel_loop3A_365, %parallel_loop3A_366, %parallel_loop3A_367] {strides = array<i32>} : memref<5x128x128xf32, #tpu.memory_space<vmem>>, vector<1x1x16xf32>,
      %parallel_loop3A_369 = vector.shape_cast %parallel_loop3A_368 : vector<1x1x16xf32> to vector<16xf32>
      %parallel_loop3A_370 = vector.shape_cast %parallel_loop3A_363 : vector<16xf32> to vector<1x1x16xf32>
      tpu.vector_store %arg7[%parallel_loop3A_365, %parallel_loop3A_366, %parallel_loop3A_367], %parallel_loop3A_370 {add = true, strides = array<i32>} : memref<5x128x128xf32, #tpu.memory_space<vmem>>, vector<1x1x16xf32>,
      %parallel_loop3A_371 = arith.constant 32 : i32
      %parallel_loop3A_372 = arith.addi %parallel_loop3A_346, %parallel_loop3A_371 : i32
      %parallel_loop3A_373 = arith.index_cast %parallel_loop3A_372 : i32 to index
      %parallel_loop3A_374 = tpu.vector_load %arg8[%parallel_loop3A_373] {strides = array<i32>} : memref<25600xf32, #tpu.memory_space<vmem>>, vector<16xf32>,
      %parallel_loop3A_375 = vector.shape_cast %parallel_loop3A_374 : vector<16xf32> to vector<16xf32>
      %parallel_loop3A_376 = arith.constant 4 : i32
      %parallel_loop3A_377 = arith.index_cast %parallel_loop3A_376 : i32 to index
      %parallel_loop3A_378 = arith.index_cast %parallel_loop3A_339 : i32 to index
      %parallel_loop3A_379 = arith.constant 32 : index
      %parallel_loop3A_380 = tpu.vector_load %arg7[%parallel_loop3A_377, %parallel_loop3A_378, %parallel_loop3A_379] {strides = array<i32>} : memref<5x128x128xf32, #tpu.memory_space<vmem>>, vector<1x1x16xf32>,
      %parallel_loop3A_381 = vector.shape_cast %parallel_loop3A_380 : vector<1x1x16xf32> to vector<16xf32>
      %parallel_loop3A_382 = vector.shape_cast %parallel_loop3A_375 : vector<16xf32> to vector<1x1x16xf32>
      tpu.vector_store %arg7[%parallel_loop3A_377, %parallel_loop3A_378, %parallel_loop3A_379], %parallel_loop3A_382 {add = true, strides = array<i32>} : memref<5x128x128xf32, #tpu.memory_space<vmem>>, vector<1x1x16xf32>,
      %parallel_loop3A_383 = arith.constant 48 : i32
      %parallel_loop3A_384 = arith.addi %parallel_loop3A_346, %parallel_loop3A_383 : i32
      %parallel_loop3A_385 = arith.index_cast %parallel_loop3A_384 : i32 to index
      %parallel_loop3A_386 = tpu.vector_load %arg8[%parallel_loop3A_385] {strides = array<i32>} : memref<25600xf32, #tpu.memory_space<vmem>>, vector<16xf32>,
      %parallel_loop3A_387 = vector.shape_cast %parallel_loop3A_386 : vector<16xf32> to vector<16xf32>
      %parallel_loop3A_388 = arith.constant 4 : i32
      %parallel_loop3A_389 = arith.index_cast %parallel_loop3A_388 : i32 to index
      %parallel_loop3A_390 = arith.index_cast %parallel_loop3A_339 : i32 to index
      %parallel_loop3A_391 = arith.constant 48 : index
      %parallel_loop3A_392 = tpu.vector_load %arg7[%parallel_loop3A_389, %parallel_loop3A_390, %parallel_loop3A_391] {strides = array<i32>} : memref<5x128x128xf32, #tpu.memory_space<vmem>>, vector<1x1x16xf32>,
      %parallel_loop3A_393 = vector.shape_cast %parallel_loop3A_392 : vector<1x1x16xf32> to vector<16xf32>
      %parallel_loop3A_394 = vector.shape_cast %parallel_loop3A_387 : vector<16xf32> to vector<1x1x16xf32>
      tpu.vector_store %arg7[%parallel_loop3A_389, %parallel_loop3A_390, %parallel_loop3A_391], %parallel_loop3A_394 {add = true, strides = array<i32>} : memref<5x128x128xf32, #tpu.memory_space<vmem>>, vector<1x1x16xf32>,
      %parallel_loop3A_395 = arith.constant 64 : i32
      %parallel_loop3A_396 = arith.addi %parallel_loop3A_346, %parallel_loop3A_395 : i32
      %parallel_loop3A_397 = arith.index_cast %parallel_loop3A_396 : i32 to index
      %parallel_loop3A_398 = tpu.vector_load %arg8[%parallel_loop3A_397] {strides = array<i32>} : memref<25600xf32, #tpu.memory_space<vmem>>, vector<16xf32>,
      %parallel_loop3A_399 = vector.shape_cast %parallel_loop3A_398 : vector<16xf32> to vector<16xf32>
      %parallel_loop3A_400 = arith.constant 4 : i32
      %parallel_loop3A_401 = arith.index_cast %parallel_loop3A_400 : i32 to index
      %parallel_loop3A_402 = arith.index_cast %parallel_loop3A_339 : i32 to index
      %parallel_loop3A_403 = arith.constant 64 : index
      %parallel_loop3A_404 = tpu.vector_load %arg7[%parallel_loop3A_401, %parallel_loop3A_402, %parallel_loop3A_403] {strides = array<i32>} : memref<5x128x128xf32, #tpu.memory_space<vmem>>, vector<1x1x16xf32>,
      %parallel_loop3A_405 = vector.shape_cast %parallel_loop3A_404 : vector<1x1x16xf32> to vector<16xf32>
      %parallel_loop3A_406 = vector.shape_cast %parallel_loop3A_399 : vector<16xf32> to vector<1x1x16xf32>
      tpu.vector_store %arg7[%parallel_loop3A_401, %parallel_loop3A_402, %parallel_loop3A_403], %parallel_loop3A_406 {add = true, strides = array<i32>} : memref<5x128x128xf32, #tpu.memory_space<vmem>>, vector<1x1x16xf32>,
      %parallel_loop3A_407 = arith.constant 80 : i32
      %parallel_loop3A_408 = arith.addi %parallel_loop3A_346, %parallel_loop3A_407 : i32
      %parallel_loop3A_409 = arith.index_cast %parallel_loop3A_408 : i32 to index
      %parallel_loop3A_410 = tpu.vector_load %arg8[%parallel_loop3A_409] {strides = array<i32>} : memref<25600xf32, #tpu.memory_space<vmem>>, vector<16xf32>,
      %parallel_loop3A_411 = vector.shape_cast %parallel_loop3A_410 : vector<16xf32> to vector<16xf32>
      %parallel_loop3A_412 = arith.constant 4 : i32
      %parallel_loop3A_413 = arith.index_cast %parallel_loop3A_412 : i32 to index
      %parallel_loop3A_414 = arith.index_cast %parallel_loop3A_339 : i32 to index
      %parallel_loop3A_415 = arith.constant 80 : index
      %parallel_loop3A_416 = tpu.vector_load %arg7[%parallel_loop3A_413, %parallel_loop3A_414, %parallel_loop3A_415] {strides = array<i32>} : memref<5x128x128xf32, #tpu.memory_space<vmem>>, vector<1x1x16xf32>,
      %parallel_loop3A_417 = vector.shape_cast %parallel_loop3A_416 : vector<1x1x16xf32> to vector<16xf32>
      %parallel_loop3A_418 = vector.shape_cast %parallel_loop3A_411 : vector<16xf32> to vector<1x1x16xf32>
      tpu.vector_store %arg7[%parallel_loop3A_413, %parallel_loop3A_414, %parallel_loop3A_415], %parallel_loop3A_418 {add = true, strides = array<i32>} : memref<5x128x128xf32, #tpu.memory_space<vmem>>, vector<1x1x16xf32>,
      %parallel_loop3A_419 = arith.constant 96 : i32
      %parallel_loop3A_420 = arith.addi %parallel_loop3A_346, %parallel_loop3A_419 : i32
      %parallel_loop3A_421 = arith.index_cast %parallel_loop3A_420 : i32 to index
      %parallel_loop3A_422 = tpu.vector_load %arg8[%parallel_loop3A_421] {strides = array<i32>} : memref<25600xf32, #tpu.memory_space<vmem>>, vector<16xf32>,
      %parallel_loop3A_423 = vector.shape_cast %parallel_loop3A_422 : vector<16xf32> to vector<16xf32>
      %parallel_loop3A_424 = arith.constant 4 : i32
      %parallel_loop3A_425 = arith.index_cast %parallel_loop3A_424 : i32 to index
      %parallel_loop3A_426 = arith.index_cast %parallel_loop3A_339 : i32 to index
      %parallel_loop3A_427 = arith.constant 96 : index
      %parallel_loop3A_428 = tpu.vector_load %arg7[%parallel_loop3A_425, %parallel_loop3A_426, %parallel_loop3A_427] {strides = array<i32>} : memref<5x128x128xf32, #tpu.memory_space<vmem>>, vector<1x1x16xf32>,
      %parallel_loop3A_429 = vector.shape_cast %parallel_loop3A_428 : vector<1x1x16xf32> to vector<16xf32>
      %parallel_loop3A_430 = vector.shape_cast %parallel_loop3A_423 : vector<16xf32> to vector<1x1x16xf32>
      tpu.vector_store %arg7[%parallel_loop3A_425, %parallel_loop3A_426, %parallel_loop3A_427], %parallel_loop3A_430 {add = true, strides = array<i32>} : memref<5x128x128xf32, #tpu.memory_space<vmem>>, vector<1x1x16xf32>,
      %parallel_loop3A_431 = arith.constant 112 : i32
      %parallel_loop3A_432 = arith.addi %parallel_loop3A_346, %parallel_loop3A_431 : i32
      %parallel_loop3A_433 = arith.index_cast %parallel_loop3A_432 : i32 to index
      %parallel_loop3A_434 = tpu.vector_load %arg8[%parallel_loop3A_433] {strides = array<i32>} : memref<25600xf32, #tpu.memory_space<vmem>>, vector<16xf32>,
      %parallel_loop3A_435 = vector.shape_cast %parallel_loop3A_434 : vector<16xf32> to vector<16xf32>
      %parallel_loop3A_436 = arith.constant 4 : i32
      %parallel_loop3A_437 = arith.index_cast %parallel_loop3A_436 : i32 to index
      %parallel_loop3A_438 = arith.index_cast %parallel_loop3A_339 : i32 to index
      %parallel_loop3A_439 = arith.constant 112 : index
      %parallel_loop3A_440 = tpu.vector_load %arg7[%parallel_loop3A_437, %parallel_loop3A_438, %parallel_loop3A_439] {strides = array<i32>} : memref<5x128x128xf32, #tpu.memory_space<vmem>>, vector<1x1x16xf32>,
      %parallel_loop3A_441 = vector.shape_cast %parallel_loop3A_440 : vector<1x1x16xf32> to vector<16xf32>
      %parallel_loop3A_442 = vector.shape_cast %parallel_loop3A_435 : vector<16xf32> to vector<1x1x16xf32>
      tpu.vector_store %arg7[%parallel_loop3A_437, %parallel_loop3A_438, %parallel_loop3A_439], %parallel_loop3A_442 {add = true, strides = array<i32>} : memref<5x128x128xf32, #tpu.memory_space<vmem>>, vector<1x1x16xf32>,
    } {sc.loop_unroll_factor = 4 : i64, sc.parallel_access}
    %add3A_276 = arith.constant 512 : i32
    %add3A_277 = arith.addi %mul3A_8, %add3A_276 : i32
    %multiple_of3A_278 = tpu.assume_multiple %add3A_277, 8 : i32
    %dma_start3A_279 = arith.constant 4 : i32
    %dma_start3A_280 = arith.constant 0 : i32
    %dma_start3A_281 = arith.constant 0 : i32
    %dma_start3A_282 = tpu.memref_slice %arg7[%dma_start3A_279, %dma_start3A_280, %dma_start3A_281] : memref<5x128x128xf32, #tpu.memory_space<vmem>> -> memref<1x128x128xf32, #tpu.memory_space<vmem>>
    %dma_start3A_283 = tpu.memref_squeeze %dma_start3A_282 : memref<1x128x128xf32, #tpu.memory_space<vmem>> -> memref<128x128xf32, #tpu.memory_space<vmem>>
    %dma_start3A_284 = arith.constant 0 : i32
    %dma_start3A_285 = tpu.memref_slice %arg5[%multiple_of3A_278, %dma_start3A_284] : memref<204800x128xf32, #tpu.memory_space<hbm>> -> memref<128x128xf32, #tpu.memory_space<hbm>>
    %dma_start3A_286 = arith.constant 0 : i32
    %dma_start3A_287 = tpu.memref_slice %arg5[%multiple_of3A_278, %dma_start3A_286] : memref<204800x128xf32, #tpu.memory_space<hbm>> -> memref<128x128xf32, #tpu.memory_space<hbm>>
    %dma_start3A_288 = arith.constant 0 : i32
    %dma_start3A_289 = arith.constant 0 : i32
    %dma_start3A_290 = tpu.memref_slice %arg7[%dma_start3A_279, %dma_start3A_288, %dma_start3A_289] : memref<5x128x128xf32, #tpu.memory_space<vmem>> -> memref<1x128x128xf32, #tpu.memory_space<vmem>>
    %dma_start3A_291 = tpu.memref_squeeze %dma_start3A_290 : memref<1x128x128xf32, #tpu.memory_space<vmem>> -> memref<128x128xf32, #tpu.memory_space<vmem>>
    tpu.enqueue_dma source(%dma_start3A_291 : memref<128x128xf32, #tpu.memory_space<vmem>>) target(%dma_start3A_287 : memref<128x128xf32, #tpu.memory_space<hbm>>) target_semaphore(%arg18 : memref<!tpu.dma_semaphore, #tpu.memory_space<semaphore_mem>>)
    %add3A_292 = arith.constant 0 : i32
    %add3A_293 = arith.addi %mul3A_8, %add3A_292 : i32
    %multiple_of3A_294 = tpu.assume_multiple %add3A_293, 8 : i32
    %dma_wait3A_295 = arith.constant 3 : i32
    %dma_wait3A_296 = arith.constant 0 : i32
    %dma_wait3A_297 = arith.constant 0 : i32
    %dma_wait3A_298 = tpu.memref_slice %arg7[%dma_wait3A_295, %dma_wait3A_296, %dma_wait3A_297] : memref<5x128x128xf32, #tpu.memory_space<vmem>> -> memref<1x128x128xf32, #tpu.memory_space<vmem>>
    %dma_wait3A_299 = tpu.memref_squeeze %dma_wait3A_298 : memref<1x128x128xf32, #tpu.memory_space<vmem>> -> memref<128x128xf32, #tpu.memory_space<vmem>>
    %dma_wait3A_300 = arith.constant 0 : i32
    %dma_wait3A_301 = tpu.memref_slice %arg5[%multiple_of3A_294, %dma_wait3A_300] : memref<204800x128xf32, #tpu.memory_space<hbm>> -> memref<128x128xf32, #tpu.memory_space<hbm>>
    %dma_wait3A_302 = arith.constant 0 : i32
    %dma_wait3A_303 = tpu.memref_slice %arg5[%multiple_of3A_294, %dma_wait3A_302] : memref<204800x128xf32, #tpu.memory_space<hbm>> -> memref<128x128xf32, #tpu.memory_space<hbm>>
    %dma_wait3A_304 = arith.constant 0 : i32
    %dma_wait3A_305 = arith.constant 0 : i32
    %dma_wait3A_306 = tpu.memref_slice %arg7[%dma_wait3A_295, %dma_wait3A_304, %dma_wait3A_305] : memref<5x128x128xf32, #tpu.memory_space<vmem>> -> memref<1x128x128xf32, #tpu.memory_space<vmem>>
    %dma_wait3A_307 = tpu.memref_squeeze %dma_wait3A_306 : memref<1x128x128xf32, #tpu.memory_space<vmem>> -> memref<128x128xf32, #tpu.memory_space<vmem>>
    tpu.wait_dma2 semaphore(%arg17 : memref<!tpu.dma_semaphore, #tpu.memory_space<semaphore_mem>>) src(%dma_wait3A_307 : memref<128x128xf32, #tpu.memory_space<vmem>>) dst(%dma_wait3A_303 : memref<128x128xf32, #tpu.memory_space<hbm>>)
    %multiple_of3A_308 = arith.constant 1024 : i32
    %multiple_of3A_309 = tpu.assume_multiple %multiple_of3A_308, 8 : i32
    %dma_start3A_310 = arith.constant 3 : i32
    %dma_start3A_311 = arith.constant 0 : i32
    %dma_start3A_312 = arith.constant 0 : i32
    %dma_start3A_313 = tpu.memref_slice %arg7[%dma_start3A_310, %dma_start3A_311, %dma_start3A_312] : memref<5x128x128xf32, #tpu.memory_space<vmem>> -> memref<1x128x128xf32, #tpu.memory_space<vmem>>
    %dma_start3A_314 = tpu.memref_squeeze %dma_start3A_313 : memref<1x128x128xf32, #tpu.memory_space<vmem>> -> memref<128x128xf32, #tpu.memory_space<vmem>>
    %dma_start3A_315 = tpu.memref_slice %arg6[%multiple_of3A_309] : memref<6400xi32, #tpu.memory_space<vmem>> -> memref<128xi32, #tpu.memory_space<vmem>>
    %dma_start3A_316 = arith.constant 0 : i32
    %dma_start3A_317 = arith.constant 0 : i32
    %dma_start3A_318 = tpu.memref_slice %arg3[%dma_start3A_316, %dma_start3A_317] : memref<100000x128xf32, #tpu.memory_space<hbm>> -> memref<100000x128xf32, #tpu.memory_space<hbm>>
    tpu.enqueue_indirect_dma source(%dma_start3A_318 : memref<100000x128xf32, #tpu.memory_space<hbm>>) target(%dma_start3A_314 : memref<128x128xf32, #tpu.memory_space<vmem>>) offsets(%dma_start3A_315 : memref<128xi32, #tpu.memory_space<vmem>>) semaphore(%arg12 : memref<!tpu.dma_semaphore, #tpu.memory_space<semaphore_mem>>)
    %scan3A = arith.constant 0 : i32
    %scan3A_319 = arith.constant 9 : i32
    %scan3A_320 = arith.addi %scan3A, %scan3A_319 : i32
    %scan3A_321 = arith.constant 1 : i32
    scf.for %scan3A_339 = %scan3A to %scan3A_320 step %scan3A_321  : i32 {
      %mul3A_340 = arith.constant 5 : i32
      %mul3A_341 = arith.muli %scan3A_339, %mul3A_340 : i32
      %add3A_342 = arith.constant 5 : i32
      %add3A_343 = arith.addi %add3A_342, %mul3A_341 : i32
      %add3A_344 = arith.constant 0 : i32
      %add3A_345 = arith.addi %add3A_343, %add3A_344 : i32
      %multiple_of3A_346 = arith.constant 0 : i32
      %multiple_of3A_347 = tpu.assume_multiple %multiple_of3A_346, 8 : i32
      %dma_wait3A_348 = arith.constant 0 : i32
      %dma_wait3A_349 = arith.constant 0 : i32
      %dma_wait3A_350 = arith.constant 0 : i32
      %dma_wait3A_351 = tpu.memref_slice %arg7[%dma_wait3A_348, %dma_wait3A_349, %dma_wait3A_350] : memref<5x128x128xf32, #tpu.memory_space<vmem>> -> memref<1x128x128xf32, #tpu.memory_space<vmem>>
      %dma_wait3A_352 = tpu.memref_squeeze %dma_wait3A_351 : memref<1x128x128xf32, #tpu.memory_space<vmem>> -> memref<128x128xf32, #tpu.memory_space<vmem>>
      %dma_wait3A_353 = tpu.memref_slice %arg6[%multiple_of3A_347] : memref<6400xi32, #tpu.memory_space<vmem>> -> memref<128xi32, #tpu.memory_space<vmem>>
      %dma_wait3A_354 = arith.constant 0 : i32
      %dma_wait3A_355 = arith.constant 0 : i32
      %dma_wait3A_356 = tpu.memref_slice %arg3[%dma_wait3A_354, %dma_wait3A_355] : memref<100000x128xf32, #tpu.memory_space<hbm>> -> memref<100000x128xf32, #tpu.memory_space<hbm>>
      tpu.wait_indirect_dma semaphore(%arg9 : memref<!tpu.dma_semaphore, #tpu.memory_space<semaphore_mem>>) src(%dma_wait3A_356 : memref<100000x128xf32, #tpu.memory_space<hbm>>) dst(%dma_wait3A_352 : memref<128x128xf32, #tpu.memory_space<vmem>>)
      %parallel_loop3A_357 = arith.constant 0 : i32
      %parallel_loop3A_358 = arith.constant 128 : i32
      %parallel_loop3A_359 = arith.constant 1 : i32
      scf.for %parallel_loop3A_621 = %parallel_loop3A_357 to %parallel_loop3A_358 step %parallel_loop3A_359  : i32 {
        %parallel_loop3A_622 = arith.constant 128 : i32
        %parallel_loop3A_623 = arith.muli %add3A_345, %parallel_loop3A_622 : i32
        %parallel_loop3A_624 = arith.addi %parallel_loop3A_623, %parallel_loop3A_621 : i32
        %parallel_loop3A_625 = arith.constant 200 : i32
        %parallel_loop3A_626 = arith.remsi %parallel_loop3A_624, %parallel_loop3A_625 : i32
        %parallel_loop3A_627 = arith.constant 128 : i32
        %parallel_loop3A_628 = arith.muli %parallel_loop3A_626, %parallel_loop3A_627 : i32
        %parallel_loop3A_629 = tpu.assume_multiple %parallel_loop3A_628, 16 : i32
        %parallel_loop3A_630 = arith.constant 0 : i32
        %parallel_loop3A_631 = arith.addi %parallel_loop3A_629, %parallel_loop3A_630 : i32
        %parallel_loop3A_632 = arith.index_cast %parallel_loop3A_631 : i32 to index
        %parallel_loop3A_633 = tpu.vector_load %arg8[%parallel_loop3A_632] {strides = array<i32>} : memref<25600xf32, #tpu.memory_space<vmem>>, vector<16xf32>,
        %parallel_loop3A_634 = vector.shape_cast %parallel_loop3A_633 : vector<16xf32> to vector<16xf32>
        %parallel_loop3A_635 = arith.constant 0 : i32
        %parallel_loop3A_636 = arith.index_cast %parallel_loop3A_635 : i32 to index
        %parallel_loop3A_637 = arith.index_cast %parallel_loop3A_621 : i32 to index
        %parallel_loop3A_638 = arith.constant 0 : index
        %parallel_loop3A_639 = tpu.vector_load %arg7[%parallel_loop3A_636, %parallel_loop3A_637, %parallel_loop3A_638] {strides = array<i32>} : memref<5x128x128xf32, #tpu.memory_space<vmem>>, vector<1x1x16xf32>,
        %parallel_loop3A_640 = vector.shape_cast %parallel_loop3A_639 : vector<1x1x16xf32> to vector<16xf32>
        %parallel_loop3A_641 = vector.shape_cast %parallel_loop3A_634 : vector<16xf32> to vector<1x1x16xf32>
        tpu.vector_store %arg7[%parallel_loop3A_636, %parallel_loop3A_637, %parallel_loop3A_638], %parallel_loop3A_641 {add = true, strides = array<i32>} : memref<5x128x128xf32, #tpu.memory_space<vmem>>, vector<1x1x16xf32>,
        %parallel_loop3A_642 = arith.constant 16 : i32
        %parallel_loop3A_643 = arith.addi %parallel_loop3A_629, %parallel_loop3A_642 : i32
        %parallel_loop3A_644 = arith.index_cast %parallel_loop3A_643 : i32 to index
        %parallel_loop3A_645 = tpu.vector_load %arg8[%parallel_loop3A_644] {strides = array<i32>} : memref<25600xf32, #tpu.memory_space<vmem>>, vector<16xf32>,
        %parallel_loop3A_646 = vector.shape_cast %parallel_loop3A_645 : vector<16xf32> to vector<16xf32>
        %parallel_loop3A_647 = arith.constant 0 : i32
        %parallel_loop3A_648 = arith.index_cast %parallel_loop3A_647 : i32 to index
        %parallel_loop3A_649 = arith.index_cast %parallel_loop3A_621 : i32 to index
        %parallel_loop3A_650 = arith.constant 16 : index
        %parallel_loop3A_651 = tpu.vector_load %arg7[%parallel_loop3A_648, %parallel_loop3A_649, %parallel_loop3A_650] {strides = array<i32>} : memref<5x128x128xf32, #tpu.memory_space<vmem>>, vector<1x1x16xf32>,
        %parallel_loop3A_652 = vector.shape_cast %parallel_loop3A_651 : vector<1x1x16xf32> to vector<16xf32>
        %parallel_loop3A_653 = vector.shape_cast %parallel_loop3A_646 : vector<16xf32> to vector<1x1x16xf32>
        tpu.vector_store %arg7[%parallel_loop3A_648, %parallel_loop3A_649, %parallel_loop3A_650], %parallel_loop3A_653 {add = true, strides = array<i32>} : memref<5x128x128xf32, #tpu.memory_space<vmem>>, vector<1x1x16xf32>,
        %parallel_loop3A_654 = arith.constant 32 : i32
        %parallel_loop3A_655 = arith.addi %parallel_loop3A_629, %parallel_loop3A_654 : i32
        %parallel_loop3A_656 = arith.index_cast %parallel_loop3A_655 : i32 to index
        %parallel_loop3A_657 = tpu.vector_load %arg8[%parallel_loop3A_656] {strides = array<i32>} : memref<25600xf32, #tpu.memory_space<vmem>>, vector<16xf32>,
        %parallel_loop3A_658 = vector.shape_cast %parallel_loop3A_657 : vector<16xf32> to vector<16xf32>
        %parallel_loop3A_659 = arith.constant 0 : i32
        %parallel_loop3A_660 = arith.index_cast %parallel_loop3A_659 : i32 to index
        %parallel_loop3A_661 = arith.index_cast %parallel_loop3A_621 : i32 to index
        %parallel_loop3A_662 = arith.constant 32 : index
        %parallel_loop3A_663 = tpu.vector_load %arg7[%parallel_loop3A_660, %parallel_loop3A_661, %parallel_loop3A_662] {strides = array<i32>} : memref<5x128x128xf32, #tpu.memory_space<vmem>>, vector<1x1x16xf32>,
        %parallel_loop3A_664 = vector.shape_cast %parallel_loop3A_663 : vector<1x1x16xf32> to vector<16xf32>
        %parallel_loop3A_665 = vector.shape_cast %parallel_loop3A_658 : vector<16xf32> to vector<1x1x16xf32>
        tpu.vector_store %arg7[%parallel_loop3A_660, %parallel_loop3A_661, %parallel_loop3A_662], %parallel_loop3A_665 {add = true, strides = array<i32>} : memref<5x128x128xf32, #tpu.memory_space<vmem>>, vector<1x1x16xf32>,
        %parallel_loop3A_666 = arith.constant 48 : i32
        %parallel_loop3A_667 = arith.addi %parallel_loop3A_629, %parallel_loop3A_666 : i32
        %parallel_loop3A_668 = arith.index_cast %parallel_loop3A_667 : i32 to index
        %parallel_loop3A_669 = tpu.vector_load %arg8[%parallel_loop3A_668] {strides = array<i32>} : memref<25600xf32, #tpu.memory_space<vmem>>, vector<16xf32>,
        %parallel_loop3A_670 = vector.shape_cast %parallel_loop3A_669 : vector<16xf32> to vector<16xf32>
        %parallel_loop3A_671 = arith.constant 0 : i32
        %parallel_loop3A_672 = arith.index_cast %parallel_loop3A_671 : i32 to index
        %parallel_loop3A_673 = arith.index_cast %parallel_loop3A_621 : i32 to index
        %parallel_loop3A_674 = arith.constant 48 : index
        %parallel_loop3A_675 = tpu.vector_load %arg7[%parallel_loop3A_672, %parallel_loop3A_673, %parallel_loop3A_674] {strides = array<i32>} : memref<5x128x128xf32, #tpu.memory_space<vmem>>, vector<1x1x16xf32>,
        %parallel_loop3A_676 = vector.shape_cast %parallel_loop3A_675 : vector<1x1x16xf32> to vector<16xf32>
        %parallel_loop3A_677 = vector.shape_cast %parallel_loop3A_670 : vector<16xf32> to vector<1x1x16xf32>
        tpu.vector_store %arg7[%parallel_loop3A_672, %parallel_loop3A_673, %parallel_loop3A_674], %parallel_loop3A_677 {add = true, strides = array<i32>} : memref<5x128x128xf32, #tpu.memory_space<vmem>>, vector<1x1x16xf32>,
        %parallel_loop3A_678 = arith.constant 64 : i32
        %parallel_loop3A_679 = arith.addi %parallel_loop3A_629, %parallel_loop3A_678 : i32
        %parallel_loop3A_680 = arith.index_cast %parallel_loop3A_679 : i32 to index
        %parallel_loop3A_681 = tpu.vector_load %arg8[%parallel_loop3A_680] {strides = array<i32>} : memref<25600xf32, #tpu.memory_space<vmem>>, vector<16xf32>,
        %parallel_loop3A_682 = vector.shape_cast %parallel_loop3A_681 : vector<16xf32> to vector<16xf32>
        %parallel_loop3A_683 = arith.constant 0 : i32
        %parallel_loop3A_684 = arith.index_cast %parallel_loop3A_683 : i32 to index
        %parallel_loop3A_685 = arith.index_cast %parallel_loop3A_621 : i32 to index
        %parallel_loop3A_686 = arith.constant 64 : index
        %parallel_loop3A_687 = tpu.vector_load %arg7[%parallel_loop3A_684, %parallel_loop3A_685, %parallel_loop3A_686] {strides = array<i32>} : memref<5x128x128xf32, #tpu.memory_space<vmem>>, vector<1x1x16xf32>,
        %parallel_loop3A_688 = vector.shape_cast %parallel_loop3A_687 : vector<1x1x16xf32> to vector<16xf32>
        %parallel_loop3A_689 = vector.shape_cast %parallel_loop3A_682 : vector<16xf32> to vector<1x1x16xf32>
        tpu.vector_store %arg7[%parallel_loop3A_684, %parallel_loop3A_685, %parallel_loop3A_686], %parallel_loop3A_689 {add = true, strides = array<i32>} : memref<5x128x128xf32, #tpu.memory_space<vmem>>, vector<1x1x16xf32>,
        %parallel_loop3A_690 = arith.constant 80 : i32
        %parallel_loop3A_691 = arith.addi %parallel_loop3A_629, %parallel_loop3A_690 : i32
        %parallel_loop3A_692 = arith.index_cast %parallel_loop3A_691 : i32 to index
        %parallel_loop3A_693 = tpu.vector_load %arg8[%parallel_loop3A_692] {strides = array<i32>} : memref<25600xf32, #tpu.memory_space<vmem>>, vector<16xf32>,
        %parallel_loop3A_694 = vector.shape_cast %parallel_loop3A_693 : vector<16xf32> to vector<16xf32>
        %parallel_loop3A_695 = arith.constant 0 : i32
        %parallel_loop3A_696 = arith.index_cast %parallel_loop3A_695 : i32 to index
        %parallel_loop3A_697 = arith.index_cast %parallel_loop3A_621 : i32 to index
        %parallel_loop3A_698 = arith.constant 80 : index
        %parallel_loop3A_699 = tpu.vector_load %arg7[%parallel_loop3A_696, %parallel_loop3A_697, %parallel_loop3A_698] {strides = array<i32>} : memref<5x128x128xf32, #tpu.memory_space<vmem>>, vector<1x1x16xf32>,
        %parallel_loop3A_700 = vector.shape_cast %parallel_loop3A_699 : vector<1x1x16xf32> to vector<16xf32>
        %parallel_loop3A_701 = vector.shape_cast %parallel_loop3A_694 : vector<16xf32> to vector<1x1x16xf32>
        tpu.vector_store %arg7[%parallel_loop3A_696, %parallel_loop3A_697, %parallel_loop3A_698], %parallel_loop3A_701 {add = true, strides = array<i32>} : memref<5x128x128xf32, #tpu.memory_space<vmem>>, vector<1x1x16xf32>,
        %parallel_loop3A_702 = arith.constant 96 : i32
        %parallel_loop3A_703 = arith.addi %parallel_loop3A_629, %parallel_loop3A_702 : i32
        %parallel_loop3A_704 = arith.index_cast %parallel_loop3A_703 : i32 to index
        %parallel_loop3A_705 = tpu.vector_load %arg8[%parallel_loop3A_704] {strides = array<i32>} : memref<25600xf32, #tpu.memory_space<vmem>>, vector<16xf32>,
        %parallel_loop3A_706 = vector.shape_cast %parallel_loop3A_705 : vector<16xf32> to vector<16xf32>
        %parallel_loop3A_707 = arith.constant 0 : i32
        %parallel_loop3A_708 = arith.index_cast %parallel_loop3A_707 : i32 to index
        %parallel_loop3A_709 = arith.index_cast %parallel_loop3A_621 : i32 to index
        %parallel_loop3A_710 = arith.constant 96 : index
        %parallel_loop3A_711 = tpu.vector_load %arg7[%parallel_loop3A_708, %parallel_loop3A_709, %parallel_loop3A_710] {strides = array<i32>} : memref<5x128x128xf32, #tpu.memory_space<vmem>>, vector<1x1x16xf32>,
        %parallel_loop3A_712 = vector.shape_cast %parallel_loop3A_711 : vector<1x1x16xf32> to vector<16xf32>
        %parallel_loop3A_713 = vector.shape_cast %parallel_loop3A_706 : vector<16xf32> to vector<1x1x16xf32>
        tpu.vector_store %arg7[%parallel_loop3A_708, %parallel_loop3A_709, %parallel_loop3A_710], %parallel_loop3A_713 {add = true, strides = array<i32>} : memref<5x128x128xf32, #tpu.memory_space<vmem>>, vector<1x1x16xf32>,
        %parallel_loop3A_714 = arith.constant 112 : i32
        %parallel_loop3A_715 = arith.addi %parallel_loop3A_629, %parallel_loop3A_714 : i32
        %parallel_loop3A_716 = arith.index_cast %parallel_loop3A_715 : i32 to index
        %parallel_loop3A_717 = tpu.vector_load %arg8[%parallel_loop3A_716] {strides = array<i32>} : memref<25600xf32, #tpu.memory_space<vmem>>, vector<16xf32>,
        %parallel_loop3A_718 = vector.shape_cast %parallel_loop3A_717 : vector<16xf32> to vector<16xf32>
        %parallel_loop3A_719 = arith.constant 0 : i32
        %parallel_loop3A_720 = arith.index_cast %parallel_loop3A_719 : i32 to index
        %parallel_loop3A_721 = arith.index_cast %parallel_loop3A_621 : i32 to index
        %parallel_loop3A_722 = arith.constant 112 : index
        %parallel_loop3A_723 = tpu.vector_load %arg7[%parallel_loop3A_720, %parallel_loop3A_721, %parallel_loop3A_722] {strides = array<i32>} : memref<5x128x128xf32, #tpu.memory_space<vmem>>, vector<1x1x16xf32>,
        %parallel_loop3A_724 = vector.shape_cast %parallel_loop3A_723 : vector<1x1x16xf32> to vector<16xf32>
        %parallel_loop3A_725 = vector.shape_cast %parallel_loop3A_718 : vector<16xf32> to vector<1x1x16xf32>
        tpu.vector_store %arg7[%parallel_loop3A_720, %parallel_loop3A_721, %parallel_loop3A_722], %parallel_loop3A_725 {add = true, strides = array<i32>} : memref<5x128x128xf32, #tpu.memory_space<vmem>>, vector<1x1x16xf32>,
      } {sc.loop_unroll_factor = 4 : i64, sc.parallel_access}
      %mul3A_360 = arith.constant 128 : i32
      %mul3A_361 = arith.muli %add3A_345, %mul3A_360 : i32
      %add3A_362 = arith.addi %mul3A_8, %mul3A_361 : i32
      %multiple_of3A_363 = tpu.assume_multiple %add3A_362, 8 : i32
      %dma_start3A_364 = arith.constant 0 : i32
      %dma_start3A_365 = arith.constant 0 : i32
      %dma_start3A_366 = arith.constant 0 : i32
      %dma_start3A_367 = tpu.memref_slice %arg7[%dma_start3A_364, %dma_start3A_365, %dma_start3A_366] : memref<5x128x128xf32, #tpu.memory_space<vmem>> -> memref<1x128x128xf32, #tpu.memory_space<vmem>>
      %dma_start3A_368 = tpu.memref_squeeze %dma_start3A_367 : memref<1x128x128xf32, #tpu.memory_space<vmem>> -> memref<128x128xf32, #tpu.memory_space<vmem>>
      %dma_start3A_369 = arith.constant 0 : i32
      %dma_start3A_370 = tpu.memref_slice %arg5[%multiple_of3A_363, %dma_start3A_369] : memref<204800x128xf32, #tpu.memory_space<hbm>> -> memref<128x128xf32, #tpu.memory_space<hbm>>
      %dma_start3A_371 = arith.constant 0 : i32
      %dma_start3A_372 = tpu.memref_slice %arg5[%multiple_of3A_363, %dma_start3A_371] : memref<204800x128xf32, #tpu.memory_space<hbm>> -> memref<128x128xf32, #tpu.memory_space<hbm>>
      %dma_start3A_373 = arith.constant 0 : i32
      %dma_start3A_374 = arith.constant 0 : i32
      %dma_start3A_375 = tpu.memref_slice %arg7[%dma_start3A_364, %dma_start3A_373, %dma_start3A_374] : memref<5x128x128xf32, #tpu.memory_space<vmem>> -> memref<1x128x128xf32, #tpu.memory_space<vmem>>
      %dma_start3A_376 = tpu.memref_squeeze %dma_start3A_375 : memref<1x128x128xf32, #tpu.memory_space<vmem>> -> memref<128x128xf32, #tpu.memory_space<vmem>>
      tpu.enqueue_dma source(%dma_start3A_376 : memref<128x128xf32, #tpu.memory_space<vmem>>) target(%dma_start3A_372 : memref<128x128xf32, #tpu.memory_space<hbm>>) target_semaphore(%arg14 : memref<!tpu.dma_semaphore, #tpu.memory_space<semaphore_mem>>)
      %add3A_377 = arith.constant 0 : i32
      %add3A_378 = arith.addi %mul3A_8, %add3A_377 : i32
      %multiple_of3A_379 = tpu.assume_multiple %add3A_378, 8 : i32
      %dma_wait3A_380 = arith.constant 4 : i32
      %dma_wait3A_381 = arith.constant 0 : i32
      %dma_wait3A_382 = arith.constant 0 : i32
      %dma_wait3A_383 = tpu.memref_slice %arg7[%dma_wait3A_380, %dma_wait3A_381, %dma_wait3A_382] : memref<5x128x128xf32, #tpu.memory_space<vmem>> -> memref<1x128x128xf32, #tpu.memory_space<vmem>>
      %dma_wait3A_384 = tpu.memref_squeeze %dma_wait3A_383 : memref<1x128x128xf32, #tpu.memory_space<vmem>> -> memref<128x128xf32, #tpu.memory_space<vmem>>
      %dma_wait3A_385 = arith.constant 0 : i32
      %dma_wait3A_386 = tpu.memref_slice %arg5[%multiple_of3A_379, %dma_wait3A_385] : memref<204800x128xf32, #tpu.memory_space<hbm>> -> memref<128x128xf32, #tpu.memory_space<hbm>>
      %dma_wait3A_387 = arith.constant 0 : i32
      %dma_wait3A_388 = tpu.memref_slice %arg5[%multiple_of3A_379, %dma_wait3A_387] : memref<204800x128xf32, #tpu.memory_space<hbm>> -> memref<128x128xf32, #tpu.memory_space<hbm>>
      %dma_wait3A_389 = arith.constant 0 : i32
      %dma_wait3A_390 = arith.constant 0 : i32
      %dma_wait3A_391 = tpu.memref_slice %arg7[%dma_wait3A_380, %dma_wait3A_389, %dma_wait3A_390] : memref<5x128x128xf32, #tpu.memory_space<vmem>> -> memref<1x128x128xf32, #tpu.memory_space<vmem>>
      %dma_wait3A_392 = tpu.memref_squeeze %dma_wait3A_391 : memref<1x128x128xf32, #tpu.memory_space<vmem>> -> memref<128x128xf32, #tpu.memory_space<vmem>>
      tpu.wait_dma2 semaphore(%arg18 : memref<!tpu.dma_semaphore, #tpu.memory_space<semaphore_mem>>) src(%dma_wait3A_392 : memref<128x128xf32, #tpu.memory_space<vmem>>) dst(%dma_wait3A_388 : memref<128x128xf32, #tpu.memory_space<hbm>>)
      %add3A_393 = arith.constant 4 : i32
      %add3A_394 = arith.addi %add3A_345, %add3A_393 : i32
      %lt3A = arith.constant 50 : i32
      %lt3A_395 = arith.cmpi slt, %add3A_394, %lt3A : i32
      %convert_element_type3A = arith.extui %lt3A_395 : i1 to i32
      %cond3A = arith.constant 0 : i32
      %cond3A_396 = arith.cmpi ne, %convert_element_type3A, %cond3A : i32
      scf.if %cond3A_396 {
        %mul3A_621 = arith.constant 128 : i32
        %mul3A_622 = arith.muli %add3A_394, %mul3A_621 : i32
        %multiple_of3A_623 = tpu.assume_multiple %mul3A_622, 8 : i32
        %dma_start3A_624 = arith.constant 4 : i32
        %dma_start3A_625 = arith.constant 0 : i32
        %dma_start3A_626 = arith.constant 0 : i32
        %dma_start3A_627 = tpu.memref_slice %arg7[%dma_start3A_624, %dma_start3A_625, %dma_start3A_626] : memref<5x128x128xf32, #tpu.memory_space<vmem>> -> memref<1x128x128xf32, #tpu.memory_space<vmem>>
        %dma_start3A_628 = tpu.memref_squeeze %dma_start3A_627 : memref<1x128x128xf32, #tpu.memory_space<vmem>> -> memref<128x128xf32, #tpu.memory_space<vmem>>
        %dma_start3A_629 = tpu.memref_slice %arg6[%multiple_of3A_623] : memref<6400xi32, #tpu.memory_space<vmem>> -> memref<128xi32, #tpu.memory_space<vmem>>
        %dma_start3A_630 = arith.constant 0 : i32
        %dma_start3A_631 = arith.constant 0 : i32
        %dma_start3A_632 = tpu.memref_slice %arg3[%dma_start3A_630, %dma_start3A_631] : memref<100000x128xf32, #tpu.memory_space<hbm>> -> memref<100000x128xf32, #tpu.memory_space<hbm>>
        tpu.enqueue_indirect_dma source(%dma_start3A_632 : memref<100000x128xf32, #tpu.memory_space<hbm>>) target(%dma_start3A_628 : memref<128x128xf32, #tpu.memory_space<vmem>>) offsets(%dma_start3A_629 : memref<128xi32, #tpu.memory_space<vmem>>) semaphore(%arg13 : memref<!tpu.dma_semaphore, #tpu.memory_space<semaphore_mem>>)
      } else {
      }
      %add3A_397 = arith.constant 1 : i32
      %add3A_398 = arith.addi %add3A_343, %add3A_397 : i32
      %multiple_of3A_399 = arith.constant 0 : i32
      %multiple_of3A_400 = tpu.assume_multiple %multiple_of3A_399, 8 : i32
      %dma_wait3A_401 = arith.constant 1 : i32
      %dma_wait3A_402 = arith.constant 0 : i32
      %dma_wait3A_403 = arith.constant 0 : i32
      %dma_wait3A_404 = tpu.memref_slice %arg7[%dma_wait3A_401, %dma_wait3A_402, %dma_wait3A_403] : memref<5x128x128xf32, #tpu.memory_space<vmem>> -> memref<1x128x128xf32, #tpu.memory_space<vmem>>
      %dma_wait3A_405 = tpu.memref_squeeze %dma_wait3A_404 : memref<1x128x128xf32, #tpu.memory_space<vmem>> -> memref<128x128xf32, #tpu.memory_space<vmem>>
      %dma_wait3A_406 = tpu.memref_slice %arg6[%multiple_of3A_400] : memref<6400xi32, #tpu.memory_space<vmem>> -> memref<128xi32, #tpu.memory_space<vmem>>
      %dma_wait3A_407 = arith.constant 0 : i32
      %dma_wait3A_408 = arith.constant 0 : i32
      %dma_wait3A_409 = tpu.memref_slice %arg3[%dma_wait3A_407, %dma_wait3A_408] : memref<100000x128xf32, #tpu.memory_space<hbm>> -> memref<100000x128xf32, #tpu.memory_space<hbm>>
      tpu.wait_indirect_dma semaphore(%arg10 : memref<!tpu.dma_semaphore, #tpu.memory_space<semaphore_mem>>) src(%dma_wait3A_409 : memref<100000x128xf32, #tpu.memory_space<hbm>>) dst(%dma_wait3A_405 : memref<128x128xf32, #tpu.memory_space<vmem>>)
      %parallel_loop3A_410 = arith.constant 0 : i32
      %parallel_loop3A_411 = arith.constant 128 : i32
      %parallel_loop3A_412 = arith.constant 1 : i32
      scf.for %parallel_loop3A_621 = %parallel_loop3A_410 to %parallel_loop3A_411 step %parallel_loop3A_412  : i32 {
        %parallel_loop3A_622 = arith.constant 128 : i32
        %parallel_loop3A_623 = arith.muli %add3A_398, %parallel_loop3A_622 : i32
        %parallel_loop3A_624 = arith.addi %parallel_loop3A_623, %parallel_loop3A_621 : i32
        %parallel_loop3A_625 = arith.constant 200 : i32
        %parallel_loop3A_626 = arith.remsi %parallel_loop3A_624, %parallel_loop3A_625 : i32
        %parallel_loop3A_627 = arith.constant 128 : i32
        %parallel_loop3A_628 = arith.muli %parallel_loop3A_626, %parallel_loop3A_627 : i32
        %parallel_loop3A_629 = tpu.assume_multiple %parallel_loop3A_628, 16 : i32
        %parallel_loop3A_630 = arith.constant 0 : i32
        %parallel_loop3A_631 = arith.addi %parallel_loop3A_629, %parallel_loop3A_630 : i32
        %parallel_loop3A_632 = arith.index_cast %parallel_loop3A_631 : i32 to index
        %parallel_loop3A_633 = tpu.vector_load %arg8[%parallel_loop3A_632] {strides = array<i32>} : memref<25600xf32, #tpu.memory_space<vmem>>, vector<16xf32>,
        %parallel_loop3A_634 = vector.shape_cast %parallel_loop3A_633 : vector<16xf32> to vector<16xf32>
        %parallel_loop3A_635 = arith.constant 1 : i32
        %parallel_loop3A_636 = arith.index_cast %parallel_loop3A_635 : i32 to index
        %parallel_loop3A_637 = arith.index_cast %parallel_loop3A_621 : i32 to index
        %parallel_loop3A_638 = arith.constant 0 : index
        %parallel_loop3A_639 = tpu.vector_load %arg7[%parallel_loop3A_636, %parallel_loop3A_637, %parallel_loop3A_638] {strides = array<i32>} : memref<5x128x128xf32, #tpu.memory_space<vmem>>, vector<1x1x16xf32>,
        %parallel_loop3A_640 = vector.shape_cast %parallel_loop3A_639 : vector<1x1x16xf32> to vector<16xf32>
        %parallel_loop3A_641 = vector.shape_cast %parallel_loop3A_634 : vector<16xf32> to vector<1x1x16xf32>
        tpu.vector_store %arg7[%parallel_loop3A_636, %parallel_loop3A_637, %parallel_loop3A_638], %parallel_loop3A_641 {add = true, strides = array<i32>} : memref<5x128x128xf32, #tpu.memory_space<vmem>>, vector<1x1x16xf32>,
        %parallel_loop3A_642 = arith.constant 16 : i32
        %parallel_loop3A_643 = arith.addi %parallel_loop3A_629, %parallel_loop3A_642 : i32
        %parallel_loop3A_644 = arith.index_cast %parallel_loop3A_643 : i32 to index
        %parallel_loop3A_645 = tpu.vector_load %arg8[%parallel_loop3A_644] {strides = array<i32>} : memref<25600xf32, #tpu.memory_space<vmem>>, vector<16xf32>,
        %parallel_loop3A_646 = vector.shape_cast %parallel_loop3A_645 : vector<16xf32> to vector<16xf32>
        %parallel_loop3A_647 = arith.constant 1 : i32
        %parallel_loop3A_648 = arith.index_cast %parallel_loop3A_647 : i32 to index
        %parallel_loop3A_649 = arith.index_cast %parallel_loop3A_621 : i32 to index
        %parallel_loop3A_650 = arith.constant 16 : index
        %parallel_loop3A_651 = tpu.vector_load %arg7[%parallel_loop3A_648, %parallel_loop3A_649, %parallel_loop3A_650] {strides = array<i32>} : memref<5x128x128xf32, #tpu.memory_space<vmem>>, vector<1x1x16xf32>,
        %parallel_loop3A_652 = vector.shape_cast %parallel_loop3A_651 : vector<1x1x16xf32> to vector<16xf32>
        %parallel_loop3A_653 = vector.shape_cast %parallel_loop3A_646 : vector<16xf32> to vector<1x1x16xf32>
        tpu.vector_store %arg7[%parallel_loop3A_648, %parallel_loop3A_649, %parallel_loop3A_650], %parallel_loop3A_653 {add = true, strides = array<i32>} : memref<5x128x128xf32, #tpu.memory_space<vmem>>, vector<1x1x16xf32>,
        %parallel_loop3A_654 = arith.constant 32 : i32
        %parallel_loop3A_655 = arith.addi %parallel_loop3A_629, %parallel_loop3A_654 : i32
        %parallel_loop3A_656 = arith.index_cast %parallel_loop3A_655 : i32 to index
        %parallel_loop3A_657 = tpu.vector_load %arg8[%parallel_loop3A_656] {strides = array<i32>} : memref<25600xf32, #tpu.memory_space<vmem>>, vector<16xf32>,
        %parallel_loop3A_658 = vector.shape_cast %parallel_loop3A_657 : vector<16xf32> to vector<16xf32>
        %parallel_loop3A_659 = arith.constant 1 : i32
        %parallel_loop3A_660 = arith.index_cast %parallel_loop3A_659 : i32 to index
        %parallel_loop3A_661 = arith.index_cast %parallel_loop3A_621 : i32 to index
        %parallel_loop3A_662 = arith.constant 32 : index
        %parallel_loop3A_663 = tpu.vector_load %arg7[%parallel_loop3A_660, %parallel_loop3A_661, %parallel_loop3A_662] {strides = array<i32>} : memref<5x128x128xf32, #tpu.memory_space<vmem>>, vector<1x1x16xf32>,
        %parallel_loop3A_664 = vector.shape_cast %parallel_loop3A_663 : vector<1x1x16xf32> to vector<16xf32>
        %parallel_loop3A_665 = vector.shape_cast %parallel_loop3A_658 : vector<16xf32> to vector<1x1x16xf32>
        tpu.vector_store %arg7[%parallel_loop3A_660, %parallel_loop3A_661, %parallel_loop3A_662], %parallel_loop3A_665 {add = true, strides = array<i32>} : memref<5x128x128xf32, #tpu.memory_space<vmem>>, vector<1x1x16xf32>,
        %parallel_loop3A_666 = arith.constant 48 : i32
        %parallel_loop3A_667 = arith.addi %parallel_loop3A_629, %parallel_loop3A_666 : i32
        %parallel_loop3A_668 = arith.index_cast %parallel_loop3A_667 : i32 to index
        %parallel_loop3A_669 = tpu.vector_load %arg8[%parallel_loop3A_668] {strides = array<i32>} : memref<25600xf32, #tpu.memory_space<vmem>>, vector<16xf32>,
        %parallel_loop3A_670 = vector.shape_cast %parallel_loop3A_669 : vector<16xf32> to vector<16xf32>
        %parallel_loop3A_671 = arith.constant 1 : i32
        %parallel_loop3A_672 = arith.index_cast %parallel_loop3A_671 : i32 to index
        %parallel_loop3A_673 = arith.index_cast %parallel_loop3A_621 : i32 to index
        %parallel_loop3A_674 = arith.constant 48 : index
        %parallel_loop3A_675 = tpu.vector_load %arg7[%parallel_loop3A_672, %parallel_loop3A_673, %parallel_loop3A_674] {strides = array<i32>} : memref<5x128x128xf32, #tpu.memory_space<vmem>>, vector<1x1x16xf32>,
        %parallel_loop3A_676 = vector.shape_cast %parallel_loop3A_675 : vector<1x1x16xf32> to vector<16xf32>
        %parallel_loop3A_677 = vector.shape_cast %parallel_loop3A_670 : vector<16xf32> to vector<1x1x16xf32>
        tpu.vector_store %arg7[%parallel_loop3A_672, %parallel_loop3A_673, %parallel_loop3A_674], %parallel_loop3A_677 {add = true, strides = array<i32>} : memref<5x128x128xf32, #tpu.memory_space<vmem>>, vector<1x1x16xf32>,
        %parallel_loop3A_678 = arith.constant 64 : i32
        %parallel_loop3A_679 = arith.addi %parallel_loop3A_629, %parallel_loop3A_678 : i32
        %parallel_loop3A_680 = arith.index_cast %parallel_loop3A_679 : i32 to index
        %parallel_loop3A_681 = tpu.vector_load %arg8[%parallel_loop3A_680] {strides = array<i32>} : memref<25600xf32, #tpu.memory_space<vmem>>, vector<16xf32>,
        %parallel_loop3A_682 = vector.shape_cast %parallel_loop3A_681 : vector<16xf32> to vector<16xf32>
        %parallel_loop3A_683 = arith.constant 1 : i32
        %parallel_loop3A_684 = arith.index_cast %parallel_loop3A_683 : i32 to index
        %parallel_loop3A_685 = arith.index_cast %parallel_loop3A_621 : i32 to index
        %parallel_loop3A_686 = arith.constant 64 : index
        %parallel_loop3A_687 = tpu.vector_load %arg7[%parallel_loop3A_684, %parallel_loop3A_685, %parallel_loop3A_686] {strides = array<i32>} : memref<5x128x128xf32, #tpu.memory_space<vmem>>, vector<1x1x16xf32>,
        %parallel_loop3A_688 = vector.shape_cast %parallel_loop3A_687 : vector<1x1x16xf32> to vector<16xf32>
        %parallel_loop3A_689 = vector.shape_cast %parallel_loop3A_682 : vector<16xf32> to vector<1x1x16xf32>
        tpu.vector_store %arg7[%parallel_loop3A_684, %parallel_loop3A_685, %parallel_loop3A_686], %parallel_loop3A_689 {add = true, strides = array<i32>} : memref<5x128x128xf32, #tpu.memory_space<vmem>>, vector<1x1x16xf32>,
        %parallel_loop3A_690 = arith.constant 80 : i32
        %parallel_loop3A_691 = arith.addi %parallel_loop3A_629, %parallel_loop3A_690 : i32
        %parallel_loop3A_692 = arith.index_cast %parallel_loop3A_691 : i32 to index
        %parallel_loop3A_693 = tpu.vector_load %arg8[%parallel_loop3A_692] {strides = array<i32>} : memref<25600xf32, #tpu.memory_space<vmem>>, vector<16xf32>,
        %parallel_loop3A_694 = vector.shape_cast %parallel_loop3A_693 : vector<16xf32> to vector<16xf32>
        %parallel_loop3A_695 = arith.constant 1 : i32
        %parallel_loop3A_696 = arith.index_cast %parallel_loop3A_695 : i32 to index
        %parallel_loop3A_697 = arith.index_cast %parallel_loop3A_621 : i32 to index
        %parallel_loop3A_698 = arith.constant 80 : index
        %parallel_loop3A_699 = tpu.vector_load %arg7[%parallel_loop3A_696, %parallel_loop3A_697, %parallel_loop3A_698] {strides = array<i32>} : memref<5x128x128xf32, #tpu.memory_space<vmem>>, vector<1x1x16xf32>,
        %parallel_loop3A_700 = vector.shape_cast %parallel_loop3A_699 : vector<1x1x16xf32> to vector<16xf32>
        %parallel_loop3A_701 = vector.shape_cast %parallel_loop3A_694 : vector<16xf32> to vector<1x1x16xf32>
        tpu.vector_store %arg7[%parallel_loop3A_696, %parallel_loop3A_697, %parallel_loop3A_698], %parallel_loop3A_701 {add = true, strides = array<i32>} : memref<5x128x128xf32, #tpu.memory_space<vmem>>, vector<1x1x16xf32>,
        %parallel_loop3A_702 = arith.constant 96 : i32
        %parallel_loop3A_703 = arith.addi %parallel_loop3A_629, %parallel_loop3A_702 : i32
        %parallel_loop3A_704 = arith.index_cast %parallel_loop3A_703 : i32 to index
        %parallel_loop3A_705 = tpu.vector_load %arg8[%parallel_loop3A_704] {strides = array<i32>} : memref<25600xf32, #tpu.memory_space<vmem>>, vector<16xf32>,
        %parallel_loop3A_706 = vector.shape_cast %parallel_loop3A_705 : vector<16xf32> to vector<16xf32>
        %parallel_loop3A_707 = arith.constant 1 : i32
        %parallel_loop3A_708 = arith.index_cast %parallel_loop3A_707 : i32 to index
        %parallel_loop3A_709 = arith.index_cast %parallel_loop3A_621 : i32 to index
        %parallel_loop3A_710 = arith.constant 96 : index
        %parallel_loop3A_711 = tpu.vector_load %arg7[%parallel_loop3A_708, %parallel_loop3A_709, %parallel_loop3A_710] {strides = array<i32>} : memref<5x128x128xf32, #tpu.memory_space<vmem>>, vector<1x1x16xf32>,
        %parallel_loop3A_712 = vector.shape_cast %parallel_loop3A_711 : vector<1x1x16xf32> to vector<16xf32>
        %parallel_loop3A_713 = vector.shape_cast %parallel_loop3A_706 : vector<16xf32> to vector<1x1x16xf32>
        tpu.vector_store %arg7[%parallel_loop3A_708, %parallel_loop3A_709, %parallel_loop3A_710], %parallel_loop3A_713 {add = true, strides = array<i32>} : memref<5x128x128xf32, #tpu.memory_space<vmem>>, vector<1x1x16xf32>,
        %parallel_loop3A_714 = arith.constant 112 : i32
        %parallel_loop3A_715 = arith.addi %parallel_loop3A_629, %parallel_loop3A_714 : i32
        %parallel_loop3A_716 = arith.index_cast %parallel_loop3A_715 : i32 to index
        %parallel_loop3A_717 = tpu.vector_load %arg8[%parallel_loop3A_716] {strides = array<i32>} : memref<25600xf32, #tpu.memory_space<vmem>>, vector<16xf32>,
        %parallel_loop3A_718 = vector.shape_cast %parallel_loop3A_717 : vector<16xf32> to vector<16xf32>
        %parallel_loop3A_719 = arith.constant 1 : i32
        %parallel_loop3A_720 = arith.index_cast %parallel_loop3A_719 : i32 to index
        %parallel_loop3A_721 = arith.index_cast %parallel_loop3A_621 : i32 to index
        %parallel_loop3A_722 = arith.constant 112 : index
        %parallel_loop3A_723 = tpu.vector_load %arg7[%parallel_loop3A_720, %parallel_loop3A_721, %parallel_loop3A_722] {strides = array<i32>} : memref<5x128x128xf32, #tpu.memory_space<vmem>>, vector<1x1x16xf32>,
        %parallel_loop3A_724 = vector.shape_cast %parallel_loop3A_723 : vector<1x1x16xf32> to vector<16xf32>
        %parallel_loop3A_725 = vector.shape_cast %parallel_loop3A_718 : vector<16xf32> to vector<1x1x16xf32>
        tpu.vector_store %arg7[%parallel_loop3A_720, %parallel_loop3A_721, %parallel_loop3A_722], %parallel_loop3A_725 {add = true, strides = array<i32>} : memref<5x128x128xf32, #tpu.memory_space<vmem>>, vector<1x1x16xf32>,
      } {sc.loop_unroll_factor = 4 : i64, sc.parallel_access}
      %mul3A_413 = arith.constant 128 : i32
      %mul3A_414 = arith.muli %add3A_398, %mul3A_413 : i32
      %add3A_415 = arith.addi %mul3A_8, %mul3A_414 : i32
      %multiple_of3A_416 = tpu.assume_multiple %add3A_415, 8 : i32
      %dma_start3A_417 = arith.constant 1 : i32
      %dma_start3A_418 = arith.constant 0 : i32
      %dma_start3A_419 = arith.constant 0 : i32
      %dma_start3A_420 = tpu.memref_slice %arg7[%dma_start3A_417, %dma_start3A_418, %dma_start3A_419] : memref<5x128x128xf32, #tpu.memory_space<vmem>> -> memref<1x128x128xf32, #tpu.memory_space<vmem>>
      %dma_start3A_421 = tpu.memref_squeeze %dma_start3A_420 : memref<1x128x128xf32, #tpu.memory_space<vmem>> -> memref<128x128xf32, #tpu.memory_space<vmem>>
      %dma_start3A_422 = arith.constant 0 : i32
      %dma_start3A_423 = tpu.memref_slice %arg5[%multiple_of3A_416, %dma_start3A_422] : memref<204800x128xf32, #tpu.memory_space<hbm>> -> memref<128x128xf32, #tpu.memory_space<hbm>>
      %dma_start3A_424 = arith.constant 0 : i32
      %dma_start3A_425 = tpu.memref_slice %arg5[%multiple_of3A_416, %dma_start3A_424] : memref<204800x128xf32, #tpu.memory_space<hbm>> -> memref<128x128xf32, #tpu.memory_space<hbm>>
      %dma_start3A_426 = arith.constant 0 : i32
      %dma_start3A_427 = arith.constant 0 : i32
      %dma_start3A_428 = tpu.memref_slice %arg7[%dma_start3A_417, %dma_start3A_426, %dma_start3A_427] : memref<5x128x128xf32, #tpu.memory_space<vmem>> -> memref<1x128x128xf32, #tpu.memory_space<vmem>>
      %dma_start3A_429 = tpu.memref_squeeze %dma_start3A_428 : memref<1x128x128xf32, #tpu.memory_space<vmem>> -> memref<128x128xf32, #tpu.memory_space<vmem>>
      tpu.enqueue_dma source(%dma_start3A_429 : memref<128x128xf32, #tpu.memory_space<vmem>>) target(%dma_start3A_425 : memref<128x128xf32, #tpu.memory_space<hbm>>) target_semaphore(%arg15 : memref<!tpu.dma_semaphore, #tpu.memory_space<semaphore_mem>>)
      %add3A_430 = arith.constant 0 : i32
      %add3A_431 = arith.addi %mul3A_8, %add3A_430 : i32
      %multiple_of3A_432 = tpu.assume_multiple %add3A_431, 8 : i32
      %dma_wait3A_433 = arith.constant 0 : i32
      %dma_wait3A_434 = arith.constant 0 : i32
      %dma_wait3A_435 = arith.constant 0 : i32
      %dma_wait3A_436 = tpu.memref_slice %arg7[%dma_wait3A_433, %dma_wait3A_434, %dma_wait3A_435] : memref<5x128x128xf32, #tpu.memory_space<vmem>> -> memref<1x128x128xf32, #tpu.memory_space<vmem>>
      %dma_wait3A_437 = tpu.memref_squeeze %dma_wait3A_436 : memref<1x128x128xf32, #tpu.memory_space<vmem>> -> memref<128x128xf32, #tpu.memory_space<vmem>>
      %dma_wait3A_438 = arith.constant 0 : i32
      %dma_wait3A_439 = tpu.memref_slice %arg5[%multiple_of3A_432, %dma_wait3A_438] : memref<204800x128xf32, #tpu.memory_space<hbm>> -> memref<128x128xf32, #tpu.memory_space<hbm>>
      %dma_wait3A_440 = arith.constant 0 : i32
      %dma_wait3A_441 = tpu.memref_slice %arg5[%multiple_of3A_432, %dma_wait3A_440] : memref<204800x128xf32, #tpu.memory_space<hbm>> -> memref<128x128xf32, #tpu.memory_space<hbm>>
      %dma_wait3A_442 = arith.constant 0 : i32
      %dma_wait3A_443 = arith.constant 0 : i32
      %dma_wait3A_444 = tpu.memref_slice %arg7[%dma_wait3A_433, %dma_wait3A_442, %dma_wait3A_443] : memref<5x128x128xf32, #tpu.memory_space<vmem>> -> memref<1x128x128xf32, #tpu.memory_space<vmem>>
      %dma_wait3A_445 = tpu.memref_squeeze %dma_wait3A_444 : memref<1x128x128xf32, #tpu.memory_space<vmem>> -> memref<128x128xf32, #tpu.memory_space<vmem>>
      tpu.wait_dma2 semaphore(%arg14 : memref<!tpu.dma_semaphore, #tpu.memory_space<semaphore_mem>>) src(%dma_wait3A_445 : memref<128x128xf32, #tpu.memory_space<vmem>>) dst(%dma_wait3A_441 : memref<128x128xf32, #tpu.memory_space<hbm>>)
      %add3A_446 = arith.constant 4 : i32
      %add3A_447 = arith.addi %add3A_398, %add3A_446 : i32
      %lt3A_448 = arith.constant 50 : i32
      %lt3A_449 = arith.cmpi slt, %add3A_447, %lt3A_448 : i32
      %convert_element_type3A_450 = arith.extui %lt3A_449 : i1 to i32
      %cond3A_451 = arith.constant 0 : i32
      %cond3A_452 = arith.cmpi ne, %convert_element_type3A_450, %cond3A_451 : i32
      scf.if %cond3A_452 {
        %mul3A_621 = arith.constant 128 : i32
        %mul3A_622 = arith.muli %add3A_447, %mul3A_621 : i32
        %multiple_of3A_623 = tpu.assume_multiple %mul3A_622, 8 : i32
        %dma_start3A_624 = arith.constant 0 : i32
        %dma_start3A_625 = arith.constant 0 : i32
        %dma_start3A_626 = arith.constant 0 : i32
        %dma_start3A_627 = tpu.memref_slice %arg7[%dma_start3A_624, %dma_start3A_625, %dma_start3A_626] : memref<5x128x128xf32, #tpu.memory_space<vmem>> -> memref<1x128x128xf32, #tpu.memory_space<vmem>>
        %dma_start3A_628 = tpu.memref_squeeze %dma_start3A_627 : memref<1x128x128xf32, #tpu.memory_space<vmem>> -> memref<128x128xf32, #tpu.memory_space<vmem>>
        %dma_start3A_629 = tpu.memref_slice %arg6[%multiple_of3A_623] : memref<6400xi32, #tpu.memory_space<vmem>> -> memref<128xi32, #tpu.memory_space<vmem>>
        %dma_start3A_630 = arith.constant 0 : i32
        %dma_start3A_631 = arith.constant 0 : i32
        %dma_start3A_632 = tpu.memref_slice %arg3[%dma_start3A_630, %dma_start3A_631] : memref<100000x128xf32, #tpu.memory_space<hbm>> -> memref<100000x128xf32, #tpu.memory_space<hbm>>
        tpu.enqueue_indirect_dma source(%dma_start3A_632 : memref<100000x128xf32, #tpu.memory_space<hbm>>) target(%dma_start3A_628 : memref<128x128xf32, #tpu.memory_space<vmem>>) offsets(%dma_start3A_629 : memref<128xi32, #tpu.memory_space<vmem>>) semaphore(%arg9 : memref<!tpu.dma_semaphore, #tpu.memory_space<semaphore_mem>>)
      } else {
      }
      %add3A_453 = arith.constant 2 : i32
      %add3A_454 = arith.addi %add3A_343, %add3A_453 : i32
      %multiple_of3A_455 = arith.constant 0 : i32
      %multiple_of3A_456 = tpu.assume_multiple %multiple_of3A_455, 8 : i32
      %dma_wait3A_457 = arith.constant 2 : i32
      %dma_wait3A_458 = arith.constant 0 : i32
      %dma_wait3A_459 = arith.constant 0 : i32
      %dma_wait3A_460 = tpu.memref_slice %arg7[%dma_wait3A_457, %dma_wait3A_458, %dma_wait3A_459] : memref<5x128x128xf32, #tpu.memory_space<vmem>> -> memref<1x128x128xf32, #tpu.memory_space<vmem>>
      %dma_wait3A_461 = tpu.memref_squeeze %dma_wait3A_460 : memref<1x128x128xf32, #tpu.memory_space<vmem>> -> memref<128x128xf32, #tpu.memory_space<vmem>>
      %dma_wait3A_462 = tpu.memref_slice %arg6[%multiple_of3A_456] : memref<6400xi32, #tpu.memory_space<vmem>> -> memref<128xi32, #tpu.memory_space<vmem>>
      %dma_wait3A_463 = arith.constant 0 : i32
      %dma_wait3A_464 = arith.constant 0 : i32
      %dma_wait3A_465 = tpu.memref_slice %arg3[%dma_wait3A_463, %dma_wait3A_464] : memref<100000x128xf32, #tpu.memory_space<hbm>> -> memref<100000x128xf32, #tpu.memory_space<hbm>>
      tpu.wait_indirect_dma semaphore(%arg11 : memref<!tpu.dma_semaphore, #tpu.memory_space<semaphore_mem>>) src(%dma_wait3A_465 : memref<100000x128xf32, #tpu.memory_space<hbm>>) dst(%dma_wait3A_461 : memref<128x128xf32, #tpu.memory_space<vmem>>)
      %parallel_loop3A_466 = arith.constant 0 : i32
      %parallel_loop3A_467 = arith.constant 128 : i32
      %parallel_loop3A_468 = arith.constant 1 : i32
      scf.for %parallel_loop3A_621 = %parallel_loop3A_466 to %parallel_loop3A_467 step %parallel_loop3A_468  : i32 {
        %parallel_loop3A_622 = arith.constant 128 : i32
        %parallel_loop3A_623 = arith.muli %add3A_454, %parallel_loop3A_622 : i32
        %parallel_loop3A_624 = arith.addi %parallel_loop3A_623, %parallel_loop3A_621 : i32
        %parallel_loop3A_625 = arith.constant 200 : i32
        %parallel_loop3A_626 = arith.remsi %parallel_loop3A_624, %parallel_loop3A_625 : i32
        %parallel_loop3A_627 = arith.constant 128 : i32
        %parallel_loop3A_628 = arith.muli %parallel_loop3A_626, %parallel_loop3A_627 : i32
        %parallel_loop3A_629 = tpu.assume_multiple %parallel_loop3A_628, 16 : i32
        %parallel_loop3A_630 = arith.constant 0 : i32
        %parallel_loop3A_631 = arith.addi %parallel_loop3A_629, %parallel_loop3A_630 : i32
        %parallel_loop3A_632 = arith.index_cast %parallel_loop3A_631 : i32 to index
        %parallel_loop3A_633 = tpu.vector_load %arg8[%parallel_loop3A_632] {strides = array<i32>} : memref<25600xf32, #tpu.memory_space<vmem>>, vector<16xf32>,
        %parallel_loop3A_634 = vector.shape_cast %parallel_loop3A_633 : vector<16xf32> to vector<16xf32>
        %parallel_loop3A_635 = arith.constant 2 : i32
        %parallel_loop3A_636 = arith.index_cast %parallel_loop3A_635 : i32 to index
        %parallel_loop3A_637 = arith.index_cast %parallel_loop3A_621 : i32 to index
        %parallel_loop3A_638 = arith.constant 0 : index
        %parallel_loop3A_639 = tpu.vector_load %arg7[%parallel_loop3A_636, %parallel_loop3A_637, %parallel_loop3A_638] {strides = array<i32>} : memref<5x128x128xf32, #tpu.memory_space<vmem>>, vector<1x1x16xf32>,
        %parallel_loop3A_640 = vector.shape_cast %parallel_loop3A_639 : vector<1x1x16xf32> to vector<16xf32>
        %parallel_loop3A_641 = vector.shape_cast %parallel_loop3A_634 : vector<16xf32> to vector<1x1x16xf32>
        tpu.vector_store %arg7[%parallel_loop3A_636, %parallel_loop3A_637, %parallel_loop3A_638], %parallel_loop3A_641 {add = true, strides = array<i32>} : memref<5x128x128xf32, #tpu.memory_space<vmem>>, vector<1x1x16xf32>,
        %parallel_loop3A_642 = arith.constant 16 : i32
        %parallel_loop3A_643 = arith.addi %parallel_loop3A_629, %parallel_loop3A_642 : i32
        %parallel_loop3A_644 = arith.index_cast %parallel_loop3A_643 : i32 to index
        %parallel_loop3A_645 = tpu.vector_load %arg8[%parallel_loop3A_644] {strides = array<i32>} : memref<25600xf32, #tpu.memory_space<vmem>>, vector<16xf32>,
        %parallel_loop3A_646 = vector.shape_cast %parallel_loop3A_645 : vector<16xf32> to vector<16xf32>
        %parallel_loop3A_647 = arith.constant 2 : i32
        %parallel_loop3A_648 = arith.index_cast %parallel_loop3A_647 : i32 to index
        %parallel_loop3A_649 = arith.index_cast %parallel_loop3A_621 : i32 to index
        %parallel_loop3A_650 = arith.constant 16 : index
        %parallel_loop3A_651 = tpu.vector_load %arg7[%parallel_loop3A_648, %parallel_loop3A_649, %parallel_loop3A_650] {strides = array<i32>} : memref<5x128x128xf32, #tpu.memory_space<vmem>>, vector<1x1x16xf32>,
        %parallel_loop3A_652 = vector.shape_cast %parallel_loop3A_651 : vector<1x1x16xf32> to vector<16xf32>
        %parallel_loop3A_653 = vector.shape_cast %parallel_loop3A_646 : vector<16xf32> to vector<1x1x16xf32>
        tpu.vector_store %arg7[%parallel_loop3A_648, %parallel_loop3A_649, %parallel_loop3A_650], %parallel_loop3A_653 {add = true, strides = array<i32>} : memref<5x128x128xf32, #tpu.memory_space<vmem>>, vector<1x1x16xf32>,
        %parallel_loop3A_654 = arith.constant 32 : i32
        %parallel_loop3A_655 = arith.addi %parallel_loop3A_629, %parallel_loop3A_654 : i32
        %parallel_loop3A_656 = arith.index_cast %parallel_loop3A_655 : i32 to index
        %parallel_loop3A_657 = tpu.vector_load %arg8[%parallel_loop3A_656] {strides = array<i32>} : memref<25600xf32, #tpu.memory_space<vmem>>, vector<16xf32>,
        %parallel_loop3A_658 = vector.shape_cast %parallel_loop3A_657 : vector<16xf32> to vector<16xf32>
        %parallel_loop3A_659 = arith.constant 2 : i32
        %parallel_loop3A_660 = arith.index_cast %parallel_loop3A_659 : i32 to index
        %parallel_loop3A_661 = arith.index_cast %parallel_loop3A_621 : i32 to index
        %parallel_loop3A_662 = arith.constant 32 : index
        %parallel_loop3A_663 = tpu.vector_load %arg7[%parallel_loop3A_660, %parallel_loop3A_661, %parallel_loop3A_662] {strides = array<i32>} : memref<5x128x128xf32, #tpu.memory_space<vmem>>, vector<1x1x16xf32>,
        %parallel_loop3A_664 = vector.shape_cast %parallel_loop3A_663 : vector<1x1x16xf32> to vector<16xf32>
        %parallel_loop3A_665 = vector.shape_cast %parallel_loop3A_658 : vector<16xf32> to vector<1x1x16xf32>
        tpu.vector_store %arg7[%parallel_loop3A_660, %parallel_loop3A_661, %parallel_loop3A_662], %parallel_loop3A_665 {add = true, strides = array<i32>} : memref<5x128x128xf32, #tpu.memory_space<vmem>>, vector<1x1x16xf32>,
        %parallel_loop3A_666 = arith.constant 48 : i32
        %parallel_loop3A_667 = arith.addi %parallel_loop3A_629, %parallel_loop3A_666 : i32
        %parallel_loop3A_668 = arith.index_cast %parallel_loop3A_667 : i32 to index
        %parallel_loop3A_669 = tpu.vector_load %arg8[%parallel_loop3A_668] {strides = array<i32>} : memref<25600xf32, #tpu.memory_space<vmem>>, vector<16xf32>,
        %parallel_loop3A_670 = vector.shape_cast %parallel_loop3A_669 : vector<16xf32> to vector<16xf32>
        %parallel_loop3A_671 = arith.constant 2 : i32
        %parallel_loop3A_672 = arith.index_cast %parallel_loop3A_671 : i32 to index
        %parallel_loop3A_673 = arith.index_cast %parallel_loop3A_621 : i32 to index
        %parallel_loop3A_674 = arith.constant 48 : index
        %parallel_loop3A_675 = tpu.vector_load %arg7[%parallel_loop3A_672, %parallel_loop3A_673, %parallel_loop3A_674] {strides = array<i32>} : memref<5x128x128xf32, #tpu.memory_space<vmem>>, vector<1x1x16xf32>,
        %parallel_loop3A_676 = vector.shape_cast %parallel_loop3A_675 : vector<1x1x16xf32> to vector<16xf32>
        %parallel_loop3A_677 = vector.shape_cast %parallel_loop3A_670 : vector<16xf32> to vector<1x1x16xf32>
        tpu.vector_store %arg7[%parallel_loop3A_672, %parallel_loop3A_673, %parallel_loop3A_674], %parallel_loop3A_677 {add = true, strides = array<i32>} : memref<5x128x128xf32, #tpu.memory_space<vmem>>, vector<1x1x16xf32>,
        %parallel_loop3A_678 = arith.constant 64 : i32
        %parallel_loop3A_679 = arith.addi %parallel_loop3A_629, %parallel_loop3A_678 : i32
        %parallel_loop3A_680 = arith.index_cast %parallel_loop3A_679 : i32 to index
        %parallel_loop3A_681 = tpu.vector_load %arg8[%parallel_loop3A_680] {strides = array<i32>} : memref<25600xf32, #tpu.memory_space<vmem>>, vector<16xf32>,
        %parallel_loop3A_682 = vector.shape_cast %parallel_loop3A_681 : vector<16xf32> to vector<16xf32>
        %parallel_loop3A_683 = arith.constant 2 : i32
        %parallel_loop3A_684 = arith.index_cast %parallel_loop3A_683 : i32 to index
        %parallel_loop3A_685 = arith.index_cast %parallel_loop3A_621 : i32 to index
        %parallel_loop3A_686 = arith.constant 64 : index
        %parallel_loop3A_687 = tpu.vector_load %arg7[%parallel_loop3A_684, %parallel_loop3A_685, %parallel_loop3A_686] {strides = array<i32>} : memref<5x128x128xf32, #tpu.memory_space<vmem>>, vector<1x1x16xf32>,
        %parallel_loop3A_688 = vector.shape_cast %parallel_loop3A_687 : vector<1x1x16xf32> to vector<16xf32>
        %parallel_loop3A_689 = vector.shape_cast %parallel_loop3A_682 : vector<16xf32> to vector<1x1x16xf32>
        tpu.vector_store %arg7[%parallel_loop3A_684, %parallel_loop3A_685, %parallel_loop3A_686], %parallel_loop3A_689 {add = true, strides = array<i32>} : memref<5x128x128xf32, #tpu.memory_space<vmem>>, vector<1x1x16xf32>,
        %parallel_loop3A_690 = arith.constant 80 : i32
        %parallel_loop3A_691 = arith.addi %parallel_loop3A_629, %parallel_loop3A_690 : i32
        %parallel_loop3A_692 = arith.index_cast %parallel_loop3A_691 : i32 to index
        %parallel_loop3A_693 = tpu.vector_load %arg8[%parallel_loop3A_692] {strides = array<i32>} : memref<25600xf32, #tpu.memory_space<vmem>>, vector<16xf32>,
        %parallel_loop3A_694 = vector.shape_cast %parallel_loop3A_693 : vector<16xf32> to vector<16xf32>
        %parallel_loop3A_695 = arith.constant 2 : i32
        %parallel_loop3A_696 = arith.index_cast %parallel_loop3A_695 : i32 to index
        %parallel_loop3A_697 = arith.index_cast %parallel_loop3A_621 : i32 to index
        %parallel_loop3A_698 = arith.constant 80 : index
        %parallel_loop3A_699 = tpu.vector_load %arg7[%parallel_loop3A_696, %parallel_loop3A_697, %parallel_loop3A_698] {strides = array<i32>} : memref<5x128x128xf32, #tpu.memory_space<vmem>>, vector<1x1x16xf32>,
        %parallel_loop3A_700 = vector.shape_cast %parallel_loop3A_699 : vector<1x1x16xf32> to vector<16xf32>
        %parallel_loop3A_701 = vector.shape_cast %parallel_loop3A_694 : vector<16xf32> to vector<1x1x16xf32>
        tpu.vector_store %arg7[%parallel_loop3A_696, %parallel_loop3A_697, %parallel_loop3A_698], %parallel_loop3A_701 {add = true, strides = array<i32>} : memref<5x128x128xf32, #tpu.memory_space<vmem>>, vector<1x1x16xf32>,
        %parallel_loop3A_702 = arith.constant 96 : i32
        %parallel_loop3A_703 = arith.addi %parallel_loop3A_629, %parallel_loop3A_702 : i32
        %parallel_loop3A_704 = arith.index_cast %parallel_loop3A_703 : i32 to index
        %parallel_loop3A_705 = tpu.vector_load %arg8[%parallel_loop3A_704] {strides = array<i32>} : memref<25600xf32, #tpu.memory_space<vmem>>, vector<16xf32>,
        %parallel_loop3A_706 = vector.shape_cast %parallel_loop3A_705 : vector<16xf32> to vector<16xf32>
        %parallel_loop3A_707 = arith.constant 2 : i32
        %parallel_loop3A_708 = arith.index_cast %parallel_loop3A_707 : i32 to index
        %parallel_loop3A_709 = arith.index_cast %parallel_loop3A_621 : i32 to index
        %parallel_loop3A_710 = arith.constant 96 : index
        %parallel_loop3A_711 = tpu.vector_load %arg7[%parallel_loop3A_708, %parallel_loop3A_709, %parallel_loop3A_710] {strides = array<i32>} : memref<5x128x128xf32, #tpu.memory_space<vmem>>, vector<1x1x16xf32>,
        %parallel_loop3A_712 = vector.shape_cast %parallel_loop3A_711 : vector<1x1x16xf32> to vector<16xf32>
        %parallel_loop3A_713 = vector.shape_cast %parallel_loop3A_706 : vector<16xf32> to vector<1x1x16xf32>
        tpu.vector_store %arg7[%parallel_loop3A_708, %parallel_loop3A_709, %parallel_loop3A_710], %parallel_loop3A_713 {add = true, strides = array<i32>} : memref<5x128x128xf32, #tpu.memory_space<vmem>>, vector<1x1x16xf32>,
        %parallel_loop3A_714 = arith.constant 112 : i32
        %parallel_loop3A_715 = arith.addi %parallel_loop3A_629, %parallel_loop3A_714 : i32
        %parallel_loop3A_716 = arith.index_cast %parallel_loop3A_715 : i32 to index
        %parallel_loop3A_717 = tpu.vector_load %arg8[%parallel_loop3A_716] {strides = array<i32>} : memref<25600xf32, #tpu.memory_space<vmem>>, vector<16xf32>,
        %parallel_loop3A_718 = vector.shape_cast %parallel_loop3A_717 : vector<16xf32> to vector<16xf32>
        %parallel_loop3A_719 = arith.constant 2 : i32
        %parallel_loop3A_720 = arith.index_cast %parallel_loop3A_719 : i32 to index
        %parallel_loop3A_721 = arith.index_cast %parallel_loop3A_621 : i32 to index
        %parallel_loop3A_722 = arith.constant 112 : index
        %parallel_loop3A_723 = tpu.vector_load %arg7[%parallel_loop3A_720, %parallel_loop3A_721, %parallel_loop3A_722] {strides = array<i32>} : memref<5x128x128xf32, #tpu.memory_space<vmem>>, vector<1x1x16xf32>,
        %parallel_loop3A_724 = vector.shape_cast %parallel_loop3A_723 : vector<1x1x16xf32> to vector<16xf32>
        %parallel_loop3A_725 = vector.shape_cast %parallel_loop3A_718 : vector<16xf32> to vector<1x1x16xf32>
        tpu.vector_store %arg7[%parallel_loop3A_720, %parallel_loop3A_721, %parallel_loop3A_722], %parallel_loop3A_725 {add = true, strides = array<i32>} : memref<5x128x128xf32, #tpu.memory_space<vmem>>, vector<1x1x16xf32>,
      } {sc.loop_unroll_factor = 4 : i64, sc.parallel_access}
      %mul3A_469 = arith.constant 128 : i32
      %mul3A_470 = arith.muli %add3A_454, %mul3A_469 : i32
      %add3A_471 = arith.addi %mul3A_8, %mul3A_470 : i32
      %multiple_of3A_472 = tpu.assume_multiple %add3A_471, 8 : i32
      %dma_start3A_473 = arith.constant 2 : i32
      %dma_start3A_474 = arith.constant 0 : i32
      %dma_start3A_475 = arith.constant 0 : i32
      %dma_start3A_476 = tpu.memref_slice %arg7[%dma_start3A_473, %dma_start3A_474, %dma_start3A_475] : memref<5x128x128xf32, #tpu.memory_space<vmem>> -> memref<1x128x128xf32, #tpu.memory_space<vmem>>
      %dma_start3A_477 = tpu.memref_squeeze %dma_start3A_476 : memref<1x128x128xf32, #tpu.memory_space<vmem>> -> memref<128x128xf32, #tpu.memory_space<vmem>>
      %dma_start3A_478 = arith.constant 0 : i32
      %dma_start3A_479 = tpu.memref_slice %arg5[%multiple_of3A_472, %dma_start3A_478] : memref<204800x128xf32, #tpu.memory_space<hbm>> -> memref<128x128xf32, #tpu.memory_space<hbm>>
      %dma_start3A_480 = arith.constant 0 : i32
      %dma_start3A_481 = tpu.memref_slice %arg5[%multiple_of3A_472, %dma_start3A_480] : memref<204800x128xf32, #tpu.memory_space<hbm>> -> memref<128x128xf32, #tpu.memory_space<hbm>>
      %dma_start3A_482 = arith.constant 0 : i32
      %dma_start3A_483 = arith.constant 0 : i32
      %dma_start3A_484 = tpu.memref_slice %arg7[%dma_start3A_473, %dma_start3A_482, %dma_start3A_483] : memref<5x128x128xf32, #tpu.memory_space<vmem>> -> memref<1x128x128xf32, #tpu.memory_space<vmem>>
      %dma_start3A_485 = tpu.memref_squeeze %dma_start3A_484 : memref<1x128x128xf32, #tpu.memory_space<vmem>> -> memref<128x128xf32, #tpu.memory_space<vmem>>
      tpu.enqueue_dma source(%dma_start3A_485 : memref<128x128xf32, #tpu.memory_space<vmem>>) target(%dma_start3A_481 : memref<128x128xf32, #tpu.memory_space<hbm>>) target_semaphore(%arg16 : memref<!tpu.dma_semaphore, #tpu.memory_space<semaphore_mem>>)
      %add3A_486 = arith.constant 0 : i32
      %add3A_487 = arith.addi %mul3A_8, %add3A_486 : i32
      %multiple_of3A_488 = tpu.assume_multiple %add3A_487, 8 : i32
      %dma_wait3A_489 = arith.constant 1 : i32
      %dma_wait3A_490 = arith.constant 0 : i32
      %dma_wait3A_491 = arith.constant 0 : i32
      %dma_wait3A_492 = tpu.memref_slice %arg7[%dma_wait3A_489, %dma_wait3A_490, %dma_wait3A_491] : memref<5x128x128xf32, #tpu.memory_space<vmem>> -> memref<1x128x128xf32, #tpu.memory_space<vmem>>
      %dma_wait3A_493 = tpu.memref_squeeze %dma_wait3A_492 : memref<1x128x128xf32, #tpu.memory_space<vmem>> -> memref<128x128xf32, #tpu.memory_space<vmem>>
      %dma_wait3A_494 = arith.constant 0 : i32
      %dma_wait3A_495 = tpu.memref_slice %arg5[%multiple_of3A_488, %dma_wait3A_494] : memref<204800x128xf32, #tpu.memory_space<hbm>> -> memref<128x128xf32, #tpu.memory_space<hbm>>
      %dma_wait3A_496 = arith.constant 0 : i32
      %dma_wait3A_497 = tpu.memref_slice %arg5[%multiple_of3A_488, %dma_wait3A_496] : memref<204800x128xf32, #tpu.memory_space<hbm>> -> memref<128x128xf32, #tpu.memory_space<hbm>>
      %dma_wait3A_498 = arith.constant 0 : i32
      %dma_wait3A_499 = arith.constant 0 : i32
      %dma_wait3A_500 = tpu.memref_slice %arg7[%dma_wait3A_489, %dma_wait3A_498, %dma_wait3A_499] : memref<5x128x128xf32, #tpu.memory_space<vmem>> -> memref<1x128x128xf32, #tpu.memory_space<vmem>>
      %dma_wait3A_501 = tpu.memref_squeeze %dma_wait3A_500 : memref<1x128x128xf32, #tpu.memory_space<vmem>> -> memref<128x128xf32, #tpu.memory_space<vmem>>
      tpu.wait_dma2 semaphore(%arg15 : memref<!tpu.dma_semaphore, #tpu.memory_space<semaphore_mem>>) src(%dma_wait3A_501 : memref<128x128xf32, #tpu.memory_space<vmem>>) dst(%dma_wait3A_497 : memref<128x128xf32, #tpu.memory_space<hbm>>)
      %add3A_502 = arith.constant 4 : i32
      %add3A_503 = arith.addi %add3A_454, %add3A_502 : i32
      %lt3A_504 = arith.constant 50 : i32
      %lt3A_505 = arith.cmpi slt, %add3A_503, %lt3A_504 : i32
      %convert_element_type3A_506 = arith.extui %lt3A_505 : i1 to i32
      %cond3A_507 = arith.constant 0 : i32
      %cond3A_508 = arith.cmpi ne, %convert_element_type3A_506, %cond3A_507 : i32
      scf.if %cond3A_508 {
        %mul3A_621 = arith.constant 128 : i32
        %mul3A_622 = arith.muli %add3A_503, %mul3A_621 : i32
        %multiple_of3A_623 = tpu.assume_multiple %mul3A_622, 8 : i32
        %dma_start3A_624 = arith.constant 1 : i32
        %dma_start3A_625 = arith.constant 0 : i32
        %dma_start3A_626 = arith.constant 0 : i32
        %dma_start3A_627 = tpu.memref_slice %arg7[%dma_start3A_624, %dma_start3A_625, %dma_start3A_626] : memref<5x128x128xf32, #tpu.memory_space<vmem>> -> memref<1x128x128xf32, #tpu.memory_space<vmem>>
        %dma_start3A_628 = tpu.memref_squeeze %dma_start3A_627 : memref<1x128x128xf32, #tpu.memory_space<vmem>> -> memref<128x128xf32, #tpu.memory_space<vmem>>
        %dma_start3A_629 = tpu.memref_slice %arg6[%multiple_of3A_623] : memref<6400xi32, #tpu.memory_space<vmem>> -> memref<128xi32, #tpu.memory_space<vmem>>
        %dma_start3A_630 = arith.constant 0 : i32
        %dma_start3A_631 = arith.constant 0 : i32
        %dma_start3A_632 = tpu.memref_slice %arg3[%dma_start3A_630, %dma_start3A_631] : memref<100000x128xf32, #tpu.memory_space<hbm>> -> memref<100000x128xf32, #tpu.memory_space<hbm>>
        tpu.enqueue_indirect_dma source(%dma_start3A_632 : memref<100000x128xf32, #tpu.memory_space<hbm>>) target(%dma_start3A_628 : memref<128x128xf32, #tpu.memory_space<vmem>>) offsets(%dma_start3A_629 : memref<128xi32, #tpu.memory_space<vmem>>) semaphore(%arg10 : memref<!tpu.dma_semaphore, #tpu.memory_space<semaphore_mem>>)
      } else {
      }
      %add3A_509 = arith.constant 3 : i32
      %add3A_510 = arith.addi %add3A_343, %add3A_509 : i32
      %multiple_of3A_511 = arith.constant 0 : i32
      %multiple_of3A_512 = tpu.assume_multiple %multiple_of3A_511, 8 : i32
      %dma_wait3A_513 = arith.constant 3 : i32
      %dma_wait3A_514 = arith.constant 0 : i32
      %dma_wait3A_515 = arith.constant 0 : i32
      %dma_wait3A_516 = tpu.memref_slice %arg7[%dma_wait3A_513, %dma_wait3A_514, %dma_wait3A_515] : memref<5x128x128xf32, #tpu.memory_space<vmem>> -> memref<1x128x128xf32, #tpu.memory_space<vmem>>
      %dma_wait3A_517 = tpu.memref_squeeze %dma_wait3A_516 : memref<1x128x128xf32, #tpu.memory_space<vmem>> -> memref<128x128xf32, #tpu.memory_space<vmem>>
      %dma_wait3A_518 = tpu.memref_slice %arg6[%multiple_of3A_512] : memref<6400xi32, #tpu.memory_space<vmem>> -> memref<128xi32, #tpu.memory_space<vmem>>
      %dma_wait3A_519 = arith.constant 0 : i32
      %dma_wait3A_520 = arith.constant 0 : i32
      %dma_wait3A_521 = tpu.memref_slice %arg3[%dma_wait3A_519, %dma_wait3A_520] : memref<100000x128xf32, #tpu.memory_space<hbm>> -> memref<100000x128xf32, #tpu.memory_space<hbm>>
      tpu.wait_indirect_dma semaphore(%arg12 : memref<!tpu.dma_semaphore, #tpu.memory_space<semaphore_mem>>) src(%dma_wait3A_521 : memref<100000x128xf32, #tpu.memory_space<hbm>>) dst(%dma_wait3A_517 : memref<128x128xf32, #tpu.memory_space<vmem>>)
      %parallel_loop3A_522 = arith.constant 0 : i32
      %parallel_loop3A_523 = arith.constant 128 : i32
      %parallel_loop3A_524 = arith.constant 1 : i32
      scf.for %parallel_loop3A_621 = %parallel_loop3A_522 to %parallel_loop3A_523 step %parallel_loop3A_524  : i32 {
        %parallel_loop3A_622 = arith.constant 128 : i32
        %parallel_loop3A_623 = arith.muli %add3A_510, %parallel_loop3A_622 : i32
        %parallel_loop3A_624 = arith.addi %parallel_loop3A_623, %parallel_loop3A_621 : i32
        %parallel_loop3A_625 = arith.constant 200 : i32
        %parallel_loop3A_626 = arith.remsi %parallel_loop3A_624, %parallel_loop3A_625 : i32
        %parallel_loop3A_627 = arith.constant 128 : i32
        %parallel_loop3A_628 = arith.muli %parallel_loop3A_626, %parallel_loop3A_627 : i32
        %parallel_loop3A_629 = tpu.assume_multiple %parallel_loop3A_628, 16 : i32
        %parallel_loop3A_630 = arith.constant 0 : i32
        %parallel_loop3A_631 = arith.addi %parallel_loop3A_629, %parallel_loop3A_630 : i32
        %parallel_loop3A_632 = arith.index_cast %parallel_loop3A_631 : i32 to index
        %parallel_loop3A_633 = tpu.vector_load %arg8[%parallel_loop3A_632] {strides = array<i32>} : memref<25600xf32, #tpu.memory_space<vmem>>, vector<16xf32>,
        %parallel_loop3A_634 = vector.shape_cast %parallel_loop3A_633 : vector<16xf32> to vector<16xf32>
        %parallel_loop3A_635 = arith.constant 3 : i32
        %parallel_loop3A_636 = arith.index_cast %parallel_loop3A_635 : i32 to index
        %parallel_loop3A_637 = arith.index_cast %parallel_loop3A_621 : i32 to index
        %parallel_loop3A_638 = arith.constant 0 : index
        %parallel_loop3A_639 = tpu.vector_load %arg7[%parallel_loop3A_636, %parallel_loop3A_637, %parallel_loop3A_638] {strides = array<i32>} : memref<5x128x128xf32, #tpu.memory_space<vmem>>, vector<1x1x16xf32>,
        %parallel_loop3A_640 = vector.shape_cast %parallel_loop3A_639 : vector<1x1x16xf32> to vector<16xf32>
        %parallel_loop3A_641 = vector.shape_cast %parallel_loop3A_634 : vector<16xf32> to vector<1x1x16xf32>
        tpu.vector_store %arg7[%parallel_loop3A_636, %parallel_loop3A_637, %parallel_loop3A_638], %parallel_loop3A_641 {add = true, strides = array<i32>} : memref<5x128x128xf32, #tpu.memory_space<vmem>>, vector<1x1x16xf32>,
        %parallel_loop3A_642 = arith.constant 16 : i32
        %parallel_loop3A_643 = arith.addi %parallel_loop3A_629, %parallel_loop3A_642 : i32
        %parallel_loop3A_644 = arith.index_cast %parallel_loop3A_643 : i32 to index
        %parallel_loop3A_645 = tpu.vector_load %arg8[%parallel_loop3A_644] {strides = array<i32>} : memref<25600xf32, #tpu.memory_space<vmem>>, vector<16xf32>,
        %parallel_loop3A_646 = vector.shape_cast %parallel_loop3A_645 : vector<16xf32> to vector<16xf32>
        %parallel_loop3A_647 = arith.constant 3 : i32
        %parallel_loop3A_648 = arith.index_cast %parallel_loop3A_647 : i32 to index
        %parallel_loop3A_649 = arith.index_cast %parallel_loop3A_621 : i32 to index
        %parallel_loop3A_650 = arith.constant 16 : index
        %parallel_loop3A_651 = tpu.vector_load %arg7[%parallel_loop3A_648, %parallel_loop3A_649, %parallel_loop3A_650] {strides = array<i32>} : memref<5x128x128xf32, #tpu.memory_space<vmem>>, vector<1x1x16xf32>,
        %parallel_loop3A_652 = vector.shape_cast %parallel_loop3A_651 : vector<1x1x16xf32> to vector<16xf32>
        %parallel_loop3A_653 = vector.shape_cast %parallel_loop3A_646 : vector<16xf32> to vector<1x1x16xf32>
        tpu.vector_store %arg7[%parallel_loop3A_648, %parallel_loop3A_649, %parallel_loop3A_650], %parallel_loop3A_653 {add = true, strides = array<i32>} : memref<5x128x128xf32, #tpu.memory_space<vmem>>, vector<1x1x16xf32>,
        %parallel_loop3A_654 = arith.constant 32 : i32
        %parallel_loop3A_655 = arith.addi %parallel_loop3A_629, %parallel_loop3A_654 : i32
        %parallel_loop3A_656 = arith.index_cast %parallel_loop3A_655 : i32 to index
        %parallel_loop3A_657 = tpu.vector_load %arg8[%parallel_loop3A_656] {strides = array<i32>} : memref<25600xf32, #tpu.memory_space<vmem>>, vector<16xf32>,
        %parallel_loop3A_658 = vector.shape_cast %parallel_loop3A_657 : vector<16xf32> to vector<16xf32>
        %parallel_loop3A_659 = arith.constant 3 : i32
        %parallel_loop3A_660 = arith.index_cast %parallel_loop3A_659 : i32 to index
        %parallel_loop3A_661 = arith.index_cast %parallel_loop3A_621 : i32 to index
        %parallel_loop3A_662 = arith.constant 32 : index
        %parallel_loop3A_663 = tpu.vector_load %arg7[%parallel_loop3A_660, %parallel_loop3A_661, %parallel_loop3A_662] {strides = array<i32>} : memref<5x128x128xf32, #tpu.memory_space<vmem>>, vector<1x1x16xf32>,
        %parallel_loop3A_664 = vector.shape_cast %parallel_loop3A_663 : vector<1x1x16xf32> to vector<16xf32>
        %parallel_loop3A_665 = vector.shape_cast %parallel_loop3A_658 : vector<16xf32> to vector<1x1x16xf32>
        tpu.vector_store %arg7[%parallel_loop3A_660, %parallel_loop3A_661, %parallel_loop3A_662], %parallel_loop3A_665 {add = true, strides = array<i32>} : memref<5x128x128xf32, #tpu.memory_space<vmem>>, vector<1x1x16xf32>,
        %parallel_loop3A_666 = arith.constant 48 : i32
        %parallel_loop3A_667 = arith.addi %parallel_loop3A_629, %parallel_loop3A_666 : i32
        %parallel_loop3A_668 = arith.index_cast %parallel_loop3A_667 : i32 to index
        %parallel_loop3A_669 = tpu.vector_load %arg8[%parallel_loop3A_668] {strides = array<i32>} : memref<25600xf32, #tpu.memory_space<vmem>>, vector<16xf32>,
        %parallel_loop3A_670 = vector.shape_cast %parallel_loop3A_669 : vector<16xf32> to vector<16xf32>
        %parallel_loop3A_671 = arith.constant 3 : i32
        %parallel_loop3A_672 = arith.index_cast %parallel_loop3A_671 : i32 to index
        %parallel_loop3A_673 = arith.index_cast %parallel_loop3A_621 : i32 to index
        %parallel_loop3A_674 = arith.constant 48 : index
        %parallel_loop3A_675 = tpu.vector_load %arg7[%parallel_loop3A_672, %parallel_loop3A_673, %parallel_loop3A_674] {strides = array<i32>} : memref<5x128x128xf32, #tpu.memory_space<vmem>>, vector<1x1x16xf32>,
        %parallel_loop3A_676 = vector.shape_cast %parallel_loop3A_675 : vector<1x1x16xf32> to vector<16xf32>
        %parallel_loop3A_677 = vector.shape_cast %parallel_loop3A_670 : vector<16xf32> to vector<1x1x16xf32>
        tpu.vector_store %arg7[%parallel_loop3A_672, %parallel_loop3A_673, %parallel_loop3A_674], %parallel_loop3A_677 {add = true, strides = array<i32>} : memref<5x128x128xf32, #tpu.memory_space<vmem>>, vector<1x1x16xf32>,
        %parallel_loop3A_678 = arith.constant 64 : i32
        %parallel_loop3A_679 = arith.addi %parallel_loop3A_629, %parallel_loop3A_678 : i32
        %parallel_loop3A_680 = arith.index_cast %parallel_loop3A_679 : i32 to index
        %parallel_loop3A_681 = tpu.vector_load %arg8[%parallel_loop3A_680] {strides = array<i32>} : memref<25600xf32, #tpu.memory_space<vmem>>, vector<16xf32>,
        %parallel_loop3A_682 = vector.shape_cast %parallel_loop3A_681 : vector<16xf32> to vector<16xf32>
        %parallel_loop3A_683 = arith.constant 3 : i32
        %parallel_loop3A_684 = arith.index_cast %parallel_loop3A_683 : i32 to index
        %parallel_loop3A_685 = arith.index_cast %parallel_loop3A_621 : i32 to index
        %parallel_loop3A_686 = arith.constant 64 : index
        %parallel_loop3A_687 = tpu.vector_load %arg7[%parallel_loop3A_684, %parallel_loop3A_685, %parallel_loop3A_686] {strides = array<i32>} : memref<5x128x128xf32, #tpu.memory_space<vmem>>, vector<1x1x16xf32>,
        %parallel_loop3A_688 = vector.shape_cast %parallel_loop3A_687 : vector<1x1x16xf32> to vector<16xf32>
        %parallel_loop3A_689 = vector.shape_cast %parallel_loop3A_682 : vector<16xf32> to vector<1x1x16xf32>
        tpu.vector_store %arg7[%parallel_loop3A_684, %parallel_loop3A_685, %parallel_loop3A_686], %parallel_loop3A_689 {add = true, strides = array<i32>} : memref<5x128x128xf32, #tpu.memory_space<vmem>>, vector<1x1x16xf32>,
        %parallel_loop3A_690 = arith.constant 80 : i32
        %parallel_loop3A_691 = arith.addi %parallel_loop3A_629, %parallel_loop3A_690 : i32
        %parallel_loop3A_692 = arith.index_cast %parallel_loop3A_691 : i32 to index
        %parallel_loop3A_693 = tpu.vector_load %arg8[%parallel_loop3A_692] {strides = array<i32>} : memref<25600xf32, #tpu.memory_space<vmem>>, vector<16xf32>,
        %parallel_loop3A_694 = vector.shape_cast %parallel_loop3A_693 : vector<16xf32> to vector<16xf32>
        %parallel_loop3A_695 = arith.constant 3 : i32
        %parallel_loop3A_696 = arith.index_cast %parallel_loop3A_695 : i32 to index
        %parallel_loop3A_697 = arith.index_cast %parallel_loop3A_621 : i32 to index
        %parallel_loop3A_698 = arith.constant 80 : index
        %parallel_loop3A_699 = tpu.vector_load %arg7[%parallel_loop3A_696, %parallel_loop3A_697, %parallel_loop3A_698] {strides = array<i32>} : memref<5x128x128xf32, #tpu.memory_space<vmem>>, vector<1x1x16xf32>,
        %parallel_loop3A_700 = vector.shape_cast %parallel_loop3A_699 : vector<1x1x16xf32> to vector<16xf32>
        %parallel_loop3A_701 = vector.shape_cast %parallel_loop3A_694 : vector<16xf32> to vector<1x1x16xf32>
        tpu.vector_store %arg7[%parallel_loop3A_696, %parallel_loop3A_697, %parallel_loop3A_698], %parallel_loop3A_701 {add = true, strides = array<i32>} : memref<5x128x128xf32, #tpu.memory_space<vmem>>, vector<1x1x16xf32>,
        %parallel_loop3A_702 = arith.constant 96 : i32
        %parallel_loop3A_703 = arith.addi %parallel_loop3A_629, %parallel_loop3A_702 : i32
        %parallel_loop3A_704 = arith.index_cast %parallel_loop3A_703 : i32 to index
        %parallel_loop3A_705 = tpu.vector_load %arg8[%parallel_loop3A_704] {strides = array<i32>} : memref<25600xf32, #tpu.memory_space<vmem>>, vector<16xf32>,
        %parallel_loop3A_706 = vector.shape_cast %parallel_loop3A_705 : vector<16xf32> to vector<16xf32>
        %parallel_loop3A_707 = arith.constant 3 : i32
        %parallel_loop3A_708 = arith.index_cast %parallel_loop3A_707 : i32 to index
        %parallel_loop3A_709 = arith.index_cast %parallel_loop3A_621 : i32 to index
        %parallel_loop3A_710 = arith.constant 96 : index
        %parallel_loop3A_711 = tpu.vector_load %arg7[%parallel_loop3A_708, %parallel_loop3A_709, %parallel_loop3A_710] {strides = array<i32>} : memref<5x128x128xf32, #tpu.memory_space<vmem>>, vector<1x1x16xf32>,
        %parallel_loop3A_712 = vector.shape_cast %parallel_loop3A_711 : vector<1x1x16xf32> to vector<16xf32>
        %parallel_loop3A_713 = vector.shape_cast %parallel_loop3A_706 : vector<16xf32> to vector<1x1x16xf32>
        tpu.vector_store %arg7[%parallel_loop3A_708, %parallel_loop3A_709, %parallel_loop3A_710], %parallel_loop3A_713 {add = true, strides = array<i32>} : memref<5x128x128xf32, #tpu.memory_space<vmem>>, vector<1x1x16xf32>,
        %parallel_loop3A_714 = arith.constant 112 : i32
        %parallel_loop3A_715 = arith.addi %parallel_loop3A_629, %parallel_loop3A_714 : i32
        %parallel_loop3A_716 = arith.index_cast %parallel_loop3A_715 : i32 to index
        %parallel_loop3A_717 = tpu.vector_load %arg8[%parallel_loop3A_716] {strides = array<i32>} : memref<25600xf32, #tpu.memory_space<vmem>>, vector<16xf32>,
        %parallel_loop3A_718 = vector.shape_cast %parallel_loop3A_717 : vector<16xf32> to vector<16xf32>
        %parallel_loop3A_719 = arith.constant 3 : i32
        %parallel_loop3A_720 = arith.index_cast %parallel_loop3A_719 : i32 to index
        %parallel_loop3A_721 = arith.index_cast %parallel_loop3A_621 : i32 to index
        %parallel_loop3A_722 = arith.constant 112 : index
        %parallel_loop3A_723 = tpu.vector_load %arg7[%parallel_loop3A_720, %parallel_loop3A_721, %parallel_loop3A_722] {strides = array<i32>} : memref<5x128x128xf32, #tpu.memory_space<vmem>>, vector<1x1x16xf32>,
        %parallel_loop3A_724 = vector.shape_cast %parallel_loop3A_723 : vector<1x1x16xf32> to vector<16xf32>
        %parallel_loop3A_725 = vector.shape_cast %parallel_loop3A_718 : vector<16xf32> to vector<1x1x16xf32>
        tpu.vector_store %arg7[%parallel_loop3A_720, %parallel_loop3A_721, %parallel_loop3A_722], %parallel_loop3A_725 {add = true, strides = array<i32>} : memref<5x128x128xf32, #tpu.memory_space<vmem>>, vector<1x1x16xf32>,
      } {sc.loop_unroll_factor = 4 : i64, sc.parallel_access}
      %mul3A_525 = arith.constant 128 : i32
      %mul3A_526 = arith.muli %add3A_510, %mul3A_525 : i32
      %add3A_527 = arith.addi %mul3A_8, %mul3A_526 : i32
      %multiple_of3A_528 = tpu.assume_multiple %add3A_527, 8 : i32
      %dma_start3A_529 = arith.constant 3 : i32
      %dma_start3A_530 = arith.constant 0 : i32
      %dma_start3A_531 = arith.constant 0 : i32
      %dma_start3A_532 = tpu.memref_slice %arg7[%dma_start3A_529, %dma_start3A_530, %dma_start3A_531] : memref<5x128x128xf32, #tpu.memory_space<vmem>> -> memref<1x128x128xf32, #tpu.memory_space<vmem>>
      %dma_start3A_533 = tpu.memref_squeeze %dma_start3A_532 : memref<1x128x128xf32, #tpu.memory_space<vmem>> -> memref<128x128xf32, #tpu.memory_space<vmem>>
      %dma_start3A_534 = arith.constant 0 : i32
      %dma_start3A_535 = tpu.memref_slice %arg5[%multiple_of3A_528, %dma_start3A_534] : memref<204800x128xf32, #tpu.memory_space<hbm>> -> memref<128x128xf32, #tpu.memory_space<hbm>>
      %dma_start3A_536 = arith.constant 0 : i32
      %dma_start3A_537 = tpu.memref_slice %arg5[%multiple_of3A_528, %dma_start3A_536] : memref<204800x128xf32, #tpu.memory_space<hbm>> -> memref<128x128xf32, #tpu.memory_space<hbm>>
      %dma_start3A_538 = arith.constant 0 : i32
      %dma_start3A_539 = arith.constant 0 : i32
      %dma_start3A_540 = tpu.memref_slice %arg7[%dma_start3A_529, %dma_start3A_538, %dma_start3A_539] : memref<5x128x128xf32, #tpu.memory_space<vmem>> -> memref<1x128x128xf32, #tpu.memory_space<vmem>>
      %dma_start3A_541 = tpu.memref_squeeze %dma_start3A_540 : memref<1x128x128xf32, #tpu.memory_space<vmem>> -> memref<128x128xf32, #tpu.memory_space<vmem>>
      tpu.enqueue_dma source(%dma_start3A_541 : memref<128x128xf32, #tpu.memory_space<vmem>>) target(%dma_start3A_537 : memref<128x128xf32, #tpu.memory_space<hbm>>) target_semaphore(%arg17 : memref<!tpu.dma_semaphore, #tpu.memory_space<semaphore_mem>>)
      %add3A_542 = arith.constant 0 : i32
      %add3A_543 = arith.addi %mul3A_8, %add3A_542 : i32
      %multiple_of3A_544 = tpu.assume_multiple %add3A_543, 8 : i32
      %dma_wait3A_545 = arith.constant 2 : i32
      %dma_wait3A_546 = arith.constant 0 : i32
      %dma_wait3A_547 = arith.constant 0 : i32
      %dma_wait3A_548 = tpu.memref_slice %arg7[%dma_wait3A_545, %dma_wait3A_546, %dma_wait3A_547] : memref<5x128x128xf32, #tpu.memory_space<vmem>> -> memref<1x128x128xf32, #tpu.memory_space<vmem>>
      %dma_wait3A_549 = tpu.memref_squeeze %dma_wait3A_548 : memref<1x128x128xf32, #tpu.memory_space<vmem>> -> memref<128x128xf32, #tpu.memory_space<vmem>>
      %dma_wait3A_550 = arith.constant 0 : i32
      %dma_wait3A_551 = tpu.memref_slice %arg5[%multiple_of3A_544, %dma_wait3A_550] : memref<204800x128xf32, #tpu.memory_space<hbm>> -> memref<128x128xf32, #tpu.memory_space<hbm>>
      %dma_wait3A_552 = arith.constant 0 : i32
      %dma_wait3A_553 = tpu.memref_slice %arg5[%multiple_of3A_544, %dma_wait3A_552] : memref<204800x128xf32, #tpu.memory_space<hbm>> -> memref<128x128xf32, #tpu.memory_space<hbm>>
      %dma_wait3A_554 = arith.constant 0 : i32
      %dma_wait3A_555 = arith.constant 0 : i32
      %dma_wait3A_556 = tpu.memref_slice %arg7[%dma_wait3A_545, %dma_wait3A_554, %dma_wait3A_555] : memref<5x128x128xf32, #tpu.memory_space<vmem>> -> memref<1x128x128xf32, #tpu.memory_space<vmem>>
      %dma_wait3A_557 = tpu.memref_squeeze %dma_wait3A_556 : memref<1x128x128xf32, #tpu.memory_space<vmem>> -> memref<128x128xf32, #tpu.memory_space<vmem>>
      tpu.wait_dma2 semaphore(%arg16 : memref<!tpu.dma_semaphore, #tpu.memory_space<semaphore_mem>>) src(%dma_wait3A_557 : memref<128x128xf32, #tpu.memory_space<vmem>>) dst(%dma_wait3A_553 : memref<128x128xf32, #tpu.memory_space<hbm>>)
      %add3A_558 = arith.constant 4 : i32
      %add3A_559 = arith.addi %add3A_510, %add3A_558 : i32
      %lt3A_560 = arith.constant 50 : i32
      %lt3A_561 = arith.cmpi slt, %add3A_559, %lt3A_560 : i32
      %convert_element_type3A_562 = arith.extui %lt3A_561 : i1 to i32
      %cond3A_563 = arith.constant 0 : i32
      %cond3A_564 = arith.cmpi ne, %convert_element_type3A_562, %cond3A_563 : i32
      scf.if %cond3A_564 {
        %mul3A_621 = arith.constant 128 : i32
        %mul3A_622 = arith.muli %add3A_559, %mul3A_621 : i32
        %multiple_of3A_623 = tpu.assume_multiple %mul3A_622, 8 : i32
        %dma_start3A_624 = arith.constant 2 : i32
        %dma_start3A_625 = arith.constant 0 : i32
        %dma_start3A_626 = arith.constant 0 : i32
        %dma_start3A_627 = tpu.memref_slice %arg7[%dma_start3A_624, %dma_start3A_625, %dma_start3A_626] : memref<5x128x128xf32, #tpu.memory_space<vmem>> -> memref<1x128x128xf32, #tpu.memory_space<vmem>>
        %dma_start3A_628 = tpu.memref_squeeze %dma_start3A_627 : memref<1x128x128xf32, #tpu.memory_space<vmem>> -> memref<128x128xf32, #tpu.memory_space<vmem>>
        %dma_start3A_629 = tpu.memref_slice %arg6[%multiple_of3A_623] : memref<6400xi32, #tpu.memory_space<vmem>> -> memref<128xi32, #tpu.memory_space<vmem>>
        %dma_start3A_630 = arith.constant 0 : i32
        %dma_start3A_631 = arith.constant 0 : i32
        %dma_start3A_632 = tpu.memref_slice %arg3[%dma_start3A_630, %dma_start3A_631] : memref<100000x128xf32, #tpu.memory_space<hbm>> -> memref<100000x128xf32, #tpu.memory_space<hbm>>
        tpu.enqueue_indirect_dma source(%dma_start3A_632 : memref<100000x128xf32, #tpu.memory_space<hbm>>) target(%dma_start3A_628 : memref<128x128xf32, #tpu.memory_space<vmem>>) offsets(%dma_start3A_629 : memref<128xi32, #tpu.memory_space<vmem>>) semaphore(%arg11 : memref<!tpu.dma_semaphore, #tpu.memory_space<semaphore_mem>>)
      } else {
      }
      %add3A_565 = arith.constant 4 : i32
      %add3A_566 = arith.addi %add3A_343, %add3A_565 : i32
      %multiple_of3A_567 = arith.constant 0 : i32
      %multiple_of3A_568 = tpu.assume_multiple %multiple_of3A_567, 8 : i32
      %dma_wait3A_569 = arith.constant 4 : i32
      %dma_wait3A_570 = arith.constant 0 : i32
      %dma_wait3A_571 = arith.constant 0 : i32
      %dma_wait3A_572 = tpu.memref_slice %arg7[%dma_wait3A_569, %dma_wait3A_570, %dma_wait3A_571] : memref<5x128x128xf32, #tpu.memory_space<vmem>> -> memref<1x128x128xf32, #tpu.memory_space<vmem>>
      %dma_wait3A_573 = tpu.memref_squeeze %dma_wait3A_572 : memref<1x128x128xf32, #tpu.memory_space<vmem>> -> memref<128x128xf32, #tpu.memory_space<vmem>>
      %dma_wait3A_574 = tpu.memref_slice %arg6[%multiple_of3A_568] : memref<6400xi32, #tpu.memory_space<vmem>> -> memref<128xi32, #tpu.memory_space<vmem>>
      %dma_wait3A_575 = arith.constant 0 : i32
      %dma_wait3A_576 = arith.constant 0 : i32
      %dma_wait3A_577 = tpu.memref_slice %arg3[%dma_wait3A_575, %dma_wait3A_576] : memref<100000x128xf32, #tpu.memory_space<hbm>> -> memref<100000x128xf32, #tpu.memory_space<hbm>>
      tpu.wait_indirect_dma semaphore(%arg13 : memref<!tpu.dma_semaphore, #tpu.memory_space<semaphore_mem>>) src(%dma_wait3A_577 : memref<100000x128xf32, #tpu.memory_space<hbm>>) dst(%dma_wait3A_573 : memref<128x128xf32, #tpu.memory_space<vmem>>)
      %parallel_loop3A_578 = arith.constant 0 : i32
      %parallel_loop3A_579 = arith.constant 128 : i32
      %parallel_loop3A_580 = arith.constant 1 : i32
      scf.for %parallel_loop3A_621 = %parallel_loop3A_578 to %parallel_loop3A_579 step %parallel_loop3A_580  : i32 {
        %parallel_loop3A_622 = arith.constant 128 : i32
        %parallel_loop3A_623 = arith.muli %add3A_566, %parallel_loop3A_622 : i32
        %parallel_loop3A_624 = arith.addi %parallel_loop3A_623, %parallel_loop3A_621 : i32
        %parallel_loop3A_625 = arith.constant 200 : i32
        %parallel_loop3A_626 = arith.remsi %parallel_loop3A_624, %parallel_loop3A_625 : i32
        %parallel_loop3A_627 = arith.constant 128 : i32
        %parallel_loop3A_628 = arith.muli %parallel_loop3A_626, %parallel_loop3A_627 : i32
        %parallel_loop3A_629 = tpu.assume_multiple %parallel_loop3A_628, 16 : i32
        %parallel_loop3A_630 = arith.constant 0 : i32
        %parallel_loop3A_631 = arith.addi %parallel_loop3A_629, %parallel_loop3A_630 : i32
        %parallel_loop3A_632 = arith.index_cast %parallel_loop3A_631 : i32 to index
        %parallel_loop3A_633 = tpu.vector_load %arg8[%parallel_loop3A_632] {strides = array<i32>} : memref<25600xf32, #tpu.memory_space<vmem>>, vector<16xf32>,
        %parallel_loop3A_634 = vector.shape_cast %parallel_loop3A_633 : vector<16xf32> to vector<16xf32>
        %parallel_loop3A_635 = arith.constant 4 : i32
        %parallel_loop3A_636 = arith.index_cast %parallel_loop3A_635 : i32 to index
        %parallel_loop3A_637 = arith.index_cast %parallel_loop3A_621 : i32 to index
        %parallel_loop3A_638 = arith.constant 0 : index
        %parallel_loop3A_639 = tpu.vector_load %arg7[%parallel_loop3A_636, %parallel_loop3A_637, %parallel_loop3A_638] {strides = array<i32>} : memref<5x128x128xf32, #tpu.memory_space<vmem>>, vector<1x1x16xf32>,
        %parallel_loop3A_640 = vector.shape_cast %parallel_loop3A_639 : vector<1x1x16xf32> to vector<16xf32>
        %parallel_loop3A_641 = vector.shape_cast %parallel_loop3A_634 : vector<16xf32> to vector<1x1x16xf32>
        tpu.vector_store %arg7[%parallel_loop3A_636, %parallel_loop3A_637, %parallel_loop3A_638], %parallel_loop3A_641 {add = true, strides = array<i32>} : memref<5x128x128xf32, #tpu.memory_space<vmem>>, vector<1x1x16xf32>,
        %parallel_loop3A_642 = arith.constant 16 : i32
        %parallel_loop3A_643 = arith.addi %parallel_loop3A_629, %parallel_loop3A_642 : i32
        %parallel_loop3A_644 = arith.index_cast %parallel_loop3A_643 : i32 to index
        %parallel_loop3A_645 = tpu.vector_load %arg8[%parallel_loop3A_644] {strides = array<i32>} : memref<25600xf32, #tpu.memory_space<vmem>>, vector<16xf32>,
        %parallel_loop3A_646 = vector.shape_cast %parallel_loop3A_645 : vector<16xf32> to vector<16xf32>
        %parallel_loop3A_647 = arith.constant 4 : i32
        %parallel_loop3A_648 = arith.index_cast %parallel_loop3A_647 : i32 to index
        %parallel_loop3A_649 = arith.index_cast %parallel_loop3A_621 : i32 to index
        %parallel_loop3A_650 = arith.constant 16 : index
        %parallel_loop3A_651 = tpu.vector_load %arg7[%parallel_loop3A_648, %parallel_loop3A_649, %parallel_loop3A_650] {strides = array<i32>} : memref<5x128x128xf32, #tpu.memory_space<vmem>>, vector<1x1x16xf32>,
        %parallel_loop3A_652 = vector.shape_cast %parallel_loop3A_651 : vector<1x1x16xf32> to vector<16xf32>
        %parallel_loop3A_653 = vector.shape_cast %parallel_loop3A_646 : vector<16xf32> to vector<1x1x16xf32>
        tpu.vector_store %arg7[%parallel_loop3A_648, %parallel_loop3A_649, %parallel_loop3A_650], %parallel_loop3A_653 {add = true, strides = array<i32>} : memref<5x128x128xf32, #tpu.memory_space<vmem>>, vector<1x1x16xf32>,
        %parallel_loop3A_654 = arith.constant 32 : i32
        %parallel_loop3A_655 = arith.addi %parallel_loop3A_629, %parallel_loop3A_654 : i32
        %parallel_loop3A_656 = arith.index_cast %parallel_loop3A_655 : i32 to index
        %parallel_loop3A_657 = tpu.vector_load %arg8[%parallel_loop3A_656] {strides = array<i32>} : memref<25600xf32, #tpu.memory_space<vmem>>, vector<16xf32>,
        %parallel_loop3A_658 = vector.shape_cast %parallel_loop3A_657 : vector<16xf32> to vector<16xf32>
        %parallel_loop3A_659 = arith.constant 4 : i32
        %parallel_loop3A_660 = arith.index_cast %parallel_loop3A_659 : i32 to index
        %parallel_loop3A_661 = arith.index_cast %parallel_loop3A_621 : i32 to index
        %parallel_loop3A_662 = arith.constant 32 : index
        %parallel_loop3A_663 = tpu.vector_load %arg7[%parallel_loop3A_660, %parallel_loop3A_661, %parallel_loop3A_662] {strides = array<i32>} : memref<5x128x128xf32, #tpu.memory_space<vmem>>, vector<1x1x16xf32>,
        %parallel_loop3A_664 = vector.shape_cast %parallel_loop3A_663 : vector<1x1x16xf32> to vector<16xf32>
        %parallel_loop3A_665 = vector.shape_cast %parallel_loop3A_658 : vector<16xf32> to vector<1x1x16xf32>
        tpu.vector_store %arg7[%parallel_loop3A_660, %parallel_loop3A_661, %parallel_loop3A_662], %parallel_loop3A_665 {add = true, strides = array<i32>} : memref<5x128x128xf32, #tpu.memory_space<vmem>>, vector<1x1x16xf32>,
        %parallel_loop3A_666 = arith.constant 48 : i32
        %parallel_loop3A_667 = arith.addi %parallel_loop3A_629, %parallel_loop3A_666 : i32
        %parallel_loop3A_668 = arith.index_cast %parallel_loop3A_667 : i32 to index
        %parallel_loop3A_669 = tpu.vector_load %arg8[%parallel_loop3A_668] {strides = array<i32>} : memref<25600xf32, #tpu.memory_space<vmem>>, vector<16xf32>,
        %parallel_loop3A_670 = vector.shape_cast %parallel_loop3A_669 : vector<16xf32> to vector<16xf32>
        %parallel_loop3A_671 = arith.constant 4 : i32
        %parallel_loop3A_672 = arith.index_cast %parallel_loop3A_671 : i32 to index
        %parallel_loop3A_673 = arith.index_cast %parallel_loop3A_621 : i32 to index
        %parallel_loop3A_674 = arith.constant 48 : index
        %parallel_loop3A_675 = tpu.vector_load %arg7[%parallel_loop3A_672, %parallel_loop3A_673, %parallel_loop3A_674] {strides = array<i32>} : memref<5x128x128xf32, #tpu.memory_space<vmem>>, vector<1x1x16xf32>,
        %parallel_loop3A_676 = vector.shape_cast %parallel_loop3A_675 : vector<1x1x16xf32> to vector<16xf32>
        %parallel_loop3A_677 = vector.shape_cast %parallel_loop3A_670 : vector<16xf32> to vector<1x1x16xf32>
        tpu.vector_store %arg7[%parallel_loop3A_672, %parallel_loop3A_673, %parallel_loop3A_674], %parallel_loop3A_677 {add = true, strides = array<i32>} : memref<5x128x128xf32, #tpu.memory_space<vmem>>, vector<1x1x16xf32>,
        %parallel_loop3A_678 = arith.constant 64 : i32
        %parallel_loop3A_679 = arith.addi %parallel_loop3A_629, %parallel_loop3A_678 : i32
        %parallel_loop3A_680 = arith.index_cast %parallel_loop3A_679 : i32 to index
        %parallel_loop3A_681 = tpu.vector_load %arg8[%parallel_loop3A_680] {strides = array<i32>} : memref<25600xf32, #tpu.memory_space<vmem>>, vector<16xf32>,
        %parallel_loop3A_682 = vector.shape_cast %parallel_loop3A_681 : vector<16xf32> to vector<16xf32>
        %parallel_loop3A_683 = arith.constant 4 : i32
        %parallel_loop3A_684 = arith.index_cast %parallel_loop3A_683 : i32 to index
        %parallel_loop3A_685 = arith.index_cast %parallel_loop3A_621 : i32 to index
        %parallel_loop3A_686 = arith.constant 64 : index
        %parallel_loop3A_687 = tpu.vector_load %arg7[%parallel_loop3A_684, %parallel_loop3A_685, %parallel_loop3A_686] {strides = array<i32>} : memref<5x128x128xf32, #tpu.memory_space<vmem>>, vector<1x1x16xf32>,
        %parallel_loop3A_688 = vector.shape_cast %parallel_loop3A_687 : vector<1x1x16xf32> to vector<16xf32>
        %parallel_loop3A_689 = vector.shape_cast %parallel_loop3A_682 : vector<16xf32> to vector<1x1x16xf32>
        tpu.vector_store %arg7[%parallel_loop3A_684, %parallel_loop3A_685, %parallel_loop3A_686], %parallel_loop3A_689 {add = true, strides = array<i32>} : memref<5x128x128xf32, #tpu.memory_space<vmem>>, vector<1x1x16xf32>,
        %parallel_loop3A_690 = arith.constant 80 : i32
        %parallel_loop3A_691 = arith.addi %parallel_loop3A_629, %parallel_loop3A_690 : i32
        %parallel_loop3A_692 = arith.index_cast %parallel_loop3A_691 : i32 to index
        %parallel_loop3A_693 = tpu.vector_load %arg8[%parallel_loop3A_692] {strides = array<i32>} : memref<25600xf32, #tpu.memory_space<vmem>>, vector<16xf32>,
        %parallel_loop3A_694 = vector.shape_cast %parallel_loop3A_693 : vector<16xf32> to vector<16xf32>
        %parallel_loop3A_695 = arith.constant 4 : i32
        %parallel_loop3A_696 = arith.index_cast %parallel_loop3A_695 : i32 to index
        %parallel_loop3A_697 = arith.index_cast %parallel_loop3A_621 : i32 to index
        %parallel_loop3A_698 = arith.constant 80 : index
        %parallel_loop3A_699 = tpu.vector_load %arg7[%parallel_loop3A_696, %parallel_loop3A_697, %parallel_loop3A_698] {strides = array<i32>} : memref<5x128x128xf32, #tpu.memory_space<vmem>>, vector<1x1x16xf32>,
        %parallel_loop3A_700 = vector.shape_cast %parallel_loop3A_699 : vector<1x1x16xf32> to vector<16xf32>
        %parallel_loop3A_701 = vector.shape_cast %parallel_loop3A_694 : vector<16xf32> to vector<1x1x16xf32>
        tpu.vector_store %arg7[%parallel_loop3A_696, %parallel_loop3A_697, %parallel_loop3A_698], %parallel_loop3A_701 {add = true, strides = array<i32>} : memref<5x128x128xf32, #tpu.memory_space<vmem>>, vector<1x1x16xf32>,
        %parallel_loop3A_702 = arith.constant 96 : i32
        %parallel_loop3A_703 = arith.addi %parallel_loop3A_629, %parallel_loop3A_702 : i32
        %parallel_loop3A_704 = arith.index_cast %parallel_loop3A_703 : i32 to index
        %parallel_loop3A_705 = tpu.vector_load %arg8[%parallel_loop3A_704] {strides = array<i32>} : memref<25600xf32, #tpu.memory_space<vmem>>, vector<16xf32>,
        %parallel_loop3A_706 = vector.shape_cast %parallel_loop3A_705 : vector<16xf32> to vector<16xf32>
        %parallel_loop3A_707 = arith.constant 4 : i32
        %parallel_loop3A_708 = arith.index_cast %parallel_loop3A_707 : i32 to index
        %parallel_loop3A_709 = arith.index_cast %parallel_loop3A_621 : i32 to index
        %parallel_loop3A_710 = arith.constant 96 : index
        %parallel_loop3A_711 = tpu.vector_load %arg7[%parallel_loop3A_708, %parallel_loop3A_709, %parallel_loop3A_710] {strides = array<i32>} : memref<5x128x128xf32, #tpu.memory_space<vmem>>, vector<1x1x16xf32>,
        %parallel_loop3A_712 = vector.shape_cast %parallel_loop3A_711 : vector<1x1x16xf32> to vector<16xf32>
        %parallel_loop3A_713 = vector.shape_cast %parallel_loop3A_706 : vector<16xf32> to vector<1x1x16xf32>
        tpu.vector_store %arg7[%parallel_loop3A_708, %parallel_loop3A_709, %parallel_loop3A_710], %parallel_loop3A_713 {add = true, strides = array<i32>} : memref<5x128x128xf32, #tpu.memory_space<vmem>>, vector<1x1x16xf32>,
        %parallel_loop3A_714 = arith.constant 112 : i32
        %parallel_loop3A_715 = arith.addi %parallel_loop3A_629, %parallel_loop3A_714 : i32
        %parallel_loop3A_716 = arith.index_cast %parallel_loop3A_715 : i32 to index
        %parallel_loop3A_717 = tpu.vector_load %arg8[%parallel_loop3A_716] {strides = array<i32>} : memref<25600xf32, #tpu.memory_space<vmem>>, vector<16xf32>,
        %parallel_loop3A_718 = vector.shape_cast %parallel_loop3A_717 : vector<16xf32> to vector<16xf32>
        %parallel_loop3A_719 = arith.constant 4 : i32
        %parallel_loop3A_720 = arith.index_cast %parallel_loop3A_719 : i32 to index
        %parallel_loop3A_721 = arith.index_cast %parallel_loop3A_621 : i32 to index
        %parallel_loop3A_722 = arith.constant 112 : index
        %parallel_loop3A_723 = tpu.vector_load %arg7[%parallel_loop3A_720, %parallel_loop3A_721, %parallel_loop3A_722] {strides = array<i32>} : memref<5x128x128xf32, #tpu.memory_space<vmem>>, vector<1x1x16xf32>,
        %parallel_loop3A_724 = vector.shape_cast %parallel_loop3A_723 : vector<1x1x16xf32> to vector<16xf32>
        %parallel_loop3A_725 = vector.shape_cast %parallel_loop3A_718 : vector<16xf32> to vector<1x1x16xf32>
        tpu.vector_store %arg7[%parallel_loop3A_720, %parallel_loop3A_721, %parallel_loop3A_722], %parallel_loop3A_725 {add = true, strides = array<i32>} : memref<5x128x128xf32, #tpu.memory_space<vmem>>, vector<1x1x16xf32>,
      } {sc.loop_unroll_factor = 4 : i64, sc.parallel_access}
      %mul3A_581 = arith.constant 128 : i32
      %mul3A_582 = arith.muli %add3A_566, %mul3A_581 : i32
      %add3A_583 = arith.addi %mul3A_8, %mul3A_582 : i32
      %multiple_of3A_584 = tpu.assume_multiple %add3A_583, 8 : i32
      %dma_start3A_585 = arith.constant 4 : i32
      %dma_start3A_586 = arith.constant 0 : i32
      %dma_start3A_587 = arith.constant 0 : i32
      %dma_start3A_588 = tpu.memref_slice %arg7[%dma_start3A_585, %dma_start3A_586, %dma_start3A_587] : memref<5x128x128xf32, #tpu.memory_space<vmem>> -> memref<1x128x128xf32, #tpu.memory_space<vmem>>
      %dma_start3A_589 = tpu.memref_squeeze %dma_start3A_588 : memref<1x128x128xf32, #tpu.memory_space<vmem>> -> memref<128x128xf32, #tpu.memory_space<vmem>>
      %dma_start3A_590 = arith.constant 0 : i32
      %dma_start3A_591 = tpu.memref_slice %arg5[%multiple_of3A_584, %dma_start3A_590] : memref<204800x128xf32, #tpu.memory_space<hbm>> -> memref<128x128xf32, #tpu.memory_space<hbm>>
      %dma_start3A_592 = arith.constant 0 : i32
      %dma_start3A_593 = tpu.memref_slice %arg5[%multiple_of3A_584, %dma_start3A_592] : memref<204800x128xf32, #tpu.memory_space<hbm>> -> memref<128x128xf32, #tpu.memory_space<hbm>>
      %dma_start3A_594 = arith.constant 0 : i32
      %dma_start3A_595 = arith.constant 0 : i32
      %dma_start3A_596 = tpu.memref_slice %arg7[%dma_start3A_585, %dma_start3A_594, %dma_start3A_595] : memref<5x128x128xf32, #tpu.memory_space<vmem>> -> memref<1x128x128xf32, #tpu.memory_space<vmem>>
      %dma_start3A_597 = tpu.memref_squeeze %dma_start3A_596 : memref<1x128x128xf32, #tpu.memory_space<vmem>> -> memref<128x128xf32, #tpu.memory_space<vmem>>
      tpu.enqueue_dma source(%dma_start3A_597 : memref<128x128xf32, #tpu.memory_space<vmem>>) target(%dma_start3A_593 : memref<128x128xf32, #tpu.memory_space<hbm>>) target_semaphore(%arg18 : memref<!tpu.dma_semaphore, #tpu.memory_space<semaphore_mem>>)
      %add3A_598 = arith.constant 0 : i32
      %add3A_599 = arith.addi %mul3A_8, %add3A_598 : i32
      %multiple_of3A_600 = tpu.assume_multiple %add3A_599, 8 : i32
      %dma_wait3A_601 = arith.constant 3 : i32
      %dma_wait3A_602 = arith.constant 0 : i32
      %dma_wait3A_603 = arith.constant 0 : i32
      %dma_wait3A_604 = tpu.memref_slice %arg7[%dma_wait3A_601, %dma_wait3A_602, %dma_wait3A_603] : memref<5x128x128xf32, #tpu.memory_space<vmem>> -> memref<1x128x128xf32, #tpu.memory_space<vmem>>
      %dma_wait3A_605 = tpu.memref_squeeze %dma_wait3A_604 : memref<1x128x128xf32, #tpu.memory_space<vmem>> -> memref<128x128xf32, #tpu.memory_space<vmem>>
      %dma_wait3A_606 = arith.constant 0 : i32
      %dma_wait3A_607 = tpu.memref_slice %arg5[%multiple_of3A_600, %dma_wait3A_606] : memref<204800x128xf32, #tpu.memory_space<hbm>> -> memref<128x128xf32, #tpu.memory_space<hbm>>
      %dma_wait3A_608 = arith.constant 0 : i32
      %dma_wait3A_609 = tpu.memref_slice %arg5[%multiple_of3A_600, %dma_wait3A_608] : memref<204800x128xf32, #tpu.memory_space<hbm>> -> memref<128x128xf32, #tpu.memory_space<hbm>>
      %dma_wait3A_610 = arith.constant 0 : i32
      %dma_wait3A_611 = arith.constant 0 : i32
      %dma_wait3A_612 = tpu.memref_slice %arg7[%dma_wait3A_601, %dma_wait3A_610, %dma_wait3A_611] : memref<5x128x128xf32, #tpu.memory_space<vmem>> -> memref<1x128x128xf32, #tpu.memory_space<vmem>>
      %dma_wait3A_613 = tpu.memref_squeeze %dma_wait3A_612 : memref<1x128x128xf32, #tpu.memory_space<vmem>> -> memref<128x128xf32, #tpu.memory_space<vmem>>
      tpu.wait_dma2 semaphore(%arg17 : memref<!tpu.dma_semaphore, #tpu.memory_space<semaphore_mem>>) src(%dma_wait3A_613 : memref<128x128xf32, #tpu.memory_space<vmem>>) dst(%dma_wait3A_609 : memref<128x128xf32, #tpu.memory_space<hbm>>)
      %add3A_614 = arith.constant 4 : i32
      %add3A_615 = arith.addi %add3A_566, %add3A_614 : i32
      %lt3A_616 = arith.constant 50 : i32
      %lt3A_617 = arith.cmpi slt, %add3A_615, %lt3A_616 : i32
      %convert_element_type3A_618 = arith.extui %lt3A_617 : i1 to i32
      %cond3A_619 = arith.constant 0 : i32
      %cond3A_620 = arith.cmpi ne, %convert_element_type3A_618, %cond3A_619 : i32
      scf.if %cond3A_620 {
        %mul3A_621 = arith.constant 128 : i32
        %mul3A_622 = arith.muli %add3A_615, %mul3A_621 : i32
        %multiple_of3A_623 = tpu.assume_multiple %mul3A_622, 8 : i32
        %dma_start3A_624 = arith.constant 3 : i32
        %dma_start3A_625 = arith.constant 0 : i32
        %dma_start3A_626 = arith.constant 0 : i32
        %dma_start3A_627 = tpu.memref_slice %arg7[%dma_start3A_624, %dma_start3A_625, %dma_start3A_626] : memref<5x128x128xf32, #tpu.memory_space<vmem>> -> memref<1x128x128xf32, #tpu.memory_space<vmem>>
        %dma_start3A_628 = tpu.memref_squeeze %dma_start3A_627 : memref<1x128x128xf32, #tpu.memory_space<vmem>> -> memref<128x128xf32, #tpu.memory_space<vmem>>
        %dma_start3A_629 = tpu.memref_slice %arg6[%multiple_of3A_623] : memref<6400xi32, #tpu.memory_space<vmem>> -> memref<128xi32, #tpu.memory_space<vmem>>
        %dma_start3A_630 = arith.constant 0 : i32
        %dma_start3A_631 = arith.constant 0 : i32
        %dma_start3A_632 = tpu.memref_slice %arg3[%dma_start3A_630, %dma_start3A_631] : memref<100000x128xf32, #tpu.memory_space<hbm>> -> memref<100000x128xf32, #tpu.memory_space<hbm>>
        tpu.enqueue_indirect_dma source(%dma_start3A_632 : memref<100000x128xf32, #tpu.memory_space<hbm>>) target(%dma_start3A_628 : memref<128x128xf32, #tpu.memory_space<vmem>>) offsets(%dma_start3A_629 : memref<128xi32, #tpu.memory_space<vmem>>) semaphore(%arg12 : memref<!tpu.dma_semaphore, #tpu.memory_space<semaphore_mem>>)
      } else {
      }
    }
    %scan3A_322 = arith.constant 9 : i32
    %add3A_323 = arith.constant 0 : i32
    %add3A_324 = arith.addi %mul3A_8, %add3A_323 : i32
    %multiple_of3A_325 = tpu.assume_multiple %add3A_324, 8 : i32
    %dma_wait3A_326 = arith.constant 4 : i32
    %dma_wait3A_327 = arith.constant 0 : i32
    %dma_wait3A_328 = arith.constant 0 : i32
    %dma_wait3A_329 = tpu.memref_slice %arg7[%dma_wait3A_326, %dma_wait3A_327, %dma_wait3A_328] : memref<5x128x128xf32, #tpu.memory_space<vmem>> -> memref<1x128x128xf32, #tpu.memory_space<vmem>>
    %dma_wait3A_330 = tpu.memref_squeeze %dma_wait3A_329 : memref<1x128x128xf32, #tpu.memory_space<vmem>> -> memref<128x128xf32, #tpu.memory_space<vmem>>
    %dma_wait3A_331 = arith.constant 0 : i32
    %dma_wait3A_332 = tpu.memref_slice %arg5[%multiple_of3A_325, %dma_wait3A_331] : memref<204800x128xf32, #tpu.memory_space<hbm>> -> memref<128x128xf32, #tpu.memory_space<hbm>>
    %dma_wait3A_333 = arith.constant 0 : i32
    %dma_wait3A_334 = tpu.memref_slice %arg5[%multiple_of3A_325, %dma_wait3A_333] : memref<204800x128xf32, #tpu.memory_space<hbm>> -> memref<128x128xf32, #tpu.memory_space<hbm>>
    %dma_wait3A_335 = arith.constant 0 : i32
    %dma_wait3A_336 = arith.constant 0 : i32
    %dma_wait3A_337 = tpu.memref_slice %arg7[%dma_wait3A_326, %dma_wait3A_335, %dma_wait3A_336] : memref<5x128x128xf32, #tpu.memory_space<vmem>> -> memref<1x128x128xf32, #tpu.memory_space<vmem>>
    %dma_wait3A_338 = tpu.memref_squeeze %dma_wait3A_337 : memref<1x128x128xf32, #tpu.memory_space<vmem>> -> memref<128x128xf32, #tpu.memory_space<vmem>>
    tpu.wait_dma2 semaphore(%arg18 : memref<!tpu.dma_semaphore, #tpu.memory_space<semaphore_mem>>) src(%dma_wait3A_338 : memref<128x128xf32, #tpu.memory_space<vmem>>) dst(%dma_wait3A_334 : memref<128x128xf32, #tpu.memory_space<hbm>>)
    return
  }
}

</mosaic_0001>

<sc_bundles>
// kernel: kernel.3.cloned.1.call-start
scs
__scs_entry_jumppad:
0x0: {  	(pc) =	sbr.rel $0x88, $3  }
0x1: {  	(tag) =	ssettag $0x0;
	lr =	simm.s32 $0x1  }
0x2: {  	[smem:$0x3F9F] =	sst lr;
	_ =	strace $0xD0000000  }
0x3: {  	_ = 	snop  }
0x4: {  	_ = 	snop  }
0x5: {  	_ = 	snop  }
0x6: {  	_ = 	snop  }
0x7: {  	_ = 	snop  }
__scs_overlays_trampoline_lowered:
0x8: {  	[smem:$0x3FAE] =	sst s0  }
0x9: {  	[smem:$0x3FAF] =	sst s1  }
0xa: {  	[smem:$0x3FB0] =	sst s2  }
0xb: {  	[smem:$0x3FB1] =	sst s3  }
0xc: {  	[smem:$0x3FB2] =	sst s4  }
0xd: {  	[smem:$0x3FB3] =	sst s5  }
0xe: {  	[smem:$0x3FB4] =	sst s6  }
0xf: {  	[smem:$0x3FB5] =	sst s7  }
0x10: {  	[smem:$0x3FB6] =	sst s8  }
0x11: {  	[smem:$0x3FB7] =	sst s9;
	s0 =	simm.s32 @!p0 $0x0  }
0x12: {  	s1 =	sld [smem:$0x3F9D];
	s0 =	simm.s32 @p0 $0x1  }
0x13: {  	[smem:$0x3FB8] =	sst s0;
	s0 =	simm.s32 @!p1 $0x0  }
0x14: {  	s2 =	sld [smem:$0x3F9C];
	s0 =	simm.s32 @p1 $0x1  }
0x15: {  	[smem:$0x3FB9] =	sst s0;
	s0 =	simm.s32 @!p2 $0x0  }
0x16: {  	s3 =	sld [smem:$0x3FDB];
	s0 =	simm.s32 @p2 $0x1  }
0x17: {  	s4 =	simm.s32 $0x1BF5;
	[smem:$0x3FBB] =	sst s0  }
0x18: {  	s0 =	sld [smem:$0x3F9E];
	_ =	swait.ge [sflag:s4], $0x0  }
0x19: {  	s7 =	sld [smem:$0x3F9F]  }
0x1a: {  	s8 =	sadd.s32 $0xFFFFE003, lr  }
0x1b: {  	s9 =	sadd.s32 $0xFFFFFEF7, lr;
	s5 =	simm.s32 $0xFFFFFFFF;
	p2 =	slt.u32 s8, $0xFFFFF086  }
0x1c: {  	p1 =	slt.u32 s9, $0xF7A;
	s5 =	simm.s32 @!p2 $0x0  }
0x1d: {  	s5 =	simm.s32 @p1 $0x1;
	p0 =	seq.s32 s7, s2  }
0x1e: {  	s7 =	smul.u32 @!p0 $0xF7A, s2;
	p2 =	seq.s32 @!p0 s5, $0x0  }
0x1f: {  	s9 =	smul.u32 $0xF7A, s1;
	s8 =	simm.s32 @!p0 $0x1BF5;
	p2 =	por !p2, p0  }
0x20: {  	[sflag:s8] =	ssyncset.s32 @!p0 $0xFFFFF086;
	s6 =	sadd.s32 @!p0 s3, s7;
	s7 =	simm.s32 @!p0 $0x108  }
0x21: {  	s3 =	sadd.s32 s3, s9;
	s6 =	sadd.s32 @!p0 $0x88, s6;
	s7 =	simm.s32 @p2 $0x1082  }
0x22: {  	[simem:s7], [sflag:s8] =	dma.local @!p0 [hbm:s6], $0xF7A  }
0x23: {  	s9 =	sor.u32 $0xD0000000, s2;
	s6 =	simm.s32 $0x108;
	_ =	swait.ge @!p0 [sflag:s8], $0x0  }
0x24: {  	s3 =	sadd.s32 $0x88, s3;
	s6 =	simm.s32 @!p1 $0x1082;
	[sflag:s4] =	ssyncset.s32 $0xFFFFF086  }
0x25: {  	[simem:s6], [sflag:s4] =	dma.local [hbm:s3], $0xF7A  }
0x26: {  	[smem:$0x3F9F] =	sst s1;
	(tag) =	ssettag s2;
	_ =	strace s9  }
0x27: {  	s1 =	sld [smem:$0x3FAF]  }
0x28: {  	s2 =	sld [smem:$0x3FB0]  }
0x29: {  	s4 =	sld [smem:$0x3FB2]  }
0x2a: {  	p0 =	seq.s32 s5, $0x0;
	s5 =	sld [smem:$0x3FB3]  }
0x2b: {  	s6 =	sld [smem:$0x3FB4]  }
0x2c: {  	s7 =	sld [smem:$0x3FB5]  }
0x2d: {  	s3 =	simm.s32 $0x108;
	s8 =	sld [smem:$0x3FB6]  }
0x2e: {  	s3 =	simm.s32 @!p0 $0x1082;
	s9 =	sld [smem:$0x3FB7]  }
0x2f: {  	lr =	sadd.s32 s0, s3;
	s0 =	sld [smem:$0x3FAE]  }
0x30: {  	s3 =	sld [smem:$0x3FB1]  }
0x31: {  	[smem:$0x3FBA] =	sst s10  }
0x32: {  	s10 =	sld [smem:$0x3FB8];
	_ =	sdelay $0x3  }
0x33: {  	p0 =	seq.s32 s10, $0x1;
	s10 =	sld [smem:$0x3FBA];
	_ =	sdelay $0x3  }
0x34: {  	[smem:$0x3FBA] =	sst s10  }
0x35: {  	s10 =	sld [smem:$0x3FB9];
	_ =	sdelay $0x3  }
0x36: {  	p1 =	seq.s32 s10, $0x1;
	s10 =	sld [smem:$0x3FBA];
	_ =	sdelay $0x3  }
0x37: {  	[smem:$0x3FBA] =	sst s10  }
0x38: {  	s10 =	sld [smem:$0x3FBB]  }
0x39: {  	_ = 	snop;
	(pc) =	sbr.ind lr, $3  }
0x3a: {  	_ = 	snop  }
0x3b: {  	_ = 	snop  }
0x3c: {  	p2 =	seq.s32 s10, $0x1;
	s10 =	sld [smem:$0x3FBA]  }
0x3d: {  	_ =	shalt  }
0x3e: {  	_ =	shalt  }
0x3f: {  	_ =	shalt  }
0x40: {  	_ =	shalt  }
0x41: {  	_ =	shalt  }
0x42: {  	_ =	shalt  }
0x43: {  	_ =	shalt  }
0x44: {  	_ =	shalt  }
0x45: {  	_ =	shalt  }
0x46: {  	_ =	shalt  }
0x47: {  	_ =	shalt  }
0x48: {  	_ =	shalt  }
0x49: {  	_ =	shalt  }
0x4a: {  	_ =	shalt  }
0x4b: {  	_ =	shalt  }
0x4c: {  	_ =	shalt  }
0x4d: {  	_ =	shalt  }
0x4e: {  	_ =	shalt  }
0x4f: {  	_ =	shalt  }
0x50: {  	_ =	shalt  }
0x51: {  	_ =	shalt  }
0x52: {  	_ =	shalt  }
0x53: {  	_ =	shalt  }
0x54: {  	_ =	shalt  }
0x55: {  	_ =	shalt  }
0x56: {  	_ =	shalt  }
0x57: {  	_ =	shalt  }
0x58: {  	_ =	shalt  }
0x59: {  	_ =	shalt  }
0x5a: {  	_ =	shalt  }
0x5b: {  	_ =	shalt  }
0x5c: {  	_ =	shalt  }
0x5d: {  	_ =	shalt  }
0x5e: {  	_ =	shalt  }
0x5f: {  	_ =	shalt  }
0x60: {  	_ =	shalt  }
0x61: {  	_ =	shalt  }
0x62: {  	_ =	shalt  }
0x63: {  	_ =	shalt  }
0x64: {  	_ =	shalt  }
0x65: {  	_ =	shalt  }
0x66: {  	_ =	shalt  }
0x67: {  	_ =	shalt  }
0x68: {  	_ =	shalt  }
0x69: {  	_ =	shalt  }
0x6a: {  	_ =	shalt  }
0x6b: {  	_ =	shalt  }
0x6c: {  	_ =	shalt  }
0x6d: {  	_ =	shalt  }
0x6e: {  	_ =	shalt  }
0x6f: {  	_ =	shalt  }
0x70: {  	_ =	shalt  }
0x71: {  	_ =	shalt  }
0x72: {  	_ =	shalt  }
0x73: {  	_ =	shalt  }
0x74: {  	_ =	shalt  }
0x75: {  	_ =	shalt  }
0x76: {  	_ =	shalt  }
0x77: {  	_ =	shalt  }
0x78: {  	_ =	shalt  }
0x79: {  	_ =	shalt  }
0x7a: {  	_ =	shalt  }
0x7b: {  	_ =	shalt  }
0x7c: {  	_ =	shalt  }
0x7d: {  	_ =	shalt  }
0x7e: {  	_ =	shalt  }
0x7f: {  	_ =	shalt  }
0x80: {  	_ =	shalt  }
0x81: {  	_ =	shalt  }
0x82: {  	_ =	shalt  }
0x83: {  	_ =	shalt  }
0x84: {  	_ =	shalt  }
0x85: {  	_ =	shalt  }
0x86: {  	_ =	shalt  }
0x87: {  	_ =	shalt  }
.Lfunc_end0:
.L_simem_size_0:
called_computation_lowered:
.L_overlay_start_0:
0x88: {  	s2 =	sld [smem:$0x3FD9]  }
0x89: {  	s3 =	sld [smem:$0x3FFE];
	_ =	sdelay $0x1  }
0x8a: {  	s1 =	srdreg.scid  }
0x8b: {  	s0 =	sand.u32 $0x1, s1  }
0x8c: {  	s17 =	sshll.u32 s0, $0xA;
	s2 =	sadd.s32 s3, s2  }
0x8d: {  	s2 =	sadd.s32 s2, s17  }
0x8e: {  	[smem:$0x3FC6] =	sst s2  }
0x8f: {  	_ = 	snop  }
0x90: {  	s2 =	sld [smem:$0x3FC8]  }
0x91: {  	s18 =	sld [smem:$0x3FD0];
	(tm) =	ssettm $0x1  }
0x92: {  	s4 =	sld [smem:$0x3FFB];
	_ =	sdelay $0x3  }
0x93: {  	_ =	strace s4  }
0x94: {  	s4 =	sld [smem:$0x3FFC];
	_ =	sdelay $0x3  }
0x95: {  	_ =	strace s4  }
0x96: {  	s4 =	sld [smem:$0x3FFD];
	_ =	sdelay $0x3  }
0x97: {  	_ =	strace s4  }
0x98: {  	_ =	strace $0x8FFFFFFF  }
0x99: {  	s19 =	sld [smem:$0x3FDB];
	_ =	sdelay $0x1  }
0x9a: {  	s5 =	simm.s32 $_scs_section_size  }
0x9b: {  	s6 =	simm.s32 $_size__tile_overlayer_lowered;
	s7 =	simm.s32 $_tile_overlayer_lowered  }
0x9c: {  	s22 =	simm.s32 $0x1BFF;
	s21 =	sshll.u32 s7, $0x1;
	s4 =	sadd.s32 s5, s19  }
0x9d: {  	s8 =	simm.s32 $0x0;
	s20 =	sshll.u32 s6, $0x1;
	s6 =	sadd.s32 s21, s4  }
0x9e: {  	[timem:s8], [sflag:s22] =	dma.local [hbm:s6], s20  }
0x9f: {  	_ =	swait.ge [sflag:s22], s20  }
0xa0: {  	s5 =	ssub.s32 $0x0, s20;
	[sflag:s22] =	ssyncset.done $0x0  }
0xa1: {  	[sflag:s22] =	ssyncadd.s32 s5;
	_ =	sdelay $0x1  }
0xa2: {  	s23 =	simm.s32 $0x1B8B  }
0xa3: {  	_ =	swait.ge [sflag:s23], $0x1  }
0xa4: {  	[sflag:s23] =	ssyncset.done $0x0  }
0xa5: {  	s25 =	simm.s32 $0x1B8E;
	s24 =	sld [smem:$0x3FFE];
	[sflag:s23] =	ssyncadd.s32 $0xFFFFFFFF  }
0xa6: {  	s26 =	simm.s32 $execute0_lowered;
	[smem:$0x3FD2] =	sst s25  }
0xa7: {  	s6 =	sshll.u32 s26, $0x1;
	_ =	strace $0x80000046;
	[dreg:$0x1] =	wrdreg $0xFFFFFFFF  }
0xa8: {  	s28 =	simm.s32 $_size_execute0_lowered;
	s4 =	sadd.s32 s4, s6;
	[dreg:$0x0] =	wrdreg $0x0  }
0xa9: {  	s6 =	sshll.u32 s28, $0x1;
	[dreg:$0x2] =	wrdreg s4  }
0xaa: {  	[dreg:$0x3] =	wrdreg s6  }
0xab: {  	[dreg:$0x4] =	wrdreg $0xC0  }
0xac: {  	_ =	task [dreg:s8], $0x5FFFF  }
0xad: {  	[dreg:$0x1] =	wrdreg $0xFFFFFFFF  }
0xae: {  	[dreg:$0x0] =	wrdreg $0x60  }
0xaf: {  	[dreg:$0x2] =	wrdreg s24  }
0xb0: {  	[dreg:$0x3] =	wrdreg s2  }
0xb1: {  	[dreg:$0x4] =	wrdreg s18  }
0xb2: {  	[dreg:$0x5] =	wrdreg $0x9  }
0xb3: {  	_ =	task.clear_ibuf [dreg:s8], $0x6FFFF;
	_ =	strace $0x90000046  }
0xb4: {  	s29 =	simm.s32 $0x9;
	_ =	strace $0x80000048  }
0xb5: {  	_ =	swait.ge [sflag:s29], $0x1  }
0xb6: {  	[sflag:s29] =	ssyncadd.s32 $0xFFFFFFFF  }
0xb7: {  	_ =	strace $0x90000048  }
0xb8: {  	_ =	sfence  }
0xb9: {  	s30 =	sld [smem:$0x0];
	_ =	sdelay $0x2  }
0xba: {  	s31 =	sshll.u32 s1, $0xD;
	s1 =	sshrl.u32 s1, $0x2  }
0xbb: {  	s3 =	sand.u32 $0x4000, s31;
	s1 =	sadd.s32 s1, s30  }
0xbc: {  	s0 =	sor.u32 s3, s0;
	s1 =	sshll.u32 s1, $0x11  }
0xbd: {  	s0 =	sor.u32 s1, s0  }
0xbe: {  	s0 =	sadd.s32 $0x8F2B, s0  }
0xbf: {  	[sflag:s0] =	ssyncadd.remote.s32 $0x1  }
0xc0: {  	_ =	sfence.sel $0xFFFF  }
0xc1: {  	[dreg:$0x0] =	wrdreg $0xFFFFFFFF;
	(pc) =	sbr.abs _section_cstart, $3  }
0xc2: {  	[dreg:$0x1] =	wrdreg $0xFFFFFFFF  }
0xc3: {  	_ =	task.clear_ibuf [dreg:s8], $0x2FFFF;
	_ =	strace $0x9FFFFFFF  }
0xc4: {  	(tm) =	ssettm $0x7FFFFFFF  }
0xc5: {  	_ =	shalt  }
tec
execute0_lowered:
.L_overlay_start_1:
0x0: {  	(tag) =	ssettag $0x1  }
0x1: {  	s0 =	rddreg [dreg:$0x0]  }
0x2: {  	s2 =	rddreg [dreg:$0x1]  }
0x3: {  	s1 =	srdreg.scid;
	s4 =	stileid.u32  }
0x4: {  	s3 =	rddreg [dreg:$0x2];
	s1 =	sand.u32 $0x1, s1;
	s5 =	sshll.u32 s4, $0x1  }
0x5: {  	s30 =	simm.s32 $0x80;
	s28 =	simm.s32 $0xD900;
	s6 =	sor.u32 s1, s5  }
0x6: {  	s31 =	simm.s32 $0x11900;
	s4 =	simm.s32 $0x0;
	s7 =	smul.u32 $0x320, s6  }
0x7: {  	s18 =	simm.s32 $0x8;
	[smem:$0x7FF] =	sst s4;
	s5 =	smul.u32 $0xC8000, s6  }
0x8: {  	s1 =	ssub.s32 $0x2, s1;
	_ =	strace $0x80000047;
	s6 =	smul.u32 $0x19000, s6  }
0x9: {  	s8 =	sshrl.u32 s1, $0x1;
	s7 =	sadd.s32 s7, s0;
	s0 =	sadd.s32 $0x6800, s0  }
0xa: {  	s23 =	ssub.s32 s1, s8;
	s6 =	sadd.s32 s3, s6;
	[dreg:$0x4] =	wrdreg s0  }
0xb: {  	s24 =	sshrl.u32 s5, $0x3;
	s7 =	sadd.s32 $0x400, s7;
	[dreg:$0x6] =	wrdreg s6  }
0xc: {  	s1 =	sadd.s32 s3, s24;
	s6 =	sadd.s32 $0x800, s6;
	[dreg:$0x5] =	wrdreg s7  }
.Ltmp0:
0xd: {  	s0 =	smax.u32 s23, $0x1;
	[dreg:$0x7] =	wrdreg s6;
	(pc) =	sbr.rel .LBB2_1-.Ltmp0, $4  }
0xe: {  	s22 =	simm.s32 $0x5;
	s25 =	sadd.s32 $0x1000, s1;
	[dreg:$0xb] =	wrdreg s0  }
0xf: {  	s29 =	simm.s32 $0xA;
	s26 =	sadd.s32 $0x1800, s1;
	[dreg:$0x8] =	wrdreg s25  }
0x10: {  	s24 =	simm.s32 $0x9;
	s1 =	sadd.s32 $0x2000, s1;
	[dreg:$0x9] =	wrdreg s26  }
0x11: {  	s0 =	simm.s32 $0x4;
	s6 =	simm.s32 $0x0;
	[dreg:$0xa] =	wrdreg s1  }
.LBB2_28:
0x12: {  	_ =	swait.ge [sflag:s29], $0x4000  }
0x13: {  	s6 =	rddreg [dreg:$0xc]  }
0x14: {  	s1 =	rddreg [dreg:$0xb];
	s6 =	sadd.s32 $0x1, s6  }
0x15: {  	p0 =	sne.s32 s6, s1  }
.Ltmp1:
0x16: {  	_ = 	snop;
	(pc) =	sbr.rel @!p0 .LBB2_29-.Ltmp1, $3  }
0x17: {  	_ =	sdelay $0x1  }
0x18: {  	[sflag:s29] =	ssyncset.done $0x0  }
0x19: {  	[sflag:s29] =	ssyncadd.s32 $0xFFFFC000  }
.LBB2_1:
0x1a: {  	[dreg:$0xc] =	wrdreg s6  }
0x1b: {  	s1 =	rddreg [dreg:$0x5];
	s16 =	simm.s32 $0xB  }
0x1c: {  	[tilespmem:s4], [sflag:$0xB] =	stream.linear.gather [hbm4b:s1+s4], $0x1900, $0x38;
	[tilespmem:$0x1BD00] =	vst v63  }
0x1d: {  	_ =	swait.ge [sflag:s16], $0x1900  }
0x1e: {  	[sflag:s16] =	ssyncset.done $0x0  }
0x1f: {  	s17 =	simm.s32 $0x1900;
	[sflag:s16] =	ssyncadd.s32 $0xFFFFE700  }
0x20: {  	[tilespmem:s17], [sflag:$0x1] =	stream.indirect.gather [hbm4b:s2+s30], $0x80, s4, s30, $0xb8;
	[tilespmem:$0x1BD00] =	vst v63  }
0x21: {  	s19 =	simm.s32 $0x5900  }
0x22: {  	[tilespmem:s19], [sflag:$0x2] =	stream.indirect.gather [hbm4b:s2+s30], $0x80, s30, s30, $0xb8;
	[tilespmem:$0x1BD00] =	vst v63  }
0x23: {  	s20 =	simm.s32 $0x100;
	s7 =	simm.s32 $0x9900  }
0x24: {  	[tilespmem:s7], [sflag:$0x3] =	stream.indirect.gather [hbm4b:s2+s30], $0x80, s20, s30, $0xb8;
	[tilespmem:$0x1BD00] =	vst v63  }
0x25: {  	s21 =	simm.s32 $0x180  }
0x26: {  	[tilespmem:s28], [sflag:$0x4] =	stream.indirect.gather [hbm4b:s2+s30], $0x80, s21, s30, $0xb8;
	[tilespmem:$0x1BD00] =	vst v63  }
0x27: {  	s25 =	simm.s32 $0x15900;
	s23 =	rddreg [dreg:$0x4]  }
0x28: {  	[tilespmem:s25], [sflag:$0xB] =	stream.linear.gather [hbm4b:s23+s4], $0x6400, $0x38;
	[tilespmem:$0x1BD00] =	vst v63  }
0x29: {  	_ =	swait.ge [sflag:s16], $0x6400  }
0x2a: {  	[sflag:s16] =	ssyncset.done $0x0  }
0x2b: {  	s26 =	simm.s32 $0x1;
	[sflag:s16] =	ssyncadd.s32 $0xFFFF9C00  }
0x2c: {  	_ =	swait.ge [sflag:s26], $0x4000  }
0x2d: {  	[sflag:s26] =	ssyncset.done $0x0  }
0x2e: {  	s1 =	simm.s32 $0x0;
	[sflag:s26] =	ssyncadd.s32 $0xFFFFC000  }
0x2f: {  	v0 =	vld [tilespmem:s1+$0x15AF0]  }
0x30: {  	v1 =	vld [tilespmem:s1+$0x15900]  }
0x31: {  	v2 =	vld [tilespmem:s1+$0x15910]  }
0x32: {  	v3 =	vld [tilespmem:s1+$0x15920]  }
0x33: {  	v4 =	vld [tilespmem:s1+$0x15930]  }
0x34: {  	v5 =	vld [tilespmem:s1+$0x15940]  }
0x35: {  	v6 =	vld [tilespmem:s1+$0x15950]  }
0x36: {  	v7 =	vld [tilespmem:s1+$0x15960]  }
0x37: {  	v8 =	vld [tilespmem:s1+$0x15970]  }
0x38: {  	v9 =	vld [tilespmem:s1+$0x15980]  }
0x39: {  	v10 =	vld [tilespmem:s1+$0x15990]  }
0x3a: {  	v11 =	vld [tilespmem:s1+$0x159A0]  }
0x3b: {  	v12 =	vld [tilespmem:s1+$0x159B0]  }
0x3c: {  	v13 =	vld [tilespmem:s1+$0x159C0]  }
0x3d: {  	v14 =	vld [tilespmem:s1+$0x159D0]  }
0x3e: {  	v15 =	vld [tilespmem:s1+$0x159E0]  }
0x3f: {  	v16 =	vld [tilespmem:s1+$0x159F0]  }
0x40: {  	v17 =	vld [tilespmem:s1+$0x15A00]  }
0x41: {  	v18 =	vld [tilespmem:s1+$0x15A10]  }
0x42: {  	v19 =	vld [tilespmem:s1+$0x15A20]  }
0x43: {  	v20 =	vld [tilespmem:s1+$0x15A30]  }
0x44: {  	v21 =	vld [tilespmem:s1+$0x15A40]  }
0x45: {  	v22 =	vld [tilespmem:s1+$0x15A50]  }
0x46: {  	v23 =	vld [tilespmem:s1+$0x15A60]  }
0x47: {  	v24 =	vld [tilespmem:s1+$0x15A70]  }
0x48: {  	v25 =	vld [tilespmem:s1+$0x15A80]  }
0x49: {  	v26 =	vld [tilespmem:s1+$0x15A90]  }
0x4a: {  	v27 =	vld [tilespmem:s1+$0x15AA0]  }
0x4b: {  	v28 =	vld [tilespmem:s1+$0x15AB0]  }
0x4c: {  	v29 =	vld [tilespmem:s1+$0x15AC0]  }
0x4d: {  	v30 =	vld [tilespmem:s1+$0x15AD0]  }
0x4e: {  	[tilespmem:s1+$0x1AF0] =	vst.add.f32.msk $0xffff, v0  }
0x4f: {  	v0 =	vld [tilespmem:s1+$0x15AE0]  }
0x50: {  	[tilespmem:s1+$0x1900] =	vst.add.f32.msk $0xffff, v1  }
0x51: {  	[tilespmem:s1+$0x1910] =	vst.add.f32.msk $0xffff, v2  }
0x52: {  	[tilespmem:s1+$0x1920] =	vst.add.f32.msk $0xffff, v3  }
0x53: {  	[tilespmem:s1+$0x1930] =	vst.add.f32.msk $0xffff, v4  }
0x54: {  	[tilespmem:s1+$0x1940] =	vst.add.f32.msk $0xffff, v5  }
0x55: {  	[tilespmem:s1+$0x1950] =	vst.add.f32.msk $0xffff, v6  }
0x56: {  	[tilespmem:s1+$0x1960] =	vst.add.f32.msk $0xffff, v7  }
0x57: {  	[tilespmem:s1+$0x1970] =	vst.add.f32.msk $0xffff, v8  }
0x58: {  	[tilespmem:s1+$0x1980] =	vst.add.f32.msk $0xffff, v9  }
0x59: {  	[tilespmem:s1+$0x1990] =	vst.add.f32.msk $0xffff, v10  }
0x5a: {  	[tilespmem:s1+$0x19A0] =	vst.add.f32.msk $0xffff, v11  }
0x5b: {  	[tilespmem:s1+$0x19B0] =	vst.add.f32.msk $0xffff, v12  }
0x5c: {  	[tilespmem:s1+$0x19C0] =	vst.add.f32.msk $0xffff, v13  }
0x5d: {  	[tilespmem:s1+$0x19D0] =	vst.add.f32.msk $0xffff, v14  }
0x5e: {  	[tilespmem:s1+$0x19E0] =	vst.add.f32.msk $0xffff, v15  }
0x5f: {  	[tilespmem:s1+$0x19F0] =	vst.add.f32.msk $0xffff, v16  }
0x60: {  	[tilespmem:s1+$0x1A00] =	vst.add.f32.msk $0xffff, v17  }
0x61: {  	[tilespmem:s1+$0x1A10] =	vst.add.f32.msk $0xffff, v18  }
0x62: {  	[tilespmem:s1+$0x1A20] =	vst.add.f32.msk $0xffff, v19  }
0x63: {  	[tilespmem:s1+$0x1A30] =	vst.add.f32.msk $0xffff, v20  }
0x64: {  	[tilespmem:s1+$0x1A40] =	vst.add.f32.msk $0xffff, v21  }
0x65: {  	[tilespmem:s1+$0x1A50] =	vst.add.f32.msk $0xffff, v22  }
0x66: {  	[tilespmem:s1+$0x1A60] =	vst.add.f32.msk $0xffff, v23  }
0x67: {  	[tilespmem:s1+$0x1A70] =	vst.add.f32.msk $0xffff, v24  }
0x68: {  	[tilespmem:s1+$0x1A80] =	vst.add.f32.msk $0xffff, v25  }
0x69: {  	[tilespmem:s1+$0x1A90] =	vst.add.f32.msk $0xffff, v26  }
0x6a: {  	[tilespmem:s1+$0x1AA0] =	vst.add.f32.msk $0xffff, v27  }
0x6b: {  	[tilespmem:s1+$0x1AB0] =	vst.add.f32.msk $0xffff, v28  }
0x6c: {  	[tilespmem:s1+$0x1AC0] =	vst.add.f32.msk $0xffff, v29  }
0x6d: {  	s6 =	simm.s32 $0x0;
	s7 =	simm.s32 $0x800;
	[tilespmem:s1+$0x1AD0] =	vst.add.f32.msk $0xffff, v30  }
.LBB2_2:
0x6e: {  	s6 =	sadd.s32 $0x4, s6;
	[tilespmem:s1+$0x1AE0] =	vst.add.f32.msk $0xffff, v0;
	s1 =	sshra.s32 s7, $0x2  }
0x6f: {  	v0 =	vld [tilespmem:s1+$0x15AF0];
	p0 =	slt.u32 s6, $0x7C  }
0x70: {  	v1 =	vld [tilespmem:s1+$0x15900]  }
0x71: {  	v2 =	vld [tilespmem:s1+$0x15910]  }
0x72: {  	v3 =	vld [tilespmem:s1+$0x15920]  }
0x73: {  	v4 =	vld [tilespmem:s1+$0x15930]  }
0x74: {  	[tilespmem:s1+$0x1AF0] =	vst.add.f32.msk $0xffff, v0  }
0x75: {  	v5 =	vld [tilespmem:s1+$0x15940]  }
0x76: {  	v6 =	vld [tilespmem:s1+$0x15950]  }
0x77: {  	v7 =	vld [tilespmem:s1+$0x15960]  }
0x78: {  	v8 =	vld [tilespmem:s1+$0x15970]  }
0x79: {  	v9 =	vld [tilespmem:s1+$0x15980]  }
0x7a: {  	v10 =	vld [tilespmem:s1+$0x15990]  }
0x7b: {  	v11 =	vld [tilespmem:s1+$0x159A0]  }
0x7c: {  	v12 =	vld [tilespmem:s1+$0x159B0]  }
0x7d: {  	v13 =	vld [tilespmem:s1+$0x159C0]  }
0x7e: {  	v14 =	vld [tilespmem:s1+$0x159D0]  }
0x7f: {  	v15 =	vld [tilespmem:s1+$0x159E0]  }
0x80: {  	v16 =	vld [tilespmem:s1+$0x159F0]  }
0x81: {  	v17 =	vld [tilespmem:s1+$0x15A00]  }
0x82: {  	v18 =	vld [tilespmem:s1+$0x15A10]  }
0x83: {  	v19 =	vld [tilespmem:s1+$0x15A20]  }
0x84: {  	v20 =	vld [tilespmem:s1+$0x15A30]  }
0x85: {  	v21 =	vld [tilespmem:s1+$0x15A40]  }
0x86: {  	v22 =	vld [tilespmem:s1+$0x15A50]  }
0x87: {  	v23 =	vld [tilespmem:s1+$0x15A60]  }
0x88: {  	v24 =	vld [tilespmem:s1+$0x15A70]  }
0x89: {  	v25 =	vld [tilespmem:s1+$0x15A80]  }
0x8a: {  	v26 =	vld [tilespmem:s1+$0x15A90]  }
0x8b: {  	v27 =	vld [tilespmem:s1+$0x15AA0]  }
0x8c: {  	v28 =	vld [tilespmem:s1+$0x15AB0]  }
0x8d: {  	v29 =	vld [tilespmem:s1+$0x15AC0]  }
0x8e: {  	v30 =	vld [tilespmem:s1+$0x15AD0]  }
0x8f: {  	v0 =	vld [tilespmem:s1+$0x15AE0]  }
0x90: {  	[tilespmem:s1+$0x1900] =	vst.add.f32.msk $0xffff, v1  }
0x91: {  	[tilespmem:s1+$0x1910] =	vst.add.f32.msk $0xffff, v2  }
0x92: {  	[tilespmem:s1+$0x1920] =	vst.add.f32.msk $0xffff, v3  }
0x93: {  	[tilespmem:s1+$0x1930] =	vst.add.f32.msk $0xffff, v4  }
0x94: {  	[tilespmem:s1+$0x1940] =	vst.add.f32.msk $0xffff, v5  }
0x95: {  	[tilespmem:s1+$0x1950] =	vst.add.f32.msk $0xffff, v6  }
0x96: {  	[tilespmem:s1+$0x1960] =	vst.add.f32.msk $0xffff, v7  }
0x97: {  	[tilespmem:s1+$0x1970] =	vst.add.f32.msk $0xffff, v8  }
0x98: {  	[tilespmem:s1+$0x1980] =	vst.add.f32.msk $0xffff, v9  }
0x99: {  	[tilespmem:s1+$0x1990] =	vst.add.f32.msk $0xffff, v10  }
0x9a: {  	[tilespmem:s1+$0x19A0] =	vst.add.f32.msk $0xffff, v11  }
0x9b: {  	[tilespmem:s1+$0x19B0] =	vst.add.f32.msk $0xffff, v12  }
0x9c: {  	[tilespmem:s1+$0x19C0] =	vst.add.f32.msk $0xffff, v13  }
0x9d: {  	[tilespmem:s1+$0x19D0] =	vst.add.f32.msk $0xffff, v14  }
0x9e: {  	[tilespmem:s1+$0x19E0] =	vst.add.f32.msk $0xffff, v15  }
0x9f: {  	[tilespmem:s1+$0x19F0] =	vst.add.f32.msk $0xffff, v16  }
0xa0: {  	[tilespmem:s1+$0x1A00] =	vst.add.f32.msk $0xffff, v17  }
0xa1: {  	[tilespmem:s1+$0x1A10] =	vst.add.f32.msk $0xffff, v18  }
0xa2: {  	[tilespmem:s1+$0x1A20] =	vst.add.f32.msk $0xffff, v19  }
0xa3: {  	[tilespmem:s1+$0x1A30] =	vst.add.f32.msk $0xffff, v20  }
0xa4: {  	[tilespmem:s1+$0x1A40] =	vst.add.f32.msk $0xffff, v21  }
0xa5: {  	[tilespmem:s1+$0x1A50] =	vst.add.f32.msk $0xffff, v22  }
0xa6: {  	[tilespmem:s1+$0x1A60] =	vst.add.f32.msk $0xffff, v23  }
0xa7: {  	[tilespmem:s1+$0x1A70] =	vst.add.f32.msk $0xffff, v24  }
0xa8: {  	[tilespmem:s1+$0x1A80] =	vst.add.f32.msk $0xffff, v25  }
.Ltmp2:
0xa9: {  	[tilespmem:s1+$0x1A90] =	vst.add.f32.msk $0xffff, v26;
	(pc) =	sbr.rel @p0 .LBB2_2-.Ltmp2, $4  }
0xaa: {  	[tilespmem:s1+$0x1AA0] =	vst.add.f32.msk $0xffff, v27  }
0xab: {  	[tilespmem:s1+$0x1AB0] =	vst.add.f32.msk $0xffff, v28  }
0xac: {  	[tilespmem:s1+$0x1AC0] =	vst.add.f32.msk $0xffff, v29  }
0xad: {  	s7 =	sadd.s32 $0x800, s7;
	[tilespmem:s1+$0x1AD0] =	vst.add.f32.msk $0xffff, v30  }
0xae: {  	s6 =	simm.s32 $0x1900  }
0xaf: {  	[tilespmem:s1+$0x1AE0] =	vst.add.f32.msk $0xffff, v0;
	s23 =	simm.s32 $0x80;
	s25 =	simm.s32 $0x200;
	s8 =	simm.s32 $0x2  }
0xb0: {  	s7 =	simm.s32 $0xFFFFFFBB;
	p0 =	por $0x1, $0x1;
	s1 =	rddreg [dreg:$0x6]  }
0xb1: {  	[hbm4b:s1+s4] =	stream.linear.scatter [tilespmem:s6], [sflag:$0x6], $0x4000, $0x38;
	[tilespmem:$0x1BD00] =	vst v63  }
0xb2: {  	s9 =	simm.s32 $0xFFFFFFB9;
	s26 =	simm.s32 $0xFFFFFFB8;
	s6 =	simm.s32 $0x83  }
0xb3: {  	p1 =	por $0x1, $0x1;
	s1 =	smin.u32 s23, s26;
	s7 =	smov.u32 @p0 s6  }
0xb4: {  	[tilespmem:s31], [sflag:$0x5] =	stream.indirect.gather [hbm4b:s2+s23], $0x80, s25, s23, $0xb8;
	[tilespmem:$0x1BD00] =	vst v63  }
0xb5: {  	s6 =	simm.s32 $0x81;
	p0 =	por $0x1, $0x1;
	_ =	swait.ge [sflag:s8], $0x4000  }
0xb6: {  	s1 =	sshll.u32 s1, $0x7;
	s7 =	sshll.u32 s7, $0x7;
	[sflag:s8] =	ssyncset.done $0x0  }
0xb7: {  	s9 =	smov.u32 @p0 s6;
	s10 =	sand.u32 $0x3FFFFF80, s7;
	[sflag:s8] =	ssyncadd.s32 $0xFFFFC000  }
0xb8: {  	s1 =	sand.u32 $0x3FFFFF80, s1;
	s7 =	simm.s32 $0xFFFFFFBA;
	s8 =	simm.s32 $0x82;
	v0 =	vld [tilespmem:s10+$0x15900]  }
0xb9: {  	s6 =	sshll.u32 s9, $0x7;
	s7 =	smov.u32 @p1 s8;
	v3 =	vld [tilespmem:s1+$0x15900]  }
0xba: {  	s8 =	sand.u32 $0x3FFFFF80, s6;
	s7 =	sshll.u32 s7, $0x7  }
0xbb: {  	v1 =	vld [tilespmem:s8+$0x15900];
	s6 =	sand.u32 $0x3FFFFF80, s7  }
0xbc: {  	s7 =	simm.s32 $0x5900;
	v2 =	vld [tilespmem:s6+$0x15900]  }
0xbd: {  	[tilespmem:s7+$0x180] =	vst.add.f32.msk $0xffff, v0  }
0xbe: {  	[tilespmem:s7+$0x0] =	vst.add.f32.msk $0xffff, v3  }
0xbf: {  	v0 =	vld [tilespmem:s10+$0x15910]  }
0xc0: {  	[tilespmem:s7+$0x80] =	vst.add.f32.msk $0xffff, v1  }
0xc1: {  	v3 =	vld [tilespmem:s1+$0x15910]  }
0xc2: {  	v1 =	vld [tilespmem:s8+$0x15910]  }
0xc3: {  	[tilespmem:s7+$0x100] =	vst.add.f32.msk $0xffff, v2  }
0xc4: {  	[tilespmem:s7+$0x190] =	vst.add.f32.msk $0xffff, v0  }
0xc5: {  	v0 =	vld [tilespmem:s10+$0x15920]  }
0xc6: {  	v2 =	vld [tilespmem:s6+$0x15910]  }
0xc7: {  	[tilespmem:s7+$0x10] =	vst.add.f32.msk $0xffff, v3  }
0xc8: {  	[tilespmem:s7+$0x90] =	vst.add.f32.msk $0xffff, v1  }
0xc9: {  	v3 =	vld [tilespmem:s1+$0x15920]  }
0xca: {  	[tilespmem:s7+$0x1A0] =	vst.add.f32.msk $0xffff, v0  }
0xcb: {  	v0 =	vld [tilespmem:s10+$0x15930]  }
0xcc: {  	v1 =	vld [tilespmem:s8+$0x15920]  }
0xcd: {  	[tilespmem:s7+$0x110] =	vst.add.f32.msk $0xffff, v2  }
0xce: {  	v2 =	vld [tilespmem:s6+$0x15920]  }
0xcf: {  	[tilespmem:s7+$0x20] =	vst.add.f32.msk $0xffff, v3  }
0xd0: {  	[tilespmem:s7+$0x1B0] =	vst.add.f32.msk $0xffff, v0  }
0xd1: {  	v0 =	vld [tilespmem:s10+$0x15940]  }
0xd2: {  	[tilespmem:s7+$0xA0] =	vst.add.f32.msk $0xffff, v1  }
0xd3: {  	v3 =	vld [tilespmem:s1+$0x15930]  }
0xd4: {  	v1 =	vld [tilespmem:s8+$0x15930]  }
0xd5: {  	[tilespmem:s7+$0x120] =	vst.add.f32.msk $0xffff, v2  }
0xd6: {  	[tilespmem:s7+$0x1C0] =	vst.add.f32.msk $0xffff, v0  }
0xd7: {  	v0 =	vld [tilespmem:s10+$0x15950]  }
0xd8: {  	v2 =	vld [tilespmem:s6+$0x15930]  }
0xd9: {  	[tilespmem:s7+$0x30] =	vst.add.f32.msk $0xffff, v3  }
0xda: {  	[tilespmem:s7+$0xB0] =	vst.add.f32.msk $0xffff, v1  }
0xdb: {  	v1 =	vld [tilespmem:s8+$0x15940]  }
0xdc: {  	[tilespmem:s7+$0x1D0] =	vst.add.f32.msk $0xffff, v0  }
0xdd: {  	v0 =	vld [tilespmem:s10+$0x15960]  }
0xde: {  	[tilespmem:s7+$0x130] =	vst.add.f32.msk $0xffff, v2  }
0xdf: {  	v2 =	vld [tilespmem:s6+$0x15940]  }
0xe0: {  	[tilespmem:s7+$0xC0] =	vst.add.f32.msk $0xffff, v1  }
0xe1: {  	v1 =	vld [tilespmem:s8+$0x15950]  }
0xe2: {  	[tilespmem:s7+$0x1E0] =	vst.add.f32.msk $0xffff, v0  }
0xe3: {  	v0 =	vld [tilespmem:s1+$0x15940];
	_ =	sdelay $0x1  }
0xe4: {  	[tilespmem:s7+$0x140] =	vst.add.f32.msk $0xffff, v2  }
0xe5: {  	v3 =	vld [tilespmem:s10+$0x15970]  }
0xe6: {  	[tilespmem:s7+$0xD0] =	vst.add.f32.msk $0xffff, v1  }
0xe7: {  	[tilespmem:s7+$0x40] =	vst.add.f32.msk $0xffff, v0  }
0xe8: {  	v0 =	vld [tilespmem:s6+$0x15950]  }
0xe9: {  	v2 =	vld [tilespmem:s1+$0x15950]  }
0xea: {  	[tilespmem:s7+$0x1F0] =	vst.add.f32.msk $0xffff, v3  }
0xeb: {  	v3 =	vld [tilespmem:s8+$0x15960]  }
0xec: {  	p1 =	por $0x1, $0x1  }
.Ltmp3:
0xed: {  	[tilespmem:s7+$0x150] =	vst.add.f32.msk $0xffff, v0;
	(pc) =	sbr.rel @!p1 .LBB2_4-.Ltmp3, $4  }
0xee: {  	[tilespmem:s7+$0x50] =	vst.add.f32.msk $0xffff, v2  }
0xef: {  	v2 =	vld [tilespmem:s6+$0x15960]  }
0xf0: {  	[tilespmem:s7+$0xE0] =	vst.add.f32.msk $0xffff, v3  }
0xf1: {  	p0 =	por $0x0, $0x0;
	s9 =	simm.s32 $0x84;
	v1 =	vld [tilespmem:s1+$0x15960]  }
0xf2: {  	_ =	sdelay $0x1  }
0xf3: {  	s10 =	simm.s32 $0x87;
	v3 =	vld [tilespmem:s8+$0x15970];
	s8 =	simm.s32 $0xFFFFFFBF;
	p0 =	por $0x1, $0x1  }
0xf4: {  	s8 =	smov.u32 @p0 s10;
	[tilespmem:s7+$0x160] =	vst.add.f32.msk $0xffff, v2  }
0xf5: {  	s11 =	simm.s32 $0x86;
	s12 =	simm.s32 $0xFFFFFFBD;
	s8 =	sshll.u32 s8, $0x7;
	[tilespmem:s7+$0x60] =	vst.add.f32.msk $0xffff, v1  }
0xf6: {  	s10 =	simm.s32 $0x85;
	p0 =	por $0x1, $0x1;
	s13 =	sand.u32 $0x3FFFFF80, s8;
	v1 =	vld [tilespmem:s6+$0x15970]  }
0xf7: {  	p1 =	por $0x1, $0x1;
	s25 =	simm.s32 $0xFFFFFFBC;
	s12 =	smov.u32 @p0 s10;
	v2 =	vld [tilespmem:s13+$0x15900]  }
0xf8: {  	s26 =	smin.u32 s9, s25;
	s21 =	sshll.u32 s12, $0x7;
	s6 =	simm.s32 $0xFFFFFFBE;
	v0 =	vld [tilespmem:s1+$0x15970]  }
0xf9: {  	s8 =	sand.u32 $0x3FFFFF80, s21;
	s6 =	smov.u32 @p1 s11;
	[tilespmem:s7+$0xF0] =	vst.add.f32.msk $0xffff, v3;
	s1 =	sshll.u32 s26, $0x7  }
0xfa: {  	v3 =	vld [tilespmem:s8+$0x15900];
	s23 =	sshll.u32 s6, $0x7;
	s1 =	sand.u32 $0x3FFFFF80, s1  }
0xfb: {  	s6 =	sand.u32 $0x3FFFFF80, s23;
	v5 =	vld [tilespmem:s1+$0x15900]  }
0xfc: {  	s9 =	simm.s32 $0x5B00;
	v4 =	vld [tilespmem:s6+$0x15900]  }
0xfd: {  	[tilespmem:s9+$0x180] =	vst.add.f32.msk $0xffff, v2  }
0xfe: {  	v2 =	vld [tilespmem:s13+$0x15910]  }
0xff: {  	[tilespmem:s9+$0x80] =	vst.add.f32.msk $0xffff, v3  }
0x100: {  	v3 =	vld [tilespmem:s8+$0x15910]  }
0x101: {  	[tilespmem:s9+$0x0] =	vst.add.f32.msk $0xffff, v5  }
0x102: {  	[tilespmem:s9+$0x100] =	vst.add.f32.msk $0xffff, v4  }
0x103: {  	v5 =	vld [tilespmem:s1+$0x15910]  }
0x104: {  	[tilespmem:s9+$0x190] =	vst.add.f32.msk $0xffff, v2  }
0x105: {  	v2 =	vld [tilespmem:s13+$0x15920]  }
0x106: {  	v4 =	vld [tilespmem:s6+$0x15910]  }
0x107: {  	[tilespmem:s9+$0x90] =	vst.add.f32.msk $0xffff, v3  }
0x108: {  	v3 =	vld [tilespmem:s8+$0x15920]  }
0x109: {  	[tilespmem:s9+$0x10] =	vst.add.f32.msk $0xffff, v5  }
0x10a: {  	[tilespmem:s9+$0x1A0] =	vst.add.f32.msk $0xffff, v2  }
0x10b: {  	v2 =	vld [tilespmem:s13+$0x15930]  }
0x10c: {  	[tilespmem:s9+$0x110] =	vst.add.f32.msk $0xffff, v4  }
0x10d: {  	v5 =	vld [tilespmem:s1+$0x15920]  }
0x10e: {  	v4 =	vld [tilespmem:s6+$0x15920]  }
0x10f: {  	[tilespmem:s9+$0xA0] =	vst.add.f32.msk $0xffff, v3  }
0x110: {  	[tilespmem:s9+$0x1B0] =	vst.add.f32.msk $0xffff, v2  }
0x111: {  	v2 =	vld [tilespmem:s13+$0x15940]  }
0x112: {  	v3 =	vld [tilespmem:s8+$0x15930]  }
0x113: {  	[tilespmem:s9+$0x20] =	vst.add.f32.msk $0xffff, v5  }
0x114: {  	[tilespmem:s9+$0x120] =	vst.add.f32.msk $0xffff, v4  }
0x115: {  	v5 =	vld [tilespmem:s1+$0x15930]  }
0x116: {  	[tilespmem:s9+$0x1C0] =	vst.add.f32.msk $0xffff, v2  }
0x117: {  	v2 =	vld [tilespmem:s13+$0x15950]  }
0x118: {  	v4 =	vld [tilespmem:s6+$0x15930]  }
0x119: {  	[tilespmem:s9+$0xB0] =	vst.add.f32.msk $0xffff, v3  }
0x11a: {  	v3 =	vld [tilespmem:s8+$0x15940]  }
0x11b: {  	[tilespmem:s9+$0x30] =	vst.add.f32.msk $0xffff, v5  }
0x11c: {  	[tilespmem:s9+$0x1D0] =	vst.add.f32.msk $0xffff, v2  }
0x11d: {  	v2 =	vld [tilespmem:s13+$0x15960]  }
0x11e: {  	[tilespmem:s9+$0x130] =	vst.add.f32.msk $0xffff, v4  }
0x11f: {  	v5 =	vld [tilespmem:s1+$0x15940]  }
0x120: {  	v4 =	vld [tilespmem:s6+$0x15940]  }
0x121: {  	[tilespmem:s9+$0xC0] =	vst.add.f32.msk $0xffff, v3  }
0x122: {  	[tilespmem:s9+$0x1E0] =	vst.add.f32.msk $0xffff, v2  }
0x123: {  	v2 =	vld [tilespmem:s13+$0x15970]  }
0x124: {  	v3 =	vld [tilespmem:s8+$0x15950]  }
0x125: {  	[tilespmem:s9+$0x40] =	vst.add.f32.msk $0xffff, v5  }
0x126: {  	[tilespmem:s9+$0x140] =	vst.add.f32.msk $0xffff, v4  }
0x127: {  	v63 =	vld [tilespmem:s1+$0x15950]  }
0x128: {  	[tilespmem:s9+$0x1F0] =	vst.add.f32.msk $0xffff, v2  }
0x129: {  	v2 =	vld [tilespmem:s6+$0x15950]  }
0x12a: {  	[tilespmem:s7+$0x170] =	vst.add.f32.msk $0xffff, v1  }
0x12b: {  	[tilespmem:s9+$0xD0] =	vst.add.f32.msk $0xffff, v3  }
0x12c: {  	p1 =	por $0x1, $0x1;
	v3 =	vld [tilespmem:s8+$0x15960]  }
.Ltmp4:
0x12d: {  	[tilespmem:s9+$0x50] =	vst.add.f32.msk $0xffff, v63;
	(pc) =	sbr.rel @!p1 .LBB2_6-.Ltmp4, $4  }
0x12e: {  	[tilespmem:s9+$0x150] =	vst.add.f32.msk $0xffff, v2  }
0x12f: {  	v2 =	vld [tilespmem:s6+$0x15960]  }
0x130: {  	v1 =	vld [tilespmem:s1+$0x15960]  }
0x131: {  	s10 =	simm.s32 $0x88;
	p0 =	por $0x1, $0x1;
	[tilespmem:s9+$0xE0] =	vst.add.f32.msk $0xffff, v3  }
.LBB2_7:
0x132: {  	s12 =	sadd.s32 $0x1, s10;
	s11 =	sadd.s32 $0x3, s10;
	s13 =	sadd.s32 $0xFFFFFF80, s10;
	v3 =	vld [tilespmem:s8+$0x15970]  }
0x133: {  	s8 =	sadd.s32 $0xFFFFFF3B, s10;
	p3 =	slt.u32 s11, $0xC8;
	p1 =	slt.u32 s13, $0x7C;
	[tilespmem:s7+$0x70] =	vst.add.f32.msk $0xffff, v0  }
0x134: {  	p2 =	slt.u32 s12, $0xC8;
	s7 =	sadd.s32 $0x2, s10;
	s8 =	smov.u32 @p3 s11;
	[tilespmem:s9+$0x160] =	vst.add.f32.msk $0xffff, v2  }
0x135: {  	s13 =	sadd.s32 $0xFFFFFF39, s10;
	p3 =	slt.u32 s7, $0xC8;
	s8 =	sshll.u32 s8, $0x7;
	[tilespmem:s9+$0x60] =	vst.add.f32.msk $0xffff, v1  }
0x136: {  	s14 =	sadd.s32 $0xFFFFFF38, s10;
	s15 =	sadd.s32 $0xFFFFFF3A, s10;
	s11 =	sand.u32 $0x3FFFFF80, s8;
	v1 =	vld [tilespmem:s6+$0x15970]  }
0x137: {  	s13 =	smov.u32 @p2 s12;
	s15 =	smov.u32 @p3 s7;
	s6 =	smin.u32 s10, s14;
	v2 =	vld [tilespmem:s11+$0x15900]  }
0x138: {  	s7 =	sshll.u32 s13, $0x7;
	s12 =	sshll.u32 s15, $0x7;
	s6 =	sshll.u32 s6, $0x7;
	v0 =	vld [tilespmem:s1+$0x15970]  }
0x139: {  	s8 =	sand.u32 $0x3FFFFF80, s7;
	s1 =	sand.u32 $0x3FFFFF80, s6;
	s6 =	sand.u32 $0x3FFFFF80, s12;
	[tilespmem:s9+$0xF0] =	vst.add.f32.msk $0xffff, v3  }
0x13a: {  	s7 =	smov.u32 s9;
	v3 =	vld [tilespmem:s8+$0x15900]  }
0x13b: {  	s9 =	sadd.s32 $0x200, s9;
	v4 =	vld [tilespmem:s6+$0x15900]  }
0x13c: {  	[tilespmem:s9+$0x180] =	vst.add.f32.msk $0xffff, v2  }
0x13d: {  	v2 =	vld [tilespmem:s11+$0x15910]  }
0x13e: {  	v5 =	vld [tilespmem:s1+$0x15900]  }
0x13f: {  	[tilespmem:s9+$0x80] =	vst.add.f32.msk $0xffff, v3  }
0x140: {  	[tilespmem:s9+$0x100] =	vst.add.f32.msk $0xffff, v4  }
0x141: {  	v3 =	vld [tilespmem:s8+$0x15910]  }
0x142: {  	[tilespmem:s9+$0x190] =	vst.add.f32.msk $0xffff, v2  }
0x143: {  	v2 =	vld [tilespmem:s11+$0x15920]  }
0x144: {  	[tilespmem:s9+$0x0] =	vst.add.f32.msk $0xffff, v5  }
0x145: {  	v4 =	vld [tilespmem:s6+$0x15910]  }
0x146: {  	v5 =	vld [tilespmem:s1+$0x15910]  }
0x147: {  	[tilespmem:s9+$0x90] =	vst.add.f32.msk $0xffff, v3  }
0x148: {  	[tilespmem:s9+$0x1A0] =	vst.add.f32.msk $0xffff, v2  }
0x149: {  	v2 =	vld [tilespmem:s11+$0x15930]  }
0x14a: {  	[tilespmem:s9+$0x110] =	vst.add.f32.msk $0xffff, v4  }
0x14b: {  	[tilespmem:s9+$0x10] =	vst.add.f32.msk $0xffff, v5  }
0x14c: {  	v3 =	vld [tilespmem:s8+$0x15920]  }
0x14d: {  	v4 =	vld [tilespmem:s6+$0x15920]  }
0x14e: {  	[tilespmem:s9+$0x1B0] =	vst.add.f32.msk $0xffff, v2  }
0x14f: {  	v2 =	vld [tilespmem:s11+$0x15940]  }
0x150: {  	v5 =	vld [tilespmem:s1+$0x15920]  }
0x151: {  	[tilespmem:s9+$0xA0] =	vst.add.f32.msk $0xffff, v3  }
0x152: {  	[tilespmem:s9+$0x120] =	vst.add.f32.msk $0xffff, v4  }
0x153: {  	v3 =	vld [tilespmem:s8+$0x15930]  }
0x154: {  	[tilespmem:s9+$0x1C0] =	vst.add.f32.msk $0xffff, v2  }
0x155: {  	v2 =	vld [tilespmem:s11+$0x15950]  }
0x156: {  	[tilespmem:s9+$0x20] =	vst.add.f32.msk $0xffff, v5  }
0x157: {  	v4 =	vld [tilespmem:s6+$0x15930]  }
0x158: {  	v5 =	vld [tilespmem:s1+$0x15930]  }
0x159: {  	[tilespmem:s9+$0xB0] =	vst.add.f32.msk $0xffff, v3  }
0x15a: {  	[tilespmem:s9+$0x1D0] =	vst.add.f32.msk $0xffff, v2  }
0x15b: {  	v2 =	vld [tilespmem:s11+$0x15960]  }
0x15c: {  	[tilespmem:s9+$0x130] =	vst.add.f32.msk $0xffff, v4  }
0x15d: {  	[tilespmem:s9+$0x30] =	vst.add.f32.msk $0xffff, v5  }
0x15e: {  	v3 =	vld [tilespmem:s8+$0x15940]  }
0x15f: {  	v4 =	vld [tilespmem:s6+$0x15940]  }
0x160: {  	[tilespmem:s9+$0x1E0] =	vst.add.f32.msk $0xffff, v2  }
0x161: {  	v2 =	vld [tilespmem:s11+$0x15970]  }
0x162: {  	v5 =	vld [tilespmem:s1+$0x15940]  }
0x163: {  	[tilespmem:s9+$0xC0] =	vst.add.f32.msk $0xffff, v3  }
0x164: {  	[tilespmem:s9+$0x140] =	vst.add.f32.msk $0xffff, v4  }
0x165: {  	v3 =	vld [tilespmem:s8+$0x15950]  }
0x166: {  	[tilespmem:s9+$0x1F0] =	vst.add.f32.msk $0xffff, v2  }
0x167: {  	[tilespmem:s9+$0x40] =	vst.add.f32.msk $0xffff, v5  }
0x168: {  	v2 =	vld [tilespmem:s6+$0x15950]  }
0x169: {  	v4 =	vld [tilespmem:s1+$0x15950]  }
0x16a: {  	[tilespmem:s9+$0xD0] =	vst.add.f32.msk $0xffff, v3  }
0x16b: {  	v3 =	vld [tilespmem:s8+$0x15960]  }
0x16c: {  	[tilespmem:s7+$0x170] =	vst.add.f32.msk $0xffff, v1  }
.Ltmp5:
0x16d: {  	[tilespmem:s9+$0x150] =	vst.add.f32.msk $0xffff, v2;
	(pc) =	sbr.rel @p1 .LBB2_7-.Ltmp5, $4  }
0x16e: {  	[tilespmem:s9+$0x50] =	vst.add.f32.msk $0xffff, v4  }
0x16f: {  	v2 =	vld [tilespmem:s6+$0x15960]  }
0x170: {  	v1 =	vld [tilespmem:s1+$0x15960]  }
0x171: {  	s10 =	sadd.s32 $0x4, s10;
	[tilespmem:s9+$0xE0] =	vst.add.f32.msk $0xffff, v3  }
0x172: {  	s10 =	smov.u32 s7;
	s7 =	smov.u32 s9  }
.LBB2_9:
0x173: {  	v3 =	vld [tilespmem:s8+$0x15970]  }
0x174: {  	[tilespmem:s7+$0x160] =	vst.add.f32.msk $0xffff, v2  }
0x175: {  	[tilespmem:s7+$0x60] =	vst.add.f32.msk $0xffff, v1  }
0x176: {  	v1 =	vld [tilespmem:s6+$0x15970]  }
0x177: {  	v2 =	vld [tilespmem:s1+$0x15970];
	_ =	sdelay $0x1  }
0x178: {  	[tilespmem:s10+$0x70] =	vst.add.f32.msk @p0 $0xffff, v0  }
0x179: {  	[tilespmem:s7+$0xF0] =	vst.add.f32.msk $0xffff, v3  }
0x17a: {  	[tilespmem:s7+$0x170] =	vst.add.f32.msk $0xffff, v1  }
0x17b: {  	s17 =	simm.s32 $0x0;
	[tilespmem:s7+$0x70] =	vst.add.f32.msk $0xffff, v2  }
0x17c: {  	s20 =	simm.s32 $0x5900;
	s21 =	simm.s32 $0x6;
	s19 =	rddreg [dreg:$0x7]  }
0x17d: {  	[hbm4b:s19+s17] =	stream.linear.scatter [tilespmem:s20], [sflag:$0x7], $0x4000, $0x38;
	[tilespmem:$0x1BD00] =	vst v63  }
0x17e: {  	_ =	swait.ge [sflag:s21], $0x4000  }
0x17f: {  	s23 =	simm.s32 $0x1900;
	[sflag:s21] =	ssyncset.done $0x0  }
0x180: {  	s25 =	simm.s32 $0x280;
	s26 =	simm.s32 $0x3;
	[sflag:s21] =	ssyncadd.s32 $0xFFFFC000  }
0x181: {  	[tilespmem:s23], [sflag:$0x1] =	stream.indirect.gather [hbm4b:s2+s30], $0x80, s25, s30, $0xb8;
	[tilespmem:$0x1BD00] =	vst v63  }
0x182: {  	_ =	swait.ge [sflag:s26], $0x4000  }
0x183: {  	[sflag:s26] =	ssyncset.done $0x0  }
0x184: {  	s1 =	simm.s32 $0x0;
	[sflag:s26] =	ssyncadd.s32 $0xFFFFC000  }
0x185: {  	v0 =	vld [tilespmem:s1+$0x176F0]  }
0x186: {  	v1 =	vld [tilespmem:s1+$0x17500]  }
0x187: {  	v2 =	vld [tilespmem:s1+$0x17510]  }
0x188: {  	v3 =	vld [tilespmem:s1+$0x17520]  }
0x189: {  	v4 =	vld [tilespmem:s1+$0x17530]  }
0x18a: {  	v5 =	vld [tilespmem:s1+$0x17540]  }
0x18b: {  	v6 =	vld [tilespmem:s1+$0x17550]  }
0x18c: {  	v7 =	vld [tilespmem:s1+$0x17560]  }
0x18d: {  	v8 =	vld [tilespmem:s1+$0x17570]  }
0x18e: {  	v9 =	vld [tilespmem:s1+$0x17580]  }
0x18f: {  	v10 =	vld [tilespmem:s1+$0x17590]  }
0x190: {  	v11 =	vld [tilespmem:s1+$0x175A0]  }
0x191: {  	v12 =	vld [tilespmem:s1+$0x175B0]  }
0x192: {  	v13 =	vld [tilespmem:s1+$0x175C0]  }
0x193: {  	v14 =	vld [tilespmem:s1+$0x175D0]  }
0x194: {  	v15 =	vld [tilespmem:s1+$0x175E0]  }
0x195: {  	v16 =	vld [tilespmem:s1+$0x175F0]  }
0x196: {  	v17 =	vld [tilespmem:s1+$0x17600]  }
0x197: {  	v18 =	vld [tilespmem:s1+$0x17610]  }
0x198: {  	v19 =	vld [tilespmem:s1+$0x17620]  }
0x199: {  	v20 =	vld [tilespmem:s1+$0x17630]  }
0x19a: {  	v21 =	vld [tilespmem:s1+$0x17640]  }
0x19b: {  	v22 =	vld [tilespmem:s1+$0x17650]  }
0x19c: {  	v23 =	vld [tilespmem:s1+$0x17660]  }
0x19d: {  	v24 =	vld [tilespmem:s1+$0x17670]  }
0x19e: {  	v25 =	vld [tilespmem:s1+$0x17680]  }
0x19f: {  	v26 =	vld [tilespmem:s1+$0x17690]  }
0x1a0: {  	v27 =	vld [tilespmem:s1+$0x176A0]  }
0x1a1: {  	v28 =	vld [tilespmem:s1+$0x176B0]  }
0x1a2: {  	v29 =	vld [tilespmem:s1+$0x176C0]  }
0x1a3: {  	v30 =	vld [tilespmem:s1+$0x176D0]  }
0x1a4: {  	[tilespmem:s1+$0x9AF0] =	vst.add.f32.msk $0xffff, v0  }
0x1a5: {  	v0 =	vld [tilespmem:s1+$0x176E0]  }
0x1a6: {  	[tilespmem:s1+$0x9900] =	vst.add.f32.msk $0xffff, v1  }
0x1a7: {  	[tilespmem:s1+$0x9910] =	vst.add.f32.msk $0xffff, v2  }
0x1a8: {  	[tilespmem:s1+$0x9920] =	vst.add.f32.msk $0xffff, v3  }
0x1a9: {  	[tilespmem:s1+$0x9930] =	vst.add.f32.msk $0xffff, v4  }
0x1aa: {  	[tilespmem:s1+$0x9940] =	vst.add.f32.msk $0xffff, v5  }
0x1ab: {  	[tilespmem:s1+$0x9950] =	vst.add.f32.msk $0xffff, v6  }
0x1ac: {  	[tilespmem:s1+$0x9960] =	vst.add.f32.msk $0xffff, v7  }
0x1ad: {  	[tilespmem:s1+$0x9970] =	vst.add.f32.msk $0xffff, v8  }
0x1ae: {  	[tilespmem:s1+$0x9980] =	vst.add.f32.msk $0xffff, v9  }
0x1af: {  	[tilespmem:s1+$0x9990] =	vst.add.f32.msk $0xffff, v10  }
0x1b0: {  	[tilespmem:s1+$0x99A0] =	vst.add.f32.msk $0xffff, v11  }
0x1b1: {  	[tilespmem:s1+$0x99B0] =	vst.add.f32.msk $0xffff, v12  }
0x1b2: {  	[tilespmem:s1+$0x99C0] =	vst.add.f32.msk $0xffff, v13  }
0x1b3: {  	[tilespmem:s1+$0x99D0] =	vst.add.f32.msk $0xffff, v14  }
0x1b4: {  	[tilespmem:s1+$0x99E0] =	vst.add.f32.msk $0xffff, v15  }
0x1b5: {  	[tilespmem:s1+$0x99F0] =	vst.add.f32.msk $0xffff, v16  }
0x1b6: {  	[tilespmem:s1+$0x9A00] =	vst.add.f32.msk $0xffff, v17  }
0x1b7: {  	[tilespmem:s1+$0x9A10] =	vst.add.f32.msk $0xffff, v18  }
0x1b8: {  	[tilespmem:s1+$0x9A20] =	vst.add.f32.msk $0xffff, v19  }
0x1b9: {  	[tilespmem:s1+$0x9A30] =	vst.add.f32.msk $0xffff, v20  }
0x1ba: {  	[tilespmem:s1+$0x9A40] =	vst.add.f32.msk $0xffff, v21  }
0x1bb: {  	[tilespmem:s1+$0x9A50] =	vst.add.f32.msk $0xffff, v22  }
0x1bc: {  	[tilespmem:s1+$0x9A60] =	vst.add.f32.msk $0xffff, v23  }
0x1bd: {  	[tilespmem:s1+$0x9A70] =	vst.add.f32.msk $0xffff, v24  }
0x1be: {  	[tilespmem:s1+$0x9A80] =	vst.add.f32.msk $0xffff, v25  }
0x1bf: {  	[tilespmem:s1+$0x9A90] =	vst.add.f32.msk $0xffff, v26  }
0x1c0: {  	[tilespmem:s1+$0x9AA0] =	vst.add.f32.msk $0xffff, v27  }
0x1c1: {  	[tilespmem:s1+$0x9AB0] =	vst.add.f32.msk $0xffff, v28  }
0x1c2: {  	[tilespmem:s1+$0x9AC0] =	vst.add.f32.msk $0xffff, v29  }
0x1c3: {  	s6 =	simm.s32 $0x0;
	s7 =	simm.s32 $0x800;
	[tilespmem:s1+$0x9AD0] =	vst.add.f32.msk $0xffff, v30  }
.LBB2_10:
0x1c4: {  	s6 =	sadd.s32 $0x4, s6;
	[tilespmem:s1+$0x9AE0] =	vst.add.f32.msk $0xffff, v0;
	s1 =	sshra.s32 s7, $0x2  }
0x1c5: {  	v0 =	vld [tilespmem:s1+$0x176F0];
	p0 =	slt.u32 s6, $0x7C  }
0x1c6: {  	v1 =	vld [tilespmem:s1+$0x17500]  }
0x1c7: {  	v2 =	vld [tilespmem:s1+$0x17510]  }
0x1c8: {  	v3 =	vld [tilespmem:s1+$0x17520]  }
0x1c9: {  	v4 =	vld [tilespmem:s1+$0x17530]  }
0x1ca: {  	[tilespmem:s1+$0x9AF0] =	vst.add.f32.msk $0xffff, v0  }
0x1cb: {  	v5 =	vld [tilespmem:s1+$0x17540]  }
0x1cc: {  	v6 =	vld [tilespmem:s1+$0x17550]  }
0x1cd: {  	v7 =	vld [tilespmem:s1+$0x17560]  }
0x1ce: {  	v8 =	vld [tilespmem:s1+$0x17570]  }
0x1cf: {  	v9 =	vld [tilespmem:s1+$0x17580]  }
0x1d0: {  	v10 =	vld [tilespmem:s1+$0x17590]  }
0x1d1: {  	v11 =	vld [tilespmem:s1+$0x175A0]  }
0x1d2: {  	v12 =	vld [tilespmem:s1+$0x175B0]  }
0x1d3: {  	v13 =	vld [tilespmem:s1+$0x175C0]  }
0x1d4: {  	v14 =	vld [tilespmem:s1+$0x175D0]  }
0x1d5: {  	v15 =	vld [tilespmem:s1+$0x175E0]  }
0x1d6: {  	v16 =	vld [tilespmem:s1+$0x175F0]  }
0x1d7: {  	v17 =	vld [tilespmem:s1+$0x17600]  }
0x1d8: {  	v18 =	vld [tilespmem:s1+$0x17610]  }
0x1d9: {  	v19 =	vld [tilespmem:s1+$0x17620]  }
0x1da: {  	v20 =	vld [tilespmem:s1+$0x17630]  }
0x1db: {  	v21 =	vld [tilespmem:s1+$0x17640]  }
0x1dc: {  	v22 =	vld [tilespmem:s1+$0x17650]  }
0x1dd: {  	v23 =	vld [tilespmem:s1+$0x17660]  }
0x1de: {  	v24 =	vld [tilespmem:s1+$0x17670]  }
0x1df: {  	v25 =	vld [tilespmem:s1+$0x17680]  }
0x1e0: {  	v26 =	vld [tilespmem:s1+$0x17690]  }
0x1e1: {  	v27 =	vld [tilespmem:s1+$0x176A0]  }
0x1e2: {  	v28 =	vld [tilespmem:s1+$0x176B0]  }
0x1e3: {  	v29 =	vld [tilespmem:s1+$0x176C0]  }
0x1e4: {  	v30 =	vld [tilespmem:s1+$0x176D0]  }
0x1e5: {  	v0 =	vld [tilespmem:s1+$0x176E0]  }
0x1e6: {  	[tilespmem:s1+$0x9900] =	vst.add.f32.msk $0xffff, v1  }
0x1e7: {  	[tilespmem:s1+$0x9910] =	vst.add.f32.msk $0xffff, v2  }
0x1e8: {  	[tilespmem:s1+$0x9920] =	vst.add.f32.msk $0xffff, v3  }
0x1e9: {  	[tilespmem:s1+$0x9930] =	vst.add.f32.msk $0xffff, v4  }
0x1ea: {  	[tilespmem:s1+$0x9940] =	vst.add.f32.msk $0xffff, v5  }
0x1eb: {  	[tilespmem:s1+$0x9950] =	vst.add.f32.msk $0xffff, v6  }
0x1ec: {  	[tilespmem:s1+$0x9960] =	vst.add.f32.msk $0xffff, v7  }
0x1ed: {  	[tilespmem:s1+$0x9970] =	vst.add.f32.msk $0xffff, v8  }
0x1ee: {  	[tilespmem:s1+$0x9980] =	vst.add.f32.msk $0xffff, v9  }
0x1ef: {  	[tilespmem:s1+$0x9990] =	vst.add.f32.msk $0xffff, v10  }
0x1f0: {  	[tilespmem:s1+$0x99A0] =	vst.add.f32.msk $0xffff, v11  }
0x1f1: {  	[tilespmem:s1+$0x99B0] =	vst.add.f32.msk $0xffff, v12  }
0x1f2: {  	[tilespmem:s1+$0x99C0] =	vst.add.f32.msk $0xffff, v13  }
0x1f3: {  	[tilespmem:s1+$0x99D0] =	vst.add.f32.msk $0xffff, v14  }
0x1f4: {  	[tilespmem:s1+$0x99E0] =	vst.add.f32.msk $0xffff, v15  }
0x1f5: {  	[tilespmem:s1+$0x99F0] =	vst.add.f32.msk $0xffff, v16  }
0x1f6: {  	[tilespmem:s1+$0x9A00] =	vst.add.f32.msk $0xffff, v17  }
0x1f7: {  	[tilespmem:s1+$0x9A10] =	vst.add.f32.msk $0xffff, v18  }
0x1f8: {  	[tilespmem:s1+$0x9A20] =	vst.add.f32.msk $0xffff, v19  }
0x1f9: {  	[tilespmem:s1+$0x9A30] =	vst.add.f32.msk $0xffff, v20  }
0x1fa: {  	[tilespmem:s1+$0x9A40] =	vst.add.f32.msk $0xffff, v21  }
0x1fb: {  	[tilespmem:s1+$0x9A50] =	vst.add.f32.msk $0xffff, v22  }
0x1fc: {  	[tilespmem:s1+$0x9A60] =	vst.add.f32.msk $0xffff, v23  }
0x1fd: {  	[tilespmem:s1+$0x9A70] =	vst.add.f32.msk $0xffff, v24  }
0x1fe: {  	[tilespmem:s1+$0x9A80] =	vst.add.f32.msk $0xffff, v25  }
.Ltmp6:
0x1ff: {  	[tilespmem:s1+$0x9A90] =	vst.add.f32.msk $0xffff, v26;
	(pc) =	sbr.rel @p0 .LBB2_10-.Ltmp6, $4  }
0x200: {  	[tilespmem:s1+$0x9AA0] =	vst.add.f32.msk $0xffff, v27  }
0x201: {  	[tilespmem:s1+$0x9AB0] =	vst.add.f32.msk $0xffff, v28  }
0x202: {  	[tilespmem:s1+$0x9AC0] =	vst.add.f32.msk $0xffff, v29  }
0x203: {  	s7 =	sadd.s32 $0x800, s7;
	[tilespmem:s1+$0x9AD0] =	vst.add.f32.msk $0xffff, v30  }
0x204: {  	[tilespmem:s1+$0x9AE0] =	vst.add.f32.msk $0xffff, v0;
	s6 =	simm.s32 $0x9900;
	s15 =	simm.s32 $0x7;
	s16 =	simm.s32 $0x5900  }
0x205: {  	s17 =	simm.s32 $0x300;
	s19 =	simm.s32 $0x0;
	s1 =	rddreg [dreg:$0x8]  }
0x206: {  	s20 =	sor.u32 $0x183, s19;
	s7 =	sor.u32 $0x180, s19;
	s9 =	sor.u32 $0x181, s19  }
0x207: {  	[hbm4b:s1+s4] =	stream.linear.scatter [tilespmem:s6], [sflag:$0x8], $0x4000, $0x38;
	[tilespmem:$0x1BD00] =	vst v63  }
0x208: {  	s8 =	sand.u32 $0xFFF8, s20;
	s10 =	sand.u32 $0xFFF8, s7;
	s11 =	sand.u32 $0xFFF8, s9  }
0x209: {  	s1 =	sor.u32 $0x182, s19;
	_ =	swait.ge [sflag:s15], $0x4000;
	s8 =	sshrl.u32 s8, $0x3  }
0x20a: {  	s10 =	sshrl.u32 s10, $0x3;
	s11 =	sshrl.u32 s11, $0x3;
	s8 =	smul.u32 $0x147B, s8  }
0x20b: {  	s12 =	sand.u32 $0xFFF8, s1;
	[sflag:s15] =	ssyncset.done $0x0;
	s10 =	smul.u32 $0x147B, s10  }
0x20c: {  	s11 =	smul.u32 $0x147B, s11;
	s12 =	sshrl.u32 s12, $0x3;
	[sflag:s15] =	ssyncadd.s32 $0xFFFFC000  }
0x20d: {  	[tilespmem:s16], [sflag:$0x2] =	stream.indirect.gather [hbm4b:s2+s30], $0x80, s17, s30, $0xb8;
	[tilespmem:$0x1BD00] =	vst v63  }
0x20e: {  	s12 =	smul.u32 $0x147B, s12;
	s8 =	sshrl.u32 s8, $0x11  }
0x20f: {  	s10 =	sshrl.u32 s10, $0x11;
	s8 =	smul.u32 $0xC8, s8  }
0x210: {  	s11 =	sshrl.u32 s11, $0x11;
	s10 =	smul.u32 $0xC8, s10  }
0x211: {  	_ =	swait.ge [sflag:s0], $0x4000;
	s21 =	smul.u32 $0xC8, s11;
	s23 =	sshrl.u32 s12, $0x11  }
0x212: {  	[sflag:s0] =	ssyncset.done $0x0;
	s25 =	smul.u32 $0xC8, s23;
	s6 =	ssub.s32 s20, s8  }
0x213: {  	[sflag:s0] =	ssyncadd.s32 $0xFFFFC000;
	s7 =	ssub.s32 s7, s10;
	s6 =	sand.u32 $0xFFFF, s6  }
0x214: {  	s8 =	ssub.s32 s9, s21;
	s7 =	sand.u32 $0xFFFF, s7;
	s6 =	sshll.u32 s6, $0x7  }
0x215: {  	s8 =	sand.u32 $0xFFFF, s8;
	s26 =	sshll.u32 s7, $0x7;
	v0 =	vld [tilespmem:s6+$0x15900]  }
0x216: {  	s1 =	ssub.s32 s1, s25;
	s8 =	sshll.u32 s8, $0x7;
	v1 =	vld [tilespmem:s26+$0x15900]  }
0x217: {  	s1 =	sand.u32 $0xFFFF, s1;
	v2 =	vld [tilespmem:s8+$0x15900]  }
0x218: {  	s7 =	sshll.u32 s1, $0x7  }
0x219: {  	s1 =	simm.s32 $0xD900;
	v3 =	vld [tilespmem:s7+$0x15900]  }
0x21a: {  	[tilespmem:s1+$0x180] =	vst.add.f32.msk $0xffff, v0  }
0x21b: {  	[tilespmem:s1+$0x0] =	vst.add.f32.msk $0xffff, v1  }
0x21c: {  	[tilespmem:s1+$0x80] =	vst.add.f32.msk $0xffff, v2  }
0x21d: {  	v0 =	vld [tilespmem:s6+$0x15910]  }
0x21e: {  	v1 =	vld [tilespmem:s26+$0x15910]  }
0x21f: {  	v2 =	vld [tilespmem:s8+$0x15910]  }
0x220: {  	[tilespmem:s1+$0x100] =	vst.add.f32.msk $0xffff, v3  }
0x221: {  	v3 =	vld [tilespmem:s7+$0x15910]  }
0x222: {  	[tilespmem:s1+$0x190] =	vst.add.f32.msk $0xffff, v0  }
0x223: {  	[tilespmem:s1+$0x10] =	vst.add.f32.msk $0xffff, v1  }
0x224: {  	[tilespmem:s1+$0x90] =	vst.add.f32.msk $0xffff, v2  }
0x225: {  	v0 =	vld [tilespmem:s6+$0x15920]  }
0x226: {  	v1 =	vld [tilespmem:s26+$0x15920]  }
0x227: {  	v2 =	vld [tilespmem:s8+$0x15920]  }
0x228: {  	[tilespmem:s1+$0x110] =	vst.add.f32.msk $0xffff, v3  }
0x229: {  	v3 =	vld [tilespmem:s7+$0x15920]  }
0x22a: {  	[tilespmem:s1+$0x1A0] =	vst.add.f32.msk $0xffff, v0  }
0x22b: {  	[tilespmem:s1+$0x20] =	vst.add.f32.msk $0xffff, v1  }
0x22c: {  	[tilespmem:s1+$0xA0] =	vst.add.f32.msk $0xffff, v2  }
0x22d: {  	v0 =	vld [tilespmem:s6+$0x15930]  }
0x22e: {  	v1 =	vld [tilespmem:s26+$0x15930]  }
0x22f: {  	v2 =	vld [tilespmem:s8+$0x15930]  }
0x230: {  	[tilespmem:s1+$0x120] =	vst.add.f32.msk $0xffff, v3  }
0x231: {  	v3 =	vld [tilespmem:s7+$0x15930]  }
0x232: {  	[tilespmem:s1+$0x1B0] =	vst.add.f32.msk $0xffff, v0  }
0x233: {  	[tilespmem:s1+$0x30] =	vst.add.f32.msk $0xffff, v1  }
0x234: {  	[tilespmem:s1+$0xB0] =	vst.add.f32.msk $0xffff, v2  }
0x235: {  	v0 =	vld [tilespmem:s6+$0x15940]  }
0x236: {  	v1 =	vld [tilespmem:s26+$0x15940]  }
0x237: {  	v2 =	vld [tilespmem:s8+$0x15940]  }
0x238: {  	[tilespmem:s1+$0x130] =	vst.add.f32.msk $0xffff, v3  }
0x239: {  	v3 =	vld [tilespmem:s7+$0x15940]  }
0x23a: {  	[tilespmem:s1+$0x1C0] =	vst.add.f32.msk $0xffff, v0  }
0x23b: {  	[tilespmem:s1+$0x40] =	vst.add.f32.msk $0xffff, v1  }
0x23c: {  	v0 =	vld [tilespmem:s6+$0x15950]  }
0x23d: {  	[tilespmem:s1+$0xC0] =	vst.add.f32.msk $0xffff, v2  }
0x23e: {  	[tilespmem:s1+$0x140] =	vst.add.f32.msk $0xffff, v3  }
0x23f: {  	v1 =	vld [tilespmem:s8+$0x15950]  }
0x240: {  	v2 =	vld [tilespmem:s7+$0x15950]  }
0x241: {  	[tilespmem:s1+$0x1D0] =	vst.add.f32.msk $0xffff, v0  }
0x242: {  	v0 =	vld [tilespmem:s6+$0x15960];
	_ =	sdelay $0x2  }
0x243: {  	[tilespmem:s1+$0xD0] =	vst.add.f32.msk $0xffff, v1  }
0x244: {  	[tilespmem:s1+$0x150] =	vst.add.f32.msk $0xffff, v2  }
0x245: {  	[tilespmem:s1+$0x1E0] =	vst.add.f32.msk $0xffff, v0  }
0x246: {  	v0 =	vld [tilespmem:s26+$0x15950]  }
0x247: {  	v3 =	vld [tilespmem:s6+$0x15970];
	s6 =	simm.s32 $0x4  }
0x248: {  	v1 =	vld [tilespmem:s8+$0x15960];
	s11 =	sor.u32 $0x183, s6  }
0x249: {  	v2 =	vld [tilespmem:s7+$0x15960];
	s19 =	sor.u32 $0x180, s6;
	s13 =	sor.u32 $0x181, s6;
	s20 =	sand.u32 $0xFFF8, s11  }
0x24a: {  	s16 =	sor.u32 $0x182, s6;
	s14 =	sand.u32 $0xFFF8, s19;
	s12 =	sshrl.u32 s20, $0x3  }
0x24b: {  	s15 =	sand.u32 $0xFFF8, s13;
	s14 =	sshrl.u32 s14, $0x3;
	[tilespmem:s1+$0x50] =	vst.add.f32.msk $0xffff, v0;
	s12 =	smul.u32 $0x147B, s12  }
0x24c: {  	s17 =	sand.u32 $0xFFF8, s16;
	s15 =	sshrl.u32 s15, $0x3;
	s14 =	smul.u32 $0x147B, s14;
	v0 =	vld [tilespmem:s26+$0x15960]  }
0x24d: {  	[tilespmem:s1+$0xE0] =	vst.add.f32.msk $0xffff, v1;
	s17 =	sshrl.u32 s17, $0x3;
	s15 =	smul.u32 $0x147B, s15  }
0x24e: {  	[tilespmem:s1+$0x160] =	vst.add.f32.msk $0xffff, v2;
	s25 =	smul.u32 $0x147B, s17;
	s12 =	sshrl.u32 s12, $0x11  }
0x24f: {  	v4 =	vld [tilespmem:s8+$0x15970];
	s23 =	sshrl.u32 s14, $0x11;
	s21 =	smul.u32 $0xC8, s12  }
0x250: {  	[tilespmem:s1+$0x1F0] =	vst.add.f32.msk $0xffff, v3;
	s14 =	sshrl.u32 s25, $0x11;
	s12 =	smul.u32 $0xC8, s23  }
0x251: {  	s15 =	sshrl.u32 s15, $0x11;
	s17 =	smul.u32 $0xC8, s14;
	s9 =	ssub.s32 s11, s21;
	[tilespmem:s1+$0x60] =	vst.add.f32.msk $0xffff, v0  }
0x252: {  	s9 =	sand.u32 $0xFFFF, s9;
	v3 =	vld [tilespmem:s26+$0x15970];
	s26 =	smul.u32 $0xC8, s15;
	s15 =	ssub.s32 s19, s12  }
0x253: {  	s25 =	ssub.s32 s16, s17;
	v0 =	vld [tilespmem:s7+$0x15970];
	s19 =	sshll.u32 s9, $0x7;
	s20 =	sand.u32 $0xFFFF, s15  }
0x254: {  	v1 =	vld [tilespmem:s19+$0x15900];
	s21 =	ssub.s32 s13, s26;
	s10 =	sshll.u32 s20, $0x7;
	s26 =	sand.u32 $0xFFFF, s25  }
0x255: {  	v2 =	vld [tilespmem:s10+$0x15900];
	s9 =	sshll.u32 s26, $0x7  }
0x256: {  	s23 =	sand.u32 $0xFFFF, s21;
	v5 =	vld [tilespmem:s9+$0x15900]  }
0x257: {  	s8 =	sshll.u32 s23, $0x7;
	[tilespmem:s1+$0x70] =	vst.add.f32.msk $0xffff, v3  }
0x258: {  	s7 =	simm.s32 $0xDB00;
	v3 =	vld [tilespmem:s8+$0x15900]  }
0x259: {  	[tilespmem:s7+$0x180] =	vst.add.f32.msk $0xffff, v1  }
0x25a: {  	v1 =	vld [tilespmem:s19+$0x15910]  }
0x25b: {  	[tilespmem:s7+$0x0] =	vst.add.f32.msk $0xffff, v2  }
0x25c: {  	[tilespmem:s7+$0x100] =	vst.add.f32.msk $0xffff, v5  }
0x25d: {  	v2 =	vld [tilespmem:s10+$0x15910]  }
0x25e: {  	[tilespmem:s7+$0x80] =	vst.add.f32.msk $0xffff, v3  }
0x25f: {  	v5 =	vld [tilespmem:s9+$0x15910]  }
0x260: {  	[tilespmem:s7+$0x190] =	vst.add.f32.msk $0xffff, v1  }
0x261: {  	v1 =	vld [tilespmem:s19+$0x15920]  }
0x262: {  	v3 =	vld [tilespmem:s8+$0x15910]  }
0x263: {  	[tilespmem:s7+$0x10] =	vst.add.f32.msk $0xffff, v2  }
0x264: {  	v2 =	vld [tilespmem:s10+$0x15920]  }
0x265: {  	[tilespmem:s7+$0x110] =	vst.add.f32.msk $0xffff, v5  }
0x266: {  	[tilespmem:s7+$0x1A0] =	vst.add.f32.msk $0xffff, v1  }
0x267: {  	v1 =	vld [tilespmem:s19+$0x15930]  }
0x268: {  	[tilespmem:s7+$0x90] =	vst.add.f32.msk $0xffff, v3  }
0x269: {  	v5 =	vld [tilespmem:s9+$0x15920]  }
0x26a: {  	v3 =	vld [tilespmem:s8+$0x15920]  }
0x26b: {  	[tilespmem:s7+$0x20] =	vst.add.f32.msk $0xffff, v2  }
0x26c: {  	[tilespmem:s7+$0x1B0] =	vst.add.f32.msk $0xffff, v1  }
0x26d: {  	v1 =	vld [tilespmem:s19+$0x15940]  }
0x26e: {  	[tilespmem:s7+$0x120] =	vst.add.f32.msk $0xffff, v5  }
0x26f: {  	v2 =	vld [tilespmem:s10+$0x15930]  }
0x270: {  	[tilespmem:s7+$0xA0] =	vst.add.f32.msk $0xffff, v3  }
0x271: {  	v5 =	vld [tilespmem:s9+$0x15930]  }
0x272: {  	[tilespmem:s7+$0x1C0] =	vst.add.f32.msk $0xffff, v1  }
0x273: {  	v1 =	vld [tilespmem:s19+$0x15950]  }
0x274: {  	v3 =	vld [tilespmem:s8+$0x15930]  }
0x275: {  	[tilespmem:s7+$0x30] =	vst.add.f32.msk $0xffff, v2  }
0x276: {  	v2 =	vld [tilespmem:s10+$0x15940]  }
0x277: {  	[tilespmem:s7+$0x130] =	vst.add.f32.msk $0xffff, v5  }
0x278: {  	[tilespmem:s7+$0x1D0] =	vst.add.f32.msk $0xffff, v1  }
0x279: {  	v1 =	vld [tilespmem:s19+$0x15960]  }
0x27a: {  	[tilespmem:s7+$0xB0] =	vst.add.f32.msk $0xffff, v3  }
0x27b: {  	v5 =	vld [tilespmem:s9+$0x15940]  }
0x27c: {  	v3 =	vld [tilespmem:s8+$0x15940]  }
0x27d: {  	[tilespmem:s7+$0x40] =	vst.add.f32.msk $0xffff, v2  }
0x27e: {  	[tilespmem:s7+$0x1E0] =	vst.add.f32.msk $0xffff, v1  }
0x27f: {  	v1 =	vld [tilespmem:s19+$0x15970]  }
0x280: {  	[tilespmem:s7+$0x140] =	vst.add.f32.msk $0xffff, v5  }
0x281: {  	[tilespmem:s7+$0xC0] =	vst.add.f32.msk $0xffff, v3  }
0x282: {  	v3 =	vld [tilespmem:s10+$0x15950]  }
0x283: {  	v2 =	vld [tilespmem:s8+$0x15950]  }
0x284: {  	[tilespmem:s7+$0x1F0] =	vst.add.f32.msk $0xffff, v1  }
0x285: {  	v1 =	vld [tilespmem:s9+$0x15950]  }
0x286: {  	[tilespmem:s1+$0xF0] =	vst.add.f32.msk $0xffff, v4  }
0x287: {  	[tilespmem:s7+$0x50] =	vst.add.f32.msk $0xffff, v3  }
.LBB2_12:
0x288: {  	s6 =	sadd.s32 $0x4, s6;
	v3 =	vld [tilespmem:s10+$0x15960]  }
0x289: {  	s11 =	sor.u32 $0x180, s6;
	s12 =	sor.u32 $0x181, s6;
	s13 =	sor.u32 $0x183, s6;
	[tilespmem:s7+$0xD0] =	vst.add.f32.msk $0xffff, v2  }
0x28a: {  	s15 =	sor.u32 $0x182, s6;
	s14 =	sand.u32 $0xFFF8, s11;
	s16 =	sand.u32 $0xFFF8, s13;
	[tilespmem:s7+$0x150] =	vst.add.f32.msk $0xffff, v1  }
0x28b: {  	s17 =	sand.u32 $0xFFF8, s12;
	s19 =	sand.u32 $0xFFF8, s15;
	s16 =	sshrl.u32 s16, $0x3;
	v1 =	vld [tilespmem:s8+$0x15960]  }
0x28c: {  	s14 =	sshrl.u32 s14, $0x3;
	s17 =	sshrl.u32 s17, $0x3;
	s16 =	smul.u32 $0x147B, s16;
	v2 =	vld [tilespmem:s9+$0x15960]  }
0x28d: {  	p0 =	slt.u32 s6, $0x7C;
	s19 =	sshrl.u32 s19, $0x3;
	s14 =	smul.u32 $0x147B, s14;
	[tilespmem:s7+$0x60] =	vst.add.f32.msk $0xffff, v3  }
0x28e: {  	s17 =	smul.u32 $0x147B, s17;
	s16 =	sshrl.u32 s16, $0x11;
	v3 =	vld [tilespmem:s10+$0x15970]  }
0x28f: {  	s10 =	sshrl.u32 s14, $0x11;
	s14 =	smul.u32 $0xC8, s16;
	[tilespmem:s1+$0x170] =	vst.add.f32.msk $0xffff, v0;
	s1 =	smov.u32 s7  }
0x290: {  	s16 =	sshrl.u32 s17, $0x11;
	s17 =	smul.u32 $0x147B, s19;
	[tilespmem:s7+$0xE0] =	vst.add.f32.msk $0xffff, v1  }
0x291: {  	s10 =	smul.u32 $0xC8, s10;
	s13 =	ssub.s32 s13, s14;
	[tilespmem:s7+$0x160] =	vst.add.f32.msk $0xffff, v2  }
0x292: {  	s14 =	smul.u32 $0xC8, s16;
	s16 =	sshrl.u32 s17, $0x11;
	s13 =	sand.u32 $0xFFFF, s13;
	v4 =	vld [tilespmem:s8+$0x15970]  }
0x293: {  	s8 =	ssub.s32 s11, s10;
	s16 =	smul.u32 $0xC8, s16;
	s11 =	sshll.u32 s13, $0x7;
	v0 =	vld [tilespmem:s9+$0x15970]  }
0x294: {  	s8 =	sand.u32 $0xFFFF, s8;
	s9 =	ssub.s32 s12, s14;
	v1 =	vld [tilespmem:s11+$0x15900]  }
0x295: {  	s10 =	sshll.u32 s8, $0x7;
	s8 =	sand.u32 $0xFFFF, s9;
	s9 =	ssub.s32 s15, s16;
	[tilespmem:s7+$0x70] =	vst.add.f32.msk $0xffff, v3  }
0x296: {  	s8 =	sshll.u32 s8, $0x7;
	s9 =	sand.u32 $0xFFFF, s9;
	v2 =	vld [tilespmem:s10+$0x15900]  }
0x297: {  	s9 =	sshll.u32 s9, $0x7;
	v3 =	vld [tilespmem:s8+$0x15900]  }
0x298: {  	s7 =	sadd.s32 $0x200, s7;
	v5 =	vld [tilespmem:s9+$0x15900]  }
0x299: {  	[tilespmem:s7+$0x180] =	vst.add.f32.msk $0xffff, v1  }
0x29a: {  	v1 =	vld [tilespmem:s11+$0x15910]  }
0x29b: {  	[tilespmem:s7+$0x0] =	vst.add.f32.msk $0xffff, v2  }
0x29c: {  	[tilespmem:s7+$0x80] =	vst.add.f32.msk $0xffff, v3  }
0x29d: {  	[tilespmem:s7+$0x100] =	vst.add.f32.msk $0xffff, v5  }
0x29e: {  	v2 =	vld [tilespmem:s10+$0x15910]  }
0x29f: {  	[tilespmem:s7+$0x190] =	vst.add.f32.msk $0xffff, v1  }
0x2a0: {  	v1 =	vld [tilespmem:s11+$0x15920]  }
0x2a1: {  	v3 =	vld [tilespmem:s8+$0x15910]  }
0x2a2: {  	v5 =	vld [tilespmem:s9+$0x15910]  }
0x2a3: {  	[tilespmem:s7+$0x10] =	vst.add.f32.msk $0xffff, v2  }
0x2a4: {  	v2 =	vld [tilespmem:s10+$0x15920]  }
0x2a5: {  	[tilespmem:s7+$0x1A0] =	vst.add.f32.msk $0xffff, v1  }
0x2a6: {  	v1 =	vld [tilespmem:s11+$0x15930]  }
0x2a7: {  	[tilespmem:s7+$0x90] =	vst.add.f32.msk $0xffff, v3  }
0x2a8: {  	[tilespmem:s7+$0x110] =	vst.add.f32.msk $0xffff, v5  }
0x2a9: {  	v3 =	vld [tilespmem:s8+$0x15920]  }
0x2aa: {  	v5 =	vld [tilespmem:s9+$0x15920]  }
0x2ab: {  	[tilespmem:s7+$0x1B0] =	vst.add.f32.msk $0xffff, v1  }
0x2ac: {  	v1 =	vld [tilespmem:s11+$0x15940]  }
0x2ad: {  	[tilespmem:s7+$0x20] =	vst.add.f32.msk $0xffff, v2  }
0x2ae: {  	[tilespmem:s7+$0xA0] =	vst.add.f32.msk $0xffff, v3  }
0x2af: {  	[tilespmem:s7+$0x120] =	vst.add.f32.msk $0xffff, v5  }
0x2b0: {  	v2 =	vld [tilespmem:s10+$0x15930]  }
0x2b1: {  	[tilespmem:s7+$0x1C0] =	vst.add.f32.msk $0xffff, v1  }
0x2b2: {  	v1 =	vld [tilespmem:s11+$0x15950]  }
0x2b3: {  	v3 =	vld [tilespmem:s8+$0x15930]  }
0x2b4: {  	v5 =	vld [tilespmem:s9+$0x15930]  }
0x2b5: {  	[tilespmem:s7+$0x30] =	vst.add.f32.msk $0xffff, v2  }
0x2b6: {  	v2 =	vld [tilespmem:s10+$0x15940]  }
0x2b7: {  	[tilespmem:s7+$0x1D0] =	vst.add.f32.msk $0xffff, v1  }
0x2b8: {  	v1 =	vld [tilespmem:s11+$0x15960]  }
0x2b9: {  	[tilespmem:s7+$0xB0] =	vst.add.f32.msk $0xffff, v3  }
0x2ba: {  	[tilespmem:s7+$0x130] =	vst.add.f32.msk $0xffff, v5  }
0x2bb: {  	v3 =	vld [tilespmem:s8+$0x15940]  }
0x2bc: {  	v5 =	vld [tilespmem:s9+$0x15940]  }
0x2bd: {  	[tilespmem:s7+$0x1E0] =	vst.add.f32.msk $0xffff, v1  }
0x2be: {  	v1 =	vld [tilespmem:s11+$0x15970]  }
0x2bf: {  	[tilespmem:s7+$0x40] =	vst.add.f32.msk $0xffff, v2  }
0x2c0: {  	[tilespmem:s7+$0xC0] =	vst.add.f32.msk $0xffff, v3  }
0x2c1: {  	[tilespmem:s7+$0x140] =	vst.add.f32.msk $0xffff, v5  }
0x2c2: {  	v3 =	vld [tilespmem:s10+$0x15950]  }
.Ltmp7:
0x2c3: {  	[tilespmem:s7+$0x1F0] =	vst.add.f32.msk $0xffff, v1;
	(pc) =	sbr.rel @p0 .LBB2_12-.Ltmp7, $4  }
0x2c4: {  	v2 =	vld [tilespmem:s8+$0x15950]  }
0x2c5: {  	v1 =	vld [tilespmem:s9+$0x15950]  }
0x2c6: {  	[tilespmem:s1+$0xF0] =	vst.add.f32.msk $0xffff, v4  }
0x2c7: {  	[tilespmem:s7+$0x50] =	vst.add.f32.msk $0xffff, v3  }
0x2c8: {  	v3 =	vld [tilespmem:s10+$0x15960]  }
0x2c9: {  	[tilespmem:s7+$0xD0] =	vst.add.f32.msk $0xffff, v2  }
0x2ca: {  	[tilespmem:s7+$0x150] =	vst.add.f32.msk $0xffff, v1  }
0x2cb: {  	v1 =	vld [tilespmem:s8+$0x15960]  }
0x2cc: {  	v2 =	vld [tilespmem:s9+$0x15960];
	_ =	sdelay $0x1  }
0x2cd: {  	[tilespmem:s7+$0x60] =	vst.add.f32.msk $0xffff, v3  }
0x2ce: {  	v3 =	vld [tilespmem:s10+$0x15970]  }
0x2cf: {  	[tilespmem:s7+$0xE0] =	vst.add.f32.msk $0xffff, v1  }
0x2d0: {  	s14 =	simm.s32 $0x0;
	[tilespmem:s7+$0x160] =	vst.add.f32.msk $0xffff, v2  }
0x2d1: {  	s19 =	sor.u32 $0x201, s14;
	v1 =	vld [tilespmem:s8+$0x15970]  }
0x2d2: {  	s11 =	sand.u32 $0xFFF8, s19;
	v2 =	vld [tilespmem:s9+$0x15970]  }
0x2d3: {  	s16 =	sor.u32 $0x200, s14;
	s11 =	sshrl.u32 s11, $0x3  }
0x2d4: {  	[tilespmem:s1+$0x170] =	vst.add.f32.msk $0xffff, v0;
	s20 =	sand.u32 $0xFFF8, s16;
	s11 =	smul.u32 $0x147B, s11  }
0x2d5: {  	s13 =	simm.s32 $0x9900;
	s15 =	sor.u32 $0x203, s14;
	s10 =	sshrl.u32 s20, $0x3;
	[tilespmem:s7+$0x70] =	vst.add.f32.msk $0xffff, v3  }
0x2d6: {  	s17 =	sand.u32 $0xFFF8, s15;
	s11 =	sshrl.u32 s11, $0x11;
	s10 =	smul.u32 $0x147B, s10;
	[tilespmem:s7+$0xF0] =	vst.add.f32.msk $0xffff, v1  }
0x2d7: {  	s6 =	simm.s32 $0x380;
	s21 =	smul.u32 $0xC8, s11;
	s8 =	sshrl.u32 s17, $0x3;
	[tilespmem:s7+$0x170] =	vst.add.f32.msk $0xffff, v2  }
0x2d8: {  	s8 =	smul.u32 $0x147B, s8;
	s10 =	sshrl.u32 s10, $0x11;
	s1 =	rddreg [dreg:$0x9]  }
0x2d9: {  	[hbm4b:s1+s4] =	stream.linear.scatter [tilespmem:s28], [sflag:$0x9], $0x4000, $0x38;
	[tilespmem:$0x1BD00] =	vst v63  }
0x2da: {  	s10 =	smul.u32 $0xC8, s10;
	s8 =	sshrl.u32 s8, $0x11;
	s1 =	sor.u32 $0x202, s14  }
0x2db: {  	s8 =	smul.u32 $0xC8, s8;
	_ =	swait.ge [sflag:s18], $0x4000;
	s12 =	sand.u32 $0xFFF8, s1  }
0x2dc: {  	s7 =	ssub.s32 s16, s10;
	[sflag:s18] =	ssyncset.done $0x0;
	s12 =	sshrl.u32 s12, $0x3  }
0x2dd: {  	s7 =	sand.u32 $0xFFFF, s7;
	[sflag:s18] =	ssyncadd.s32 $0xFFFFC000;
	s12 =	smul.u32 $0x147B, s12  }
0x2de: {  	[tilespmem:s13], [sflag:$0x3] =	stream.indirect.gather [hbm4b:s2+s30], $0x80, s6, s30, $0xb8;
	[tilespmem:$0x1BD00] =	vst v63  }
0x2df: {  	s6 =	ssub.s32 s15, s8;
	s8 =	ssub.s32 s19, s21;
	_ =	swait.ge [sflag:s22], $0x4000  }
0x2e0: {  	s23 =	sshrl.u32 s12, $0x11;
	s6 =	sand.u32 $0xFFFF, s6;
	[sflag:s22] =	ssyncset.done $0x0  }
0x2e1: {  	s25 =	smul.u32 $0xC8, s23;
	s6 =	sshll.u32 s6, $0x7;
	[sflag:s22] =	ssyncadd.s32 $0xFFFFC000  }
0x2e2: {  	s26 =	sshll.u32 s7, $0x7;
	s8 =	sand.u32 $0xFFFF, s8;
	v0 =	vld [tilespmem:s6+$0x15900]  }
0x2e3: {  	s8 =	sshll.u32 s8, $0x7;
	s1 =	ssub.s32 s1, s25;
	v1 =	vld [tilespmem:s26+$0x15900]  }
0x2e4: {  	v2 =	vld [tilespmem:s8+$0x15900];
	s1 =	sand.u32 $0xFFFF, s1  }
0x2e5: {  	s7 =	sshll.u32 s1, $0x7  }
0x2e6: {  	s1 =	simm.s32 $0x11900;
	v3 =	vld [tilespmem:s7+$0x15900]  }
0x2e7: {  	[tilespmem:s1+$0x180] =	vst.add.f32.msk $0xffff, v0  }
0x2e8: {  	[tilespmem:s1+$0x0] =	vst.add.f32.msk $0xffff, v1  }
0x2e9: {  	[tilespmem:s1+$0x80] =	vst.add.f32.msk $0xffff, v2  }
0x2ea: {  	v0 =	vld [tilespmem:s6+$0x15910]  }
0x2eb: {  	v1 =	vld [tilespmem:s26+$0x15910]  }
0x2ec: {  	v2 =	vld [tilespmem:s8+$0x15910]  }
0x2ed: {  	[tilespmem:s1+$0x100] =	vst.add.f32.msk $0xffff, v3  }
0x2ee: {  	v3 =	vld [tilespmem:s7+$0x15910]  }
0x2ef: {  	[tilespmem:s1+$0x190] =	vst.add.f32.msk $0xffff, v0  }
0x2f0: {  	[tilespmem:s1+$0x10] =	vst.add.f32.msk $0xffff, v1  }
0x2f1: {  	[tilespmem:s1+$0x90] =	vst.add.f32.msk $0xffff, v2  }
0x2f2: {  	v0 =	vld [tilespmem:s6+$0x15920]  }
0x2f3: {  	v1 =	vld [tilespmem:s26+$0x15920]  }
0x2f4: {  	v2 =	vld [tilespmem:s8+$0x15920]  }
0x2f5: {  	[tilespmem:s1+$0x110] =	vst.add.f32.msk $0xffff, v3  }
0x2f6: {  	v3 =	vld [tilespmem:s7+$0x15920]  }
0x2f7: {  	[tilespmem:s1+$0x1A0] =	vst.add.f32.msk $0xffff, v0  }
0x2f8: {  	[tilespmem:s1+$0x20] =	vst.add.f32.msk $0xffff, v1  }
0x2f9: {  	[tilespmem:s1+$0xA0] =	vst.add.f32.msk $0xffff, v2  }
0x2fa: {  	v0 =	vld [tilespmem:s6+$0x15930]  }
0x2fb: {  	v1 =	vld [tilespmem:s26+$0x15930]  }
0x2fc: {  	v2 =	vld [tilespmem:s8+$0x15930]  }
0x2fd: {  	[tilespmem:s1+$0x120] =	vst.add.f32.msk $0xffff, v3  }
0x2fe: {  	v3 =	vld [tilespmem:s7+$0x15930]  }
0x2ff: {  	[tilespmem:s1+$0x1B0] =	vst.add.f32.msk $0xffff, v0  }
0x300: {  	[tilespmem:s1+$0x30] =	vst.add.f32.msk $0xffff, v1  }
0x301: {  	v0 =	vld [tilespmem:s6+$0x15940]  }
0x302: {  	[tilespmem:s1+$0xB0] =	vst.add.f32.msk $0xffff, v2  }
0x303: {  	v1 =	vld [tilespmem:s26+$0x15940]  }
0x304: {  	v2 =	vld [tilespmem:s8+$0x15940]  }
0x305: {  	[tilespmem:s1+$0x130] =	vst.add.f32.msk $0xffff, v3  }
0x306: {  	[tilespmem:s1+$0x1C0] =	vst.add.f32.msk $0xffff, v0  }
0x307: {  	v0 =	vld [tilespmem:s6+$0x15950]  }
0x308: {  	v3 =	vld [tilespmem:s7+$0x15940]  }
0x309: {  	[tilespmem:s1+$0x40] =	vst.add.f32.msk $0xffff, v1  }
0x30a: {  	[tilespmem:s1+$0xC0] =	vst.add.f32.msk $0xffff, v2  }
0x30b: {  	v1 =	vld [tilespmem:s8+$0x15950]  }
0x30c: {  	[tilespmem:s1+$0x1D0] =	vst.add.f32.msk $0xffff, v0  }
0x30d: {  	v0 =	vld [tilespmem:s6+$0x15960];
	_ =	sdelay $0x1  }
0x30e: {  	[tilespmem:s1+$0x140] =	vst.add.f32.msk $0xffff, v3  }
0x30f: {  	v2 =	vld [tilespmem:s7+$0x15950]  }
0x310: {  	[tilespmem:s1+$0xD0] =	vst.add.f32.msk $0xffff, v1  }
0x311: {  	[tilespmem:s1+$0x1E0] =	vst.add.f32.msk $0xffff, v0  }
0x312: {  	v0 =	vld [tilespmem:s26+$0x15950]  }
0x313: {  	v3 =	vld [tilespmem:s6+$0x15970];
	s6 =	simm.s32 $0x4  }
0x314: {  	v1 =	vld [tilespmem:s8+$0x15960];
	s11 =	sor.u32 $0x203, s6  }
0x315: {  	[tilespmem:s1+$0x150] =	vst.add.f32.msk $0xffff, v2;
	s19 =	sor.u32 $0x200, s6;
	s13 =	sor.u32 $0x201, s6;
	s20 =	sand.u32 $0xFFF8, s11  }
0x316: {  	v2 =	vld [tilespmem:s7+$0x15960];
	s16 =	sor.u32 $0x202, s6;
	s14 =	sand.u32 $0xFFF8, s19;
	s12 =	sshrl.u32 s20, $0x3  }
0x317: {  	s15 =	sand.u32 $0xFFF8, s13;
	s14 =	sshrl.u32 s14, $0x3;
	[tilespmem:s1+$0x50] =	vst.add.f32.msk $0xffff, v0;
	s12 =	smul.u32 $0x147B, s12  }
0x318: {  	s17 =	sand.u32 $0xFFF8, s16;
	s15 =	sshrl.u32 s15, $0x3;
	s14 =	smul.u32 $0x147B, s14;
	v0 =	vld [tilespmem:s26+$0x15960]  }
0x319: {  	[tilespmem:s1+$0xE0] =	vst.add.f32.msk $0xffff, v1;
	s17 =	sshrl.u32 s17, $0x3;
	s15 =	smul.u32 $0x147B, s15  }
0x31a: {  	v4 =	vld [tilespmem:s8+$0x15970];
	s25 =	smul.u32 $0x147B, s17;
	s12 =	sshrl.u32 s12, $0x11  }
0x31b: {  	[tilespmem:s1+$0x160] =	vst.add.f32.msk $0xffff, v2;
	s23 =	sshrl.u32 s14, $0x11;
	s21 =	smul.u32 $0xC8, s12  }
0x31c: {  	[tilespmem:s1+$0x1F0] =	vst.add.f32.msk $0xffff, v3;
	s14 =	sshrl.u32 s25, $0x11;
	s12 =	smul.u32 $0xC8, s23  }
0x31d: {  	s15 =	sshrl.u32 s15, $0x11;
	s17 =	smul.u32 $0xC8, s14;
	s9 =	ssub.s32 s11, s21;
	[tilespmem:s1+$0x60] =	vst.add.f32.msk $0xffff, v0  }
0x31e: {  	s9 =	sand.u32 $0xFFFF, s9;
	v3 =	vld [tilespmem:s26+$0x15970];
	s26 =	smul.u32 $0xC8, s15;
	s15 =	ssub.s32 s19, s12  }
0x31f: {  	s25 =	ssub.s32 s16, s17;
	v0 =	vld [tilespmem:s7+$0x15970];
	s19 =	sshll.u32 s9, $0x7;
	s20 =	sand.u32 $0xFFFF, s15  }
0x320: {  	v1 =	vld [tilespmem:s19+$0x15900];
	s21 =	ssub.s32 s13, s26;
	s10 =	sshll.u32 s20, $0x7;
	s26 =	sand.u32 $0xFFFF, s25  }
0x321: {  	v2 =	vld [tilespmem:s10+$0x15900];
	s9 =	sshll.u32 s26, $0x7  }
0x322: {  	s23 =	sand.u32 $0xFFFF, s21;
	v5 =	vld [tilespmem:s9+$0x15900]  }
0x323: {  	s8 =	sshll.u32 s23, $0x7;
	[tilespmem:s1+$0x70] =	vst.add.f32.msk $0xffff, v3  }
0x324: {  	s7 =	simm.s32 $0x11B00;
	v3 =	vld [tilespmem:s8+$0x15900]  }
0x325: {  	[tilespmem:s7+$0x180] =	vst.add.f32.msk $0xffff, v1  }
0x326: {  	v1 =	vld [tilespmem:s19+$0x15910]  }
0x327: {  	[tilespmem:s7+$0x0] =	vst.add.f32.msk $0xffff, v2  }
0x328: {  	[tilespmem:s7+$0x100] =	vst.add.f32.msk $0xffff, v5  }
0x329: {  	v2 =	vld [tilespmem:s10+$0x15910]  }
0x32a: {  	[tilespmem:s7+$0x80] =	vst.add.f32.msk $0xffff, v3  }
0x32b: {  	v5 =	vld [tilespmem:s9+$0x15910]  }
0x32c: {  	[tilespmem:s7+$0x190] =	vst.add.f32.msk $0xffff, v1  }
0x32d: {  	v1 =	vld [tilespmem:s19+$0x15920]  }
0x32e: {  	v3 =	vld [tilespmem:s8+$0x15910]  }
0x32f: {  	[tilespmem:s7+$0x10] =	vst.add.f32.msk $0xffff, v2  }
0x330: {  	v2 =	vld [tilespmem:s10+$0x15920]  }
0x331: {  	[tilespmem:s7+$0x110] =	vst.add.f32.msk $0xffff, v5  }
0x332: {  	[tilespmem:s7+$0x1A0] =	vst.add.f32.msk $0xffff, v1  }
0x333: {  	v1 =	vld [tilespmem:s19+$0x15930]  }
0x334: {  	[tilespmem:s7+$0x90] =	vst.add.f32.msk $0xffff, v3  }
0x335: {  	v5 =	vld [tilespmem:s9+$0x15920]  }
0x336: {  	v3 =	vld [tilespmem:s8+$0x15920]  }
0x337: {  	[tilespmem:s7+$0x20] =	vst.add.f32.msk $0xffff, v2  }
0x338: {  	[tilespmem:s7+$0x1B0] =	vst.add.f32.msk $0xffff, v1  }
0x339: {  	v1 =	vld [tilespmem:s19+$0x15940]  }
0x33a: {  	[tilespmem:s7+$0x120] =	vst.add.f32.msk $0xffff, v5  }
0x33b: {  	v2 =	vld [tilespmem:s10+$0x15930]  }
0x33c: {  	[tilespmem:s7+$0xA0] =	vst.add.f32.msk $0xffff, v3  }
0x33d: {  	v5 =	vld [tilespmem:s9+$0x15930]  }
0x33e: {  	[tilespmem:s7+$0x1C0] =	vst.add.f32.msk $0xffff, v1  }
0x33f: {  	v1 =	vld [tilespmem:s19+$0x15950]  }
0x340: {  	v3 =	vld [tilespmem:s8+$0x15930]  }
0x341: {  	[tilespmem:s7+$0x30] =	vst.add.f32.msk $0xffff, v2  }
0x342: {  	v2 =	vld [tilespmem:s10+$0x15940]  }
0x343: {  	[tilespmem:s7+$0x130] =	vst.add.f32.msk $0xffff, v5  }
0x344: {  	[tilespmem:s7+$0x1D0] =	vst.add.f32.msk $0xffff, v1  }
0x345: {  	v1 =	vld [tilespmem:s19+$0x15960]  }
0x346: {  	[tilespmem:s7+$0xB0] =	vst.add.f32.msk $0xffff, v3  }
0x347: {  	v5 =	vld [tilespmem:s9+$0x15940]  }
0x348: {  	v3 =	vld [tilespmem:s8+$0x15940]  }
0x349: {  	[tilespmem:s7+$0x40] =	vst.add.f32.msk $0xffff, v2  }
0x34a: {  	[tilespmem:s7+$0x1E0] =	vst.add.f32.msk $0xffff, v1  }
0x34b: {  	v1 =	vld [tilespmem:s19+$0x15970]  }
0x34c: {  	[tilespmem:s7+$0x140] =	vst.add.f32.msk $0xffff, v5  }
0x34d: {  	[tilespmem:s7+$0xC0] =	vst.add.f32.msk $0xffff, v3  }
0x34e: {  	v3 =	vld [tilespmem:s10+$0x15950]  }
0x34f: {  	v2 =	vld [tilespmem:s8+$0x15950]  }
0x350: {  	[tilespmem:s7+$0x1F0] =	vst.add.f32.msk $0xffff, v1  }
0x351: {  	v1 =	vld [tilespmem:s9+$0x15950]  }
0x352: {  	[tilespmem:s1+$0xF0] =	vst.add.f32.msk $0xffff, v4  }
0x353: {  	[tilespmem:s7+$0x50] =	vst.add.f32.msk $0xffff, v3  }
.LBB2_14:
0x354: {  	s6 =	sadd.s32 $0x4, s6;
	v3 =	vld [tilespmem:s10+$0x15960]  }
0x355: {  	s11 =	sor.u32 $0x200, s6;
	s12 =	sor.u32 $0x201, s6;
	s13 =	sor.u32 $0x203, s6;
	[tilespmem:s7+$0xD0] =	vst.add.f32.msk $0xffff, v2  }
0x356: {  	s15 =	sor.u32 $0x202, s6;
	s14 =	sand.u32 $0xFFF8, s11;
	s16 =	sand.u32 $0xFFF8, s13;
	[tilespmem:s7+$0x150] =	vst.add.f32.msk $0xffff, v1  }
0x357: {  	s17 =	sand.u32 $0xFFF8, s12;
	s19 =	sand.u32 $0xFFF8, s15;
	s16 =	sshrl.u32 s16, $0x3;
	v1 =	vld [tilespmem:s8+$0x15960]  }
0x358: {  	s14 =	sshrl.u32 s14, $0x3;
	s17 =	sshrl.u32 s17, $0x3;
	s16 =	smul.u32 $0x147B, s16;
	v2 =	vld [tilespmem:s9+$0x15960]  }
0x359: {  	p0 =	slt.u32 s6, $0x7C;
	s19 =	sshrl.u32 s19, $0x3;
	s14 =	smul.u32 $0x147B, s14;
	[tilespmem:s7+$0x60] =	vst.add.f32.msk $0xffff, v3  }
0x35a: {  	s17 =	smul.u32 $0x147B, s17;
	s16 =	sshrl.u32 s16, $0x11;
	v3 =	vld [tilespmem:s10+$0x15970]  }
0x35b: {  	s10 =	sshrl.u32 s14, $0x11;
	s14 =	smul.u32 $0xC8, s16;
	[tilespmem:s1+$0x170] =	vst.add.f32.msk $0xffff, v0;
	s1 =	smov.u32 s7  }
0x35c: {  	s16 =	sshrl.u32 s17, $0x11;
	s17 =	smul.u32 $0x147B, s19;
	[tilespmem:s7+$0xE0] =	vst.add.f32.msk $0xffff, v1  }
0x35d: {  	s10 =	smul.u32 $0xC8, s10;
	s13 =	ssub.s32 s13, s14;
	[tilespmem:s7+$0x160] =	vst.add.f32.msk $0xffff, v2  }
0x35e: {  	s14 =	smul.u32 $0xC8, s16;
	s16 =	sshrl.u32 s17, $0x11;
	s13 =	sand.u32 $0xFFFF, s13;
	v4 =	vld [tilespmem:s8+$0x15970]  }
0x35f: {  	s8 =	ssub.s32 s11, s10;
	s16 =	smul.u32 $0xC8, s16;
	s11 =	sshll.u32 s13, $0x7;
	v0 =	vld [tilespmem:s9+$0x15970]  }
0x360: {  	s8 =	sand.u32 $0xFFFF, s8;
	s9 =	ssub.s32 s12, s14;
	v1 =	vld [tilespmem:s11+$0x15900]  }
0x361: {  	s10 =	sshll.u32 s8, $0x7;
	s8 =	sand.u32 $0xFFFF, s9;
	s9 =	ssub.s32 s15, s16;
	[tilespmem:s7+$0x70] =	vst.add.f32.msk $0xffff, v3  }
0x362: {  	s8 =	sshll.u32 s8, $0x7;
	s9 =	sand.u32 $0xFFFF, s9;
	v2 =	vld [tilespmem:s10+$0x15900]  }
0x363: {  	s9 =	sshll.u32 s9, $0x7;
	v3 =	vld [tilespmem:s8+$0x15900]  }
0x364: {  	s7 =	sadd.s32 $0x200, s7;
	v5 =	vld [tilespmem:s9+$0x15900]  }
0x365: {  	[tilespmem:s7+$0x180] =	vst.add.f32.msk $0xffff, v1  }
0x366: {  	v1 =	vld [tilespmem:s11+$0x15910]  }
0x367: {  	[tilespmem:s7+$0x0] =	vst.add.f32.msk $0xffff, v2  }
0x368: {  	[tilespmem:s7+$0x80] =	vst.add.f32.msk $0xffff, v3  }
0x369: {  	[tilespmem:s7+$0x100] =	vst.add.f32.msk $0xffff, v5  }
0x36a: {  	v2 =	vld [tilespmem:s10+$0x15910]  }
0x36b: {  	[tilespmem:s7+$0x190] =	vst.add.f32.msk $0xffff, v1  }
0x36c: {  	v1 =	vld [tilespmem:s11+$0x15920]  }
0x36d: {  	v3 =	vld [tilespmem:s8+$0x15910]  }
0x36e: {  	v5 =	vld [tilespmem:s9+$0x15910]  }
0x36f: {  	[tilespmem:s7+$0x10] =	vst.add.f32.msk $0xffff, v2  }
0x370: {  	v2 =	vld [tilespmem:s10+$0x15920]  }
0x371: {  	[tilespmem:s7+$0x1A0] =	vst.add.f32.msk $0xffff, v1  }
0x372: {  	v1 =	vld [tilespmem:s11+$0x15930]  }
0x373: {  	[tilespmem:s7+$0x90] =	vst.add.f32.msk $0xffff, v3  }
0x374: {  	[tilespmem:s7+$0x110] =	vst.add.f32.msk $0xffff, v5  }
0x375: {  	v3 =	vld [tilespmem:s8+$0x15920]  }
0x376: {  	v5 =	vld [tilespmem:s9+$0x15920]  }
0x377: {  	[tilespmem:s7+$0x1B0] =	vst.add.f32.msk $0xffff, v1  }
0x378: {  	v1 =	vld [tilespmem:s11+$0x15940]  }
0x379: {  	[tilespmem:s7+$0x20] =	vst.add.f32.msk $0xffff, v2  }
0x37a: {  	[tilespmem:s7+$0xA0] =	vst.add.f32.msk $0xffff, v3  }
0x37b: {  	[tilespmem:s7+$0x120] =	vst.add.f32.msk $0xffff, v5  }
0x37c: {  	v2 =	vld [tilespmem:s10+$0x15930]  }
0x37d: {  	[tilespmem:s7+$0x1C0] =	vst.add.f32.msk $0xffff, v1  }
0x37e: {  	v1 =	vld [tilespmem:s11+$0x15950]  }
0x37f: {  	v3 =	vld [tilespmem:s8+$0x15930]  }
0x380: {  	v5 =	vld [tilespmem:s9+$0x15930]  }
0x381: {  	[tilespmem:s7+$0x30] =	vst.add.f32.msk $0xffff, v2  }
0x382: {  	v2 =	vld [tilespmem:s10+$0x15940]  }
0x383: {  	[tilespmem:s7+$0x1D0] =	vst.add.f32.msk $0xffff, v1  }
0x384: {  	v1 =	vld [tilespmem:s11+$0x15960]  }
0x385: {  	[tilespmem:s7+$0xB0] =	vst.add.f32.msk $0xffff, v3  }
0x386: {  	[tilespmem:s7+$0x130] =	vst.add.f32.msk $0xffff, v5  }
0x387: {  	v3 =	vld [tilespmem:s8+$0x15940]  }
0x388: {  	v5 =	vld [tilespmem:s9+$0x15940]  }
0x389: {  	[tilespmem:s7+$0x1E0] =	vst.add.f32.msk $0xffff, v1  }
0x38a: {  	v1 =	vld [tilespmem:s11+$0x15970]  }
0x38b: {  	[tilespmem:s7+$0x40] =	vst.add.f32.msk $0xffff, v2  }
0x38c: {  	[tilespmem:s7+$0xC0] =	vst.add.f32.msk $0xffff, v3  }
0x38d: {  	[tilespmem:s7+$0x140] =	vst.add.f32.msk $0xffff, v5  }
0x38e: {  	v3 =	vld [tilespmem:s10+$0x15950]  }
.Ltmp8:
0x38f: {  	[tilespmem:s7+$0x1F0] =	vst.add.f32.msk $0xffff, v1;
	(pc) =	sbr.rel @p0 .LBB2_14-.Ltmp8, $4  }
0x390: {  	v2 =	vld [tilespmem:s8+$0x15950]  }
0x391: {  	v1 =	vld [tilespmem:s9+$0x15950]  }
0x392: {  	[tilespmem:s1+$0xF0] =	vst.add.f32.msk $0xffff, v4  }
0x393: {  	[tilespmem:s7+$0x50] =	vst.add.f32.msk $0xffff, v3  }
0x394: {  	v3 =	vld [tilespmem:s10+$0x15960]  }
0x395: {  	[tilespmem:s7+$0xD0] =	vst.add.f32.msk $0xffff, v2  }
0x396: {  	[tilespmem:s7+$0x150] =	vst.add.f32.msk $0xffff, v1  }
0x397: {  	v62 =	vld [tilespmem:s8+$0x15960]  }
0x398: {  	v63 =	vld [tilespmem:s9+$0x15960];
	_ =	sdelay $0x1  }
0x399: {  	[tilespmem:s7+$0x60] =	vst.add.f32.msk $0xffff, v3  }
0x39a: {  	v3 =	vld [tilespmem:s10+$0x15970]  }
0x39b: {  	[tilespmem:s7+$0xE0] =	vst.add.f32.msk $0xffff, v62  }
0x39c: {  	[tilespmem:s7+$0x160] =	vst.add.f32.msk $0xffff, v63  }
0x39d: {  	v1 =	vld [tilespmem:s8+$0x15970]  }
0x39e: {  	v2 =	vld [tilespmem:s9+$0x15970];
	_ =	sdelay $0x1  }
0x39f: {  	[tilespmem:s1+$0x170] =	vst.add.f32.msk $0xffff, v0  }
0x3a0: {  	[tilespmem:s7+$0x70] =	vst.add.f32.msk $0xffff, v3  }
0x3a1: {  	[tilespmem:s7+$0xF0] =	vst.add.f32.msk $0xffff, v1  }
0x3a2: {  	s20 =	simm.s32 $0x0;
	s6 =	simm.s32 $0x400;
	s11 =	simm.s32 $0x300;
	[tilespmem:s7+$0x170] =	vst.add.f32.msk $0xffff, v2  }
0x3a3: {  	s12 =	simm.s32 $0x31900;
	s13 =	simm.s32 $0x380;
	s1 =	rddreg [dreg:$0xa]  }
0x3a4: {  	[hbm4b:s1+s20] =	stream.linear.scatter [tilespmem:s31], [sflag:$0xA], $0x4000, $0x38;
	[tilespmem:$0x1BD00] =	vst v63  }
0x3a5: {  	s14 =	simm.s32 $0x39900;
	s10 =	simm.s32 $0x2D900;
	_ =	swait.ge [sflag:s24], $0x4000  }
0x3a6: {  	s8 =	simm.s32 $0x35900;
	s9 =	simm.s32 $0x280;
	[sflag:s24] =	ssyncset.done $0x0  }
0x3a7: {  	s7 =	simm.s32 $0x29900;
	s1 =	simm.s32 $0x480;
	[sflag:s24] =	ssyncadd.s32 $0xFFFFC000  }
0x3a8: {  	[tilespmem:s28], [sflag:$0x4] =	stream.indirect.gather [hbm4b:s2+s30], $0x80, s6, s30, $0xb8;
	[tilespmem:$0x1BD00] =	vst v63  }
.LBB2_16:
0x3a9: {  	s15 =	smulhi.u32 $0x51EB851F, s9;
	_ =	sdelay $0x1  }
0x3aa: {  	s15 =	sshrl.u32 s15, $0x6  }
0x3ab: {  	s26 =	sadd.s32 $0x4, s9;
	s15 =	smul.u32 $0xFFFE7000, s15  }
0x3ac: {  	s16 =	simm.s32 $0x1;
	s17 =	smulhi.u32 $0x51EB851F, s26  }
0x3ad: {  	_ =	swait.ge [sflag:s16], $0x4000;
	s15 =	sshra.s32 s15, $0x2  }
0x3ae: {  	[sflag:s16] =	ssyncset.done $0x0;
	s17 =	sshrl.u32 s17, $0x6;
	s15 =	sadd.s32 s15, s7  }
0x3af: {  	[sflag:s16] =	ssyncadd.s32 $0xFFFFC000;
	s17 =	smul.u32 $0xFFFE7000, s17;
	s15 =	sadd.s32 $0x0, s15  }
0x3b0: {  	v0 =	vld [tilespmem:s15+$0x180]  }
0x3b1: {  	s17 =	sshra.s32 s17, $0x2;
	v1 =	vld [tilespmem:s15+$0x0]  }
0x3b2: {  	s17 =	sadd.s32 s17, s7;
	v2 =	vld [tilespmem:s15+$0x80]  }
0x3b3: {  	v3 =	vld [tilespmem:s15+$0x100];
	s19 =	sadd.s32 $0x200, s17  }
0x3b4: {  	v4 =	vld [tilespmem:s19+$0x0]  }
0x3b5: {  	v5 =	vld [tilespmem:s19+$0x80]  }
0x3b6: {  	s16 =	simm.s32 $0x0;
	v6 =	vld [tilespmem:s19+$0x100]  }
0x3b7: {  	[tilespmem:s16+$0x1A80] =	vst.add.f32.msk $0xffff, v0  }
0x3b8: {  	[tilespmem:s16+$0x1900] =	vst.add.f32.msk $0xffff, v1  }
0x3b9: {  	[tilespmem:s16+$0x1980] =	vst.add.f32.msk $0xffff, v2  }
0x3ba: {  	[tilespmem:s16+$0x1A00] =	vst.add.f32.msk $0xffff, v3  }
0x3bb: {  	v0 =	vld [tilespmem:s15+$0x190]  }
0x3bc: {  	v1 =	vld [tilespmem:s15+$0x10]  }
0x3bd: {  	v2 =	vld [tilespmem:s15+$0x90]  }
0x3be: {  	s21 =	simm.s32 $0x200;
	v3 =	vld [tilespmem:s15+$0x110]  }
0x3bf: {  	[tilespmem:s21+$0x1900] =	vst.add.f32.msk $0xffff, v4  }
0x3c0: {  	[tilespmem:s21+$0x1980] =	vst.add.f32.msk $0xffff, v5  }
0x3c1: {  	[tilespmem:s21+$0x1A00] =	vst.add.f32.msk $0xffff, v6  }
0x3c2: {  	v61 =	vld [tilespmem:s19+$0x90]  }
0x3c3: {  	v62 =	vld [tilespmem:s19+$0x110]  }
0x3c4: {  	[tilespmem:s16+$0x1A90] =	vst.add.f32.msk $0xffff, v0  }
0x3c5: {  	[tilespmem:s16+$0x1910] =	vst.add.f32.msk $0xffff, v1  }
0x3c6: {  	[tilespmem:s16+$0x1990] =	vst.add.f32.msk $0xffff, v2  }
0x3c7: {  	[tilespmem:s16+$0x1A10] =	vst.add.f32.msk $0xffff, v3  }
0x3c8: {  	v0 =	vld [tilespmem:s15+$0x1A0]  }
0x3c9: {  	v1 =	vld [tilespmem:s15+$0x20]  }
0x3ca: {  	v2 =	vld [tilespmem:s15+$0xA0]  }
0x3cb: {  	v3 =	vld [tilespmem:s15+$0x120]  }
0x3cc: {  	[tilespmem:s21+$0x1990] =	vst.add.f32.msk $0xffff, v61  }
0x3cd: {  	[tilespmem:s21+$0x1A10] =	vst.add.f32.msk $0xffff, v62  }
0x3ce: {  	v4 =	vld [tilespmem:s19+$0xA0]  }
0x3cf: {  	v5 =	vld [tilespmem:s19+$0x120]  }
0x3d0: {  	[tilespmem:s16+$0x1AA0] =	vst.add.f32.msk $0xffff, v0  }
0x3d1: {  	[tilespmem:s16+$0x1920] =	vst.add.f32.msk $0xffff, v1  }
0x3d2: {  	[tilespmem:s16+$0x19A0] =	vst.add.f32.msk $0xffff, v2  }
0x3d3: {  	[tilespmem:s16+$0x1A20] =	vst.add.f32.msk $0xffff, v3  }
0x3d4: {  	v2 =	vld [tilespmem:s15+$0xB0]  }
0x3d5: {  	v3 =	vld [tilespmem:s15+$0x130]  }
0x3d6: {  	v0 =	vld [tilespmem:s15+$0x1B0]  }
0x3d7: {  	v1 =	vld [tilespmem:s15+$0x30]  }
0x3d8: {  	[tilespmem:s21+$0x19A0] =	vst.add.f32.msk $0xffff, v4  }
0x3d9: {  	[tilespmem:s16+$0x19B0] =	vst.add.f32.msk $0xffff, v2  }
0x3da: {  	[tilespmem:s16+$0x1A30] =	vst.add.f32.msk $0xffff, v3  }
0x3db: {  	v2 =	vld [tilespmem:s15+$0xC0]  }
0x3dc: {  	v3 =	vld [tilespmem:s15+$0x140]  }
0x3dd: {  	[tilespmem:s21+$0x1A20] =	vst.add.f32.msk $0xffff, v5  }
0x3de: {  	[tilespmem:s16+$0x1AB0] =	vst.add.f32.msk $0xffff, v0  }
0x3df: {  	v0 =	vld [tilespmem:s15+$0x1C0]  }
0x3e0: {  	[tilespmem:s16+$0x19C0] =	vst.add.f32.msk $0xffff, v2  }
0x3e1: {  	[tilespmem:s16+$0x1A40] =	vst.add.f32.msk $0xffff, v3  }
0x3e2: {  	v2 =	vld [tilespmem:s15+$0x150]  }
0x3e3: {  	v4 =	vld [tilespmem:s19+$0xB0]  }
0x3e4: {  	[tilespmem:s16+$0x1AC0] =	vst.add.f32.msk $0xffff, v0  }
0x3e5: {  	v0 =	vld [tilespmem:s15+$0x1D0]  }
0x3e6: {  	[tilespmem:s16+$0x1930] =	vst.add.f32.msk $0xffff, v1  }
0x3e7: {  	[tilespmem:s16+$0x1A50] =	vst.add.f32.msk $0xffff, v2  }
0x3e8: {  	v2 =	vld [tilespmem:s15+$0x160]  }
0x3e9: {  	v1 =	vld [tilespmem:s15+$0x40]  }
0x3ea: {  	[tilespmem:s16+$0x1AD0] =	vst.add.f32.msk $0xffff, v0  }
0x3eb: {  	v0 =	vld [tilespmem:s15+$0x1E0]  }
0x3ec: {  	v5 =	vld [tilespmem:s19+$0x130]  }
0x3ed: {  	[tilespmem:s16+$0x1A60] =	vst.add.f32.msk $0xffff, v2  }
0x3ee: {  	v2 =	vld [tilespmem:s19+$0x180]  }
0x3ef: {  	[tilespmem:s16+$0x1940] =	vst.add.f32.msk $0xffff, v1  }
0x3f0: {  	[tilespmem:s16+$0x1AE0] =	vst.add.f32.msk $0xffff, v0  }
0x3f1: {  	v0 =	vld [tilespmem:s15+$0x50]  }
0x3f2: {  	[tilespmem:s21+$0x19B0] =	vst.add.f32.msk $0xffff, v4  }
0x3f3: {  	[tilespmem:s21+$0x1A80] =	vst.add.f32.msk $0xffff, v2  }
0x3f4: {  	v2 =	vld [tilespmem:s19+$0x190]  }
0x3f5: {  	v3 =	vld [tilespmem:s15+$0x1F0]  }
0x3f6: {  	[tilespmem:s16+$0x1950] =	vst.add.f32.msk $0xffff, v0  }
0x3f7: {  	v0 =	vld [tilespmem:s15+$0x60]  }
0x3f8: {  	[tilespmem:s21+$0x1A30] =	vst.add.f32.msk $0xffff, v5  }
0x3f9: {  	[tilespmem:s21+$0x1A90] =	vst.add.f32.msk $0xffff, v2  }
0x3fa: {  	v2 =	vld [tilespmem:s19+$0x1A0]  }
0x3fb: {  	[tilespmem:s16+$0x1AF0] =	vst.add.f32.msk $0xffff, v3  }
0x3fc: {  	[tilespmem:s16+$0x1960] =	vst.add.f32.msk $0xffff, v0  }
0x3fd: {  	v3 =	vld [tilespmem:s15+$0x70]  }
0x3fe: {  	v4 =	vld [tilespmem:s19+$0xC0]  }
0x3ff: {  	[tilespmem:s21+$0x1AA0] =	vst.add.f32.msk $0xffff, v2  }
0x400: {  	v2 =	vld [tilespmem:s19+$0x1B0]  }
0x401: {  	v5 =	vld [tilespmem:s19+$0x140]  }
0x402: {  	[tilespmem:s16+$0x1970] =	vst.add.f32.msk $0xffff, v3  }
0x403: {  	v3 =	vld [tilespmem:s19+$0x10]  }
0x404: {  	v1 =	vld [tilespmem:s15+$0xD0]  }
0x405: {  	[tilespmem:s21+$0x1AB0] =	vst.add.f32.msk $0xffff, v2  }
0x406: {  	v2 =	vld [tilespmem:s19+$0x1C0]  }
0x407: {  	[tilespmem:s21+$0x19C0] =	vst.add.f32.msk $0xffff, v4  }
0x408: {  	[tilespmem:s21+$0x1910] =	vst.add.f32.msk $0xffff, v3  }
0x409: {  	v3 =	vld [tilespmem:s19+$0x20]  }
0x40a: {  	[tilespmem:s21+$0x1A40] =	vst.add.f32.msk $0xffff, v5  }
0x40b: {  	[tilespmem:s21+$0x1AC0] =	vst.add.f32.msk $0xffff, v2  }
0x40c: {  	v2 =	vld [tilespmem:s19+$0x1D0]  }
0x40d: {  	[tilespmem:s16+$0x19D0] =	vst.add.f32.msk $0xffff, v1  }
0x40e: {  	[tilespmem:s21+$0x1920] =	vst.add.f32.msk $0xffff, v3  }
0x40f: {  	v3 =	vld [tilespmem:s19+$0x30]  }
0x410: {  	v1 =	vld [tilespmem:s15+$0xE0]  }
0x411: {  	[tilespmem:s21+$0x1AD0] =	vst.add.f32.msk $0xffff, v2  }
0x412: {  	v2 =	vld [tilespmem:s19+$0x1E0]  }
0x413: {  	v63 =	vld [tilespmem:s19+$0x150]  }
0x414: {  	[tilespmem:s21+$0x1930] =	vst.add.f32.msk $0xffff, v3  }
0x415: {  	v3 =	vld [tilespmem:s19+$0x40]  }
0x416: {  	[tilespmem:s16+$0x19E0] =	vst.add.f32.msk $0xffff, v1  }
0x417: {  	[tilespmem:s21+$0x1AE0] =	vst.add.f32.msk $0xffff, v2  }
0x418: {  	v2 =	vld [tilespmem:s19+$0x1F0]  }
0x419: {  	v1 =	vld [tilespmem:s15+$0xF0]  }
0x41a: {  	[tilespmem:s21+$0x1940] =	vst.add.f32.msk $0xffff, v3  }
0x41b: {  	v3 =	vld [tilespmem:s19+$0x50]  }
0x41c: {  	[tilespmem:s21+$0x1A50] =	vst.add.f32.msk $0xffff, v63  }
0x41d: {  	[tilespmem:s21+$0x1AF0] =	vst.add.f32.msk $0xffff, v2  }
0x41e: {  	v2 =	vld [tilespmem:s19+$0xD0]  }
0x41f: {  	[tilespmem:s16+$0x19F0] =	vst.add.f32.msk $0xffff, v1  }
0x420: {  	[tilespmem:s21+$0x1950] =	vst.add.f32.msk $0xffff, v3  }
0x421: {  	v1 =	vld [tilespmem:s19+$0x60]  }
0x422: {  	s17 =	smul.u32 $0x5, s20;
	v0 =	vld [tilespmem:s15+$0x170]  }
0x423: {  	s23 =	simm.s32 $0x4;
	[tilespmem:s21+$0x19D0] =	vst.add.f32.msk $0xffff, v2  }
0x424: {  	s25 =	simm.s32 $0x800;
	s26 =	sadd.s32 $0x4, s26;
	s15 =	sadd.s32 $0x5, s17;
	v2 =	vld [tilespmem:s19+$0xE0]  }
.LBB2_17:
0x425: {  	s28 =	smulhi.u32 $0x51EB851F, s26;
	s23 =	sadd.s32 $0x4, s23;
	v3 =	vld [tilespmem:s19+$0x160]  }
0x426: {  	p0 =	slt.u32 s23, $0x7C;
	[tilespmem:s21+$0x1960] =	vst.add.f32.msk $0xffff, v1  }
0x427: {  	s28 =	sshrl.u32 s28, $0x6;
	v1 =	vld [tilespmem:s19+$0x70]  }
0x428: {  	s28 =	smul.u32 $0xFFFE7000, s28;
	[tilespmem:s16+$0x1A70] =	vst.add.f32.msk $0xffff, v0;
	s16 =	smov.u32 s21  }
0x429: {  	[tilespmem:s16+$0x19E0] =	vst.add.f32.msk $0xffff, v2  }
0x42a: {  	s25 =	sadd.s32 $0x800, s25;
	s21 =	sshra.s32 s28, $0x2;
	[tilespmem:s16+$0x1A60] =	vst.add.f32.msk $0xffff, v3  }
0x42b: {  	s28 =	sadd.s32 s21, s7;
	s21 =	sshra.s32 s25, $0x2;
	v2 =	vld [tilespmem:s19+$0xF0]  }
0x42c: {  	v0 =	vld [tilespmem:s19+$0x170];
	s19 =	sadd.s32 s21, s28  }
0x42d: {  	v3 =	vld [tilespmem:s19+$0x180]  }
0x42e: {  	v4 =	vld [tilespmem:s19+$0x0]  }
0x42f: {  	v5 =	vld [tilespmem:s19+$0x80]  }
0x430: {  	v6 =	vld [tilespmem:s19+$0x100]  }
0x431: {  	[tilespmem:s16+$0x1970] =	vst.add.f32.msk $0xffff, v1  }
0x432: {  	[tilespmem:s21+$0x1A80] =	vst.add.f32.msk $0xffff, v3  }
0x433: {  	v1 =	vld [tilespmem:s19+$0x190]  }
0x434: {  	[tilespmem:s21+$0x1900] =	vst.add.f32.msk $0xffff, v4  }
0x435: {  	[tilespmem:s21+$0x1980] =	vst.add.f32.msk $0xffff, v5  }
0x436: {  	[tilespmem:s21+$0x1A00] =	vst.add.f32.msk $0xffff, v6  }
0x437: {  	v3 =	vld [tilespmem:s19+$0x10]  }
0x438: {  	[tilespmem:s21+$0x1A90] =	vst.add.f32.msk $0xffff, v1  }
0x439: {  	v1 =	vld [tilespmem:s19+$0x1A0]  }
0x43a: {  	v4 =	vld [tilespmem:s19+$0x90]  }
0x43b: {  	v5 =	vld [tilespmem:s19+$0x110]  }
0x43c: {  	[tilespmem:s21+$0x1910] =	vst.add.f32.msk $0xffff, v3  }
0x43d: {  	v3 =	vld [tilespmem:s19+$0x20]  }
0x43e: {  	[tilespmem:s21+$0x1AA0] =	vst.add.f32.msk $0xffff, v1  }
0x43f: {  	v1 =	vld [tilespmem:s19+$0x1B0]  }
0x440: {  	[tilespmem:s21+$0x1990] =	vst.add.f32.msk $0xffff, v4  }
0x441: {  	[tilespmem:s21+$0x1A10] =	vst.add.f32.msk $0xffff, v5  }
0x442: {  	v4 =	vld [tilespmem:s19+$0xA0]  }
0x443: {  	v5 =	vld [tilespmem:s19+$0x120]  }
0x444: {  	[tilespmem:s21+$0x1AB0] =	vst.add.f32.msk $0xffff, v1  }
0x445: {  	v1 =	vld [tilespmem:s19+$0x1C0]  }
0x446: {  	[tilespmem:s21+$0x1920] =	vst.add.f32.msk $0xffff, v3  }
0x447: {  	[tilespmem:s21+$0x19A0] =	vst.add.f32.msk $0xffff, v4  }
0x448: {  	[tilespmem:s21+$0x1A20] =	vst.add.f32.msk $0xffff, v5  }
0x449: {  	v3 =	vld [tilespmem:s19+$0x30]  }
0x44a: {  	[tilespmem:s21+$0x1AC0] =	vst.add.f32.msk $0xffff, v1  }
0x44b: {  	v1 =	vld [tilespmem:s19+$0x1D0]  }
0x44c: {  	v4 =	vld [tilespmem:s19+$0xB0]  }
0x44d: {  	v5 =	vld [tilespmem:s19+$0x130]  }
0x44e: {  	[tilespmem:s21+$0x1930] =	vst.add.f32.msk $0xffff, v3  }
0x44f: {  	v3 =	vld [tilespmem:s19+$0x40]  }
0x450: {  	[tilespmem:s21+$0x1AD0] =	vst.add.f32.msk $0xffff, v1  }
0x451: {  	v1 =	vld [tilespmem:s19+$0x1E0]  }
0x452: {  	[tilespmem:s21+$0x19B0] =	vst.add.f32.msk $0xffff, v4  }
0x453: {  	[tilespmem:s21+$0x1A30] =	vst.add.f32.msk $0xffff, v5  }
0x454: {  	v4 =	vld [tilespmem:s19+$0xC0]  }
0x455: {  	v5 =	vld [tilespmem:s19+$0x140]  }
0x456: {  	[tilespmem:s21+$0x1AE0] =	vst.add.f32.msk $0xffff, v1  }
0x457: {  	v1 =	vld [tilespmem:s19+$0x1F0]  }
0x458: {  	[tilespmem:s21+$0x1940] =	vst.add.f32.msk $0xffff, v3  }
0x459: {  	[tilespmem:s21+$0x19C0] =	vst.add.f32.msk $0xffff, v4  }
0x45a: {  	[tilespmem:s21+$0x1A40] =	vst.add.f32.msk $0xffff, v5  }
0x45b: {  	v3 =	vld [tilespmem:s19+$0x50]  }
0x45c: {  	[tilespmem:s21+$0x1AF0] =	vst.add.f32.msk $0xffff, v1  }
0x45d: {  	v4 =	vld [tilespmem:s19+$0xD0]  }
0x45e: {  	v5 =	vld [tilespmem:s19+$0x150]  }
0x45f: {  	[tilespmem:s16+$0x19F0] =	vst.add.f32.msk $0xffff, v2  }
.Ltmp9:
0x460: {  	[tilespmem:s21+$0x1950] =	vst.add.f32.msk $0xffff, v3;
	(pc) =	sbr.rel @p0 .LBB2_17-.Ltmp9, $4  }
0x461: {  	v1 =	vld [tilespmem:s19+$0x60]  }
0x462: {  	[tilespmem:s21+$0x19D0] =	vst.add.f32.msk $0xffff, v4  }
0x463: {  	[tilespmem:s21+$0x1A50] =	vst.add.f32.msk $0xffff, v5  }
0x464: {  	s26 =	sadd.s32 $0x4, s26;
	v2 =	vld [tilespmem:s19+$0xE0]  }
0x465: {  	v3 =	vld [tilespmem:s19+$0x160];
	_ =	sdelay $0x1  }
0x466: {  	[tilespmem:s21+$0x1960] =	vst.add.f32.msk $0xffff, v1  }
0x467: {  	v1 =	vld [tilespmem:s19+$0x70]  }
0x468: {  	[tilespmem:s21+$0x19E0] =	vst.add.f32.msk $0xffff, v2  }
0x469: {  	[tilespmem:s21+$0x1A60] =	vst.add.f32.msk $0xffff, v3  }
0x46a: {  	v2 =	vld [tilespmem:s19+$0xF0]  }
0x46b: {  	v3 =	vld [tilespmem:s19+$0x170];
	_ =	sdelay $0x1  }
0x46c: {  	[tilespmem:s16+$0x1A70] =	vst.add.f32.msk $0xffff, v0;
	s15 =	sshll.u32 s15, $0xE  }
0x46d: {  	s15 =	sadd.s32 s5, s15;
	[tilespmem:s21+$0x1970] =	vst.add.f32.msk $0xffff, v1  }
0x46e: {  	s23 =	simm.s32 $0x1900;
	s15 =	sshrl.u32 s15, $0x3;
	[tilespmem:s21+$0x19F0] =	vst.add.f32.msk $0xffff, v2  }
0x46f: {  	s25 =	smulhi.u32 $0x51EB851F, s11;
	s15 =	sadd.s32 s3, s15;
	[tilespmem:s21+$0x1A70] =	vst.add.f32.msk $0xffff, v3;
	s21 =	simm.s32 $0x0  }
0x470: {  	[hbm4b:s15+s21] =	stream.linear.scatter [tilespmem:s23], [sflag:$0x6], $0x4000, $0x38;
	[tilespmem:$0x1BD00] =	vst v63  }
0x471: {  	s16 =	sadd.s32 $0x9, s17;
	s28 =	sadd.s32 $0x4, s11;
	_ =	swait.ge [sflag:s29], $0x4000  }
0x472: {  	s26 =	sshll.u32 s16, $0x7;
	s15 =	sshrl.u32 s25, $0x6;
	[sflag:s29] =	ssyncset.done $0x0  }
0x473: {  	s19 =	sand.u32 $0x3FFFFF80, s26;
	s15 =	smul.u32 $0xFFFE7000, s15;
	[sflag:s29] =	ssyncadd.s32 $0xFFFFC000  }
0x474: {  	[tilespmem:s31], [sflag:$0x5] =	stream.indirect.gather [hbm4b:s2+s30], $0x80, s19, s30, $0xb8;
	[tilespmem:$0x1BD00] =	vst v63  }
0x475: {  	s30 =	simm.s32 $0x2;
	s31 =	smulhi.u32 $0x51EB851F, s28  }
0x476: {  	s15 =	sshra.s32 s15, $0x2;
	_ =	swait.ge [sflag:s30], $0x4000  }
0x477: {  	s15 =	sadd.s32 s15, s10;
	[sflag:s30] =	ssyncset.done $0x0;
	s21 =	sshrl.u32 s31, $0x6  }
0x478: {  	s15 =	sadd.s32 $0x0, s15;
	[sflag:s30] =	ssyncadd.s32 $0xFFFFC000;
	s21 =	smul.u32 $0xFFFE7000, s21  }
0x479: {  	v0 =	vld [tilespmem:s15+$0x180]  }
0x47a: {  	v1 =	vld [tilespmem:s15+$0x0];
	s21 =	sshra.s32 s21, $0x2  }
0x47b: {  	v2 =	vld [tilespmem:s15+$0x80];
	s21 =	sadd.s32 s21, s10  }
0x47c: {  	v3 =	vld [tilespmem:s15+$0x100];
	s21 =	sadd.s32 $0x200, s21  }
0x47d: {  	v4 =	vld [tilespmem:s21+$0x0]  }
0x47e: {  	v5 =	vld [tilespmem:s21+$0x80]  }
0x47f: {  	s19 =	simm.s32 $0x0;
	v6 =	vld [tilespmem:s21+$0x100]  }
0x480: {  	[tilespmem:s19+$0x5A80] =	vst.add.f32.msk $0xffff, v0  }
0x481: {  	[tilespmem:s19+$0x5900] =	vst.add.f32.msk $0xffff, v1  }
0x482: {  	[tilespmem:s19+$0x5980] =	vst.add.f32.msk $0xffff, v2  }
0x483: {  	[tilespmem:s19+$0x5A00] =	vst.add.f32.msk $0xffff, v3  }
0x484: {  	v0 =	vld [tilespmem:s15+$0x190]  }
0x485: {  	v1 =	vld [tilespmem:s15+$0x10]  }
0x486: {  	v2 =	vld [tilespmem:s15+$0x90]  }
0x487: {  	s25 =	simm.s32 $0x200;
	v3 =	vld [tilespmem:s15+$0x110]  }
0x488: {  	[tilespmem:s25+$0x5900] =	vst.add.f32.msk $0xffff, v4  }
0x489: {  	[tilespmem:s25+$0x5980] =	vst.add.f32.msk $0xffff, v5  }
0x48a: {  	[tilespmem:s25+$0x5A00] =	vst.add.f32.msk $0xffff, v6  }
0x48b: {  	v61 =	vld [tilespmem:s21+$0x90]  }
0x48c: {  	v62 =	vld [tilespmem:s21+$0x110]  }
0x48d: {  	[tilespmem:s19+$0x5A90] =	vst.add.f32.msk $0xffff, v0  }
0x48e: {  	[tilespmem:s19+$0x5910] =	vst.add.f32.msk $0xffff, v1  }
0x48f: {  	[tilespmem:s19+$0x5990] =	vst.add.f32.msk $0xffff, v2  }
0x490: {  	[tilespmem:s19+$0x5A10] =	vst.add.f32.msk $0xffff, v3  }
0x491: {  	v0 =	vld [tilespmem:s15+$0x1A0]  }
0x492: {  	v1 =	vld [tilespmem:s15+$0x20]  }
0x493: {  	v2 =	vld [tilespmem:s15+$0xA0]  }
0x494: {  	v3 =	vld [tilespmem:s15+$0x120]  }
0x495: {  	[tilespmem:s25+$0x5990] =	vst.add.f32.msk $0xffff, v61  }
0x496: {  	[tilespmem:s25+$0x5A10] =	vst.add.f32.msk $0xffff, v62  }
0x497: {  	v4 =	vld [tilespmem:s21+$0xA0]  }
0x498: {  	v5 =	vld [tilespmem:s21+$0x120]  }
0x499: {  	[tilespmem:s19+$0x5AA0] =	vst.add.f32.msk $0xffff, v0  }
0x49a: {  	[tilespmem:s19+$0x5920] =	vst.add.f32.msk $0xffff, v1  }
0x49b: {  	[tilespmem:s19+$0x59A0] =	vst.add.f32.msk $0xffff, v2  }
0x49c: {  	[tilespmem:s19+$0x5A20] =	vst.add.f32.msk $0xffff, v3  }
0x49d: {  	v2 =	vld [tilespmem:s15+$0xB0]  }
0x49e: {  	v3 =	vld [tilespmem:s15+$0x130]  }
0x49f: {  	v0 =	vld [tilespmem:s15+$0x1B0]  }
0x4a0: {  	v1 =	vld [tilespmem:s15+$0x30]  }
0x4a1: {  	[tilespmem:s25+$0x59A0] =	vst.add.f32.msk $0xffff, v4  }
0x4a2: {  	[tilespmem:s19+$0x59B0] =	vst.add.f32.msk $0xffff, v2  }
0x4a3: {  	[tilespmem:s19+$0x5A30] =	vst.add.f32.msk $0xffff, v3  }
0x4a4: {  	v2 =	vld [tilespmem:s15+$0xC0]  }
0x4a5: {  	v3 =	vld [tilespmem:s15+$0x140]  }
0x4a6: {  	[tilespmem:s25+$0x5A20] =	vst.add.f32.msk $0xffff, v5  }
0x4a7: {  	[tilespmem:s19+$0x5AB0] =	vst.add.f32.msk $0xffff, v0  }
0x4a8: {  	v0 =	vld [tilespmem:s15+$0x1C0]  }
0x4a9: {  	[tilespmem:s19+$0x59C0] =	vst.add.f32.msk $0xffff, v2  }
0x4aa: {  	[tilespmem:s19+$0x5A40] =	vst.add.f32.msk $0xffff, v3  }
0x4ab: {  	v2 =	vld [tilespmem:s15+$0x150]  }
0x4ac: {  	v4 =	vld [tilespmem:s21+$0xB0]  }
0x4ad: {  	[tilespmem:s19+$0x5AC0] =	vst.add.f32.msk $0xffff, v0  }
0x4ae: {  	v0 =	vld [tilespmem:s15+$0x1D0]  }
0x4af: {  	[tilespmem:s19+$0x5930] =	vst.add.f32.msk $0xffff, v1  }
0x4b0: {  	[tilespmem:s19+$0x5A50] =	vst.add.f32.msk $0xffff, v2  }
0x4b1: {  	v2 =	vld [tilespmem:s15+$0x160]  }
0x4b2: {  	v1 =	vld [tilespmem:s15+$0x40]  }
0x4b3: {  	[tilespmem:s19+$0x5AD0] =	vst.add.f32.msk $0xffff, v0  }
0x4b4: {  	v0 =	vld [tilespmem:s15+$0x1E0]  }
0x4b5: {  	v5 =	vld [tilespmem:s21+$0x130]  }
0x4b6: {  	[tilespmem:s19+$0x5A60] =	vst.add.f32.msk $0xffff, v2  }
0x4b7: {  	v2 =	vld [tilespmem:s21+$0x180]  }
0x4b8: {  	[tilespmem:s19+$0x5940] =	vst.add.f32.msk $0xffff, v1  }
0x4b9: {  	[tilespmem:s19+$0x5AE0] =	vst.add.f32.msk $0xffff, v0  }
0x4ba: {  	v0 =	vld [tilespmem:s15+$0x50]  }
0x4bb: {  	[tilespmem:s25+$0x59B0] =	vst.add.f32.msk $0xffff, v4  }
0x4bc: {  	[tilespmem:s25+$0x5A80] =	vst.add.f32.msk $0xffff, v2  }
0x4bd: {  	v2 =	vld [tilespmem:s21+$0x190]  }
0x4be: {  	v3 =	vld [tilespmem:s15+$0x1F0]  }
0x4bf: {  	[tilespmem:s19+$0x5950] =	vst.add.f32.msk $0xffff, v0  }
0x4c0: {  	v0 =	vld [tilespmem:s15+$0x60]  }
0x4c1: {  	[tilespmem:s25+$0x5A30] =	vst.add.f32.msk $0xffff, v5  }
0x4c2: {  	[tilespmem:s25+$0x5A90] =	vst.add.f32.msk $0xffff, v2  }
0x4c3: {  	v2 =	vld [tilespmem:s21+$0x1A0]  }
0x4c4: {  	[tilespmem:s19+$0x5AF0] =	vst.add.f32.msk $0xffff, v3  }
0x4c5: {  	[tilespmem:s19+$0x5960] =	vst.add.f32.msk $0xffff, v0  }
0x4c6: {  	v3 =	vld [tilespmem:s15+$0x70]  }
0x4c7: {  	v4 =	vld [tilespmem:s21+$0xC0]  }
0x4c8: {  	[tilespmem:s25+$0x5AA0] =	vst.add.f32.msk $0xffff, v2  }
0x4c9: {  	v2 =	vld [tilespmem:s21+$0x1B0]  }
0x4ca: {  	v5 =	vld [tilespmem:s21+$0x140]  }
0x4cb: {  	[tilespmem:s19+$0x5970] =	vst.add.f32.msk $0xffff, v3  }
0x4cc: {  	v3 =	vld [tilespmem:s21+$0x10]  }
0x4cd: {  	v1 =	vld [tilespmem:s15+$0xD0]  }
0x4ce: {  	[tilespmem:s25+$0x5AB0] =	vst.add.f32.msk $0xffff, v2  }
0x4cf: {  	v2 =	vld [tilespmem:s21+$0x1C0]  }
0x4d0: {  	[tilespmem:s25+$0x59C0] =	vst.add.f32.msk $0xffff, v4  }
0x4d1: {  	[tilespmem:s25+$0x5910] =	vst.add.f32.msk $0xffff, v3  }
0x4d2: {  	v3 =	vld [tilespmem:s21+$0x20]  }
0x4d3: {  	[tilespmem:s25+$0x5A40] =	vst.add.f32.msk $0xffff, v5  }
0x4d4: {  	[tilespmem:s25+$0x5AC0] =	vst.add.f32.msk $0xffff, v2  }
0x4d5: {  	v2 =	vld [tilespmem:s21+$0x1D0]  }
0x4d6: {  	[tilespmem:s19+$0x59D0] =	vst.add.f32.msk $0xffff, v1  }
0x4d7: {  	[tilespmem:s25+$0x5920] =	vst.add.f32.msk $0xffff, v3  }
0x4d8: {  	v3 =	vld [tilespmem:s21+$0x30]  }
0x4d9: {  	v1 =	vld [tilespmem:s15+$0xE0]  }
0x4da: {  	[tilespmem:s25+$0x5AD0] =	vst.add.f32.msk $0xffff, v2  }
0x4db: {  	v2 =	vld [tilespmem:s21+$0x1E0]  }
0x4dc: {  	v63 =	vld [tilespmem:s21+$0x150]  }
0x4dd: {  	[tilespmem:s25+$0x5930] =	vst.add.f32.msk $0xffff, v3  }
0x4de: {  	v3 =	vld [tilespmem:s21+$0x40]  }
0x4df: {  	[tilespmem:s19+$0x59E0] =	vst.add.f32.msk $0xffff, v1  }
0x4e0: {  	[tilespmem:s25+$0x5AE0] =	vst.add.f32.msk $0xffff, v2  }
0x4e1: {  	v2 =	vld [tilespmem:s21+$0x1F0]  }
0x4e2: {  	v1 =	vld [tilespmem:s15+$0xF0]  }
0x4e3: {  	[tilespmem:s25+$0x5940] =	vst.add.f32.msk $0xffff, v3  }
0x4e4: {  	v3 =	vld [tilespmem:s21+$0x50]  }
0x4e5: {  	[tilespmem:s25+$0x5A50] =	vst.add.f32.msk $0xffff, v63  }
0x4e6: {  	[tilespmem:s25+$0x5AF0] =	vst.add.f32.msk $0xffff, v2  }
0x4e7: {  	v2 =	vld [tilespmem:s21+$0xD0]  }
0x4e8: {  	[tilespmem:s19+$0x59F0] =	vst.add.f32.msk $0xffff, v1  }
0x4e9: {  	[tilespmem:s25+$0x5950] =	vst.add.f32.msk $0xffff, v3  }
0x4ea: {  	v1 =	vld [tilespmem:s21+$0x60]  }
0x4eb: {  	v0 =	vld [tilespmem:s15+$0x170]  }
0x4ec: {  	s26 =	simm.s32 $0x800;
	[tilespmem:s25+$0x59D0] =	vst.add.f32.msk $0xffff, v2  }
0x4ed: {  	s23 =	simm.s32 $0x4;
	s28 =	sadd.s32 $0x4, s28;
	s15 =	sadd.s32 $0x6, s17;
	v2 =	vld [tilespmem:s21+$0xE0]  }
.LBB2_19:
0x4ee: {  	s30 =	smulhi.u32 $0x51EB851F, s28;
	s23 =	sadd.s32 $0x4, s23;
	v3 =	vld [tilespmem:s21+$0x160]  }
0x4ef: {  	p0 =	slt.u32 s23, $0x7C;
	[tilespmem:s25+$0x5960] =	vst.add.f32.msk $0xffff, v1  }
0x4f0: {  	s30 =	sshrl.u32 s30, $0x6;
	v1 =	vld [tilespmem:s21+$0x70]  }
0x4f1: {  	s30 =	smul.u32 $0xFFFE7000, s30;
	[tilespmem:s19+$0x5A70] =	vst.add.f32.msk $0xffff, v0;
	s19 =	smov.u32 s25  }
0x4f2: {  	[tilespmem:s19+$0x59E0] =	vst.add.f32.msk $0xffff, v2  }
0x4f3: {  	s26 =	sadd.s32 $0x800, s26;
	s25 =	sshra.s32 s30, $0x2;
	[tilespmem:s19+$0x5A60] =	vst.add.f32.msk $0xffff, v3  }
0x4f4: {  	s30 =	sadd.s32 s25, s10;
	s25 =	sshra.s32 s26, $0x2;
	v2 =	vld [tilespmem:s21+$0xF0]  }
0x4f5: {  	v0 =	vld [tilespmem:s21+$0x170];
	s21 =	sadd.s32 s25, s30  }
0x4f6: {  	v3 =	vld [tilespmem:s21+$0x180]  }
0x4f7: {  	v4 =	vld [tilespmem:s21+$0x0]  }
0x4f8: {  	v5 =	vld [tilespmem:s21+$0x80]  }
0x4f9: {  	v6 =	vld [tilespmem:s21+$0x100]  }
0x4fa: {  	[tilespmem:s19+$0x5970] =	vst.add.f32.msk $0xffff, v1  }
0x4fb: {  	[tilespmem:s25+$0x5A80] =	vst.add.f32.msk $0xffff, v3  }
0x4fc: {  	v1 =	vld [tilespmem:s21+$0x190]  }
0x4fd: {  	[tilespmem:s25+$0x5900] =	vst.add.f32.msk $0xffff, v4  }
0x4fe: {  	[tilespmem:s25+$0x5980] =	vst.add.f32.msk $0xffff, v5  }
0x4ff: {  	[tilespmem:s25+$0x5A00] =	vst.add.f32.msk $0xffff, v6  }
0x500: {  	v3 =	vld [tilespmem:s21+$0x10]  }
0x501: {  	[tilespmem:s25+$0x5A90] =	vst.add.f32.msk $0xffff, v1  }
0x502: {  	v1 =	vld [tilespmem:s21+$0x1A0]  }
0x503: {  	v4 =	vld [tilespmem:s21+$0x90]  }
0x504: {  	v5 =	vld [tilespmem:s21+$0x110]  }
0x505: {  	[tilespmem:s25+$0x5910] =	vst.add.f32.msk $0xffff, v3  }
0x506: {  	v3 =	vld [tilespmem:s21+$0x20]  }
0x507: {  	[tilespmem:s25+$0x5AA0] =	vst.add.f32.msk $0xffff, v1  }
0x508: {  	v1 =	vld [tilespmem:s21+$0x1B0]  }
0x509: {  	[tilespmem:s25+$0x5990] =	vst.add.f32.msk $0xffff, v4  }
0x50a: {  	[tilespmem:s25+$0x5A10] =	vst.add.f32.msk $0xffff, v5  }
0x50b: {  	v4 =	vld [tilespmem:s21+$0xA0]  }
0x50c: {  	v5 =	vld [tilespmem:s21+$0x120]  }
0x50d: {  	[tilespmem:s25+$0x5AB0] =	vst.add.f32.msk $0xffff, v1  }
0x50e: {  	v1 =	vld [tilespmem:s21+$0x1C0]  }
0x50f: {  	[tilespmem:s25+$0x5920] =	vst.add.f32.msk $0xffff, v3  }
0x510: {  	[tilespmem:s25+$0x59A0] =	vst.add.f32.msk $0xffff, v4  }
0x511: {  	[tilespmem:s25+$0x5A20] =	vst.add.f32.msk $0xffff, v5  }
0x512: {  	v3 =	vld [tilespmem:s21+$0x30]  }
0x513: {  	[tilespmem:s25+$0x5AC0] =	vst.add.f32.msk $0xffff, v1  }
0x514: {  	v1 =	vld [tilespmem:s21+$0x1D0]  }
0x515: {  	v4 =	vld [tilespmem:s21+$0xB0]  }
0x516: {  	v5 =	vld [tilespmem:s21+$0x130]  }
0x517: {  	[tilespmem:s25+$0x5930] =	vst.add.f32.msk $0xffff, v3  }
0x518: {  	v3 =	vld [tilespmem:s21+$0x40]  }
0x519: {  	[tilespmem:s25+$0x5AD0] =	vst.add.f32.msk $0xffff, v1  }
0x51a: {  	v1 =	vld [tilespmem:s21+$0x1E0]  }
0x51b: {  	[tilespmem:s25+$0x59B0] =	vst.add.f32.msk $0xffff, v4  }
0x51c: {  	[tilespmem:s25+$0x5A30] =	vst.add.f32.msk $0xffff, v5  }
0x51d: {  	v4 =	vld [tilespmem:s21+$0xC0]  }
0x51e: {  	v5 =	vld [tilespmem:s21+$0x140]  }
0x51f: {  	[tilespmem:s25+$0x5AE0] =	vst.add.f32.msk $0xffff, v1  }
0x520: {  	v1 =	vld [tilespmem:s21+$0x1F0]  }
0x521: {  	[tilespmem:s25+$0x5940] =	vst.add.f32.msk $0xffff, v3  }
0x522: {  	[tilespmem:s25+$0x59C0] =	vst.add.f32.msk $0xffff, v4  }
0x523: {  	[tilespmem:s25+$0x5A40] =	vst.add.f32.msk $0xffff, v5  }
0x524: {  	v3 =	vld [tilespmem:s21+$0x50]  }
0x525: {  	[tilespmem:s25+$0x5AF0] =	vst.add.f32.msk $0xffff, v1  }
0x526: {  	v4 =	vld [tilespmem:s21+$0xD0]  }
0x527: {  	v5 =	vld [tilespmem:s21+$0x150]  }
0x528: {  	[tilespmem:s19+$0x59F0] =	vst.add.f32.msk $0xffff, v2  }
.Ltmp10:
0x529: {  	[tilespmem:s25+$0x5950] =	vst.add.f32.msk $0xffff, v3;
	(pc) =	sbr.rel @p0 .LBB2_19-.Ltmp10, $4  }
0x52a: {  	v1 =	vld [tilespmem:s21+$0x60]  }
0x52b: {  	[tilespmem:s25+$0x59D0] =	vst.add.f32.msk $0xffff, v4  }
0x52c: {  	[tilespmem:s25+$0x5A50] =	vst.add.f32.msk $0xffff, v5  }
0x52d: {  	s28 =	sadd.s32 $0x4, s28;
	v2 =	vld [tilespmem:s21+$0xE0]  }
0x52e: {  	v3 =	vld [tilespmem:s21+$0x160];
	_ =	sdelay $0x1  }
0x52f: {  	[tilespmem:s25+$0x5960] =	vst.add.f32.msk $0xffff, v1  }
0x530: {  	v1 =	vld [tilespmem:s21+$0x70]  }
0x531: {  	[tilespmem:s25+$0x59E0] =	vst.add.f32.msk $0xffff, v2  }
0x532: {  	[tilespmem:s25+$0x5A60] =	vst.add.f32.msk $0xffff, v3  }
0x533: {  	v2 =	vld [tilespmem:s21+$0xF0]  }
0x534: {  	v3 =	vld [tilespmem:s21+$0x170];
	_ =	sdelay $0x1  }
0x535: {  	[tilespmem:s19+$0x5A70] =	vst.add.f32.msk $0xffff, v0;
	s15 =	sshll.u32 s15, $0xE  }
0x536: {  	s15 =	sadd.s32 s5, s15;
	[tilespmem:s25+$0x5970] =	vst.add.f32.msk $0xffff, v1  }
0x537: {  	s26 =	simm.s32 $0x5900;
	s15 =	sshrl.u32 s15, $0x3;
	[tilespmem:s25+$0x59F0] =	vst.add.f32.msk $0xffff, v2  }
0x538: {  	p0 =	seq.s32 s20, $0x8;
	s31 =	smulhi.u32 $0x51EB851F, s13;
	s15 =	sadd.s32 s3, s15;
	[tilespmem:s25+$0x5A70] =	vst.add.f32.msk $0xffff, v3  }
0x539: {  	[hbm4b:s15+s4] =	stream.linear.scatter [tilespmem:s26], [sflag:$0x7], $0x4000, $0x38;
	[tilespmem:$0x1BD00] =	vst v63  }
0x53a: {  	s23 =	simm.s32 $0x6;
	s21 =	sshrl.u32 s31, $0x6;
	s15 =	smul.u32 @!p0 $0xA00, s20  }
0x53b: {  	s30 =	sadd.s32 $0x4, s13;
	s21 =	smul.u32 $0xFFFE7000, s21;
	_ =	swait.ge [sflag:s23], $0x4000  }
0x53c: {  	s25 =	simm.s32 @!p0 $0x1900;
	[sflag:s23] =	ssyncset.done $0x0;
	s19 =	sshra.s32 @!p0 s15, $0x2  }
0x53d: {  	[sflag:s23] =	ssyncadd.s32 $0xFFFFC000;
	s15 =	sadd.s32 @!p0 $0x500, s19;
	s23 =	simm.s32 @!p0 $0x80  }
0x53e: {  	[tilespmem:s25], [sflag:$0x1] =	stream.indirect.gather @!p0 [hbm4b:s2+s23], $0x80, s15, s23, $0xb8;
	[tilespmem:$0x1BD00] =	vst v63  }
0x53f: {  	s31 =	smulhi.u32 $0x51EB851F, s30;
	s25 =	simm.s32 $0x3  }
0x540: {  	s26 =	sshra.s32 s21, $0x2;
	_ =	swait.ge [sflag:s25], $0x4000  }
0x541: {  	s15 =	sadd.s32 s26, s12;
	s23 =	sshrl.u32 s31, $0x6;
	[sflag:s25] =	ssyncset.done $0x0  }
0x542: {  	s15 =	sadd.s32 $0x0, s15;
	s23 =	smul.u32 $0xFFFE7000, s23;
	[sflag:s25] =	ssyncadd.s32 $0xFFFFC000  }
0x543: {  	v0 =	vld [tilespmem:s15+$0x180]  }
0x544: {  	s23 =	sshra.s32 s23, $0x2;
	v1 =	vld [tilespmem:s15+$0x0]  }
0x545: {  	v2 =	vld [tilespmem:s15+$0x80];
	s23 =	sadd.s32 s23, s12  }
0x546: {  	v3 =	vld [tilespmem:s15+$0x100];
	s25 =	sadd.s32 $0x200, s23  }
0x547: {  	v4 =	vld [tilespmem:s25+$0x0]  }
0x548: {  	v5 =	vld [tilespmem:s25+$0x80]  }
0x549: {  	s21 =	simm.s32 $0x0;
	v6 =	vld [tilespmem:s25+$0x100]  }
0x54a: {  	[tilespmem:s21+$0x9A80] =	vst.add.f32.msk $0xffff, v0  }
0x54b: {  	[tilespmem:s21+$0x9900] =	vst.add.f32.msk $0xffff, v1  }
0x54c: {  	[tilespmem:s21+$0x9980] =	vst.add.f32.msk $0xffff, v2  }
0x54d: {  	v0 =	vld [tilespmem:s15+$0x190]  }
0x54e: {  	v1 =	vld [tilespmem:s15+$0x10]  }
0x54f: {  	v2 =	vld [tilespmem:s15+$0x90]  }
0x550: {  	[tilespmem:s21+$0x9A00] =	vst.add.f32.msk $0xffff, v3  }
0x551: {  	v3 =	vld [tilespmem:s15+$0x110]  }
0x552: {  	[tilespmem:s21+$0x9A90] =	vst.add.f32.msk $0xffff, v0  }
0x553: {  	[tilespmem:s21+$0x9910] =	vst.add.f32.msk $0xffff, v1  }
0x554: {  	[tilespmem:s21+$0x9990] =	vst.add.f32.msk $0xffff, v2  }
0x555: {  	v0 =	vld [tilespmem:s15+$0x1A0]  }
0x556: {  	v1 =	vld [tilespmem:s15+$0x20]  }
0x557: {  	v2 =	vld [tilespmem:s15+$0xA0]  }
0x558: {  	[tilespmem:s21+$0x9A10] =	vst.add.f32.msk $0xffff, v3  }
0x559: {  	v3 =	vld [tilespmem:s15+$0x120]  }
0x55a: {  	[tilespmem:s21+$0x9AA0] =	vst.add.f32.msk $0xffff, v0  }
0x55b: {  	[tilespmem:s21+$0x9920] =	vst.add.f32.msk $0xffff, v1  }
0x55c: {  	[tilespmem:s21+$0x99A0] =	vst.add.f32.msk $0xffff, v2  }
0x55d: {  	v0 =	vld [tilespmem:s15+$0x1B0]  }
0x55e: {  	v1 =	vld [tilespmem:s15+$0x30]  }
0x55f: {  	[tilespmem:s21+$0x9A20] =	vst.add.f32.msk $0xffff, v3  }
0x560: {  	v2 =	vld [tilespmem:s15+$0xB0]  }
0x561: {  	v3 =	vld [tilespmem:s15+$0x130]  }
0x562: {  	[tilespmem:s21+$0x9AB0] =	vst.add.f32.msk $0xffff, v0  }
0x563: {  	[tilespmem:s21+$0x9930] =	vst.add.f32.msk $0xffff, v1  }
0x564: {  	v0 =	vld [tilespmem:s15+$0x1C0]  }
0x565: {  	[tilespmem:s21+$0x99B0] =	vst.add.f32.msk $0xffff, v2  }
0x566: {  	[tilespmem:s21+$0x9A30] =	vst.add.f32.msk $0xffff, v3  }
0x567: {  	v1 =	vld [tilespmem:s15+$0x40]  }
0x568: {  	v2 =	vld [tilespmem:s15+$0xC0]  }
0x569: {  	[tilespmem:s21+$0x9AC0] =	vst.add.f32.msk $0xffff, v0  }
0x56a: {  	v0 =	vld [tilespmem:s15+$0x1D0]  }
0x56b: {  	v3 =	vld [tilespmem:s15+$0x140]  }
0x56c: {  	[tilespmem:s21+$0x9940] =	vst.add.f32.msk $0xffff, v1  }
0x56d: {  	[tilespmem:s21+$0x99C0] =	vst.add.f32.msk $0xffff, v2  }
0x56e: {  	v1 =	vld [tilespmem:s15+$0xD0]  }
0x56f: {  	[tilespmem:s21+$0x9AD0] =	vst.add.f32.msk $0xffff, v0  }
0x570: {  	v0 =	vld [tilespmem:s15+$0x1E0]  }
0x571: {  	[tilespmem:s21+$0x9A40] =	vst.add.f32.msk $0xffff, v3  }
0x572: {  	v2 =	vld [tilespmem:s15+$0x150]  }
0x573: {  	[tilespmem:s21+$0x99D0] =	vst.add.f32.msk $0xffff, v1  }
0x574: {  	v1 =	vld [tilespmem:s15+$0xE0]  }
0x575: {  	[tilespmem:s21+$0x9AE0] =	vst.add.f32.msk $0xffff, v0  }
0x576: {  	v0 =	vld [tilespmem:s15+$0x50]  }
0x577: {  	[tilespmem:s21+$0x9A50] =	vst.add.f32.msk $0xffff, v2  }
0x578: {  	v2 =	vld [tilespmem:s15+$0x160]  }
0x579: {  	[tilespmem:s21+$0x99E0] =	vst.add.f32.msk $0xffff, v1  }
0x57a: {  	v3 =	vld [tilespmem:s15+$0x1F0]  }
0x57b: {  	[tilespmem:s21+$0x9950] =	vst.add.f32.msk $0xffff, v0  }
0x57c: {  	v0 =	vld [tilespmem:s15+$0x60]  }
0x57d: {  	[tilespmem:s21+$0x9A60] =	vst.add.f32.msk $0xffff, v2  }
0x57e: {  	v2 =	vld [tilespmem:s25+$0x180]  }
0x57f: {  	v1 =	vld [tilespmem:s15+$0xF0]  }
0x580: {  	[tilespmem:s21+$0x9AF0] =	vst.add.f32.msk $0xffff, v3  }
0x581: {  	[tilespmem:s21+$0x9960] =	vst.add.f32.msk $0xffff, v0  }
0x582: {  	v0 =	vld [tilespmem:s15+$0x170]  }
0x583: {  	v3 =	vld [tilespmem:s15+$0x70];
	s15 =	simm.s32 $0x200  }
0x584: {  	[tilespmem:s15+$0x9A80] =	vst.add.f32.msk $0xffff, v2  }
0x585: {  	[tilespmem:s15+$0x9900] =	vst.add.f32.msk $0xffff, v4  }
0x586: {  	[tilespmem:s15+$0x9980] =	vst.add.f32.msk $0xffff, v5  }
0x587: {  	v2 =	vld [tilespmem:s25+$0x190]  }
0x588: {  	[tilespmem:s15+$0x9A00] =	vst.add.f32.msk $0xffff, v6  }
0x589: {  	v61 =	vld [tilespmem:s25+$0x90]  }
0x58a: {  	v62 =	vld [tilespmem:s25+$0x110]  }
0x58b: {  	[tilespmem:s21+$0x9970] =	vst.add.f32.msk $0xffff, v3  }
0x58c: {  	[tilespmem:s15+$0x9A90] =	vst.add.f32.msk $0xffff, v2  }
0x58d: {  	v2 =	vld [tilespmem:s25+$0x1A0]  }
0x58e: {  	v3 =	vld [tilespmem:s25+$0x10]  }
0x58f: {  	[tilespmem:s15+$0x9990] =	vst.add.f32.msk $0xffff, v61  }
0x590: {  	[tilespmem:s15+$0x9A10] =	vst.add.f32.msk $0xffff, v62  }
0x591: {  	v4 =	vld [tilespmem:s25+$0xA0]  }
0x592: {  	[tilespmem:s15+$0x9AA0] =	vst.add.f32.msk $0xffff, v2  }
0x593: {  	v2 =	vld [tilespmem:s25+$0x1B0]  }
0x594: {  	v5 =	vld [tilespmem:s25+$0x120]  }
0x595: {  	[tilespmem:s15+$0x9910] =	vst.add.f32.msk $0xffff, v3  }
0x596: {  	v3 =	vld [tilespmem:s25+$0x20]  }
0x597: {  	[tilespmem:s15+$0x99A0] =	vst.add.f32.msk $0xffff, v4  }
0x598: {  	[tilespmem:s15+$0x9AB0] =	vst.add.f32.msk $0xffff, v2  }
0x599: {  	v2 =	vld [tilespmem:s25+$0x1C0]  }
0x59a: {  	[tilespmem:s15+$0x9A20] =	vst.add.f32.msk $0xffff, v5  }
0x59b: {  	v4 =	vld [tilespmem:s25+$0xB0]  }
0x59c: {  	v5 =	vld [tilespmem:s25+$0x130]  }
0x59d: {  	[tilespmem:s15+$0x9920] =	vst.add.f32.msk $0xffff, v3  }
0x59e: {  	[tilespmem:s15+$0x9AC0] =	vst.add.f32.msk $0xffff, v2  }
0x59f: {  	v2 =	vld [tilespmem:s25+$0x1D0]  }
0x5a0: {  	v3 =	vld [tilespmem:s25+$0x30]  }
0x5a1: {  	[tilespmem:s15+$0x99B0] =	vst.add.f32.msk $0xffff, v4  }
0x5a2: {  	[tilespmem:s15+$0x9A30] =	vst.add.f32.msk $0xffff, v5  }
0x5a3: {  	v4 =	vld [tilespmem:s25+$0xC0]  }
0x5a4: {  	[tilespmem:s15+$0x9AD0] =	vst.add.f32.msk $0xffff, v2  }
0x5a5: {  	v2 =	vld [tilespmem:s25+$0x1E0]  }
0x5a6: {  	v5 =	vld [tilespmem:s25+$0x140]  }
0x5a7: {  	[tilespmem:s15+$0x9930] =	vst.add.f32.msk $0xffff, v3  }
0x5a8: {  	v3 =	vld [tilespmem:s25+$0x40]  }
0x5a9: {  	[tilespmem:s15+$0x99C0] =	vst.add.f32.msk $0xffff, v4  }
0x5aa: {  	[tilespmem:s15+$0x9AE0] =	vst.add.f32.msk $0xffff, v2  }
0x5ab: {  	v2 =	vld [tilespmem:s25+$0x1F0]  }
0x5ac: {  	[tilespmem:s15+$0x9A40] =	vst.add.f32.msk $0xffff, v5  }
0x5ad: {  	[tilespmem:s15+$0x9940] =	vst.add.f32.msk $0xffff, v3  }
0x5ae: {  	v3 =	vld [tilespmem:s25+$0x50]  }
0x5af: {  	v63 =	vld [tilespmem:s25+$0x150]  }
0x5b0: {  	[tilespmem:s15+$0x9AF0] =	vst.add.f32.msk $0xffff, v2  }
0x5b1: {  	v2 =	vld [tilespmem:s25+$0xD0]  }
0x5b2: {  	[tilespmem:s21+$0x99F0] =	vst.add.f32.msk $0xffff, v1  }
0x5b3: {  	[tilespmem:s15+$0x9950] =	vst.add.f32.msk $0xffff, v3  }
0x5b4: {  	v1 =	vld [tilespmem:s25+$0x60]  }
0x5b5: {  	[tilespmem:s15+$0x9A50] =	vst.add.f32.msk $0xffff, v63  }
0x5b6: {  	s28 =	simm.s32 $0x800;
	[tilespmem:s15+$0x99D0] =	vst.add.f32.msk $0xffff, v2  }
0x5b7: {  	s30 =	sadd.s32 $0x4, s30;
	s26 =	simm.s32 $0x4;
	s23 =	sadd.s32 $0x7, s17;
	v2 =	vld [tilespmem:s25+$0xE0]  }
.LBB2_21:
0x5b8: {  	s31 =	smulhi.u32 $0x51EB851F, s30;
	s26 =	sadd.s32 $0x4, s26;
	v3 =	vld [tilespmem:s25+$0x160]  }
0x5b9: {  	p1 =	slt.u32 s26, $0x7C;
	[tilespmem:s15+$0x9960] =	vst.add.f32.msk $0xffff, v1  }
0x5ba: {  	s31 =	sshrl.u32 s31, $0x6;
	v1 =	vld [tilespmem:s25+$0x70]  }
0x5bb: {  	s31 =	smul.u32 $0xFFFE7000, s31;
	[tilespmem:s21+$0x9A70] =	vst.add.f32.msk $0xffff, v0;
	s21 =	smov.u32 s15  }
0x5bc: {  	[tilespmem:s21+$0x99E0] =	vst.add.f32.msk $0xffff, v2  }
0x5bd: {  	s28 =	sadd.s32 $0x800, s28;
	s15 =	sshra.s32 s31, $0x2;
	[tilespmem:s21+$0x9A60] =	vst.add.f32.msk $0xffff, v3  }
0x5be: {  	s31 =	sadd.s32 s15, s12;
	s15 =	sshra.s32 s28, $0x2;
	v2 =	vld [tilespmem:s25+$0xF0]  }
0x5bf: {  	v0 =	vld [tilespmem:s25+$0x170];
	s25 =	sadd.s32 s15, s31  }
0x5c0: {  	v3 =	vld [tilespmem:s25+$0x180]  }
0x5c1: {  	v4 =	vld [tilespmem:s25+$0x0]  }
0x5c2: {  	v5 =	vld [tilespmem:s25+$0x80]  }
0x5c3: {  	v6 =	vld [tilespmem:s25+$0x100]  }
0x5c4: {  	[tilespmem:s21+$0x9970] =	vst.add.f32.msk $0xffff, v1  }
0x5c5: {  	[tilespmem:s15+$0x9A80] =	vst.add.f32.msk $0xffff, v3  }
0x5c6: {  	v1 =	vld [tilespmem:s25+$0x190]  }
0x5c7: {  	[tilespmem:s15+$0x9900] =	vst.add.f32.msk $0xffff, v4  }
0x5c8: {  	[tilespmem:s15+$0x9980] =	vst.add.f32.msk $0xffff, v5  }
0x5c9: {  	[tilespmem:s15+$0x9A00] =	vst.add.f32.msk $0xffff, v6  }
0x5ca: {  	v3 =	vld [tilespmem:s25+$0x10]  }
0x5cb: {  	[tilespmem:s15+$0x9A90] =	vst.add.f32.msk $0xffff, v1  }
0x5cc: {  	v1 =	vld [tilespmem:s25+$0x1A0]  }
0x5cd: {  	v4 =	vld [tilespmem:s25+$0x90]  }
0x5ce: {  	v5 =	vld [tilespmem:s25+$0x110]  }
0x5cf: {  	[tilespmem:s15+$0x9910] =	vst.add.f32.msk $0xffff, v3  }
0x5d0: {  	v3 =	vld [tilespmem:s25+$0x20]  }
0x5d1: {  	[tilespmem:s15+$0x9AA0] =	vst.add.f32.msk $0xffff, v1  }
0x5d2: {  	v1 =	vld [tilespmem:s25+$0x1B0]  }
0x5d3: {  	[tilespmem:s15+$0x9990] =	vst.add.f32.msk $0xffff, v4  }
0x5d4: {  	[tilespmem:s15+$0x9A10] =	vst.add.f32.msk $0xffff, v5  }
0x5d5: {  	v4 =	vld [tilespmem:s25+$0xA0]  }
0x5d6: {  	v5 =	vld [tilespmem:s25+$0x120]  }
0x5d7: {  	[tilespmem:s15+$0x9AB0] =	vst.add.f32.msk $0xffff, v1  }
0x5d8: {  	v1 =	vld [tilespmem:s25+$0x1C0]  }
0x5d9: {  	[tilespmem:s15+$0x9920] =	vst.add.f32.msk $0xffff, v3  }
0x5da: {  	[tilespmem:s15+$0x99A0] =	vst.add.f32.msk $0xffff, v4  }
0x5db: {  	[tilespmem:s15+$0x9A20] =	vst.add.f32.msk $0xffff, v5  }
0x5dc: {  	v3 =	vld [tilespmem:s25+$0x30]  }
0x5dd: {  	[tilespmem:s15+$0x9AC0] =	vst.add.f32.msk $0xffff, v1  }
0x5de: {  	v1 =	vld [tilespmem:s25+$0x1D0]  }
0x5df: {  	v4 =	vld [tilespmem:s25+$0xB0]  }
0x5e0: {  	v5 =	vld [tilespmem:s25+$0x130]  }
0x5e1: {  	[tilespmem:s15+$0x9930] =	vst.add.f32.msk $0xffff, v3  }
0x5e2: {  	v3 =	vld [tilespmem:s25+$0x40]  }
0x5e3: {  	[tilespmem:s15+$0x9AD0] =	vst.add.f32.msk $0xffff, v1  }
0x5e4: {  	v1 =	vld [tilespmem:s25+$0x1E0]  }
0x5e5: {  	[tilespmem:s15+$0x99B0] =	vst.add.f32.msk $0xffff, v4  }
0x5e6: {  	[tilespmem:s15+$0x9A30] =	vst.add.f32.msk $0xffff, v5  }
0x5e7: {  	v4 =	vld [tilespmem:s25+$0xC0]  }
0x5e8: {  	v5 =	vld [tilespmem:s25+$0x140]  }
0x5e9: {  	[tilespmem:s15+$0x9AE0] =	vst.add.f32.msk $0xffff, v1  }
0x5ea: {  	v1 =	vld [tilespmem:s25+$0x1F0]  }
0x5eb: {  	[tilespmem:s15+$0x9940] =	vst.add.f32.msk $0xffff, v3  }
0x5ec: {  	[tilespmem:s15+$0x99C0] =	vst.add.f32.msk $0xffff, v4  }
0x5ed: {  	[tilespmem:s15+$0x9A40] =	vst.add.f32.msk $0xffff, v5  }
0x5ee: {  	v3 =	vld [tilespmem:s25+$0x50]  }
0x5ef: {  	[tilespmem:s15+$0x9AF0] =	vst.add.f32.msk $0xffff, v1  }
0x5f0: {  	v4 =	vld [tilespmem:s25+$0xD0]  }
0x5f1: {  	v5 =	vld [tilespmem:s25+$0x150]  }
0x5f2: {  	[tilespmem:s21+$0x99F0] =	vst.add.f32.msk $0xffff, v2  }
.Ltmp11:
0x5f3: {  	[tilespmem:s15+$0x9950] =	vst.add.f32.msk $0xffff, v3;
	(pc) =	sbr.rel @p1 .LBB2_21-.Ltmp11, $4  }
0x5f4: {  	v1 =	vld [tilespmem:s25+$0x60]  }
0x5f5: {  	[tilespmem:s15+$0x99D0] =	vst.add.f32.msk $0xffff, v4  }
0x5f6: {  	[tilespmem:s15+$0x9A50] =	vst.add.f32.msk $0xffff, v5  }
0x5f7: {  	s30 =	sadd.s32 $0x4, s30;
	v2 =	vld [tilespmem:s25+$0xE0]  }
0x5f8: {  	v3 =	vld [tilespmem:s25+$0x160];
	_ =	sdelay $0x1  }
0x5f9: {  	[tilespmem:s15+$0x9960] =	vst.add.f32.msk $0xffff, v1  }
0x5fa: {  	v1 =	vld [tilespmem:s25+$0x70]  }
0x5fb: {  	[tilespmem:s15+$0x99E0] =	vst.add.f32.msk $0xffff, v2  }
0x5fc: {  	[tilespmem:s15+$0x9A60] =	vst.add.f32.msk $0xffff, v3  }
0x5fd: {  	v2 =	vld [tilespmem:s25+$0xF0]  }
0x5fe: {  	v3 =	vld [tilespmem:s25+$0x170];
	_ =	sdelay $0x1  }
0x5ff: {  	[tilespmem:s21+$0x9A70] =	vst.add.f32.msk $0xffff, v0;
	s31 =	sshll.u32 s23, $0xE  }
0x600: {  	s21 =	sadd.s32 s5, s31;
	[tilespmem:s15+$0x9970] =	vst.add.f32.msk $0xffff, v1  }
0x601: {  	s26 =	simm.s32 $0x7;
	s30 =	smulhi.u32 $0x51EB851F, s6;
	s21 =	sshrl.u32 s21, $0x3;
	[tilespmem:s15+$0x99F0] =	vst.add.f32.msk $0xffff, v2  }
0x602: {  	s28 =	sadd.s32 $0x4, s6;
	s23 =	sadd.s32 s3, s21;
	s25 =	simm.s32 $0x9900;
	[tilespmem:s15+$0x9A70] =	vst.add.f32.msk $0xffff, v3  }
0x603: {  	[hbm4b:s23+s4] =	stream.linear.scatter [tilespmem:s25], [sflag:$0x8], $0x4000, $0x38;
	[tilespmem:$0x1BD00] =	vst v63  }
0x604: {  	s31 =	smulhi.u32 $0x51EB851F, s28;
	s21 =	sadd.s32 @!p0 $0x580, s19;
	_ =	swait.ge [sflag:s26], $0x4000  }
0x605: {  	s15 =	sshrl.u32 s30, $0x6;
	s23 =	simm.s32 @!p0 $0x80;
	[sflag:s26] =	ssyncset.done $0x0  }
0x606: {  	s25 =	simm.s32 @!p0 $0x5900;
	s15 =	smul.u32 $0xFFFE7000, s15;
	[sflag:s26] =	ssyncadd.s32 $0xFFFFC000  }
0x607: {  	[tilespmem:s25], [sflag:$0x2] =	stream.indirect.gather @!p0 [hbm4b:s2+s23], $0x80, s21, s23, $0xb8;
	[tilespmem:$0x1BD00] =	vst v63  }
0x608: {  	s15 =	sshra.s32 s15, $0x2;
	_ =	swait.ge [sflag:s0], $0x4000  }
0x609: {  	s15 =	sadd.s32 s15, s8;
	s23 =	sshrl.u32 s31, $0x6;
	[sflag:s0] =	ssyncset.done $0x0  }
0x60a: {  	s15 =	sadd.s32 $0x0, s15;
	s23 =	smul.u32 $0xFFFE7000, s23;
	[sflag:s0] =	ssyncadd.s32 $0xFFFFC000  }
0x60b: {  	v0 =	vld [tilespmem:s15+$0x180]  }
0x60c: {  	s23 =	sshra.s32 s23, $0x2;
	v1 =	vld [tilespmem:s15+$0x0]  }
0x60d: {  	v2 =	vld [tilespmem:s15+$0x80];
	s23 =	sadd.s32 s23, s8  }
0x60e: {  	v3 =	vld [tilespmem:s15+$0x100];
	s25 =	sadd.s32 $0x200, s23  }
0x60f: {  	v4 =	vld [tilespmem:s25+$0x0]  }
0x610: {  	v5 =	vld [tilespmem:s25+$0x80]  }
0x611: {  	s21 =	simm.s32 $0x0;
	v6 =	vld [tilespmem:s25+$0x100]  }
0x612: {  	[tilespmem:s21+$0xDA80] =	vst.add.f32.msk $0xffff, v0  }
0x613: {  	[tilespmem:s21+$0xD900] =	vst.add.f32.msk $0xffff, v1  }
0x614: {  	[tilespmem:s21+$0xD980] =	vst.add.f32.msk $0xffff, v2  }
0x615: {  	v0 =	vld [tilespmem:s15+$0x190]  }
0x616: {  	v1 =	vld [tilespmem:s15+$0x10]  }
0x617: {  	v2 =	vld [tilespmem:s15+$0x90]  }
0x618: {  	[tilespmem:s21+$0xDA00] =	vst.add.f32.msk $0xffff, v3  }
0x619: {  	v3 =	vld [tilespmem:s15+$0x110]  }
0x61a: {  	[tilespmem:s21+$0xDA90] =	vst.add.f32.msk $0xffff, v0  }
0x61b: {  	[tilespmem:s21+$0xD910] =	vst.add.f32.msk $0xffff, v1  }
0x61c: {  	[tilespmem:s21+$0xD990] =	vst.add.f32.msk $0xffff, v2  }
0x61d: {  	v0 =	vld [tilespmem:s15+$0x1A0]  }
0x61e: {  	v1 =	vld [tilespmem:s15+$0x20]  }
0x61f: {  	v2 =	vld [tilespmem:s15+$0xA0]  }
0x620: {  	[tilespmem:s21+$0xDA10] =	vst.add.f32.msk $0xffff, v3  }
0x621: {  	v3 =	vld [tilespmem:s15+$0x120]  }
0x622: {  	[tilespmem:s21+$0xDAA0] =	vst.add.f32.msk $0xffff, v0  }
0x623: {  	[tilespmem:s21+$0xD920] =	vst.add.f32.msk $0xffff, v1  }
0x624: {  	[tilespmem:s21+$0xD9A0] =	vst.add.f32.msk $0xffff, v2  }
0x625: {  	v0 =	vld [tilespmem:s15+$0x1B0]  }
0x626: {  	v1 =	vld [tilespmem:s15+$0x30]  }
0x627: {  	[tilespmem:s21+$0xDA20] =	vst.add.f32.msk $0xffff, v3  }
0x628: {  	v2 =	vld [tilespmem:s15+$0xB0]  }
0x629: {  	v3 =	vld [tilespmem:s15+$0x130]  }
0x62a: {  	[tilespmem:s21+$0xDAB0] =	vst.add.f32.msk $0xffff, v0  }
0x62b: {  	[tilespmem:s21+$0xD930] =	vst.add.f32.msk $0xffff, v1  }
0x62c: {  	v0 =	vld [tilespmem:s15+$0x1C0]  }
0x62d: {  	[tilespmem:s21+$0xD9B0] =	vst.add.f32.msk $0xffff, v2  }
0x62e: {  	[tilespmem:s21+$0xDA30] =	vst.add.f32.msk $0xffff, v3  }
0x62f: {  	v1 =	vld [tilespmem:s15+$0x40]  }
0x630: {  	v2 =	vld [tilespmem:s15+$0xC0]  }
0x631: {  	[tilespmem:s21+$0xDAC0] =	vst.add.f32.msk $0xffff, v0  }
0x632: {  	v0 =	vld [tilespmem:s15+$0x1D0]  }
0x633: {  	v3 =	vld [tilespmem:s15+$0x140]  }
0x634: {  	[tilespmem:s21+$0xD940] =	vst.add.f32.msk $0xffff, v1  }
0x635: {  	[tilespmem:s21+$0xD9C0] =	vst.add.f32.msk $0xffff, v2  }
0x636: {  	v1 =	vld [tilespmem:s15+$0xD0]  }
0x637: {  	[tilespmem:s21+$0xDAD0] =	vst.add.f32.msk $0xffff, v0  }
0x638: {  	v0 =	vld [tilespmem:s15+$0x1E0]  }
0x639: {  	[tilespmem:s21+$0xDA40] =	vst.add.f32.msk $0xffff, v3  }
0x63a: {  	v2 =	vld [tilespmem:s15+$0x150]  }
0x63b: {  	[tilespmem:s21+$0xD9D0] =	vst.add.f32.msk $0xffff, v1  }
0x63c: {  	v1 =	vld [tilespmem:s15+$0xE0]  }
0x63d: {  	[tilespmem:s21+$0xDAE0] =	vst.add.f32.msk $0xffff, v0  }
0x63e: {  	v0 =	vld [tilespmem:s15+$0x50]  }
0x63f: {  	[tilespmem:s21+$0xDA50] =	vst.add.f32.msk $0xffff, v2  }
0x640: {  	v2 =	vld [tilespmem:s15+$0x160]  }
0x641: {  	[tilespmem:s21+$0xD9E0] =	vst.add.f32.msk $0xffff, v1  }
0x642: {  	v3 =	vld [tilespmem:s15+$0x1F0]  }
0x643: {  	[tilespmem:s21+$0xD950] =	vst.add.f32.msk $0xffff, v0  }
0x644: {  	v0 =	vld [tilespmem:s15+$0x60]  }
0x645: {  	[tilespmem:s21+$0xDA60] =	vst.add.f32.msk $0xffff, v2  }
0x646: {  	v2 =	vld [tilespmem:s25+$0x180]  }
0x647: {  	v1 =	vld [tilespmem:s15+$0xF0]  }
0x648: {  	[tilespmem:s21+$0xDAF0] =	vst.add.f32.msk $0xffff, v3  }
0x649: {  	[tilespmem:s21+$0xD960] =	vst.add.f32.msk $0xffff, v0  }
0x64a: {  	v0 =	vld [tilespmem:s15+$0x170]  }
0x64b: {  	v3 =	vld [tilespmem:s15+$0x70];
	s15 =	simm.s32 $0x200  }
0x64c: {  	[tilespmem:s15+$0xDA80] =	vst.add.f32.msk $0xffff, v2  }
0x64d: {  	[tilespmem:s15+$0xD900] =	vst.add.f32.msk $0xffff, v4  }
0x64e: {  	[tilespmem:s15+$0xD980] =	vst.add.f32.msk $0xffff, v5  }
0x64f: {  	v2 =	vld [tilespmem:s25+$0x190]  }
0x650: {  	[tilespmem:s15+$0xDA00] =	vst.add.f32.msk $0xffff, v6  }
0x651: {  	v61 =	vld [tilespmem:s25+$0x90]  }
0x652: {  	v62 =	vld [tilespmem:s25+$0x110]  }
0x653: {  	[tilespmem:s21+$0xD970] =	vst.add.f32.msk $0xffff, v3  }
0x654: {  	[tilespmem:s15+$0xDA90] =	vst.add.f32.msk $0xffff, v2  }
0x655: {  	v2 =	vld [tilespmem:s25+$0x1A0]  }
0x656: {  	v3 =	vld [tilespmem:s25+$0x10]  }
0x657: {  	[tilespmem:s15+$0xD990] =	vst.add.f32.msk $0xffff, v61  }
0x658: {  	[tilespmem:s15+$0xDA10] =	vst.add.f32.msk $0xffff, v62  }
0x659: {  	v4 =	vld [tilespmem:s25+$0xA0]  }
0x65a: {  	[tilespmem:s15+$0xDAA0] =	vst.add.f32.msk $0xffff, v2  }
0x65b: {  	v2 =	vld [tilespmem:s25+$0x1B0]  }
0x65c: {  	v5 =	vld [tilespmem:s25+$0x120]  }
0x65d: {  	[tilespmem:s15+$0xD910] =	vst.add.f32.msk $0xffff, v3  }
0x65e: {  	v3 =	vld [tilespmem:s25+$0x20]  }
0x65f: {  	[tilespmem:s15+$0xD9A0] =	vst.add.f32.msk $0xffff, v4  }
0x660: {  	[tilespmem:s15+$0xDAB0] =	vst.add.f32.msk $0xffff, v2  }
0x661: {  	v2 =	vld [tilespmem:s25+$0x1C0]  }
0x662: {  	[tilespmem:s15+$0xDA20] =	vst.add.f32.msk $0xffff, v5  }
0x663: {  	v4 =	vld [tilespmem:s25+$0xB0]  }
0x664: {  	v5 =	vld [tilespmem:s25+$0x130]  }
0x665: {  	[tilespmem:s15+$0xD920] =	vst.add.f32.msk $0xffff, v3  }
0x666: {  	[tilespmem:s15+$0xDAC0] =	vst.add.f32.msk $0xffff, v2  }
0x667: {  	v2 =	vld [tilespmem:s25+$0x1D0]  }
0x668: {  	v3 =	vld [tilespmem:s25+$0x30]  }
0x669: {  	[tilespmem:s15+$0xD9B0] =	vst.add.f32.msk $0xffff, v4  }
0x66a: {  	[tilespmem:s15+$0xDA30] =	vst.add.f32.msk $0xffff, v5  }
0x66b: {  	v4 =	vld [tilespmem:s25+$0xC0]  }
0x66c: {  	[tilespmem:s15+$0xDAD0] =	vst.add.f32.msk $0xffff, v2  }
0x66d: {  	v2 =	vld [tilespmem:s25+$0x1E0]  }
0x66e: {  	v5 =	vld [tilespmem:s25+$0x140]  }
0x66f: {  	[tilespmem:s15+$0xD930] =	vst.add.f32.msk $0xffff, v3  }
0x670: {  	v3 =	vld [tilespmem:s25+$0x40]  }
0x671: {  	[tilespmem:s15+$0xD9C0] =	vst.add.f32.msk $0xffff, v4  }
0x672: {  	[tilespmem:s15+$0xDAE0] =	vst.add.f32.msk $0xffff, v2  }
0x673: {  	v2 =	vld [tilespmem:s25+$0x1F0]  }
0x674: {  	[tilespmem:s15+$0xDA40] =	vst.add.f32.msk $0xffff, v5  }
0x675: {  	[tilespmem:s15+$0xD940] =	vst.add.f32.msk $0xffff, v3  }
0x676: {  	v3 =	vld [tilespmem:s25+$0x50]  }
0x677: {  	v63 =	vld [tilespmem:s25+$0x150]  }
0x678: {  	[tilespmem:s15+$0xDAF0] =	vst.add.f32.msk $0xffff, v2  }
0x679: {  	v2 =	vld [tilespmem:s25+$0xD0]  }
0x67a: {  	[tilespmem:s21+$0xD9F0] =	vst.add.f32.msk $0xffff, v1  }
0x67b: {  	[tilespmem:s15+$0xD950] =	vst.add.f32.msk $0xffff, v3  }
0x67c: {  	v1 =	vld [tilespmem:s25+$0x60]  }
0x67d: {  	[tilespmem:s15+$0xDA50] =	vst.add.f32.msk $0xffff, v63  }
0x67e: {  	s17 =	sadd.s32 $0x8, s17;
	[tilespmem:s15+$0xD9D0] =	vst.add.f32.msk $0xffff, v2  }
0x67f: {  	s28 =	sadd.s32 $0x4, s28;
	s26 =	simm.s32 $0x800;
	s23 =	simm.s32 $0x4;
	v2 =	vld [tilespmem:s25+$0xE0]  }
.LBB2_23:
0x680: {  	s30 =	smulhi.u32 $0x51EB851F, s28;
	s23 =	sadd.s32 $0x4, s23;
	v3 =	vld [tilespmem:s25+$0x160]  }
0x681: {  	p1 =	slt.u32 s23, $0x7C;
	[tilespmem:s15+$0xD960] =	vst.add.f32.msk $0xffff, v1  }
0x682: {  	s30 =	sshrl.u32 s30, $0x6;
	v1 =	vld [tilespmem:s25+$0x70]  }
0x683: {  	s30 =	smul.u32 $0xFFFE7000, s30;
	[tilespmem:s21+$0xDA70] =	vst.add.f32.msk $0xffff, v0;
	s21 =	smov.u32 s15  }
0x684: {  	[tilespmem:s21+$0xD9E0] =	vst.add.f32.msk $0xffff, v2  }
0x685: {  	s26 =	sadd.s32 $0x800, s26;
	s15 =	sshra.s32 s30, $0x2;
	[tilespmem:s21+$0xDA60] =	vst.add.f32.msk $0xffff, v3  }
0x686: {  	s30 =	sadd.s32 s15, s8;
	s15 =	sshra.s32 s26, $0x2;
	v2 =	vld [tilespmem:s25+$0xF0]  }
0x687: {  	v0 =	vld [tilespmem:s25+$0x170];
	s25 =	sadd.s32 s15, s30  }
0x688: {  	v3 =	vld [tilespmem:s25+$0x180]  }
0x689: {  	v4 =	vld [tilespmem:s25+$0x0]  }
0x68a: {  	v5 =	vld [tilespmem:s25+$0x80]  }
0x68b: {  	v6 =	vld [tilespmem:s25+$0x100]  }
0x68c: {  	[tilespmem:s21+$0xD970] =	vst.add.f32.msk $0xffff, v1  }
0x68d: {  	[tilespmem:s15+$0xDA80] =	vst.add.f32.msk $0xffff, v3  }
0x68e: {  	v1 =	vld [tilespmem:s25+$0x190]  }
0x68f: {  	[tilespmem:s15+$0xD900] =	vst.add.f32.msk $0xffff, v4  }
0x690: {  	[tilespmem:s15+$0xD980] =	vst.add.f32.msk $0xffff, v5  }
0x691: {  	[tilespmem:s15+$0xDA00] =	vst.add.f32.msk $0xffff, v6  }
0x692: {  	v3 =	vld [tilespmem:s25+$0x10]  }
0x693: {  	[tilespmem:s15+$0xDA90] =	vst.add.f32.msk $0xffff, v1  }
0x694: {  	v1 =	vld [tilespmem:s25+$0x1A0]  }
0x695: {  	v4 =	vld [tilespmem:s25+$0x90]  }
0x696: {  	v5 =	vld [tilespmem:s25+$0x110]  }
0x697: {  	[tilespmem:s15+$0xD910] =	vst.add.f32.msk $0xffff, v3  }
0x698: {  	v3 =	vld [tilespmem:s25+$0x20]  }
0x699: {  	[tilespmem:s15+$0xDAA0] =	vst.add.f32.msk $0xffff, v1  }
0x69a: {  	v1 =	vld [tilespmem:s25+$0x1B0]  }
0x69b: {  	[tilespmem:s15+$0xD990] =	vst.add.f32.msk $0xffff, v4  }
0x69c: {  	[tilespmem:s15+$0xDA10] =	vst.add.f32.msk $0xffff, v5  }
0x69d: {  	v4 =	vld [tilespmem:s25+$0xA0]  }
0x69e: {  	v5 =	vld [tilespmem:s25+$0x120]  }
0x69f: {  	[tilespmem:s15+$0xDAB0] =	vst.add.f32.msk $0xffff, v1  }
0x6a0: {  	v1 =	vld [tilespmem:s25+$0x1C0]  }
0x6a1: {  	[tilespmem:s15+$0xD920] =	vst.add.f32.msk $0xffff, v3  }
0x6a2: {  	[tilespmem:s15+$0xD9A0] =	vst.add.f32.msk $0xffff, v4  }
0x6a3: {  	[tilespmem:s15+$0xDA20] =	vst.add.f32.msk $0xffff, v5  }
0x6a4: {  	v3 =	vld [tilespmem:s25+$0x30]  }
0x6a5: {  	[tilespmem:s15+$0xDAC0] =	vst.add.f32.msk $0xffff, v1  }
0x6a6: {  	v1 =	vld [tilespmem:s25+$0x1D0]  }
0x6a7: {  	v4 =	vld [tilespmem:s25+$0xB0]  }
0x6a8: {  	v5 =	vld [tilespmem:s25+$0x130]  }
0x6a9: {  	[tilespmem:s15+$0xD930] =	vst.add.f32.msk $0xffff, v3  }
0x6aa: {  	v3 =	vld [tilespmem:s25+$0x40]  }
0x6ab: {  	[tilespmem:s15+$0xDAD0] =	vst.add.f32.msk $0xffff, v1  }
0x6ac: {  	v1 =	vld [tilespmem:s25+$0x1E0]  }
0x6ad: {  	[tilespmem:s15+$0xD9B0] =	vst.add.f32.msk $0xffff, v4  }
0x6ae: {  	[tilespmem:s15+$0xDA30] =	vst.add.f32.msk $0xffff, v5  }
0x6af: {  	v4 =	vld [tilespmem:s25+$0xC0]  }
0x6b0: {  	v5 =	vld [tilespmem:s25+$0x140]  }
0x6b1: {  	[tilespmem:s15+$0xDAE0] =	vst.add.f32.msk $0xffff, v1  }
0x6b2: {  	v1 =	vld [tilespmem:s25+$0x1F0]  }
0x6b3: {  	[tilespmem:s15+$0xD940] =	vst.add.f32.msk $0xffff, v3  }
0x6b4: {  	[tilespmem:s15+$0xD9C0] =	vst.add.f32.msk $0xffff, v4  }
0x6b5: {  	[tilespmem:s15+$0xDA40] =	vst.add.f32.msk $0xffff, v5  }
0x6b6: {  	v3 =	vld [tilespmem:s25+$0x50]  }
0x6b7: {  	[tilespmem:s15+$0xDAF0] =	vst.add.f32.msk $0xffff, v1  }
0x6b8: {  	v4 =	vld [tilespmem:s25+$0xD0]  }
0x6b9: {  	v5 =	vld [tilespmem:s25+$0x150]  }
0x6ba: {  	[tilespmem:s21+$0xD9F0] =	vst.add.f32.msk $0xffff, v2  }
.Ltmp12:
0x6bb: {  	[tilespmem:s15+$0xD950] =	vst.add.f32.msk $0xffff, v3;
	(pc) =	sbr.rel @p1 .LBB2_23-.Ltmp12, $4  }
0x6bc: {  	v1 =	vld [tilespmem:s25+$0x60]  }
0x6bd: {  	[tilespmem:s15+$0xD9D0] =	vst.add.f32.msk $0xffff, v4  }
0x6be: {  	[tilespmem:s15+$0xDA50] =	vst.add.f32.msk $0xffff, v5  }
0x6bf: {  	s28 =	sadd.s32 $0x4, s28;
	v2 =	vld [tilespmem:s25+$0xE0]  }
0x6c0: {  	v3 =	vld [tilespmem:s25+$0x160];
	_ =	sdelay $0x1  }
0x6c1: {  	[tilespmem:s15+$0xD960] =	vst.add.f32.msk $0xffff, v1  }
0x6c2: {  	v1 =	vld [tilespmem:s25+$0x70]  }
0x6c3: {  	[tilespmem:s15+$0xD9E0] =	vst.add.f32.msk $0xffff, v2  }
0x6c4: {  	[tilespmem:s15+$0xDA60] =	vst.add.f32.msk $0xffff, v3  }
0x6c5: {  	v2 =	vld [tilespmem:s25+$0xF0]  }
0x6c6: {  	v3 =	vld [tilespmem:s25+$0x170];
	_ =	sdelay $0x1  }
0x6c7: {  	[tilespmem:s21+$0xDA70] =	vst.add.f32.msk $0xffff, v0;
	s17 =	sshll.u32 s17, $0xE  }
0x6c8: {  	s17 =	sadd.s32 s5, s17;
	[tilespmem:s15+$0xD970] =	vst.add.f32.msk $0xffff, v1  }
0x6c9: {  	s28 =	simm.s32 $0xD900;
	s17 =	sshrl.u32 s17, $0x3;
	[tilespmem:s15+$0xD9F0] =	vst.add.f32.msk $0xffff, v2  }
0x6ca: {  	s26 =	sadd.s32 $0x4, s1;
	s23 =	sadd.s32 s3, s17;
	s25 =	smulhi.u32 $0x51EB851F, s1;
	[tilespmem:s15+$0xDA70] =	vst.add.f32.msk $0xffff, v3  }
0x6cb: {  	[hbm4b:s23+s4] =	stream.linear.scatter [tilespmem:s28], [sflag:$0x9], $0x4000, $0x38;
	[tilespmem:$0x1BD00] =	vst v63  }
0x6cc: {  	s21 =	simm.s32 @!p0 $0x9900;
	s30 =	smulhi.u32 $0x51EB851F, s26;
	_ =	swait.ge [sflag:s18], $0x4000  }
0x6cd: {  	s17 =	sadd.s32 @!p0 $0x600, s19;
	s15 =	sshrl.u32 s25, $0x6;
	[sflag:s18] =	ssyncset.done $0x0  }
0x6ce: {  	s19 =	simm.s32 @!p0 $0x80;
	s15 =	smul.u32 $0xFFFE7000, s15;
	[sflag:s18] =	ssyncadd.s32 $0xFFFFC000  }
0x6cf: {  	[tilespmem:s21], [sflag:$0x3] =	stream.indirect.gather @!p0 [hbm4b:s2+s19], $0x80, s17, s19, $0xb8;
	[tilespmem:$0x1BD00] =	vst v63  }
0x6d0: {  	s15 =	sshra.s32 s15, $0x2;
	_ =	swait.ge [sflag:s22], $0x4000  }
0x6d1: {  	s15 =	sadd.s32 s15, s14;
	s19 =	sshrl.u32 s30, $0x6;
	[sflag:s22] =	ssyncset.done $0x0  }
0x6d2: {  	s15 =	sadd.s32 $0x0, s15;
	s19 =	smul.u32 $0xFFFE7000, s19;
	[sflag:s22] =	ssyncadd.s32 $0xFFFFC000  }
0x6d3: {  	v0 =	vld [tilespmem:s15+$0x180]  }
0x6d4: {  	s19 =	sshra.s32 s19, $0x2;
	v1 =	vld [tilespmem:s15+$0x0]  }
0x6d5: {  	v2 =	vld [tilespmem:s15+$0x80];
	s19 =	sadd.s32 s19, s14  }
0x6d6: {  	v3 =	vld [tilespmem:s15+$0x100];
	s19 =	sadd.s32 $0x200, s19  }
0x6d7: {  	v4 =	vld [tilespmem:s19+$0x0]  }
0x6d8: {  	v5 =	vld [tilespmem:s19+$0x80]  }
0x6d9: {  	s17 =	simm.s32 $0x0;
	v6 =	vld [tilespmem:s19+$0x100]  }
0x6da: {  	[tilespmem:s17+$0x11A80] =	vst.add.f32.msk $0xffff, v0  }
0x6db: {  	[tilespmem:s17+$0x11900] =	vst.add.f32.msk $0xffff, v1  }
0x6dc: {  	[tilespmem:s17+$0x11980] =	vst.add.f32.msk $0xffff, v2  }
0x6dd: {  	v0 =	vld [tilespmem:s15+$0x190]  }
0x6de: {  	v1 =	vld [tilespmem:s15+$0x10]  }
0x6df: {  	v2 =	vld [tilespmem:s15+$0x90]  }
0x6e0: {  	[tilespmem:s17+$0x11A00] =	vst.add.f32.msk $0xffff, v3  }
0x6e1: {  	v3 =	vld [tilespmem:s15+$0x110]  }
0x6e2: {  	[tilespmem:s17+$0x11A90] =	vst.add.f32.msk $0xffff, v0  }
0x6e3: {  	[tilespmem:s17+$0x11910] =	vst.add.f32.msk $0xffff, v1  }
0x6e4: {  	[tilespmem:s17+$0x11990] =	vst.add.f32.msk $0xffff, v2  }
0x6e5: {  	v0 =	vld [tilespmem:s15+$0x1A0]  }
0x6e6: {  	v1 =	vld [tilespmem:s15+$0x20]  }
0x6e7: {  	v2 =	vld [tilespmem:s15+$0xA0]  }
0x6e8: {  	[tilespmem:s17+$0x11A10] =	vst.add.f32.msk $0xffff, v3  }
0x6e9: {  	v3 =	vld [tilespmem:s15+$0x120]  }
0x6ea: {  	[tilespmem:s17+$0x11AA0] =	vst.add.f32.msk $0xffff, v0  }
0x6eb: {  	[tilespmem:s17+$0x11920] =	vst.add.f32.msk $0xffff, v1  }
0x6ec: {  	[tilespmem:s17+$0x119A0] =	vst.add.f32.msk $0xffff, v2  }
0x6ed: {  	v0 =	vld [tilespmem:s15+$0x1B0]  }
0x6ee: {  	v1 =	vld [tilespmem:s15+$0x30]  }
0x6ef: {  	[tilespmem:s17+$0x11A20] =	vst.add.f32.msk $0xffff, v3  }
0x6f0: {  	v2 =	vld [tilespmem:s15+$0xB0]  }
0x6f1: {  	v3 =	vld [tilespmem:s15+$0x130]  }
0x6f2: {  	[tilespmem:s17+$0x11AB0] =	vst.add.f32.msk $0xffff, v0  }
0x6f3: {  	[tilespmem:s17+$0x11930] =	vst.add.f32.msk $0xffff, v1  }
0x6f4: {  	v0 =	vld [tilespmem:s15+$0x1C0]  }
0x6f5: {  	[tilespmem:s17+$0x119B0] =	vst.add.f32.msk $0xffff, v2  }
0x6f6: {  	[tilespmem:s17+$0x11A30] =	vst.add.f32.msk $0xffff, v3  }
0x6f7: {  	v1 =	vld [tilespmem:s15+$0x40]  }
0x6f8: {  	v2 =	vld [tilespmem:s15+$0xC0]  }
0x6f9: {  	[tilespmem:s17+$0x11AC0] =	vst.add.f32.msk $0xffff, v0  }
0x6fa: {  	v0 =	vld [tilespmem:s15+$0x1D0]  }
0x6fb: {  	v3 =	vld [tilespmem:s15+$0x140]  }
0x6fc: {  	[tilespmem:s17+$0x11940] =	vst.add.f32.msk $0xffff, v1  }
0x6fd: {  	[tilespmem:s17+$0x119C0] =	vst.add.f32.msk $0xffff, v2  }
0x6fe: {  	v1 =	vld [tilespmem:s15+$0xD0]  }
0x6ff: {  	[tilespmem:s17+$0x11AD0] =	vst.add.f32.msk $0xffff, v0  }
0x700: {  	v0 =	vld [tilespmem:s15+$0x1E0]  }
0x701: {  	[tilespmem:s17+$0x11A40] =	vst.add.f32.msk $0xffff, v3  }
0x702: {  	v2 =	vld [tilespmem:s15+$0x150]  }
0x703: {  	[tilespmem:s17+$0x119D0] =	vst.add.f32.msk $0xffff, v1  }
0x704: {  	v1 =	vld [tilespmem:s15+$0xE0]  }
0x705: {  	[tilespmem:s17+$0x11AE0] =	vst.add.f32.msk $0xffff, v0  }
0x706: {  	v0 =	vld [tilespmem:s15+$0x50]  }
0x707: {  	[tilespmem:s17+$0x11A50] =	vst.add.f32.msk $0xffff, v2  }
0x708: {  	v2 =	vld [tilespmem:s15+$0x160]  }
0x709: {  	[tilespmem:s17+$0x119E0] =	vst.add.f32.msk $0xffff, v1  }
0x70a: {  	v3 =	vld [tilespmem:s15+$0x1F0]  }
0x70b: {  	[tilespmem:s17+$0x11950] =	vst.add.f32.msk $0xffff, v0  }
0x70c: {  	v0 =	vld [tilespmem:s15+$0x60]  }
0x70d: {  	[tilespmem:s17+$0x11A60] =	vst.add.f32.msk $0xffff, v2  }
0x70e: {  	v2 =	vld [tilespmem:s19+$0x180]  }
0x70f: {  	v1 =	vld [tilespmem:s15+$0xF0]  }
0x710: {  	[tilespmem:s17+$0x11AF0] =	vst.add.f32.msk $0xffff, v3  }
0x711: {  	[tilespmem:s17+$0x11960] =	vst.add.f32.msk $0xffff, v0  }
0x712: {  	v0 =	vld [tilespmem:s15+$0x170]  }
0x713: {  	v3 =	vld [tilespmem:s15+$0x70];
	s15 =	simm.s32 $0x200  }
0x714: {  	[tilespmem:s15+$0x11A80] =	vst.add.f32.msk $0xffff, v2  }
0x715: {  	[tilespmem:s15+$0x11900] =	vst.add.f32.msk $0xffff, v4  }
0x716: {  	[tilespmem:s15+$0x11980] =	vst.add.f32.msk $0xffff, v5  }
0x717: {  	v2 =	vld [tilespmem:s19+$0x190]  }
0x718: {  	[tilespmem:s15+$0x11A00] =	vst.add.f32.msk $0xffff, v6  }
0x719: {  	v61 =	vld [tilespmem:s19+$0x90]  }
0x71a: {  	v62 =	vld [tilespmem:s19+$0x110]  }
0x71b: {  	[tilespmem:s17+$0x11970] =	vst.add.f32.msk $0xffff, v3  }
0x71c: {  	[tilespmem:s15+$0x11A90] =	vst.add.f32.msk $0xffff, v2  }
0x71d: {  	v2 =	vld [tilespmem:s19+$0x1A0]  }
0x71e: {  	v3 =	vld [tilespmem:s19+$0x10]  }
0x71f: {  	[tilespmem:s15+$0x11990] =	vst.add.f32.msk $0xffff, v61  }
0x720: {  	[tilespmem:s15+$0x11A10] =	vst.add.f32.msk $0xffff, v62  }
0x721: {  	v4 =	vld [tilespmem:s19+$0xA0]  }
0x722: {  	[tilespmem:s15+$0x11AA0] =	vst.add.f32.msk $0xffff, v2  }
0x723: {  	v2 =	vld [tilespmem:s19+$0x1B0]  }
0x724: {  	v5 =	vld [tilespmem:s19+$0x120]  }
0x725: {  	[tilespmem:s15+$0x11910] =	vst.add.f32.msk $0xffff, v3  }
0x726: {  	v3 =	vld [tilespmem:s19+$0x20]  }
0x727: {  	[tilespmem:s15+$0x119A0] =	vst.add.f32.msk $0xffff, v4  }
0x728: {  	[tilespmem:s15+$0x11AB0] =	vst.add.f32.msk $0xffff, v2  }
0x729: {  	v2 =	vld [tilespmem:s19+$0x1C0]  }
0x72a: {  	[tilespmem:s15+$0x11A20] =	vst.add.f32.msk $0xffff, v5  }
0x72b: {  	v4 =	vld [tilespmem:s19+$0xB0]  }
0x72c: {  	v5 =	vld [tilespmem:s19+$0x130]  }
0x72d: {  	[tilespmem:s15+$0x11920] =	vst.add.f32.msk $0xffff, v3  }
0x72e: {  	[tilespmem:s15+$0x11AC0] =	vst.add.f32.msk $0xffff, v2  }
0x72f: {  	v2 =	vld [tilespmem:s19+$0x1D0]  }
0x730: {  	v3 =	vld [tilespmem:s19+$0x30]  }
0x731: {  	[tilespmem:s15+$0x119B0] =	vst.add.f32.msk $0xffff, v4  }
0x732: {  	[tilespmem:s15+$0x11A30] =	vst.add.f32.msk $0xffff, v5  }
0x733: {  	v4 =	vld [tilespmem:s19+$0xC0]  }
0x734: {  	[tilespmem:s15+$0x11AD0] =	vst.add.f32.msk $0xffff, v2  }
0x735: {  	v2 =	vld [tilespmem:s19+$0x1E0]  }
0x736: {  	v5 =	vld [tilespmem:s19+$0x140]  }
0x737: {  	[tilespmem:s15+$0x11930] =	vst.add.f32.msk $0xffff, v3  }
0x738: {  	v3 =	vld [tilespmem:s19+$0x40]  }
0x739: {  	[tilespmem:s15+$0x119C0] =	vst.add.f32.msk $0xffff, v4  }
0x73a: {  	[tilespmem:s15+$0x11AE0] =	vst.add.f32.msk $0xffff, v2  }
0x73b: {  	v2 =	vld [tilespmem:s19+$0x1F0]  }
0x73c: {  	[tilespmem:s15+$0x11A40] =	vst.add.f32.msk $0xffff, v5  }
0x73d: {  	[tilespmem:s15+$0x11940] =	vst.add.f32.msk $0xffff, v3  }
0x73e: {  	v3 =	vld [tilespmem:s19+$0x50]  }
0x73f: {  	v63 =	vld [tilespmem:s19+$0x150]  }
0x740: {  	[tilespmem:s15+$0x11AF0] =	vst.add.f32.msk $0xffff, v2  }
0x741: {  	v2 =	vld [tilespmem:s19+$0xD0]  }
0x742: {  	[tilespmem:s17+$0x119F0] =	vst.add.f32.msk $0xffff, v1  }
0x743: {  	[tilespmem:s15+$0x11950] =	vst.add.f32.msk $0xffff, v3  }
0x744: {  	v1 =	vld [tilespmem:s19+$0x60]  }
0x745: {  	[tilespmem:s15+$0x11A50] =	vst.add.f32.msk $0xffff, v63  }
0x746: {  	s31 =	simm.s32 $0x11900;
	[tilespmem:s15+$0x119D0] =	vst.add.f32.msk $0xffff, v2  }
0x747: {  	s25 =	sadd.s32 $0x4, s26;
	s23 =	simm.s32 $0x800;
	s21 =	simm.s32 $0x4;
	v2 =	vld [tilespmem:s19+$0xE0]  }
.LBB2_25:
0x748: {  	s26 =	smulhi.u32 $0x51EB851F, s25;
	s21 =	sadd.s32 $0x4, s21;
	v3 =	vld [tilespmem:s19+$0x160]  }
0x749: {  	p1 =	slt.u32 s21, $0x7C;
	[tilespmem:s15+$0x11960] =	vst.add.f32.msk $0xffff, v1  }
0x74a: {  	s26 =	sshrl.u32 s26, $0x6;
	v1 =	vld [tilespmem:s19+$0x70]  }
0x74b: {  	s26 =	smul.u32 $0xFFFE7000, s26;
	[tilespmem:s17+$0x11A70] =	vst.add.f32.msk $0xffff, v0;
	s17 =	smov.u32 s15  }
0x74c: {  	[tilespmem:s17+$0x119E0] =	vst.add.f32.msk $0xffff, v2  }
0x74d: {  	s23 =	sadd.s32 $0x800, s23;
	s15 =	sshra.s32 s26, $0x2;
	[tilespmem:s17+$0x11A60] =	vst.add.f32.msk $0xffff, v3  }
0x74e: {  	s26 =	sadd.s32 s15, s14;
	s15 =	sshra.s32 s23, $0x2;
	v2 =	vld [tilespmem:s19+$0xF0]  }
0x74f: {  	v0 =	vld [tilespmem:s19+$0x170];
	s19 =	sadd.s32 s15, s26  }
0x750: {  	v3 =	vld [tilespmem:s19+$0x180]  }
0x751: {  	v4 =	vld [tilespmem:s19+$0x0]  }
0x752: {  	v5 =	vld [tilespmem:s19+$0x80]  }
0x753: {  	v6 =	vld [tilespmem:s19+$0x100]  }
0x754: {  	[tilespmem:s17+$0x11970] =	vst.add.f32.msk $0xffff, v1  }
0x755: {  	[tilespmem:s15+$0x11A80] =	vst.add.f32.msk $0xffff, v3  }
0x756: {  	v1 =	vld [tilespmem:s19+$0x190]  }
0x757: {  	[tilespmem:s15+$0x11900] =	vst.add.f32.msk $0xffff, v4  }
0x758: {  	[tilespmem:s15+$0x11980] =	vst.add.f32.msk $0xffff, v5  }
0x759: {  	[tilespmem:s15+$0x11A00] =	vst.add.f32.msk $0xffff, v6  }
0x75a: {  	v3 =	vld [tilespmem:s19+$0x10]  }
0x75b: {  	[tilespmem:s15+$0x11A90] =	vst.add.f32.msk $0xffff, v1  }
0x75c: {  	v1 =	vld [tilespmem:s19+$0x1A0]  }
0x75d: {  	v4 =	vld [tilespmem:s19+$0x90]  }
0x75e: {  	v5 =	vld [tilespmem:s19+$0x110]  }
0x75f: {  	[tilespmem:s15+$0x11910] =	vst.add.f32.msk $0xffff, v3  }
0x760: {  	v3 =	vld [tilespmem:s19+$0x20]  }
0x761: {  	[tilespmem:s15+$0x11AA0] =	vst.add.f32.msk $0xffff, v1  }
0x762: {  	v1 =	vld [tilespmem:s19+$0x1B0]  }
0x763: {  	[tilespmem:s15+$0x11990] =	vst.add.f32.msk $0xffff, v4  }
0x764: {  	[tilespmem:s15+$0x11A10] =	vst.add.f32.msk $0xffff, v5  }
0x765: {  	v4 =	vld [tilespmem:s19+$0xA0]  }
0x766: {  	v5 =	vld [tilespmem:s19+$0x120]  }
0x767: {  	[tilespmem:s15+$0x11AB0] =	vst.add.f32.msk $0xffff, v1  }
0x768: {  	v1 =	vld [tilespmem:s19+$0x1C0]  }
0x769: {  	[tilespmem:s15+$0x11920] =	vst.add.f32.msk $0xffff, v3  }
0x76a: {  	[tilespmem:s15+$0x119A0] =	vst.add.f32.msk $0xffff, v4  }
0x76b: {  	[tilespmem:s15+$0x11A20] =	vst.add.f32.msk $0xffff, v5  }
0x76c: {  	v3 =	vld [tilespmem:s19+$0x30]  }
0x76d: {  	[tilespmem:s15+$0x11AC0] =	vst.add.f32.msk $0xffff, v1  }
0x76e: {  	v1 =	vld [tilespmem:s19+$0x1D0]  }
0x76f: {  	v4 =	vld [tilespmem:s19+$0xB0]  }
0x770: {  	v5 =	vld [tilespmem:s19+$0x130]  }
0x771: {  	[tilespmem:s15+$0x11930] =	vst.add.f32.msk $0xffff, v3  }
0x772: {  	v3 =	vld [tilespmem:s19+$0x40]  }
0x773: {  	[tilespmem:s15+$0x11AD0] =	vst.add.f32.msk $0xffff, v1  }
0x774: {  	v1 =	vld [tilespmem:s19+$0x1E0]  }
0x775: {  	[tilespmem:s15+$0x119B0] =	vst.add.f32.msk $0xffff, v4  }
0x776: {  	[tilespmem:s15+$0x11A30] =	vst.add.f32.msk $0xffff, v5  }
0x777: {  	v4 =	vld [tilespmem:s19+$0xC0]  }
0x778: {  	v5 =	vld [tilespmem:s19+$0x140]  }
0x779: {  	[tilespmem:s15+$0x11AE0] =	vst.add.f32.msk $0xffff, v1  }
0x77a: {  	v1 =	vld [tilespmem:s19+$0x1F0]  }
0x77b: {  	[tilespmem:s15+$0x11940] =	vst.add.f32.msk $0xffff, v3  }
0x77c: {  	[tilespmem:s15+$0x119C0] =	vst.add.f32.msk $0xffff, v4  }
0x77d: {  	[tilespmem:s15+$0x11A40] =	vst.add.f32.msk $0xffff, v5  }
0x77e: {  	v3 =	vld [tilespmem:s19+$0x50]  }
0x77f: {  	[tilespmem:s15+$0x11AF0] =	vst.add.f32.msk $0xffff, v1  }
0x780: {  	v4 =	vld [tilespmem:s19+$0xD0]  }
0x781: {  	v5 =	vld [tilespmem:s19+$0x150]  }
0x782: {  	[tilespmem:s17+$0x119F0] =	vst.add.f32.msk $0xffff, v2  }
.Ltmp13:
0x783: {  	[tilespmem:s15+$0x11950] =	vst.add.f32.msk $0xffff, v3;
	(pc) =	sbr.rel @p1 .LBB2_25-.Ltmp13, $4  }
0x784: {  	v1 =	vld [tilespmem:s19+$0x60]  }
0x785: {  	[tilespmem:s15+$0x119D0] =	vst.add.f32.msk $0xffff, v4  }
0x786: {  	[tilespmem:s15+$0x11A50] =	vst.add.f32.msk $0xffff, v5  }
0x787: {  	s25 =	sadd.s32 $0x4, s25;
	v2 =	vld [tilespmem:s19+$0xE0]  }
0x788: {  	v3 =	vld [tilespmem:s19+$0x160];
	_ =	sdelay $0x1  }
0x789: {  	[tilespmem:s15+$0x11960] =	vst.add.f32.msk $0xffff, v1  }
0x78a: {  	v1 =	vld [tilespmem:s19+$0x70]  }
0x78b: {  	[tilespmem:s15+$0x119E0] =	vst.add.f32.msk $0xffff, v2  }
0x78c: {  	[tilespmem:s15+$0x11A60] =	vst.add.f32.msk $0xffff, v3  }
0x78d: {  	v2 =	vld [tilespmem:s19+$0xF0]  }
0x78e: {  	v3 =	vld [tilespmem:s19+$0x170];
	_ =	sdelay $0x1  }
0x78f: {  	[tilespmem:s17+$0x11A70] =	vst.add.f32.msk $0xffff, v0;
	s16 =	sshll.u32 s16, $0xE  }
0x790: {  	s16 =	sadd.s32 s5, s16;
	[tilespmem:s15+$0x11970] =	vst.add.f32.msk $0xffff, v1  }
0x791: {  	s16 =	sshrl.u32 s16, $0x3;
	[tilespmem:s15+$0x119F0] =	vst.add.f32.msk $0xffff, v2  }
.Ltmp14:
0x792: {  	s26 =	sadd.s32 s3, s16;
	[tilespmem:s15+$0x11A70] =	vst.add.f32.msk $0xffff, v3;
	(pc) =	sbr.rel @p0 .LBB2_28-.Ltmp14, $4  }
0x793: {  	[hbm4b:s26+s4] =	stream.linear.scatter [tilespmem:s31], [sflag:$0xA], $0x4000, $0x38;
	[tilespmem:$0x1BD00] =	vst v63  }
0x794: {  	_ =	swait.ge [sflag:s24], $0x4000  }
0x795: {  	[sflag:s24] =	ssyncset.done $0x0  }
0x796: {  	s30 =	simm.s32 $0x80;
	[sflag:s24] =	ssyncadd.s32 $0xFFFFC000  }
0x797: {  	s15 =	smul.u32 $0xA00, s20;
	s20 =	sadd.s32 $0x1, s20;
	s7 =	sadd.s32 $0x14000, s7  }
.Ltmp15:
0x798: {  	s9 =	sadd.s32 $0x280, s9;
	s10 =	sadd.s32 $0x14000, s10;
	(pc) =	sbr.rel .LBB2_16-.Ltmp15, $4  }
0x799: {  	s11 =	sadd.s32 $0x280, s11;
	s12 =	sadd.s32 $0x14000, s12;
	s13 =	sadd.s32 $0x280, s13  }
0x79a: {  	s8 =	sadd.s32 $0x14000, s8;
	s6 =	sadd.s32 $0x280, s6;
	s15 =	sshra.s32 s15, $0x2  }
0x79b: {  	s14 =	sadd.s32 $0x14000, s14;
	s1 =	sadd.s32 $0x280, s1;
	s15 =	sadd.s32 $0x680, s15  }
0x79c: {  	[tilespmem:s28], [sflag:$0x4] =	stream.indirect.gather [hbm4b:s2+s30], $0x80, s15, s30, $0xb8;
	[tilespmem:$0x1BD00] =	vst v63  }
.LBB2_4:
.Ltmp16:
0x79d: {  	(pc) =	sbr.rel .LBB2_9-.Ltmp16, $2  }
0x79e: {  	_ =	sdelay $0x2  }
0x79f: {  	_ = 	snop  }
.LBB2_6:
.Ltmp17:
0x7a0: {  	(pc) =	sbr.rel .LBB2_9-.Ltmp17, $2  }
0x7a1: {  	_ =	sdelay $0x2  }
0x7a2: {  	s10 =	simm.s32 $0x5900;
	s7 =	simm.s32 $0x5B00  }
.LBB2_29:
0x7a3: {  	_ =	sfence.sel $0x180000  }
0x7a4: {  	[bflag:$0x0] =	sbarrier.arrive $0xFFFF  }
0x7a5: {  	_ =	strace $0x90000047  }
0x7a6: {  	s0 =	stileid.u32;
	[bflag:$0x2] =	sbarrier.arrive $0xFFFF  }
0x7a7: {  	p0 =	sne.s32 s0, $0x0;
	s0 =	rddreg [dreg:$0x3]  }
0x7a8: {  	s0 =	sadd.s32 @!p0 $0x100000, s0  }
0x7a9: {  	[sflag:s0] =	ssyncadd.tile.s32 @!p0 $0x1;
	_ =	shalt  }
.Lfunc_end2:
_tile_overlayer_lowered:
.L_overlay_start_2:
0x7aa: {  	(tag) =	ssettag $0x2  }
0x7ab: {  	s0 =	rddreg [dreg:$0x0];
	s2 =	stileid.u32  }
0x7ac: {  	s1 =	rddreg [dreg:$0x1];
	p0 =	sne.s32 s2, $0x0  }
0x7ad: {  	s3 =	rddreg [dreg:$0x2];
	[bflag:$0x3] =	sbarrier.arrive $0xFFFF;
	s2 =	simm.s32 @!p0 $0x1C0B  }
0x7ae: {  	[timem:s3], [sflag:s2] =	dma.local @!p0 [hbm:s0], s1  }
0x7af: {  	s0 =	simm.s32 @!p0 $0xB  }
0x7b0: {  	_ =	swait.ge @!p0 [sflag:s0], s1  }
0x7b1: {  	s1 =	ssub.s32 @!p0 $0x0, s1;
	[sflag:s0] =	ssyncset.done @!p0 $0x0  }
0x7b2: {  	[sflag:s0] =	ssyncadd.s32 @!p0 s1  }
0x7b3: {  	[bflag:$0x3] =	sbarrier.arrive $0xFFFF  }
0x7b4: {  	_ =	shalt  }

</sc_bundles>
